<compile_context>
chip_gen: v7x
topology: tpu7x:2x2x1
jax: 0.10.2.dev20260603
libtpu: 0.0.44.dev20260713+nightly
codegen_flags: <defaults>
</compile_context>

<pallas_src>
import functools

import jax
import jax.numpy as jnp
from jax import lax
from jax.experimental import pallas as pl
from jax.experimental.pallas import tpu as pltpu
from jax.experimental.pallas import tpu_sc as plsc

B = 4096
L = 32
D = 64
N_R = 6
N_T = 64
NC = 2
NS = 16
NW = NC * NS
B_PER = B // NW
RPC = 128
NCHUNK = B_PER * L // RPC
G = 4
NGROUP = NCHUNK // G


def _sc_gather(nodes, hist_ua, hist_r, hist_t, table):
    mesh = plsc.VectorSubcoreMesh(core_axis_name="c", subcore_axis_name="s")

    @functools.partial(
        pl.kernel,
        out_type=(
            jax.ShapeDtypeStruct((B * L, D), jnp.float32),
            jax.ShapeDtypeStruct((B, L), jnp.int32),
            jax.ShapeDtypeStruct((B, L), jnp.int32),
            jax.ShapeDtypeStruct((B, D), jnp.float32),
        ),
        mesh=mesh,
        compiler_params=pltpu.CompilerParams(use_tc_tiling_on_sc=False),
        scratch_types=[
            pltpu.VMEM((B_PER,), jnp.int32),
            pltpu.VMEM((B_PER, L), jnp.int32),
            pltpu.VMEM((B_PER * L // RPC, RPC), jnp.int32),
            pltpu.VMEM((B_PER, L), jnp.int32),
            pltpu.VMEM((B_PER, L), jnp.int32),
            pltpu.VMEM((B_PER, D), jnp.float32),
            pltpu.VMEM((G, RPC, D), jnp.float32),
            pltpu.SemaphoreType.DMA,
            pltpu.SemaphoreType.DMA,
        ],
    )
    def k(nodes_hbm, ua_hbm, r_hbm, t_hbm, table_hbm,
          e_out, r_out, t_out, self_out,
          nodes_v, ids_v, idsw_v, rids_v, tids_v, self_v, rows_v, gsem, wsem):
        wid = lax.axis_index("s") * NC + lax.axis_index("c")
        base = wid * B_PER
        pltpu.sync_copy(nodes_hbm.at[pl.ds(base, B_PER)], nodes_v)
        c1 = pltpu.async_copy(ua_hbm.at[nodes_v], ids_v, gsem)
        c2 = pltpu.async_copy(r_hbm.at[nodes_v], rids_v, gsem)
        c3 = pltpu.async_copy(t_hbm.at[nodes_v], tids_v, gsem)
        c4 = pltpu.async_copy(table_hbm.at[nodes_v], self_v, gsem)
        c1.wait()
        c2.wait()
        c3.wait()
        c4.wait()
        w1 = pltpu.async_copy(rids_v, r_out.at[pl.ds(base, B_PER)], wsem)
        w2 = pltpu.async_copy(tids_v, t_out.at[pl.ds(base, B_PER)], wsem)
        w3 = pltpu.async_copy(self_v, self_out.at[pl.ds(base, B_PER)], wsem)
        for f in range(B_PER * L // 16):
            v = ids_v[(16 * f) // L, pl.ds((16 * f) % L, 16)]
            idsw_v[(16 * f) // RPC, pl.ds((16 * f) % RPC, 16)] = v
        ebase = base * L

        def group(g, _):
            hs = []
            for i in range(G):
                r = g * G + i
                hs.append(pltpu.async_copy(
                    table_hbm.at[idsw_v.at[r]], rows_v.at[i], gsem))
            for i in range(G):
                r = g * G + i
                hs[i].wait()
                pltpu.async_copy(
                    rows_v.at[i], e_out.at[pl.ds(ebase + r * RPC, RPC)],
                    wsem).wait()
            return 0

        lax.fori_loop(0, NGROUP, group, 0)
        w1.wait()
        w2.wait()
        w3.wait()

    return k(nodes, hist_ua, hist_r, hist_t, table)


BB = 128


def _tc_dense(e_n, rids, tids, self_f, r_table, t_table, W_agg, b_agg, W1, b1):
    def body(e_ref, rid_ref, tid_ref, self_ref, rt_ref, tt_ref, wa_ref,
             ba_ref, w1_ref, b1_ref, o_ref):
        wn = wa_ref[0:D, :]
        rw = jnp.dot(rt_ref[...], wa_ref[D:2 * D, :],
                     preferred_element_type=jnp.float32)
        tw = jnp.dot(tt_ref[...], wa_ref[2 * D:3 * D, :],
                     preferred_element_type=jnp.float32)
        x = e_ref[...].reshape(BB * L, D)
        acc = jnp.dot(x, wn, preferred_element_type=jnp.float32)
        rid3 = lax.broadcast_in_dim(rid_ref[...], (BB, L, N_R), (0, 1))
        ohr = (rid3 == lax.broadcasted_iota(jnp.int32, (BB, L, N_R), 2)
               ).astype(jnp.float32).reshape(BB * L, N_R)
        acc = acc + jnp.dot(ohr, rw, preferred_element_type=jnp.float32)
        tid3 = lax.broadcast_in_dim(tid_ref[...], (BB, L, N_T), (0, 1))
        oht = (tid3 == lax.broadcasted_iota(jnp.int32, (BB, L, N_T), 2)
               ).astype(jnp.float32).reshape(BB * L, N_T)
        acc = acc + jnp.dot(oht, tw, preferred_element_type=jnp.float32)
        h = jnp.maximum(acc + ba_ref[...], 0.0)
        neigh = jnp.mean(h.reshape(BB, L, D), axis=1)
        comb = jnp.concatenate([self_ref[...], neigh], axis=1)
        o_ref[...] = jnp.maximum(
            jnp.dot(comb, w1_ref[...], preferred_element_type=jnp.float32)
            + b1_ref[...], 0.0)

    grid = (B // BB,)
    return pl.pallas_call(
        body,
        grid=grid,
        in_specs=[
            pl.BlockSpec((BB, L, D), lambda i: (i, 0, 0)),
            pl.BlockSpec((BB, L), lambda i: (i, 0)),
            pl.BlockSpec((BB, L), lambda i: (i, 0)),
            pl.BlockSpec((BB, D), lambda i: (i, 0)),
            pl.BlockSpec((N_R, D), lambda i: (0, 0)),
            pl.BlockSpec((N_T, D), lambda i: (0, 0)),
            pl.BlockSpec((3 * D, D), lambda i: (0, 0)),
            pl.BlockSpec((1, D), lambda i: (0, 0)),
            pl.BlockSpec((2 * D, D), lambda i: (0, 0)),
            pl.BlockSpec((1, D), lambda i: (0, 0)),
        ],
        out_specs=pl.BlockSpec((BB, D), lambda i: (i, 0)),
        out_shape=jax.ShapeDtypeStruct((B, D), jnp.float32),
    )(e_n, rids, tids, self_f, r_table, t_table, W_agg,
      b_agg.reshape(1, D), W1, b1.reshape(1, D))


def kernel(nodes, table, r_table, t_table, hist_ua, hist_r, hist_t,
           W_agg, b_agg, W1, b1):
    nodes = nodes.astype(jnp.int32)
    hist_ua = hist_ua.astype(jnp.int32)
    hist_r = hist_r.astype(jnp.int32)
    hist_t = hist_t.astype(jnp.int32)
    e_n, rids, tids, self_f = _sc_gather(nodes, hist_ua, hist_r, hist_t, table)
    return _tc_dense(e_n.reshape(B, L, D), rids, tids, self_f,
                     r_table, t_table, W_agg, b_agg, W1, b1)

# --- scband reference (transcript-rebuilt; emitter-appended) ---
"""Pipeline reference for scband-ua-encoder-90829968376436 (READ-ONLY COPY).

The authoritative reference and input builder live on the scoring server;
editing this copy changes nothing except your own understanding.
"""

import jax, jax.numpy as jnp
import numpy as np

N_NODES = 100000
HIST_LEN = 32
EMBED_DIM = 64
N_RATINGS = 6
N_TIMEBUCKETS = 64
BATCH = 4096

def setup_inputs(seed: int = 0) -> dict:
    key = jax.random.key(seed)
    ks = jax.random.split(key, 12)
    nodes = jax.random.randint(ks[0], (BATCH,), 0, N_NODES, dtype=jnp.int64)
    # learned parameters / lookup tables
    table = jax.random.normal(ks[1], (N_NODES, EMBED_DIM), dtype=jnp.float32) * 0.02
    r_table = jax.random.normal(ks[2], (N_RATINGS, EMBED_DIM), dtype=jnp.float32) * 0.02
    t_table = jax.random.normal(ks[3], (N_TIMEBUCKETS, EMBED_DIM), dtype=jnp.float32) * 0.02
    # per-node fixed history sequences (int buffers, analogous to history_ua_seq etc.)
    hist_ua = jax.random.randint(ks[4], (N_NODES, HIST_LEN), 0, N_NODES, dtype=jnp.int64)
    hist_r = jax.random.randint(ks[5], (N_NODES, HIST_LEN), 0, N_RATINGS, dtype=jnp.int64)
    hist_t = jax.random.randint(ks[6], (N_NODES, HIST_LEN), 0, N_TIMEBUCKETS, dtype=jnp.int64)
    # aggregator MLP: concat(neigh, rating, time) -> embed_dim
    W_agg = jax.random.normal(ks[7], (3 * EMBED_DIM, EMBED_DIM), dtype=jnp.float32) * 0.02
    b_agg = jnp.zeros((EMBED_DIM,), dtype=jnp.float32)
    # encoder linear1: concat(self, neigh) -> embed_dim
    W1 = jax.random.normal(ks[8], (2 * EMBED_DIM, EMBED_DIM), dtype=jnp.float32) * 0.02
    b1 = jnp.zeros((EMBED_DIM,), dtype=jnp.float32)
    return {"nodes": nodes, "table": table, "r_table": r_table, "t_table": t_table,
            "hist_ua": hist_ua, "hist_r": hist_r, "hist_t": hist_t,
            "W_agg": W_agg, "b_agg": b_agg, "W1": W1, "b1": b1}

def reference(nodes, table, r_table, t_table, hist_ua, hist_r, hist_t, W_agg, b_agg, W1, b1):
    # gather per-node history sequences (history_ua_seq[int(node)] loop -> batched gather)
    ids = jnp.take(hist_ua, nodes, axis=0)      # [B, L]
    rids = jnp.take(hist_r, nodes, axis=0)      # [B, L]
    tids = jnp.take(hist_t, nodes, axis=0)      # [B, L]
    # aggregator.forward(nodes, tmp_history_ua, tmp_history_r, tmp_history_ut)
    e_n = jnp.take(table, ids, axis=0)          # [B, L, D]
    e_r = jnp.take(r_table, rids, axis=0)       # [B, L, D]
    e_t = jnp.take(t_table, tids, axis=0)       # [B, L, D]
    x = jnp.concatenate([e_n, e_r, e_t], axis=-1)  # [B, L, 3D]
    h = jax.nn.relu(jnp.einsum('bld,de->ble', x, W_agg) + b_agg)  # [B, L, D]
    neigh_feats = jnp.mean(h, axis=1)           # [B, D]
    # self_feats = self.features.weight[nodes]
    self_feats = jnp.take(table, nodes, axis=0)  # [B, D]
    combined = jnp.concatenate([self_feats, neigh_feats], axis=1)  # [B, 2D]
    combined = jax.nn.relu(combined @ W1 + b1)   # [B, D]
    return combined

if __name__ == "__main__":
    import jax
    _d = setup_inputs()
    print(jax.jit(kernel)(*tuple(_d.values())))

</pallas_src>

<mosaic_0001>
#map = affine_map<(d0, d1) -> (0)>
#map1 = affine_map<(d0, d1) -> (0, 0)>
module attributes {stable_mosaic.version = 14 : i64} {
  func.func @k(%arg0: i32, %arg1: i32, %arg2: memref<4096xi32, #tpu.memory_space<hbm>>, %arg3: memref<100000x32xi32, #tpu.memory_space<hbm>>, %arg4: memref<100000x32xi32, #tpu.memory_space<hbm>>, %arg5: memref<100000x32xi32, #tpu.memory_space<hbm>>, %arg6: memref<100000x64xf32, #tpu.memory_space<hbm>>, %arg7: memref<131072x64xf32, #tpu.memory_space<hbm>>, %arg8: memref<4096x32xi32, #tpu.memory_space<hbm>>, %arg9: memref<4096x32xi32, #tpu.memory_space<hbm>>, %arg10: memref<4096x64xf32, #tpu.memory_space<hbm>>, %arg11: memref<128xi32, #tpu.memory_space<vmem>>, %arg12: memref<128x32xi32, #tpu.memory_space<vmem>>, %arg13: memref<32x128xi32, #tpu.memory_space<vmem>>, %arg14: memref<128x32xi32, #tpu.memory_space<vmem>>, %arg15: memref<128x32xi32, #tpu.memory_space<vmem>>, %arg16: memref<128x64xf32, #tpu.memory_space<vmem>>, %arg17: memref<4x128x64xf32, #tpu.memory_space<vmem>>, %arg18: memref<!tpu.dma_semaphore, #tpu.memory_space<semaphore_mem>>, %arg19: memref<!tpu.dma_semaphore, #tpu.memory_space<semaphore_mem>>) attributes {dimension_semantics = [#tpu.dimension_semantics<core_parallel>, #tpu.dimension_semantics<subcore_parallel>], iteration_bounds = array<i64: 2, 16>, scalar_prefetch = 0 : i64, scratch_operands = 9 : i64, tpu.core_type = #tpu.core_type<sc_vector_subcore>, window_params = [{transform_indices = #map}, {transform_indices = #map1}, {transform_indices = #map1}, {transform_indices = #map1}, {transform_indices = #map1}, {transform_indices = #map1}, {transform_indices = #map1}, {transform_indices = #map1}, {transform_indices = #map1}]} {
    %mul3A = arith.constant 2 : i32
    %mul3A_0 = arith.muli %arg1, %mul3A : i32
    %add3A = arith.addi %mul3A_0, %arg0 : i32
    %mul3A_1 = arith.constant 128 : i32
    %mul3A_2 = arith.muli %add3A, %mul3A_1 : i32
    "tpu.region"() ({
      %run_scoped3A = tpu.sem_alloc : memref<!tpu.dma_semaphore, #tpu.memory_space<semaphore_mem>>
      %dma_start3A_2871 = tpu.memref_slice %arg2[%mul3A_2] : memref<4096xi32, #tpu.memory_space<hbm>> -> memref<128xi32, #tpu.memory_space<hbm>>
      %dma_start3A_2872 = tpu.memref_slice %arg2[%mul3A_2] : memref<4096xi32, #tpu.memory_space<hbm>> -> memref<128xi32, #tpu.memory_space<hbm>>
      tpu.enqueue_dma source(%dma_start3A_2872 : memref<128xi32, #tpu.memory_space<hbm>>) target(%arg11 : memref<128xi32, #tpu.memory_space<vmem>>) target_semaphore(%run_scoped3A : memref<!tpu.dma_semaphore, #tpu.memory_space<semaphore_mem>>)
      %dma_wait3A_2873 = tpu.memref_slice %arg2[%mul3A_2] : memref<4096xi32, #tpu.memory_space<hbm>> -> memref<128xi32, #tpu.memory_space<hbm>>
      %dma_wait3A_2874 = tpu.memref_slice %arg2[%mul3A_2] : memref<4096xi32, #tpu.memory_space<hbm>> -> memref<128xi32, #tpu.memory_space<hbm>>
      tpu.wait_dma2 semaphore(%run_scoped3A : memref<!tpu.dma_semaphore, #tpu.memory_space<semaphore_mem>>) src(%dma_wait3A_2874 : memref<128xi32, #tpu.memory_space<hbm>>) dst(%arg11 : memref<128xi32, #tpu.memory_space<vmem>>)
      tpu.yield
    }) : () -> ()
    %dma_start3A = arith.constant 0 : i32
    %dma_start3A_3 = arith.constant 0 : i32
    %dma_start3A_4 = tpu.memref_slice %arg3[%dma_start3A, %dma_start3A_3] : memref<100000x32xi32, #tpu.memory_space<hbm>> -> memref<100000x32xi32, #tpu.memory_space<hbm>>
    tpu.enqueue_indirect_dma source(%dma_start3A_4 : memref<100000x32xi32, #tpu.memory_space<hbm>>) target(%arg12 : memref<128x32xi32, #tpu.memory_space<vmem>>) offsets(%arg11 : memref<128xi32, #tpu.memory_space<vmem>>) semaphore(%arg18 : memref<!tpu.dma_semaphore, #tpu.memory_space<semaphore_mem>>)
    %dma_start3A_5 = arith.constant 0 : i32
    %dma_start3A_6 = arith.constant 0 : i32
    %dma_start3A_7 = tpu.memref_slice %arg4[%dma_start3A_5, %dma_start3A_6] : memref<100000x32xi32, #tpu.memory_space<hbm>> -> memref<100000x32xi32, #tpu.memory_space<hbm>>
    tpu.enqueue_indirect_dma source(%dma_start3A_7 : memref<100000x32xi32, #tpu.memory_space<hbm>>) target(%arg14 : memref<128x32xi32, #tpu.memory_space<vmem>>) offsets(%arg11 : memref<128xi32, #tpu.memory_space<vmem>>) semaphore(%arg18 : memref<!tpu.dma_semaphore, #tpu.memory_space<semaphore_mem>>)
    %dma_start3A_8 = arith.constant 0 : i32
    %dma_start3A_9 = arith.constant 0 : i32
    %dma_start3A_10 = tpu.memref_slice %arg5[%dma_start3A_8, %dma_start3A_9] : memref<100000x32xi32, #tpu.memory_space<hbm>> -> memref<100000x32xi32, #tpu.memory_space<hbm>>
    tpu.enqueue_indirect_dma source(%dma_start3A_10 : memref<100000x32xi32, #tpu.memory_space<hbm>>) target(%arg15 : memref<128x32xi32, #tpu.memory_space<vmem>>) offsets(%arg11 : memref<128xi32, #tpu.memory_space<vmem>>) semaphore(%arg18 : memref<!tpu.dma_semaphore, #tpu.memory_space<semaphore_mem>>)
    %dma_start3A_11 = arith.constant 0 : i32
    %dma_start3A_12 = arith.constant 0 : i32
    %dma_start3A_13 = tpu.memref_slice %arg6[%dma_start3A_11, %dma_start3A_12] : memref<100000x64xf32, #tpu.memory_space<hbm>> -> memref<100000x64xf32, #tpu.memory_space<hbm>>
    tpu.enqueue_indirect_dma source(%dma_start3A_13 : memref<100000x64xf32, #tpu.memory_space<hbm>>) target(%arg16 : memref<128x64xf32, #tpu.memory_space<vmem>>) offsets(%arg11 : memref<128xi32, #tpu.memory_space<vmem>>) semaphore(%arg18 : memref<!tpu.dma_semaphore, #tpu.memory_space<semaphore_mem>>)
    %dma_wait3A = arith.constant 0 : i32
    %dma_wait3A_14 = arith.constant 0 : i32
    %dma_wait3A_15 = tpu.memref_slice %arg3[%dma_wait3A, %dma_wait3A_14] : memref<100000x32xi32, #tpu.memory_space<hbm>> -> memref<100000x32xi32, #tpu.memory_space<hbm>>
    tpu.wait_indirect_dma semaphore(%arg18 : memref<!tpu.dma_semaphore, #tpu.memory_space<semaphore_mem>>) src(%dma_wait3A_15 : memref<100000x32xi32, #tpu.memory_space<hbm>>) dst(%arg12 : memref<128x32xi32, #tpu.memory_space<vmem>>)
    %dma_wait3A_16 = arith.constant 0 : i32
    %dma_wait3A_17 = arith.constant 0 : i32
    %dma_wait3A_18 = tpu.memref_slice %arg4[%dma_wait3A_16, %dma_wait3A_17] : memref<100000x32xi32, #tpu.memory_space<hbm>> -> memref<100000x32xi32, #tpu.memory_space<hbm>>
    tpu.wait_indirect_dma semaphore(%arg18 : memref<!tpu.dma_semaphore, #tpu.memory_space<semaphore_mem>>) src(%dma_wait3A_18 : memref<100000x32xi32, #tpu.memory_space<hbm>>) dst(%arg14 : memref<128x32xi32, #tpu.memory_space<vmem>>)
    %dma_wait3A_19 = arith.constant 0 : i32
    %dma_wait3A_20 = arith.constant 0 : i32
    %dma_wait3A_21 = tpu.memref_slice %arg5[%dma_wait3A_19, %dma_wait3A_20] : memref<100000x32xi32, #tpu.memory_space<hbm>> -> memref<100000x32xi32, #tpu.memory_space<hbm>>
    tpu.wait_indirect_dma semaphore(%arg18 : memref<!tpu.dma_semaphore, #tpu.memory_space<semaphore_mem>>) src(%dma_wait3A_21 : memref<100000x32xi32, #tpu.memory_space<hbm>>) dst(%arg15 : memref<128x32xi32, #tpu.memory_space<vmem>>)
    %dma_wait3A_22 = arith.constant 0 : i32
    %dma_wait3A_23 = arith.constant 0 : i32
    %dma_wait3A_24 = tpu.memref_slice %arg6[%dma_wait3A_22, %dma_wait3A_23] : memref<100000x64xf32, #tpu.memory_space<hbm>> -> memref<100000x64xf32, #tpu.memory_space<hbm>>
    tpu.wait_indirect_dma semaphore(%arg18 : memref<!tpu.dma_semaphore, #tpu.memory_space<semaphore_mem>>) src(%dma_wait3A_24 : memref<100000x64xf32, #tpu.memory_space<hbm>>) dst(%arg16 : memref<128x64xf32, #tpu.memory_space<vmem>>)
    %dma_start3A_25 = arith.constant 0 : i32
    %dma_start3A_26 = tpu.memref_slice %arg8[%mul3A_2, %dma_start3A_25] : memref<4096x32xi32, #tpu.memory_space<hbm>> -> memref<128x32xi32, #tpu.memory_space<hbm>>
    %dma_start3A_27 = arith.constant 0 : i32
    %dma_start3A_28 = tpu.memref_slice %arg8[%mul3A_2, %dma_start3A_27] : memref<4096x32xi32, #tpu.memory_space<hbm>> -> memref<128x32xi32, #tpu.memory_space<hbm>>
    tpu.enqueue_dma source(%arg14 : memref<128x32xi32, #tpu.memory_space<vmem>>) target(%dma_start3A_28 : memref<128x32xi32, #tpu.memory_space<hbm>>) target_semaphore(%arg19 : memref<!tpu.dma_semaphore, #tpu.memory_space<semaphore_mem>>)
    %dma_start3A_29 = arith.constant 0 : i32
    %dma_start3A_30 = tpu.memref_slice %arg9[%mul3A_2, %dma_start3A_29] : memref<4096x32xi32, #tpu.memory_space<hbm>> -> memref<128x32xi32, #tpu.memory_space<hbm>>
    %dma_start3A_31 = arith.constant 0 : i32
    %dma_start3A_32 = tpu.memref_slice %arg9[%mul3A_2, %dma_start3A_31] : memref<4096x32xi32, #tpu.memory_space<hbm>> -> memref<128x32xi32, #tpu.memory_space<hbm>>
    tpu.enqueue_dma source(%arg15 : memref<128x32xi32, #tpu.memory_space<vmem>>) target(%dma_start3A_32 : memref<128x32xi32, #tpu.memory_space<hbm>>) target_semaphore(%arg19 : memref<!tpu.dma_semaphore, #tpu.memory_space<semaphore_mem>>)
    %dma_start3A_33 = arith.constant 0 : i32
    %dma_start3A_34 = tpu.memref_slice %arg10[%mul3A_2, %dma_start3A_33] : memref<4096x64xf32, #tpu.memory_space<hbm>> -> memref<128x64xf32, #tpu.memory_space<hbm>>
    %dma_start3A_35 = arith.constant 0 : i32
    %dma_start3A_36 = tpu.memref_slice %arg10[%mul3A_2, %dma_start3A_35] : memref<4096x64xf32, #tpu.memory_space<hbm>> -> memref<128x64xf32, #tpu.memory_space<hbm>>
    tpu.enqueue_dma source(%arg16 : memref<128x64xf32, #tpu.memory_space<vmem>>) target(%dma_start3A_36 : memref<128x64xf32, #tpu.memory_space<hbm>>) target_semaphore(%arg19 : memref<!tpu.dma_semaphore, #tpu.memory_space<semaphore_mem>>)
    %get3A = arith.constant 0 : i32
    %get3A_37 = arith.index_cast %get3A : i32 to index
    %get3A_38 = arith.constant 0 : index
    %get3A_39 = tpu.vector_load %arg12[%get3A_37, %get3A_38] {strides = array<i32>} : memref<128x32xi32, #tpu.memory_space<vmem>>, vector<1x16xi32>,
    %get3A_40 = vector.shape_cast %get3A_39 : vector<1x16xi32> to vector<16xi32>
    %swap3A = arith.constant 0 : i32
    %swap3A_41 = arith.index_cast %swap3A : i32 to index
    %swap3A_42 = arith.constant 0 : index
    %swap3A_43 = tpu.vector_load %arg13[%swap3A_41, %swap3A_42] {strides = array<i32>} : memref<32x128xi32, #tpu.memory_space<vmem>>, vector<1x16xi32>,
    %swap3A_44 = vector.shape_cast %swap3A_43 : vector<1x16xi32> to vector<16xi32>
    %swap3A_45 = vector.shape_cast %get3A_40 : vector<16xi32> to vector<1x16xi32>
    tpu.vector_store %arg13[%swap3A_41, %swap3A_42], %swap3A_45 {strides = array<i32>} : memref<32x128xi32, #tpu.memory_space<vmem>>, vector<1x16xi32>,
    %get3A_46 = arith.constant 0 : i32
    %get3A_47 = arith.index_cast %get3A_46 : i32 to index
    %get3A_48 = arith.constant 16 : index
    %get3A_49 = tpu.vector_load %arg12[%get3A_47, %get3A_48] {strides = array<i32>} : memref<128x32xi32, #tpu.memory_space<vmem>>, vector<1x16xi32>,
    %get3A_50 = vector.shape_cast %get3A_49 : vector<1x16xi32> to vector<16xi32>
    %swap3A_51 = arith.constant 0 : i32
    %swap3A_52 = arith.index_cast %swap3A_51 : i32 to index
    %swap3A_53 = arith.constant 16 : index
    %swap3A_54 = tpu.vector_load %arg13[%swap3A_52, %swap3A_53] {strides = array<i32>} : memref<32x128xi32, #tpu.memory_space<vmem>>, vector<1x16xi32>,
    %swap3A_55 = vector.shape_cast %swap3A_54 : vector<1x16xi32> to vector<16xi32>
    %swap3A_56 = vector.shape_cast %get3A_50 : vector<16xi32> to vector<1x16xi32>
    tpu.vector_store %arg13[%swap3A_52, %swap3A_53], %swap3A_56 {strides = array<i32>} : memref<32x128xi32, #tpu.memory_space<vmem>>, vector<1x16xi32>,
    %get3A_57 = arith.constant 1 : i32
    %get3A_58 = arith.index_cast %get3A_57 : i32 to index
    %get3A_59 = arith.constant 0 : index
    %get3A_60 = tpu.vector_load %arg12[%get3A_58, %get3A_59] {strides = array<i32>} : memref<128x32xi32, #tpu.memory_space<vmem>>, vector<1x16xi32>,
    %get3A_61 = vector.shape_cast %get3A_60 : vector<1x16xi32> to vector<16xi32>
    %swap3A_62 = arith.constant 0 : i32
    %swap3A_63 = arith.index_cast %swap3A_62 : i32 to index
    %swap3A_64 = arith.constant 32 : index
    %swap3A_65 = tpu.vector_load %arg13[%swap3A_63, %swap3A_64] {strides = array<i32>} : memref<32x128xi32, #tpu.memory_space<vmem>>, vector<1x16xi32>,
    %swap3A_66 = vector.shape_cast %swap3A_65 : vector<1x16xi32> to vector<16xi32>
    %swap3A_67 = vector.shape_cast %get3A_61 : vector<16xi32> to vector<1x16xi32>
    tpu.vector_store %arg13[%swap3A_63, %swap3A_64], %swap3A_67 {strides = array<i32>} : memref<32x128xi32, #tpu.memory_space<vmem>>, vector<1x16xi32>,
    %get3A_68 = arith.constant 1 : i32
    %get3A_69 = arith.index_cast %get3A_68 : i32 to index
    %get3A_70 = arith.constant 16 : index
    %get3A_71 = tpu.vector_load %arg12[%get3A_69, %get3A_70] {strides = array<i32>} : memref<128x32xi32, #tpu.memory_space<vmem>>, vector<1x16xi32>,
    %get3A_72 = vector.shape_cast %get3A_71 : vector<1x16xi32> to vector<16xi32>
    %swap3A_73 = arith.constant 0 : i32
    %swap3A_74 = arith.index_cast %swap3A_73 : i32 to index
    %swap3A_75 = arith.constant 48 : index
    %swap3A_76 = tpu.vector_load %arg13[%swap3A_74, %swap3A_75] {strides = array<i32>} : memref<32x128xi32, #tpu.memory_space<vmem>>, vector<1x16xi32>,
    %swap3A_77 = vector.shape_cast %swap3A_76 : vector<1x16xi32> to vector<16xi32>
    %swap3A_78 = vector.shape_cast %get3A_72 : vector<16xi32> to vector<1x16xi32>
    tpu.vector_store %arg13[%swap3A_74, %swap3A_75], %swap3A_78 {strides = array<i32>} : memref<32x128xi32, #tpu.memory_space<vmem>>, vector<1x16xi32>,
    %get3A_79 = arith.constant 2 : i32
    %get3A_80 = arith.index_cast %get3A_79 : i32 to index
    %get3A_81 = arith.constant 0 : index
    %get3A_82 = tpu.vector_load %arg12[%get3A_80, %get3A_81] {strides = array<i32>} : memref<128x32xi32, #tpu.memory_space<vmem>>, vector<1x16xi32>,
    %get3A_83 = vector.shape_cast %get3A_82 : vector<1x16xi32> to vector<16xi32>
    %swap3A_84 = arith.constant 0 : i32
    %swap3A_85 = arith.index_cast %swap3A_84 : i32 to index
    %swap3A_86 = arith.constant 64 : index
    %swap3A_87 = tpu.vector_load %arg13[%swap3A_85, %swap3A_86] {strides = array<i32>} : memref<32x128xi32, #tpu.memory_space<vmem>>, vector<1x16xi32>,
    %swap3A_88 = vector.shape_cast %swap3A_87 : vector<1x16xi32> to vector<16xi32>
    %swap3A_89 = vector.shape_cast %get3A_83 : vector<16xi32> to vector<1x16xi32>
    tpu.vector_store %arg13[%swap3A_85, %swap3A_86], %swap3A_89 {strides = array<i32>} : memref<32x128xi32, #tpu.memory_space<vmem>>, vector<1x16xi32>,
    %get3A_90 = arith.constant 2 : i32
    %get3A_91 = arith.index_cast %get3A_90 : i32 to index
    %get3A_92 = arith.constant 16 : index
    %get3A_93 = tpu.vector_load %arg12[%get3A_91, %get3A_92] {strides = array<i32>} : memref<128x32xi32, #tpu.memory_space<vmem>>, vector<1x16xi32>,
    %get3A_94 = vector.shape_cast %get3A_93 : vector<1x16xi32> to vector<16xi32>
    %swap3A_95 = arith.constant 0 : i32
    %swap3A_96 = arith.index_cast %swap3A_95 : i32 to index
    %swap3A_97 = arith.constant 80 : index
    %swap3A_98 = tpu.vector_load %arg13[%swap3A_96, %swap3A_97] {strides = array<i32>} : memref<32x128xi32, #tpu.memory_space<vmem>>, vector<1x16xi32>,
    %swap3A_99 = vector.shape_cast %swap3A_98 : vector<1x16xi32> to vector<16xi32>
    %swap3A_100 = vector.shape_cast %get3A_94 : vector<16xi32> to vector<1x16xi32>
    tpu.vector_store %arg13[%swap3A_96, %swap3A_97], %swap3A_100 {strides = array<i32>} : memref<32x128xi32, #tpu.memory_space<vmem>>, vector<1x16xi32>,
    %get3A_101 = arith.constant 3 : i32
    %get3A_102 = arith.index_cast %get3A_101 : i32 to index
    %get3A_103 = arith.constant 0 : index
    %get3A_104 = tpu.vector_load %arg12[%get3A_102, %get3A_103] {strides = array<i32>} : memref<128x32xi32, #tpu.memory_space<vmem>>, vector<1x16xi32>,
    %get3A_105 = vector.shape_cast %get3A_104 : vector<1x16xi32> to vector<16xi32>
    %swap3A_106 = arith.constant 0 : i32
    %swap3A_107 = arith.index_cast %swap3A_106 : i32 to index
    %swap3A_108 = arith.constant 96 : index
    %swap3A_109 = tpu.vector_load %arg13[%swap3A_107, %swap3A_108] {strides = array<i32>} : memref<32x128xi32, #tpu.memory_space<vmem>>, vector<1x16xi32>,
    %swap3A_110 = vector.shape_cast %swap3A_109 : vector<1x16xi32> to vector<16xi32>
    %swap3A_111 = vector.shape_cast %get3A_105 : vector<16xi32> to vector<1x16xi32>
    tpu.vector_store %arg13[%swap3A_107, %swap3A_108], %swap3A_111 {strides = array<i32>} : memref<32x128xi32, #tpu.memory_space<vmem>>, vector<1x16xi32>,
    %get3A_112 = arith.constant 3 : i32
    %get3A_113 = arith.index_cast %get3A_112 : i32 to index
    %get3A_114 = arith.constant 16 : index
    %get3A_115 = tpu.vector_load %arg12[%get3A_113, %get3A_114] {strides = array<i32>} : memref<128x32xi32, #tpu.memory_space<vmem>>, vector<1x16xi32>,
    %get3A_116 = vector.shape_cast %get3A_115 : vector<1x16xi32> to vector<16xi32>
    %swap3A_117 = arith.constant 0 : i32
    %swap3A_118 = arith.index_cast %swap3A_117 : i32 to index
    %swap3A_119 = arith.constant 112 : index
    %swap3A_120 = tpu.vector_load %arg13[%swap3A_118, %swap3A_119] {strides = array<i32>} : memref<32x128xi32, #tpu.memory_space<vmem>>, vector<1x16xi32>,
    %swap3A_121 = vector.shape_cast %swap3A_120 : vector<1x16xi32> to vector<16xi32>
    %swap3A_122 = vector.shape_cast %get3A_116 : vector<16xi32> to vector<1x16xi32>
    tpu.vector_store %arg13[%swap3A_118, %swap3A_119], %swap3A_122 {strides = array<i32>} : memref<32x128xi32, #tpu.memory_space<vmem>>, vector<1x16xi32>,
    %get3A_123 = arith.constant 4 : i32
    %get3A_124 = arith.index_cast %get3A_123 : i32 to index
    %get3A_125 = arith.constant 0 : index
    %get3A_126 = tpu.vector_load %arg12[%get3A_124, %get3A_125] {strides = array<i32>} : memref<128x32xi32, #tpu.memory_space<vmem>>, vector<1x16xi32>,
    %get3A_127 = vector.shape_cast %get3A_126 : vector<1x16xi32> to vector<16xi32>
    %swap3A_128 = arith.constant 1 : i32
    %swap3A_129 = arith.index_cast %swap3A_128 : i32 to index
    %swap3A_130 = arith.constant 0 : index
    %swap3A_131 = tpu.vector_load %arg13[%swap3A_129, %swap3A_130] {strides = array<i32>} : memref<32x128xi32, #tpu.memory_space<vmem>>, vector<1x16xi32>,
    %swap3A_132 = vector.shape_cast %swap3A_131 : vector<1x16xi32> to vector<16xi32>
    %swap3A_133 = vector.shape_cast %get3A_127 : vector<16xi32> to vector<1x16xi32>
    tpu.vector_store %arg13[%swap3A_129, %swap3A_130], %swap3A_133 {strides = array<i32>} : memref<32x128xi32, #tpu.memory_space<vmem>>, vector<1x16xi32>,
    %get3A_134 = arith.constant 4 : i32
    %get3A_135 = arith.index_cast %get3A_134 : i32 to index
    %get3A_136 = arith.constant 16 : index
    %get3A_137 = tpu.vector_load %arg12[%get3A_135, %get3A_136] {strides = array<i32>} : memref<128x32xi32, #tpu.memory_space<vmem>>, vector<1x16xi32>,
    %get3A_138 = vector.shape_cast %get3A_137 : vector<1x16xi32> to vector<16xi32>
    %swap3A_139 = arith.constant 1 : i32
    %swap3A_140 = arith.index_cast %swap3A_139 : i32 to index
    %swap3A_141 = arith.constant 16 : index
    %swap3A_142 = tpu.vector_load %arg13[%swap3A_140, %swap3A_141] {strides = array<i32>} : memref<32x128xi32, #tpu.memory_space<vmem>>, vector<1x16xi32>,
    %swap3A_143 = vector.shape_cast %swap3A_142 : vector<1x16xi32> to vector<16xi32>
    %swap3A_144 = vector.shape_cast %get3A_138 : vector<16xi32> to vector<1x16xi32>
    tpu.vector_store %arg13[%swap3A_140, %swap3A_141], %swap3A_144 {strides = array<i32>} : memref<32x128xi32, #tpu.memory_space<vmem>>, vector<1x16xi32>,
    %get3A_145 = arith.constant 5 : i32
    %get3A_146 = arith.index_cast %get3A_145 : i32 to index
    %get3A_147 = arith.constant 0 : index
    %get3A_148 = tpu.vector_load %arg12[%get3A_146, %get3A_147] {strides = array<i32>} : memref<128x32xi32, #tpu.memory_space<vmem>>, vector<1x16xi32>,
    %get3A_149 = vector.shape_cast %get3A_148 : vector<1x16xi32> to vector<16xi32>
    %swap3A_150 = arith.constant 1 : i32
    %swap3A_151 = arith.index_cast %swap3A_150 : i32 to index
    %swap3A_152 = arith.constant 32 : index
    %swap3A_153 = tpu.vector_load %arg13[%swap3A_151, %swap3A_152] {strides = array<i32>} : memref<32x128xi32, #tpu.memory_space<vmem>>, vector<1x16xi32>,
    %swap3A_154 = vector.shape_cast %swap3A_153 : vector<1x16xi32> to vector<16xi32>
    %swap3A_155 = vector.shape_cast %get3A_149 : vector<16xi32> to vector<1x16xi32>
    tpu.vector_store %arg13[%swap3A_151, %swap3A_152], %swap3A_155 {strides = array<i32>} : memref<32x128xi32, #tpu.memory_space<vmem>>, vector<1x16xi32>,
    %get3A_156 = arith.constant 5 : i32
    %get3A_157 = arith.index_cast %get3A_156 : i32 to index
    %get3A_158 = arith.constant 16 : index
    %get3A_159 = tpu.vector_load %arg12[%get3A_157, %get3A_158] {strides = array<i32>} : memref<128x32xi32, #tpu.memory_space<vmem>>, vector<1x16xi32>,
    %get3A_160 = vector.shape_cast %get3A_159 : vector<1x16xi32> to vector<16xi32>
    %swap3A_161 = arith.constant 1 : i32
    %swap3A_162 = arith.index_cast %swap3A_161 : i32 to index
    %swap3A_163 = arith.constant 48 : index
    %swap3A_164 = tpu.vector_load %arg13[%swap3A_162, %swap3A_163] {strides = array<i32>} : memref<32x128xi32, #tpu.memory_space<vmem>>, vector<1x16xi32>,
    %swap3A_165 = vector.shape_cast %swap3A_164 : vector<1x16xi32> to vector<16xi32>
    %swap3A_166 = vector.shape_cast %get3A_160 : vector<16xi32> to vector<1x16xi32>
    tpu.vector_store %arg13[%swap3A_162, %swap3A_163], %swap3A_166 {strides = array<i32>} : memref<32x128xi32, #tpu.memory_space<vmem>>, vector<1x16xi32>,
    %get3A_167 = arith.constant 6 : i32
    %get3A_168 = arith.index_cast %get3A_167 : i32 to index
    %get3A_169 = arith.constant 0 : index
    %get3A_170 = tpu.vector_load %arg12[%get3A_168, %get3A_169] {strides = array<i32>} : memref<128x32xi32, #tpu.memory_space<vmem>>, vector<1x16xi32>,
    %get3A_171 = vector.shape_cast %get3A_170 : vector<1x16xi32> to vector<16xi32>
    %swap3A_172 = arith.constant 1 : i32
    %swap3A_173 = arith.index_cast %swap3A_172 : i32 to index
    %swap3A_174 = arith.constant 64 : index
    %swap3A_175 = tpu.vector_load %arg13[%swap3A_173, %swap3A_174] {strides = array<i32>} : memref<32x128xi32, #tpu.memory_space<vmem>>, vector<1x16xi32>,
    %swap3A_176 = vector.shape_cast %swap3A_175 : vector<1x16xi32> to vector<16xi32>
    %swap3A_177 = vector.shape_cast %get3A_171 : vector<16xi32> to vector<1x16xi32>
    tpu.vector_store %arg13[%swap3A_173, %swap3A_174], %swap3A_177 {strides = array<i32>} : memref<32x128xi32, #tpu.memory_space<vmem>>, vector<1x16xi32>,
    %get3A_178 = arith.constant 6 : i32
    %get3A_179 = arith.index_cast %get3A_178 : i32 to index
    %get3A_180 = arith.constant 16 : index
    %get3A_181 = tpu.vector_load %arg12[%get3A_179, %get3A_180] {strides = array<i32>} : memref<128x32xi32, #tpu.memory_space<vmem>>, vector<1x16xi32>,
    %get3A_182 = vector.shape_cast %get3A_181 : vector<1x16xi32> to vector<16xi32>
    %swap3A_183 = arith.constant 1 : i32
    %swap3A_184 = arith.index_cast %swap3A_183 : i32 to index
    %swap3A_185 = arith.constant 80 : index
    %swap3A_186 = tpu.vector_load %arg13[%swap3A_184, %swap3A_185] {strides = array<i32>} : memref<32x128xi32, #tpu.memory_space<vmem>>, vector<1x16xi32>,
    %swap3A_187 = vector.shape_cast %swap3A_186 : vector<1x16xi32> to vector<16xi32>
    %swap3A_188 = vector.shape_cast %get3A_182 : vector<16xi32> to vector<1x16xi32>
    tpu.vector_store %arg13[%swap3A_184, %swap3A_185], %swap3A_188 {strides = array<i32>} : memref<32x128xi32, #tpu.memory_space<vmem>>, vector<1x16xi32>,
    %get3A_189 = arith.constant 7 : i32
    %get3A_190 = arith.index_cast %get3A_189 : i32 to index
    %get3A_191 = arith.constant 0 : index
    %get3A_192 = tpu.vector_load %arg12[%get3A_190, %get3A_191] {strides = array<i32>} : memref<128x32xi32, #tpu.memory_space<vmem>>, vector<1x16xi32>,
    %get3A_193 = vector.shape_cast %get3A_192 : vector<1x16xi32> to vector<16xi32>
    %swap3A_194 = arith.constant 1 : i32
    %swap3A_195 = arith.index_cast %swap3A_194 : i32 to index
    %swap3A_196 = arith.constant 96 : index
    %swap3A_197 = tpu.vector_load %arg13[%swap3A_195, %swap3A_196] {strides = array<i32>} : memref<32x128xi32, #tpu.memory_space<vmem>>, vector<1x16xi32>,
    %swap3A_198 = vector.shape_cast %swap3A_197 : vector<1x16xi32> to vector<16xi32>
    %swap3A_199 = vector.shape_cast %get3A_193 : vector<16xi32> to vector<1x16xi32>
    tpu.vector_store %arg13[%swap3A_195, %swap3A_196], %swap3A_199 {strides = array<i32>} : memref<32x128xi32, #tpu.memory_space<vmem>>, vector<1x16xi32>,
    %get3A_200 = arith.constant 7 : i32
    %get3A_201 = arith.index_cast %get3A_200 : i32 to index
    %get3A_202 = arith.constant 16 : index
    %get3A_203 = tpu.vector_load %arg12[%get3A_201, %get3A_202] {strides = array<i32>} : memref<128x32xi32, #tpu.memory_space<vmem>>, vector<1x16xi32>,
    %get3A_204 = vector.shape_cast %get3A_203 : vector<1x16xi32> to vector<16xi32>
    %swap3A_205 = arith.constant 1 : i32
    %swap3A_206 = arith.index_cast %swap3A_205 : i32 to index
    %swap3A_207 = arith.constant 112 : index
    %swap3A_208 = tpu.vector_load %arg13[%swap3A_206, %swap3A_207] {strides = array<i32>} : memref<32x128xi32, #tpu.memory_space<vmem>>, vector<1x16xi32>,
    %swap3A_209 = vector.shape_cast %swap3A_208 : vector<1x16xi32> to vector<16xi32>
    %swap3A_210 = vector.shape_cast %get3A_204 : vector<16xi32> to vector<1x16xi32>
    tpu.vector_store %arg13[%swap3A_206, %swap3A_207], %swap3A_210 {strides = array<i32>} : memref<32x128xi32, #tpu.memory_space<vmem>>, vector<1x16xi32>,
    %get3A_211 = arith.constant 8 : i32
    %get3A_212 = arith.index_cast %get3A_211 : i32 to index
    %get3A_213 = arith.constant 0 : index
    %get3A_214 = tpu.vector_load %arg12[%get3A_212, %get3A_213] {strides = array<i32>} : memref<128x32xi32, #tpu.memory_space<vmem>>, vector<1x16xi32>,
    %get3A_215 = vector.shape_cast %get3A_214 : vector<1x16xi32> to vector<16xi32>
    %swap3A_216 = arith.constant 2 : i32
    %swap3A_217 = arith.index_cast %swap3A_216 : i32 to index
    %swap3A_218 = arith.constant 0 : index
    %swap3A_219 = tpu.vector_load %arg13[%swap3A_217, %swap3A_218] {strides = array<i32>} : memref<32x128xi32, #tpu.memory_space<vmem>>, vector<1x16xi32>,
    %swap3A_220 = vector.shape_cast %swap3A_219 : vector<1x16xi32> to vector<16xi32>
    %swap3A_221 = vector.shape_cast %get3A_215 : vector<16xi32> to vector<1x16xi32>
    tpu.vector_store %arg13[%swap3A_217, %swap3A_218], %swap3A_221 {strides = array<i32>} : memref<32x128xi32, #tpu.memory_space<vmem>>, vector<1x16xi32>,
    %get3A_222 = arith.constant 8 : i32
    %get3A_223 = arith.index_cast %get3A_222 : i32 to index
    %get3A_224 = arith.constant 16 : index
    %get3A_225 = tpu.vector_load %arg12[%get3A_223, %get3A_224] {strides = array<i32>} : memref<128x32xi32, #tpu.memory_space<vmem>>, vector<1x16xi32>,
    %get3A_226 = vector.shape_cast %get3A_225 : vector<1x16xi32> to vector<16xi32>
    %swap3A_227 = arith.constant 2 : i32
    %swap3A_228 = arith.index_cast %swap3A_227 : i32 to index
    %swap3A_229 = arith.constant 16 : index
    %swap3A_230 = tpu.vector_load %arg13[%swap3A_228, %swap3A_229] {strides = array<i32>} : memref<32x128xi32, #tpu.memory_space<vmem>>, vector<1x16xi32>,
    %swap3A_231 = vector.shape_cast %swap3A_230 : vector<1x16xi32> to vector<16xi32>
    %swap3A_232 = vector.shape_cast %get3A_226 : vector<16xi32> to vector<1x16xi32>
    tpu.vector_store %arg13[%swap3A_228, %swap3A_229], %swap3A_232 {strides = array<i32>} : memref<32x128xi32, #tpu.memory_space<vmem>>, vector<1x16xi32>,
    %get3A_233 = arith.constant 9 : i32
    %get3A_234 = arith.index_cast %get3A_233 : i32 to index
    %get3A_235 = arith.constant 0 : index
    %get3A_236 = tpu.vector_load %arg12[%get3A_234, %get3A_235] {strides = array<i32>} : memref<128x32xi32, #tpu.memory_space<vmem>>, vector<1x16xi32>,
    %get3A_237 = vector.shape_cast %get3A_236 : vector<1x16xi32> to vector<16xi32>
    %swap3A_238 = arith.constant 2 : i32
    %swap3A_239 = arith.index_cast %swap3A_238 : i32 to index
    %swap3A_240 = arith.constant 32 : index
    %swap3A_241 = tpu.vector_load %arg13[%swap3A_239, %swap3A_240] {strides = array<i32>} : memref<32x128xi32, #tpu.memory_space<vmem>>, vector<1x16xi32>,
    %swap3A_242 = vector.shape_cast %swap3A_241 : vector<1x16xi32> to vector<16xi32>
    %swap3A_243 = vector.shape_cast %get3A_237 : vector<16xi32> to vector<1x16xi32>
    tpu.vector_store %arg13[%swap3A_239, %swap3A_240], %swap3A_243 {strides = array<i32>} : memref<32x128xi32, #tpu.memory_space<vmem>>, vector<1x16xi32>,
    %get3A_244 = arith.constant 9 : i32
    %get3A_245 = arith.index_cast %get3A_244 : i32 to index
    %get3A_246 = arith.constant 16 : index
    %get3A_247 = tpu.vector_load %arg12[%get3A_245, %get3A_246] {strides = array<i32>} : memref<128x32xi32, #tpu.memory_space<vmem>>, vector<1x16xi32>,
    %get3A_248 = vector.shape_cast %get3A_247 : vector<1x16xi32> to vector<16xi32>
    %swap3A_249 = arith.constant 2 : i32
    %swap3A_250 = arith.index_cast %swap3A_249 : i32 to index
    %swap3A_251 = arith.constant 48 : index
    %swap3A_252 = tpu.vector_load %arg13[%swap3A_250, %swap3A_251] {strides = array<i32>} : memref<32x128xi32, #tpu.memory_space<vmem>>, vector<1x16xi32>,
    %swap3A_253 = vector.shape_cast %swap3A_252 : vector<1x16xi32> to vector<16xi32>
    %swap3A_254 = vector.shape_cast %get3A_248 : vector<16xi32> to vector<1x16xi32>
    tpu.vector_store %arg13[%swap3A_250, %swap3A_251], %swap3A_254 {strides = array<i32>} : memref<32x128xi32, #tpu.memory_space<vmem>>, vector<1x16xi32>,
    %get3A_255 = arith.constant 10 : i32
    %get3A_256 = arith.index_cast %get3A_255 : i32 to index
    %get3A_257 = arith.constant 0 : index
    %get3A_258 = tpu.vector_load %arg12[%get3A_256, %get3A_257] {strides = array<i32>} : memref<128x32xi32, #tpu.memory_space<vmem>>, vector<1x16xi32>,
    %get3A_259 = vector.shape_cast %get3A_258 : vector<1x16xi32> to vector<16xi32>
    %swap3A_260 = arith.constant 2 : i32
    %swap3A_261 = arith.index_cast %swap3A_260 : i32 to index
    %swap3A_262 = arith.constant 64 : index
    %swap3A_263 = tpu.vector_load %arg13[%swap3A_261, %swap3A_262] {strides = array<i32>} : memref<32x128xi32, #tpu.memory_space<vmem>>, vector<1x16xi32>,
    %swap3A_264 = vector.shape_cast %swap3A_263 : vector<1x16xi32> to vector<16xi32>
    %swap3A_265 = vector.shape_cast %get3A_259 : vector<16xi32> to vector<1x16xi32>
    tpu.vector_store %arg13[%swap3A_261, %swap3A_262], %swap3A_265 {strides = array<i32>} : memref<32x128xi32, #tpu.memory_space<vmem>>, vector<1x16xi32>,
    %get3A_266 = arith.constant 10 : i32
    %get3A_267 = arith.index_cast %get3A_266 : i32 to index
    %get3A_268 = arith.constant 16 : index
    %get3A_269 = tpu.vector_load %arg12[%get3A_267, %get3A_268] {strides = array<i32>} : memref<128x32xi32, #tpu.memory_space<vmem>>, vector<1x16xi32>,
    %get3A_270 = vector.shape_cast %get3A_269 : vector<1x16xi32> to vector<16xi32>
    %swap3A_271 = arith.constant 2 : i32
    %swap3A_272 = arith.index_cast %swap3A_271 : i32 to index
    %swap3A_273 = arith.constant 80 : index
    %swap3A_274 = tpu.vector_load %arg13[%swap3A_272, %swap3A_273] {strides = array<i32>} : memref<32x128xi32, #tpu.memory_space<vmem>>, vector<1x16xi32>,
    %swap3A_275 = vector.shape_cast %swap3A_274 : vector<1x16xi32> to vector<16xi32>
    %swap3A_276 = vector.shape_cast %get3A_270 : vector<16xi32> to vector<1x16xi32>
    tpu.vector_store %arg13[%swap3A_272, %swap3A_273], %swap3A_276 {strides = array<i32>} : memref<32x128xi32, #tpu.memory_space<vmem>>, vector<1x16xi32>,
    %get3A_277 = arith.constant 11 : i32
    %get3A_278 = arith.index_cast %get3A_277 : i32 to index
    %get3A_279 = arith.constant 0 : index
    %get3A_280 = tpu.vector_load %arg12[%get3A_278, %get3A_279] {strides = array<i32>} : memref<128x32xi32, #tpu.memory_space<vmem>>, vector<1x16xi32>,
    %get3A_281 = vector.shape_cast %get3A_280 : vector<1x16xi32> to vector<16xi32>
    %swap3A_282 = arith.constant 2 : i32
    %swap3A_283 = arith.index_cast %swap3A_282 : i32 to index
    %swap3A_284 = arith.constant 96 : index
    %swap3A_285 = tpu.vector_load %arg13[%swap3A_283, %swap3A_284] {strides = array<i32>} : memref<32x128xi32, #tpu.memory_space<vmem>>, vector<1x16xi32>,
    %swap3A_286 = vector.shape_cast %swap3A_285 : vector<1x16xi32> to vector<16xi32>
    %swap3A_287 = vector.shape_cast %get3A_281 : vector<16xi32> to vector<1x16xi32>
    tpu.vector_store %arg13[%swap3A_283, %swap3A_284], %swap3A_287 {strides = array<i32>} : memref<32x128xi32, #tpu.memory_space<vmem>>, vector<1x16xi32>,
    %get3A_288 = arith.constant 11 : i32
    %get3A_289 = arith.index_cast %get3A_288 : i32 to index
    %get3A_290 = arith.constant 16 : index
    %get3A_291 = tpu.vector_load %arg12[%get3A_289, %get3A_290] {strides = array<i32>} : memref<128x32xi32, #tpu.memory_space<vmem>>, vector<1x16xi32>,
    %get3A_292 = vector.shape_cast %get3A_291 : vector<1x16xi32> to vector<16xi32>
    %swap3A_293 = arith.constant 2 : i32
    %swap3A_294 = arith.index_cast %swap3A_293 : i32 to index
    %swap3A_295 = arith.constant 112 : index
    %swap3A_296 = tpu.vector_load %arg13[%swap3A_294, %swap3A_295] {strides = array<i32>} : memref<32x128xi32, #tpu.memory_space<vmem>>, vector<1x16xi32>,
    %swap3A_297 = vector.shape_cast %swap3A_296 : vector<1x16xi32> to vector<16xi32>
    %swap3A_298 = vector.shape_cast %get3A_292 : vector<16xi32> to vector<1x16xi32>
    tpu.vector_store %arg13[%swap3A_294, %swap3A_295], %swap3A_298 {strides = array<i32>} : memref<32x128xi32, #tpu.memory_space<vmem>>, vector<1x16xi32>,
    %get3A_299 = arith.constant 12 : i32
    %get3A_300 = arith.index_cast %get3A_299 : i32 to index
    %get3A_301 = arith.constant 0 : index
    %get3A_302 = tpu.vector_load %arg12[%get3A_300, %get3A_301] {strides = array<i32>} : memref<128x32xi32, #tpu.memory_space<vmem>>, vector<1x16xi32>,
    %get3A_303 = vector.shape_cast %get3A_302 : vector<1x16xi32> to vector<16xi32>
    %swap3A_304 = arith.constant 3 : i32
    %swap3A_305 = arith.index_cast %swap3A_304 : i32 to index
    %swap3A_306 = arith.constant 0 : index
    %swap3A_307 = tpu.vector_load %arg13[%swap3A_305, %swap3A_306] {strides = array<i32>} : memref<32x128xi32, #tpu.memory_space<vmem>>, vector<1x16xi32>,
    %swap3A_308 = vector.shape_cast %swap3A_307 : vector<1x16xi32> to vector<16xi32>
    %swap3A_309 = vector.shape_cast %get3A_303 : vector<16xi32> to vector<1x16xi32>
    tpu.vector_store %arg13[%swap3A_305, %swap3A_306], %swap3A_309 {strides = array<i32>} : memref<32x128xi32, #tpu.memory_space<vmem>>, vector<1x16xi32>,
    %get3A_310 = arith.constant 12 : i32
    %get3A_311 = arith.index_cast %get3A_310 : i32 to index
    %get3A_312 = arith.constant 16 : index
    %get3A_313 = tpu.vector_load %arg12[%get3A_311, %get3A_312] {strides = array<i32>} : memref<128x32xi32, #tpu.memory_space<vmem>>, vector<1x16xi32>,
    %get3A_314 = vector.shape_cast %get3A_313 : vector<1x16xi32> to vector<16xi32>
    %swap3A_315 = arith.constant 3 : i32
    %swap3A_316 = arith.index_cast %swap3A_315 : i32 to index
    %swap3A_317 = arith.constant 16 : index
    %swap3A_318 = tpu.vector_load %arg13[%swap3A_316, %swap3A_317] {strides = array<i32>} : memref<32x128xi32, #tpu.memory_space<vmem>>, vector<1x16xi32>,
    %swap3A_319 = vector.shape_cast %swap3A_318 : vector<1x16xi32> to vector<16xi32>
    %swap3A_320 = vector.shape_cast %get3A_314 : vector<16xi32> to vector<1x16xi32>
    tpu.vector_store %arg13[%swap3A_316, %swap3A_317], %swap3A_320 {strides = array<i32>} : memref<32x128xi32, #tpu.memory_space<vmem>>, vector<1x16xi32>,
    %get3A_321 = arith.constant 13 : i32
    %get3A_322 = arith.index_cast %get3A_321 : i32 to index
    %get3A_323 = arith.constant 0 : index
    %get3A_324 = tpu.vector_load %arg12[%get3A_322, %get3A_323] {strides = array<i32>} : memref<128x32xi32, #tpu.memory_space<vmem>>, vector<1x16xi32>,
    %get3A_325 = vector.shape_cast %get3A_324 : vector<1x16xi32> to vector<16xi32>
    %swap3A_326 = arith.constant 3 : i32
    %swap3A_327 = arith.index_cast %swap3A_326 : i32 to index
    %swap3A_328 = arith.constant 32 : index
    %swap3A_329 = tpu.vector_load %arg13[%swap3A_327, %swap3A_328] {strides = array<i32>} : memref<32x128xi32, #tpu.memory_space<vmem>>, vector<1x16xi32>,
    %swap3A_330 = vector.shape_cast %swap3A_329 : vector<1x16xi32> to vector<16xi32>
    %swap3A_331 = vector.shape_cast %get3A_325 : vector<16xi32> to vector<1x16xi32>
    tpu.vector_store %arg13[%swap3A_327, %swap3A_328], %swap3A_331 {strides = array<i32>} : memref<32x128xi32, #tpu.memory_space<vmem>>, vector<1x16xi32>,
    %get3A_332 = arith.constant 13 : i32
    %get3A_333 = arith.index_cast %get3A_332 : i32 to index
    %get3A_334 = arith.constant 16 : index
    %get3A_335 = tpu.vector_load %arg12[%get3A_333, %get3A_334] {strides = array<i32>} : memref<128x32xi32, #tpu.memory_space<vmem>>, vector<1x16xi32>,
    %get3A_336 = vector.shape_cast %get3A_335 : vector<1x16xi32> to vector<16xi32>
    %swap3A_337 = arith.constant 3 : i32
    %swap3A_338 = arith.index_cast %swap3A_337 : i32 to index
    %swap3A_339 = arith.constant 48 : index
    %swap3A_340 = tpu.vector_load %arg13[%swap3A_338, %swap3A_339] {strides = array<i32>} : memref<32x128xi32, #tpu.memory_space<vmem>>, vector<1x16xi32>,
    %swap3A_341 = vector.shape_cast %swap3A_340 : vector<1x16xi32> to vector<16xi32>
    %swap3A_342 = vector.shape_cast %get3A_336 : vector<16xi32> to vector<1x16xi32>
    tpu.vector_store %arg13[%swap3A_338, %swap3A_339], %swap3A_342 {strides = array<i32>} : memref<32x128xi32, #tpu.memory_space<vmem>>, vector<1x16xi32>,
    %get3A_343 = arith.constant 14 : i32
    %get3A_344 = arith.index_cast %get3A_343 : i32 to index
    %get3A_345 = arith.constant 0 : index
    %get3A_346 = tpu.vector_load %arg12[%get3A_344, %get3A_345] {strides = array<i32>} : memref<128x32xi32, #tpu.memory_space<vmem>>, vector<1x16xi32>,
    %get3A_347 = vector.shape_cast %get3A_346 : vector<1x16xi32> to vector<16xi32>
    %swap3A_348 = arith.constant 3 : i32
    %swap3A_349 = arith.index_cast %swap3A_348 : i32 to index
    %swap3A_350 = arith.constant 64 : index
    %swap3A_351 = tpu.vector_load %arg13[%swap3A_349, %swap3A_350] {strides = array<i32>} : memref<32x128xi32, #tpu.memory_space<vmem>>, vector<1x16xi32>,
    %swap3A_352 = vector.shape_cast %swap3A_351 : vector<1x16xi32> to vector<16xi32>
    %swap3A_353 = vector.shape_cast %get3A_347 : vector<16xi32> to vector<1x16xi32>
    tpu.vector_store %arg13[%swap3A_349, %swap3A_350], %swap3A_353 {strides = array<i32>} : memref<32x128xi32, #tpu.memory_space<vmem>>, vector<1x16xi32>,
    %get3A_354 = arith.constant 14 : i32
    %get3A_355 = arith.index_cast %get3A_354 : i32 to index
    %get3A_356 = arith.constant 16 : index
    %get3A_357 = tpu.vector_load %arg12[%get3A_355, %get3A_356] {strides = array<i32>} : memref<128x32xi32, #tpu.memory_space<vmem>>, vector<1x16xi32>,
    %get3A_358 = vector.shape_cast %get3A_357 : vector<1x16xi32> to vector<16xi32>
    %swap3A_359 = arith.constant 3 : i32
    %swap3A_360 = arith.index_cast %swap3A_359 : i32 to index
    %swap3A_361 = arith.constant 80 : index
    %swap3A_362 = tpu.vector_load %arg13[%swap3A_360, %swap3A_361] {strides = array<i32>} : memref<32x128xi32, #tpu.memory_space<vmem>>, vector<1x16xi32>,
    %swap3A_363 = vector.shape_cast %swap3A_362 : vector<1x16xi32> to vector<16xi32>
    %swap3A_364 = vector.shape_cast %get3A_358 : vector<16xi32> to vector<1x16xi32>
    tpu.vector_store %arg13[%swap3A_360, %swap3A_361], %swap3A_364 {strides = array<i32>} : memref<32x128xi32, #tpu.memory_space<vmem>>, vector<1x16xi32>,
    %get3A_365 = arith.constant 15 : i32
    %get3A_366 = arith.index_cast %get3A_365 : i32 to index
    %get3A_367 = arith.constant 0 : index
    %get3A_368 = tpu.vector_load %arg12[%get3A_366, %get3A_367] {strides = array<i32>} : memref<128x32xi32, #tpu.memory_space<vmem>>, vector<1x16xi32>,
    %get3A_369 = vector.shape_cast %get3A_368 : vector<1x16xi32> to vector<16xi32>
    %swap3A_370 = arith.constant 3 : i32
    %swap3A_371 = arith.index_cast %swap3A_370 : i32 to index
    %swap3A_372 = arith.constant 96 : index
    %swap3A_373 = tpu.vector_load %arg13[%swap3A_371, %swap3A_372] {strides = array<i32>} : memref<32x128xi32, #tpu.memory_space<vmem>>, vector<1x16xi32>,
    %swap3A_374 = vector.shape_cast %swap3A_373 : vector<1x16xi32> to vector<16xi32>
    %swap3A_375 = vector.shape_cast %get3A_369 : vector<16xi32> to vector<1x16xi32>
    tpu.vector_store %arg13[%swap3A_371, %swap3A_372], %swap3A_375 {strides = array<i32>} : memref<32x128xi32, #tpu.memory_space<vmem>>, vector<1x16xi32>,
    %get3A_376 = arith.constant 15 : i32
    %get3A_377 = arith.index_cast %get3A_376 : i32 to index
    %get3A_378 = arith.constant 16 : index
    %get3A_379 = tpu.vector_load %arg12[%get3A_377, %get3A_378] {strides = array<i32>} : memref<128x32xi32, #tpu.memory_space<vmem>>, vector<1x16xi32>,
    %get3A_380 = vector.shape_cast %get3A_379 : vector<1x16xi32> to vector<16xi32>
    %swap3A_381 = arith.constant 3 : i32
    %swap3A_382 = arith.index_cast %swap3A_381 : i32 to index
    %swap3A_383 = arith.constant 112 : index
    %swap3A_384 = tpu.vector_load %arg13[%swap3A_382, %swap3A_383] {strides = array<i32>} : memref<32x128xi32, #tpu.memory_space<vmem>>, vector<1x16xi32>,
    %swap3A_385 = vector.shape_cast %swap3A_384 : vector<1x16xi32> to vector<16xi32>
    %swap3A_386 = vector.shape_cast %get3A_380 : vector<16xi32> to vector<1x16xi32>
    tpu.vector_store %arg13[%swap3A_382, %swap3A_383], %swap3A_386 {strides = array<i32>} : memref<32x128xi32, #tpu.memory_space<vmem>>, vector<1x16xi32>,
    %get3A_387 = arith.constant 16 : i32
    %get3A_388 = arith.index_cast %get3A_387 : i32 to index
    %get3A_389 = arith.constant 0 : index
    %get3A_390 = tpu.vector_load %arg12[%get3A_388, %get3A_389] {strides = array<i32>} : memref<128x32xi32, #tpu.memory_space<vmem>>, vector<1x16xi32>,
    %get3A_391 = vector.shape_cast %get3A_390 : vector<1x16xi32> to vector<16xi32>
    %swap3A_392 = arith.constant 4 : i32
    %swap3A_393 = arith.index_cast %swap3A_392 : i32 to index
    %swap3A_394 = arith.constant 0 : index
    %swap3A_395 = tpu.vector_load %arg13[%swap3A_393, %swap3A_394] {strides = array<i32>} : memref<32x128xi32, #tpu.memory_space<vmem>>, vector<1x16xi32>,
    %swap3A_396 = vector.shape_cast %swap3A_395 : vector<1x16xi32> to vector<16xi32>
    %swap3A_397 = vector.shape_cast %get3A_391 : vector<16xi32> to vector<1x16xi32>
    tpu.vector_store %arg13[%swap3A_393, %swap3A_394], %swap3A_397 {strides = array<i32>} : memref<32x128xi32, #tpu.memory_space<vmem>>, vector<1x16xi32>,
    %get3A_398 = arith.constant 16 : i32
    %get3A_399 = arith.index_cast %get3A_398 : i32 to index
    %get3A_400 = arith.constant 16 : index
    %get3A_401 = tpu.vector_load %arg12[%get3A_399, %get3A_400] {strides = array<i32>} : memref<128x32xi32, #tpu.memory_space<vmem>>, vector<1x16xi32>,
    %get3A_402 = vector.shape_cast %get3A_401 : vector<1x16xi32> to vector<16xi32>
    %swap3A_403 = arith.constant 4 : i32
    %swap3A_404 = arith.index_cast %swap3A_403 : i32 to index
    %swap3A_405 = arith.constant 16 : index
    %swap3A_406 = tpu.vector_load %arg13[%swap3A_404, %swap3A_405] {strides = array<i32>} : memref<32x128xi32, #tpu.memory_space<vmem>>, vector<1x16xi32>,
    %swap3A_407 = vector.shape_cast %swap3A_406 : vector<1x16xi32> to vector<16xi32>
    %swap3A_408 = vector.shape_cast %get3A_402 : vector<16xi32> to vector<1x16xi32>
    tpu.vector_store %arg13[%swap3A_404, %swap3A_405], %swap3A_408 {strides = array<i32>} : memref<32x128xi32, #tpu.memory_space<vmem>>, vector<1x16xi32>,
    %get3A_409 = arith.constant 17 : i32
    %get3A_410 = arith.index_cast %get3A_409 : i32 to index
    %get3A_411 = arith.constant 0 : index
    %get3A_412 = tpu.vector_load %arg12[%get3A_410, %get3A_411] {strides = array<i32>} : memref<128x32xi32, #tpu.memory_space<vmem>>, vector<1x16xi32>,
    %get3A_413 = vector.shape_cast %get3A_412 : vector<1x16xi32> to vector<16xi32>
    %swap3A_414 = arith.constant 4 : i32
    %swap3A_415 = arith.index_cast %swap3A_414 : i32 to index
    %swap3A_416 = arith.constant 32 : index
    %swap3A_417 = tpu.vector_load %arg13[%swap3A_415, %swap3A_416] {strides = array<i32>} : memref<32x128xi32, #tpu.memory_space<vmem>>, vector<1x16xi32>,
    %swap3A_418 = vector.shape_cast %swap3A_417 : vector<1x16xi32> to vector<16xi32>
    %swap3A_419 = vector.shape_cast %get3A_413 : vector<16xi32> to vector<1x16xi32>
    tpu.vector_store %arg13[%swap3A_415, %swap3A_416], %swap3A_419 {strides = array<i32>} : memref<32x128xi32, #tpu.memory_space<vmem>>, vector<1x16xi32>,
    %get3A_420 = arith.constant 17 : i32
    %get3A_421 = arith.index_cast %get3A_420 : i32 to index
    %get3A_422 = arith.constant 16 : index
    %get3A_423 = tpu.vector_load %arg12[%get3A_421, %get3A_422] {strides = array<i32>} : memref<128x32xi32, #tpu.memory_space<vmem>>, vector<1x16xi32>,
    %get3A_424 = vector.shape_cast %get3A_423 : vector<1x16xi32> to vector<16xi32>
    %swap3A_425 = arith.constant 4 : i32
    %swap3A_426 = arith.index_cast %swap3A_425 : i32 to index
    %swap3A_427 = arith.constant 48 : index
    %swap3A_428 = tpu.vector_load %arg13[%swap3A_426, %swap3A_427] {strides = array<i32>} : memref<32x128xi32, #tpu.memory_space<vmem>>, vector<1x16xi32>,
    %swap3A_429 = vector.shape_cast %swap3A_428 : vector<1x16xi32> to vector<16xi32>
    %swap3A_430 = vector.shape_cast %get3A_424 : vector<16xi32> to vector<1x16xi32>
    tpu.vector_store %arg13[%swap3A_426, %swap3A_427], %swap3A_430 {strides = array<i32>} : memref<32x128xi32, #tpu.memory_space<vmem>>, vector<1x16xi32>,
    %get3A_431 = arith.constant 18 : i32
    %get3A_432 = arith.index_cast %get3A_431 : i32 to index
    %get3A_433 = arith.constant 0 : index
    %get3A_434 = tpu.vector_load %arg12[%get3A_432, %get3A_433] {strides = array<i32>} : memref<128x32xi32, #tpu.memory_space<vmem>>, vector<1x16xi32>,
    %get3A_435 = vector.shape_cast %get3A_434 : vector<1x16xi32> to vector<16xi32>
    %swap3A_436 = arith.constant 4 : i32
    %swap3A_437 = arith.index_cast %swap3A_436 : i32 to index
    %swap3A_438 = arith.constant 64 : index
    %swap3A_439 = tpu.vector_load %arg13[%swap3A_437, %swap3A_438] {strides = array<i32>} : memref<32x128xi32, #tpu.memory_space<vmem>>, vector<1x16xi32>,
    %swap3A_440 = vector.shape_cast %swap3A_439 : vector<1x16xi32> to vector<16xi32>
    %swap3A_441 = vector.shape_cast %get3A_435 : vector<16xi32> to vector<1x16xi32>
    tpu.vector_store %arg13[%swap3A_437, %swap3A_438], %swap3A_441 {strides = array<i32>} : memref<32x128xi32, #tpu.memory_space<vmem>>, vector<1x16xi32>,
    %get3A_442 = arith.constant 18 : i32
    %get3A_443 = arith.index_cast %get3A_442 : i32 to index
    %get3A_444 = arith.constant 16 : index
    %get3A_445 = tpu.vector_load %arg12[%get3A_443, %get3A_444] {strides = array<i32>} : memref<128x32xi32, #tpu.memory_space<vmem>>, vector<1x16xi32>,
    %get3A_446 = vector.shape_cast %get3A_445 : vector<1x16xi32> to vector<16xi32>
    %swap3A_447 = arith.constant 4 : i32
    %swap3A_448 = arith.index_cast %swap3A_447 : i32 to index
    %swap3A_449 = arith.constant 80 : index
    %swap3A_450 = tpu.vector_load %arg13[%swap3A_448, %swap3A_449] {strides = array<i32>} : memref<32x128xi32, #tpu.memory_space<vmem>>, vector<1x16xi32>,
    %swap3A_451 = vector.shape_cast %swap3A_450 : vector<1x16xi32> to vector<16xi32>
    %swap3A_452 = vector.shape_cast %get3A_446 : vector<16xi32> to vector<1x16xi32>
    tpu.vector_store %arg13[%swap3A_448, %swap3A_449], %swap3A_452 {strides = array<i32>} : memref<32x128xi32, #tpu.memory_space<vmem>>, vector<1x16xi32>,
    %get3A_453 = arith.constant 19 : i32
    %get3A_454 = arith.index_cast %get3A_453 : i32 to index
    %get3A_455 = arith.constant 0 : index
    %get3A_456 = tpu.vector_load %arg12[%get3A_454, %get3A_455] {strides = array<i32>} : memref<128x32xi32, #tpu.memory_space<vmem>>, vector<1x16xi32>,
    %get3A_457 = vector.shape_cast %get3A_456 : vector<1x16xi32> to vector<16xi32>
    %swap3A_458 = arith.constant 4 : i32
    %swap3A_459 = arith.index_cast %swap3A_458 : i32 to index
    %swap3A_460 = arith.constant 96 : index
    %swap3A_461 = tpu.vector_load %arg13[%swap3A_459, %swap3A_460] {strides = array<i32>} : memref<32x128xi32, #tpu.memory_space<vmem>>, vector<1x16xi32>,
    %swap3A_462 = vector.shape_cast %swap3A_461 : vector<1x16xi32> to vector<16xi32>
    %swap3A_463 = vector.shape_cast %get3A_457 : vector<16xi32> to vector<1x16xi32>
    tpu.vector_store %arg13[%swap3A_459, %swap3A_460], %swap3A_463 {strides = array<i32>} : memref<32x128xi32, #tpu.memory_space<vmem>>, vector<1x16xi32>,
    %get3A_464 = arith.constant 19 : i32
    %get3A_465 = arith.index_cast %get3A_464 : i32 to index
    %get3A_466 = arith.constant 16 : index
    %get3A_467 = tpu.vector_load %arg12[%get3A_465, %get3A_466] {strides = array<i32>} : memref<128x32xi32, #tpu.memory_space<vmem>>, vector<1x16xi32>,
    %get3A_468 = vector.shape_cast %get3A_467 : vector<1x16xi32> to vector<16xi32>
    %swap3A_469 = arith.constant 4 : i32
    %swap3A_470 = arith.index_cast %swap3A_469 : i32 to index
    %swap3A_471 = arith.constant 112 : index
    %swap3A_472 = tpu.vector_load %arg13[%swap3A_470, %swap3A_471] {strides = array<i32>} : memref<32x128xi32, #tpu.memory_space<vmem>>, vector<1x16xi32>,
    %swap3A_473 = vector.shape_cast %swap3A_472 : vector<1x16xi32> to vector<16xi32>
    %swap3A_474 = vector.shape_cast %get3A_468 : vector<16xi32> to vector<1x16xi32>
    tpu.vector_store %arg13[%swap3A_470, %swap3A_471], %swap3A_474 {strides = array<i32>} : memref<32x128xi32, #tpu.memory_space<vmem>>, vector<1x16xi32>,
    %get3A_475 = arith.constant 20 : i32
    %get3A_476 = arith.index_cast %get3A_475 : i32 to index
    %get3A_477 = arith.constant 0 : index
    %get3A_478 = tpu.vector_load %arg12[%get3A_476, %get3A_477] {strides = array<i32>} : memref<128x32xi32, #tpu.memory_space<vmem>>, vector<1x16xi32>,
    %get3A_479 = vector.shape_cast %get3A_478 : vector<1x16xi32> to vector<16xi32>
    %swap3A_480 = arith.constant 5 : i32
    %swap3A_481 = arith.index_cast %swap3A_480 : i32 to index
    %swap3A_482 = arith.constant 0 : index
    %swap3A_483 = tpu.vector_load %arg13[%swap3A_481, %swap3A_482] {strides = array<i32>} : memref<32x128xi32, #tpu.memory_space<vmem>>, vector<1x16xi32>,
    %swap3A_484 = vector.shape_cast %swap3A_483 : vector<1x16xi32> to vector<16xi32>
    %swap3A_485 = vector.shape_cast %get3A_479 : vector<16xi32> to vector<1x16xi32>
    tpu.vector_store %arg13[%swap3A_481, %swap3A_482], %swap3A_485 {strides = array<i32>} : memref<32x128xi32, #tpu.memory_space<vmem>>, vector<1x16xi32>,
    %get3A_486 = arith.constant 20 : i32
    %get3A_487 = arith.index_cast %get3A_486 : i32 to index
    %get3A_488 = arith.constant 16 : index
    %get3A_489 = tpu.vector_load %arg12[%get3A_487, %get3A_488] {strides = array<i32>} : memref<128x32xi32, #tpu.memory_space<vmem>>, vector<1x16xi32>,
    %get3A_490 = vector.shape_cast %get3A_489 : vector<1x16xi32> to vector<16xi32>
    %swap3A_491 = arith.constant 5 : i32
    %swap3A_492 = arith.index_cast %swap3A_491 : i32 to index
    %swap3A_493 = arith.constant 16 : index
    %swap3A_494 = tpu.vector_load %arg13[%swap3A_492, %swap3A_493] {strides = array<i32>} : memref<32x128xi32, #tpu.memory_space<vmem>>, vector<1x16xi32>,
    %swap3A_495 = vector.shape_cast %swap3A_494 : vector<1x16xi32> to vector<16xi32>
    %swap3A_496 = vector.shape_cast %get3A_490 : vector<16xi32> to vector<1x16xi32>
    tpu.vector_store %arg13[%swap3A_492, %swap3A_493], %swap3A_496 {strides = array<i32>} : memref<32x128xi32, #tpu.memory_space<vmem>>, vector<1x16xi32>,
    %get3A_497 = arith.constant 21 : i32
    %get3A_498 = arith.index_cast %get3A_497 : i32 to index
    %get3A_499 = arith.constant 0 : index
    %get3A_500 = tpu.vector_load %arg12[%get3A_498, %get3A_499] {strides = array<i32>} : memref<128x32xi32, #tpu.memory_space<vmem>>, vector<1x16xi32>,
    %get3A_501 = vector.shape_cast %get3A_500 : vector<1x16xi32> to vector<16xi32>
    %swap3A_502 = arith.constant 5 : i32
    %swap3A_503 = arith.index_cast %swap3A_502 : i32 to index
    %swap3A_504 = arith.constant 32 : index
    %swap3A_505 = tpu.vector_load %arg13[%swap3A_503, %swap3A_504] {strides = array<i32>} : memref<32x128xi32, #tpu.memory_space<vmem>>, vector<1x16xi32>,
    %swap3A_506 = vector.shape_cast %swap3A_505 : vector<1x16xi32> to vector<16xi32>
    %swap3A_507 = vector.shape_cast %get3A_501 : vector<16xi32> to vector<1x16xi32>
    tpu.vector_store %arg13[%swap3A_503, %swap3A_504], %swap3A_507 {strides = array<i32>} : memref<32x128xi32, #tpu.memory_space<vmem>>, vector<1x16xi32>,
    %get3A_508 = arith.constant 21 : i32
    %get3A_509 = arith.index_cast %get3A_508 : i32 to index
    %get3A_510 = arith.constant 16 : index
    %get3A_511 = tpu.vector_load %arg12[%get3A_509, %get3A_510] {strides = array<i32>} : memref<128x32xi32, #tpu.memory_space<vmem>>, vector<1x16xi32>,
    %get3A_512 = vector.shape_cast %get3A_511 : vector<1x16xi32> to vector<16xi32>
    %swap3A_513 = arith.constant 5 : i32
    %swap3A_514 = arith.index_cast %swap3A_513 : i32 to index
    %swap3A_515 = arith.constant 48 : index
    %swap3A_516 = tpu.vector_load %arg13[%swap3A_514, %swap3A_515] {strides = array<i32>} : memref<32x128xi32, #tpu.memory_space<vmem>>, vector<1x16xi32>,
    %swap3A_517 = vector.shape_cast %swap3A_516 : vector<1x16xi32> to vector<16xi32>
    %swap3A_518 = vector.shape_cast %get3A_512 : vector<16xi32> to vector<1x16xi32>
    tpu.vector_store %arg13[%swap3A_514, %swap3A_515], %swap3A_518 {strides = array<i32>} : memref<32x128xi32, #tpu.memory_space<vmem>>, vector<1x16xi32>,
    %get3A_519 = arith.constant 22 : i32
    %get3A_520 = arith.index_cast %get3A_519 : i32 to index
    %get3A_521 = arith.constant 0 : index
    %get3A_522 = tpu.vector_load %arg12[%get3A_520, %get3A_521] {strides = array<i32>} : memref<128x32xi32, #tpu.memory_space<vmem>>, vector<1x16xi32>,
    %get3A_523 = vector.shape_cast %get3A_522 : vector<1x16xi32> to vector<16xi32>
    %swap3A_524 = arith.constant 5 : i32
    %swap3A_525 = arith.index_cast %swap3A_524 : i32 to index
    %swap3A_526 = arith.constant 64 : index
    %swap3A_527 = tpu.vector_load %arg13[%swap3A_525, %swap3A_526] {strides = array<i32>} : memref<32x128xi32, #tpu.memory_space<vmem>>, vector<1x16xi32>,
    %swap3A_528 = vector.shape_cast %swap3A_527 : vector<1x16xi32> to vector<16xi32>
    %swap3A_529 = vector.shape_cast %get3A_523 : vector<16xi32> to vector<1x16xi32>
    tpu.vector_store %arg13[%swap3A_525, %swap3A_526], %swap3A_529 {strides = array<i32>} : memref<32x128xi32, #tpu.memory_space<vmem>>, vector<1x16xi32>,
    %get3A_530 = arith.constant 22 : i32
    %get3A_531 = arith.index_cast %get3A_530 : i32 to index
    %get3A_532 = arith.constant 16 : index
    %get3A_533 = tpu.vector_load %arg12[%get3A_531, %get3A_532] {strides = array<i32>} : memref<128x32xi32, #tpu.memory_space<vmem>>, vector<1x16xi32>,
    %get3A_534 = vector.shape_cast %get3A_533 : vector<1x16xi32> to vector<16xi32>
    %swap3A_535 = arith.constant 5 : i32
    %swap3A_536 = arith.index_cast %swap3A_535 : i32 to index
    %swap3A_537 = arith.constant 80 : index
    %swap3A_538 = tpu.vector_load %arg13[%swap3A_536, %swap3A_537] {strides = array<i32>} : memref<32x128xi32, #tpu.memory_space<vmem>>, vector<1x16xi32>,
    %swap3A_539 = vector.shape_cast %swap3A_538 : vector<1x16xi32> to vector<16xi32>
    %swap3A_540 = vector.shape_cast %get3A_534 : vector<16xi32> to vector<1x16xi32>
    tpu.vector_store %arg13[%swap3A_536, %swap3A_537], %swap3A_540 {strides = array<i32>} : memref<32x128xi32, #tpu.memory_space<vmem>>, vector<1x16xi32>,
    %get3A_541 = arith.constant 23 : i32
    %get3A_542 = arith.index_cast %get3A_541 : i32 to index
    %get3A_543 = arith.constant 0 : index
    %get3A_544 = tpu.vector_load %arg12[%get3A_542, %get3A_543] {strides = array<i32>} : memref<128x32xi32, #tpu.memory_space<vmem>>, vector<1x16xi32>,
    %get3A_545 = vector.shape_cast %get3A_544 : vector<1x16xi32> to vector<16xi32>
    %swap3A_546 = arith.constant 5 : i32
    %swap3A_547 = arith.index_cast %swap3A_546 : i32 to index
    %swap3A_548 = arith.constant 96 : index
    %swap3A_549 = tpu.vector_load %arg13[%swap3A_547, %swap3A_548] {strides = array<i32>} : memref<32x128xi32, #tpu.memory_space<vmem>>, vector<1x16xi32>,
    %swap3A_550 = vector.shape_cast %swap3A_549 : vector<1x16xi32> to vector<16xi32>
    %swap3A_551 = vector.shape_cast %get3A_545 : vector<16xi32> to vector<1x16xi32>
    tpu.vector_store %arg13[%swap3A_547, %swap3A_548], %swap3A_551 {strides = array<i32>} : memref<32x128xi32, #tpu.memory_space<vmem>>, vector<1x16xi32>,
    %get3A_552 = arith.constant 23 : i32
    %get3A_553 = arith.index_cast %get3A_552 : i32 to index
    %get3A_554 = arith.constant 16 : index
    %get3A_555 = tpu.vector_load %arg12[%get3A_553, %get3A_554] {strides = array<i32>} : memref<128x32xi32, #tpu.memory_space<vmem>>, vector<1x16xi32>,
    %get3A_556 = vector.shape_cast %get3A_555 : vector<1x16xi32> to vector<16xi32>
    %swap3A_557 = arith.constant 5 : i32
    %swap3A_558 = arith.index_cast %swap3A_557 : i32 to index
    %swap3A_559 = arith.constant 112 : index
    %swap3A_560 = tpu.vector_load %arg13[%swap3A_558, %swap3A_559] {strides = array<i32>} : memref<32x128xi32, #tpu.memory_space<vmem>>, vector<1x16xi32>,
    %swap3A_561 = vector.shape_cast %swap3A_560 : vector<1x16xi32> to vector<16xi32>
    %swap3A_562 = vector.shape_cast %get3A_556 : vector<16xi32> to vector<1x16xi32>
    tpu.vector_store %arg13[%swap3A_558, %swap3A_559], %swap3A_562 {strides = array<i32>} : memref<32x128xi32, #tpu.memory_space<vmem>>, vector<1x16xi32>,
    %get3A_563 = arith.constant 24 : i32
    %get3A_564 = arith.index_cast %get3A_563 : i32 to index
    %get3A_565 = arith.constant 0 : index
    %get3A_566 = tpu.vector_load %arg12[%get3A_564, %get3A_565] {strides = array<i32>} : memref<128x32xi32, #tpu.memory_space<vmem>>, vector<1x16xi32>,
    %get3A_567 = vector.shape_cast %get3A_566 : vector<1x16xi32> to vector<16xi32>
    %swap3A_568 = arith.constant 6 : i32
    %swap3A_569 = arith.index_cast %swap3A_568 : i32 to index
    %swap3A_570 = arith.constant 0 : index
    %swap3A_571 = tpu.vector_load %arg13[%swap3A_569, %swap3A_570] {strides = array<i32>} : memref<32x128xi32, #tpu.memory_space<vmem>>, vector<1x16xi32>,
    %swap3A_572 = vector.shape_cast %swap3A_571 : vector<1x16xi32> to vector<16xi32>
    %swap3A_573 = vector.shape_cast %get3A_567 : vector<16xi32> to vector<1x16xi32>
    tpu.vector_store %arg13[%swap3A_569, %swap3A_570], %swap3A_573 {strides = array<i32>} : memref<32x128xi32, #tpu.memory_space<vmem>>, vector<1x16xi32>,
    %get3A_574 = arith.constant 24 : i32
    %get3A_575 = arith.index_cast %get3A_574 : i32 to index
    %get3A_576 = arith.constant 16 : index
    %get3A_577 = tpu.vector_load %arg12[%get3A_575, %get3A_576] {strides = array<i32>} : memref<128x32xi32, #tpu.memory_space<vmem>>, vector<1x16xi32>,
    %get3A_578 = vector.shape_cast %get3A_577 : vector<1x16xi32> to vector<16xi32>
    %swap3A_579 = arith.constant 6 : i32
    %swap3A_580 = arith.index_cast %swap3A_579 : i32 to index
    %swap3A_581 = arith.constant 16 : index
    %swap3A_582 = tpu.vector_load %arg13[%swap3A_580, %swap3A_581] {strides = array<i32>} : memref<32x128xi32, #tpu.memory_space<vmem>>, vector<1x16xi32>,
    %swap3A_583 = vector.shape_cast %swap3A_582 : vector<1x16xi32> to vector<16xi32>
    %swap3A_584 = vector.shape_cast %get3A_578 : vector<16xi32> to vector<1x16xi32>
    tpu.vector_store %arg13[%swap3A_580, %swap3A_581], %swap3A_584 {strides = array<i32>} : memref<32x128xi32, #tpu.memory_space<vmem>>, vector<1x16xi32>,
    %get3A_585 = arith.constant 25 : i32
    %get3A_586 = arith.index_cast %get3A_585 : i32 to index
    %get3A_587 = arith.constant 0 : index
    %get3A_588 = tpu.vector_load %arg12[%get3A_586, %get3A_587] {strides = array<i32>} : memref<128x32xi32, #tpu.memory_space<vmem>>, vector<1x16xi32>,
    %get3A_589 = vector.shape_cast %get3A_588 : vector<1x16xi32> to vector<16xi32>
    %swap3A_590 = arith.constant 6 : i32
    %swap3A_591 = arith.index_cast %swap3A_590 : i32 to index
    %swap3A_592 = arith.constant 32 : index
    %swap3A_593 = tpu.vector_load %arg13[%swap3A_591, %swap3A_592] {strides = array<i32>} : memref<32x128xi32, #tpu.memory_space<vmem>>, vector<1x16xi32>,
    %swap3A_594 = vector.shape_cast %swap3A_593 : vector<1x16xi32> to vector<16xi32>
    %swap3A_595 = vector.shape_cast %get3A_589 : vector<16xi32> to vector<1x16xi32>
    tpu.vector_store %arg13[%swap3A_591, %swap3A_592], %swap3A_595 {strides = array<i32>} : memref<32x128xi32, #tpu.memory_space<vmem>>, vector<1x16xi32>,
    %get3A_596 = arith.constant 25 : i32
    %get3A_597 = arith.index_cast %get3A_596 : i32 to index
    %get3A_598 = arith.constant 16 : index
    %get3A_599 = tpu.vector_load %arg12[%get3A_597, %get3A_598] {strides = array<i32>} : memref<128x32xi32, #tpu.memory_space<vmem>>, vector<1x16xi32>,
    %get3A_600 = vector.shape_cast %get3A_599 : vector<1x16xi32> to vector<16xi32>
    %swap3A_601 = arith.constant 6 : i32
    %swap3A_602 = arith.index_cast %swap3A_601 : i32 to index
    %swap3A_603 = arith.constant 48 : index
    %swap3A_604 = tpu.vector_load %arg13[%swap3A_602, %swap3A_603] {strides = array<i32>} : memref<32x128xi32, #tpu.memory_space<vmem>>, vector<1x16xi32>,
    %swap3A_605 = vector.shape_cast %swap3A_604 : vector<1x16xi32> to vector<16xi32>
    %swap3A_606 = vector.shape_cast %get3A_600 : vector<16xi32> to vector<1x16xi32>
    tpu.vector_store %arg13[%swap3A_602, %swap3A_603], %swap3A_606 {strides = array<i32>} : memref<32x128xi32, #tpu.memory_space<vmem>>, vector<1x16xi32>,
    %get3A_607 = arith.constant 26 : i32
    %get3A_608 = arith.index_cast %get3A_607 : i32 to index
    %get3A_609 = arith.constant 0 : index
    %get3A_610 = tpu.vector_load %arg12[%get3A_608, %get3A_609] {strides = array<i32>} : memref<128x32xi32, #tpu.memory_space<vmem>>, vector<1x16xi32>,
    %get3A_611 = vector.shape_cast %get3A_610 : vector<1x16xi32> to vector<16xi32>
    %swap3A_612 = arith.constant 6 : i32
    %swap3A_613 = arith.index_cast %swap3A_612 : i32 to index
    %swap3A_614 = arith.constant 64 : index
    %swap3A_615 = tpu.vector_load %arg13[%swap3A_613, %swap3A_614] {strides = array<i32>} : memref<32x128xi32, #tpu.memory_space<vmem>>, vector<1x16xi32>,
    %swap3A_616 = vector.shape_cast %swap3A_615 : vector<1x16xi32> to vector<16xi32>
    %swap3A_617 = vector.shape_cast %get3A_611 : vector<16xi32> to vector<1x16xi32>
    tpu.vector_store %arg13[%swap3A_613, %swap3A_614], %swap3A_617 {strides = array<i32>} : memref<32x128xi32, #tpu.memory_space<vmem>>, vector<1x16xi32>,
    %get3A_618 = arith.constant 26 : i32
    %get3A_619 = arith.index_cast %get3A_618 : i32 to index
    %get3A_620 = arith.constant 16 : index
    %get3A_621 = tpu.vector_load %arg12[%get3A_619, %get3A_620] {strides = array<i32>} : memref<128x32xi32, #tpu.memory_space<vmem>>, vector<1x16xi32>,
    %get3A_622 = vector.shape_cast %get3A_621 : vector<1x16xi32> to vector<16xi32>
    %swap3A_623 = arith.constant 6 : i32
    %swap3A_624 = arith.index_cast %swap3A_623 : i32 to index
    %swap3A_625 = arith.constant 80 : index
    %swap3A_626 = tpu.vector_load %arg13[%swap3A_624, %swap3A_625] {strides = array<i32>} : memref<32x128xi32, #tpu.memory_space<vmem>>, vector<1x16xi32>,
    %swap3A_627 = vector.shape_cast %swap3A_626 : vector<1x16xi32> to vector<16xi32>
    %swap3A_628 = vector.shape_cast %get3A_622 : vector<16xi32> to vector<1x16xi32>
    tpu.vector_store %arg13[%swap3A_624, %swap3A_625], %swap3A_628 {strides = array<i32>} : memref<32x128xi32, #tpu.memory_space<vmem>>, vector<1x16xi32>,
    %get3A_629 = arith.constant 27 : i32
    %get3A_630 = arith.index_cast %get3A_629 : i32 to index
    %get3A_631 = arith.constant 0 : index
    %get3A_632 = tpu.vector_load %arg12[%get3A_630, %get3A_631] {strides = array<i32>} : memref<128x32xi32, #tpu.memory_space<vmem>>, vector<1x16xi32>,
    %get3A_633 = vector.shape_cast %get3A_632 : vector<1x16xi32> to vector<16xi32>
    %swap3A_634 = arith.constant 6 : i32
    %swap3A_635 = arith.index_cast %swap3A_634 : i32 to index
    %swap3A_636 = arith.constant 96 : index
    %swap3A_637 = tpu.vector_load %arg13[%swap3A_635, %swap3A_636] {strides = array<i32>} : memref<32x128xi32, #tpu.memory_space<vmem>>, vector<1x16xi32>,
    %swap3A_638 = vector.shape_cast %swap3A_637 : vector<1x16xi32> to vector<16xi32>
    %swap3A_639 = vector.shape_cast %get3A_633 : vector<16xi32> to vector<1x16xi32>
    tpu.vector_store %arg13[%swap3A_635, %swap3A_636], %swap3A_639 {strides = array<i32>} : memref<32x128xi32, #tpu.memory_space<vmem>>, vector<1x16xi32>,
    %get3A_640 = arith.constant 27 : i32
    %get3A_641 = arith.index_cast %get3A_640 : i32 to index
    %get3A_642 = arith.constant 16 : index
    %get3A_643 = tpu.vector_load %arg12[%get3A_641, %get3A_642] {strides = array<i32>} : memref<128x32xi32, #tpu.memory_space<vmem>>, vector<1x16xi32>,
    %get3A_644 = vector.shape_cast %get3A_643 : vector<1x16xi32> to vector<16xi32>
    %swap3A_645 = arith.constant 6 : i32
    %swap3A_646 = arith.index_cast %swap3A_645 : i32 to index
    %swap3A_647 = arith.constant 112 : index
    %swap3A_648 = tpu.vector_load %arg13[%swap3A_646, %swap3A_647] {strides = array<i32>} : memref<32x128xi32, #tpu.memory_space<vmem>>, vector<1x16xi32>,
    %swap3A_649 = vector.shape_cast %swap3A_648 : vector<1x16xi32> to vector<16xi32>
    %swap3A_650 = vector.shape_cast %get3A_644 : vector<16xi32> to vector<1x16xi32>
    tpu.vector_store %arg13[%swap3A_646, %swap3A_647], %swap3A_650 {strides = array<i32>} : memref<32x128xi32, #tpu.memory_space<vmem>>, vector<1x16xi32>,
    %get3A_651 = arith.constant 28 : i32
    %get3A_652 = arith.index_cast %get3A_651 : i32 to index
    %get3A_653 = arith.constant 0 : index
    %get3A_654 = tpu.vector_load %arg12[%get3A_652, %get3A_653] {strides = array<i32>} : memref<128x32xi32, #tpu.memory_space<vmem>>, vector<1x16xi32>,
    %get3A_655 = vector.shape_cast %get3A_654 : vector<1x16xi32> to vector<16xi32>
    %swap3A_656 = arith.constant 7 : i32
    %swap3A_657 = arith.index_cast %swap3A_656 : i32 to index
    %swap3A_658 = arith.constant 0 : index
    %swap3A_659 = tpu.vector_load %arg13[%swap3A_657, %swap3A_658] {strides = array<i32>} : memref<32x128xi32, #tpu.memory_space<vmem>>, vector<1x16xi32>,
    %swap3A_660 = vector.shape_cast %swap3A_659 : vector<1x16xi32> to vector<16xi32>
    %swap3A_661 = vector.shape_cast %get3A_655 : vector<16xi32> to vector<1x16xi32>
    tpu.vector_store %arg13[%swap3A_657, %swap3A_658], %swap3A_661 {strides = array<i32>} : memref<32x128xi32, #tpu.memory_space<vmem>>, vector<1x16xi32>,
    %get3A_662 = arith.constant 28 : i32
    %get3A_663 = arith.index_cast %get3A_662 : i32 to index
    %get3A_664 = arith.constant 16 : index
    %get3A_665 = tpu.vector_load %arg12[%get3A_663, %get3A_664] {strides = array<i32>} : memref<128x32xi32, #tpu.memory_space<vmem>>, vector<1x16xi32>,
    %get3A_666 = vector.shape_cast %get3A_665 : vector<1x16xi32> to vector<16xi32>
    %swap3A_667 = arith.constant 7 : i32
    %swap3A_668 = arith.index_cast %swap3A_667 : i32 to index
    %swap3A_669 = arith.constant 16 : index
    %swap3A_670 = tpu.vector_load %arg13[%swap3A_668, %swap3A_669] {strides = array<i32>} : memref<32x128xi32, #tpu.memory_space<vmem>>, vector<1x16xi32>,
    %swap3A_671 = vector.shape_cast %swap3A_670 : vector<1x16xi32> to vector<16xi32>
    %swap3A_672 = vector.shape_cast %get3A_666 : vector<16xi32> to vector<1x16xi32>
    tpu.vector_store %arg13[%swap3A_668, %swap3A_669], %swap3A_672 {strides = array<i32>} : memref<32x128xi32, #tpu.memory_space<vmem>>, vector<1x16xi32>,
    %get3A_673 = arith.constant 29 : i32
    %get3A_674 = arith.index_cast %get3A_673 : i32 to index
    %get3A_675 = arith.constant 0 : index
    %get3A_676 = tpu.vector_load %arg12[%get3A_674, %get3A_675] {strides = array<i32>} : memref<128x32xi32, #tpu.memory_space<vmem>>, vector<1x16xi32>,
    %get3A_677 = vector.shape_cast %get3A_676 : vector<1x16xi32> to vector<16xi32>
    %swap3A_678 = arith.constant 7 : i32
    %swap3A_679 = arith.index_cast %swap3A_678 : i32 to index
    %swap3A_680 = arith.constant 32 : index
    %swap3A_681 = tpu.vector_load %arg13[%swap3A_679, %swap3A_680] {strides = array<i32>} : memref<32x128xi32, #tpu.memory_space<vmem>>, vector<1x16xi32>,
    %swap3A_682 = vector.shape_cast %swap3A_681 : vector<1x16xi32> to vector<16xi32>
    %swap3A_683 = vector.shape_cast %get3A_677 : vector<16xi32> to vector<1x16xi32>
    tpu.vector_store %arg13[%swap3A_679, %swap3A_680], %swap3A_683 {strides = array<i32>} : memref<32x128xi32, #tpu.memory_space<vmem>>, vector<1x16xi32>,
    %get3A_684 = arith.constant 29 : i32
    %get3A_685 = arith.index_cast %get3A_684 : i32 to index
    %get3A_686 = arith.constant 16 : index
    %get3A_687 = tpu.vector_load %arg12[%get3A_685, %get3A_686] {strides = array<i32>} : memref<128x32xi32, #tpu.memory_space<vmem>>, vector<1x16xi32>,
    %get3A_688 = vector.shape_cast %get3A_687 : vector<1x16xi32> to vector<16xi32>
    %swap3A_689 = arith.constant 7 : i32
    %swap3A_690 = arith.index_cast %swap3A_689 : i32 to index
    %swap3A_691 = arith.constant 48 : index
    %swap3A_692 = tpu.vector_load %arg13[%swap3A_690, %swap3A_691] {strides = array<i32>} : memref<32x128xi32, #tpu.memory_space<vmem>>, vector<1x16xi32>,
    %swap3A_693 = vector.shape_cast %swap3A_692 : vector<1x16xi32> to vector<16xi32>
    %swap3A_694 = vector.shape_cast %get3A_688 : vector<16xi32> to vector<1x16xi32>
    tpu.vector_store %arg13[%swap3A_690, %swap3A_691], %swap3A_694 {strides = array<i32>} : memref<32x128xi32, #tpu.memory_space<vmem>>, vector<1x16xi32>,
    %get3A_695 = arith.constant 30 : i32
    %get3A_696 = arith.index_cast %get3A_695 : i32 to index
    %get3A_697 = arith.constant 0 : index
    %get3A_698 = tpu.vector_load %arg12[%get3A_696, %get3A_697] {strides = array<i32>} : memref<128x32xi32, #tpu.memory_space<vmem>>, vector<1x16xi32>,
    %get3A_699 = vector.shape_cast %get3A_698 : vector<1x16xi32> to vector<16xi32>
    %swap3A_700 = arith.constant 7 : i32
    %swap3A_701 = arith.index_cast %swap3A_700 : i32 to index
    %swap3A_702 = arith.constant 64 : index
    %swap3A_703 = tpu.vector_load %arg13[%swap3A_701, %swap3A_702] {strides = array<i32>} : memref<32x128xi32, #tpu.memory_space<vmem>>, vector<1x16xi32>,
    %swap3A_704 = vector.shape_cast %swap3A_703 : vector<1x16xi32> to vector<16xi32>
    %swap3A_705 = vector.shape_cast %get3A_699 : vector<16xi32> to vector<1x16xi32>
    tpu.vector_store %arg13[%swap3A_701, %swap3A_702], %swap3A_705 {strides = array<i32>} : memref<32x128xi32, #tpu.memory_space<vmem>>, vector<1x16xi32>,
    %get3A_706 = arith.constant 30 : i32
    %get3A_707 = arith.index_cast %get3A_706 : i32 to index
    %get3A_708 = arith.constant 16 : index
    %get3A_709 = tpu.vector_load %arg12[%get3A_707, %get3A_708] {strides = array<i32>} : memref<128x32xi32, #tpu.memory_space<vmem>>, vector<1x16xi32>,
    %get3A_710 = vector.shape_cast %get3A_709 : vector<1x16xi32> to vector<16xi32>
    %swap3A_711 = arith.constant 7 : i32
    %swap3A_712 = arith.index_cast %swap3A_711 : i32 to index
    %swap3A_713 = arith.constant 80 : index
    %swap3A_714 = tpu.vector_load %arg13[%swap3A_712, %swap3A_713] {strides = array<i32>} : memref<32x128xi32, #tpu.memory_space<vmem>>, vector<1x16xi32>,
    %swap3A_715 = vector.shape_cast %swap3A_714 : vector<1x16xi32> to vector<16xi32>
    %swap3A_716 = vector.shape_cast %get3A_710 : vector<16xi32> to vector<1x16xi32>
    tpu.vector_store %arg13[%swap3A_712, %swap3A_713], %swap3A_716 {strides = array<i32>} : memref<32x128xi32, #tpu.memory_space<vmem>>, vector<1x16xi32>,
    %get3A_717 = arith.constant 31 : i32
    %get3A_718 = arith.index_cast %get3A_717 : i32 to index
    %get3A_719 = arith.constant 0 : index
    %get3A_720 = tpu.vector_load %arg12[%get3A_718, %get3A_719] {strides = array<i32>} : memref<128x32xi32, #tpu.memory_space<vmem>>, vector<1x16xi32>,
    %get3A_721 = vector.shape_cast %get3A_720 : vector<1x16xi32> to vector<16xi32>
    %swap3A_722 = arith.constant 7 : i32
    %swap3A_723 = arith.index_cast %swap3A_722 : i32 to index
    %swap3A_724 = arith.constant 96 : index
    %swap3A_725 = tpu.vector_load %arg13[%swap3A_723, %swap3A_724] {strides = array<i32>} : memref<32x128xi32, #tpu.memory_space<vmem>>, vector<1x16xi32>,
    %swap3A_726 = vector.shape_cast %swap3A_725 : vector<1x16xi32> to vector<16xi32>
    %swap3A_727 = vector.shape_cast %get3A_721 : vector<16xi32> to vector<1x16xi32>
    tpu.vector_store %arg13[%swap3A_723, %swap3A_724], %swap3A_727 {strides = array<i32>} : memref<32x128xi32, #tpu.memory_space<vmem>>, vector<1x16xi32>,
    %get3A_728 = arith.constant 31 : i32
    %get3A_729 = arith.index_cast %get3A_728 : i32 to index
    %get3A_730 = arith.constant 16 : index
    %get3A_731 = tpu.vector_load %arg12[%get3A_729, %get3A_730] {strides = array<i32>} : memref<128x32xi32, #tpu.memory_space<vmem>>, vector<1x16xi32>,
    %get3A_732 = vector.shape_cast %get3A_731 : vector<1x16xi32> to vector<16xi32>
    %swap3A_733 = arith.constant 7 : i32
    %swap3A_734 = arith.index_cast %swap3A_733 : i32 to index
    %swap3A_735 = arith.constant 112 : index
    %swap3A_736 = tpu.vector_load %arg13[%swap3A_734, %swap3A_735] {strides = array<i32>} : memref<32x128xi32, #tpu.memory_space<vmem>>, vector<1x16xi32>,
    %swap3A_737 = vector.shape_cast %swap3A_736 : vector<1x16xi32> to vector<16xi32>
    %swap3A_738 = vector.shape_cast %get3A_732 : vector<16xi32> to vector<1x16xi32>
    tpu.vector_store %arg13[%swap3A_734, %swap3A_735], %swap3A_738 {strides = array<i32>} : memref<32x128xi32, #tpu.memory_space<vmem>>, vector<1x16xi32>,
    %get3A_739 = arith.constant 32 : i32
    %get3A_740 = arith.index_cast %get3A_739 : i32 to index
    %get3A_741 = arith.constant 0 : index
    %get3A_742 = tpu.vector_load %arg12[%get3A_740, %get3A_741] {strides = array<i32>} : memref<128x32xi32, #tpu.memory_space<vmem>>, vector<1x16xi32>,
    %get3A_743 = vector.shape_cast %get3A_742 : vector<1x16xi32> to vector<16xi32>
    %swap3A_744 = arith.constant 8 : i32
    %swap3A_745 = arith.index_cast %swap3A_744 : i32 to index
    %swap3A_746 = arith.constant 0 : index
    %swap3A_747 = tpu.vector_load %arg13[%swap3A_745, %swap3A_746] {strides = array<i32>} : memref<32x128xi32, #tpu.memory_space<vmem>>, vector<1x16xi32>,
    %swap3A_748 = vector.shape_cast %swap3A_747 : vector<1x16xi32> to vector<16xi32>
    %swap3A_749 = vector.shape_cast %get3A_743 : vector<16xi32> to vector<1x16xi32>
    tpu.vector_store %arg13[%swap3A_745, %swap3A_746], %swap3A_749 {strides = array<i32>} : memref<32x128xi32, #tpu.memory_space<vmem>>, vector<1x16xi32>,
    %get3A_750 = arith.constant 32 : i32
    %get3A_751 = arith.index_cast %get3A_750 : i32 to index
    %get3A_752 = arith.constant 16 : index
    %get3A_753 = tpu.vector_load %arg12[%get3A_751, %get3A_752] {strides = array<i32>} : memref<128x32xi32, #tpu.memory_space<vmem>>, vector<1x16xi32>,
    %get3A_754 = vector.shape_cast %get3A_753 : vector<1x16xi32> to vector<16xi32>
    %swap3A_755 = arith.constant 8 : i32
    %swap3A_756 = arith.index_cast %swap3A_755 : i32 to index
    %swap3A_757 = arith.constant 16 : index
    %swap3A_758 = tpu.vector_load %arg13[%swap3A_756, %swap3A_757] {strides = array<i32>} : memref<32x128xi32, #tpu.memory_space<vmem>>, vector<1x16xi32>,
    %swap3A_759 = vector.shape_cast %swap3A_758 : vector<1x16xi32> to vector<16xi32>
    %swap3A_760 = vector.shape_cast %get3A_754 : vector<16xi32> to vector<1x16xi32>
    tpu.vector_store %arg13[%swap3A_756, %swap3A_757], %swap3A_760 {strides = array<i32>} : memref<32x128xi32, #tpu.memory_space<vmem>>, vector<1x16xi32>,
    %get3A_761 = arith.constant 33 : i32
    %get3A_762 = arith.index_cast %get3A_761 : i32 to index
    %get3A_763 = arith.constant 0 : index
    %get3A_764 = tpu.vector_load %arg12[%get3A_762, %get3A_763] {strides = array<i32>} : memref<128x32xi32, #tpu.memory_space<vmem>>, vector<1x16xi32>,
    %get3A_765 = vector.shape_cast %get3A_764 : vector<1x16xi32> to vector<16xi32>
    %swap3A_766 = arith.constant 8 : i32
    %swap3A_767 = arith.index_cast %swap3A_766 : i32 to index
    %swap3A_768 = arith.constant 32 : index
    %swap3A_769 = tpu.vector_load %arg13[%swap3A_767, %swap3A_768] {strides = array<i32>} : memref<32x128xi32, #tpu.memory_space<vmem>>, vector<1x16xi32>,
    %swap3A_770 = vector.shape_cast %swap3A_769 : vector<1x16xi32> to vector<16xi32>
    %swap3A_771 = vector.shape_cast %get3A_765 : vector<16xi32> to vector<1x16xi32>
    tpu.vector_store %arg13[%swap3A_767, %swap3A_768], %swap3A_771 {strides = array<i32>} : memref<32x128xi32, #tpu.memory_space<vmem>>, vector<1x16xi32>,
    %get3A_772 = arith.constant 33 : i32
    %get3A_773 = arith.index_cast %get3A_772 : i32 to index
    %get3A_774 = arith.constant 16 : index
    %get3A_775 = tpu.vector_load %arg12[%get3A_773, %get3A_774] {strides = array<i32>} : memref<128x32xi32, #tpu.memory_space<vmem>>, vector<1x16xi32>,
    %get3A_776 = vector.shape_cast %get3A_775 : vector<1x16xi32> to vector<16xi32>
    %swap3A_777 = arith.constant 8 : i32
    %swap3A_778 = arith.index_cast %swap3A_777 : i32 to index
    %swap3A_779 = arith.constant 48 : index
    %swap3A_780 = tpu.vector_load %arg13[%swap3A_778, %swap3A_779] {strides = array<i32>} : memref<32x128xi32, #tpu.memory_space<vmem>>, vector<1x16xi32>,
    %swap3A_781 = vector.shape_cast %swap3A_780 : vector<1x16xi32> to vector<16xi32>
    %swap3A_782 = vector.shape_cast %get3A_776 : vector<16xi32> to vector<1x16xi32>
    tpu.vector_store %arg13[%swap3A_778, %swap3A_779], %swap3A_782 {strides = array<i32>} : memref<32x128xi32, #tpu.memory_space<vmem>>, vector<1x16xi32>,
    %get3A_783 = arith.constant 34 : i32
    %get3A_784 = arith.index_cast %get3A_783 : i32 to index
    %get3A_785 = arith.constant 0 : index
    %get3A_786 = tpu.vector_load %arg12[%get3A_784, %get3A_785] {strides = array<i32>} : memref<128x32xi32, #tpu.memory_space<vmem>>, vector<1x16xi32>,
    %get3A_787 = vector.shape_cast %get3A_786 : vector<1x16xi32> to vector<16xi32>
    %swap3A_788 = arith.constant 8 : i32
    %swap3A_789 = arith.index_cast %swap3A_788 : i32 to index
    %swap3A_790 = arith.constant 64 : index
    %swap3A_791 = tpu.vector_load %arg13[%swap3A_789, %swap3A_790] {strides = array<i32>} : memref<32x128xi32, #tpu.memory_space<vmem>>, vector<1x16xi32>,
    %swap3A_792 = vector.shape_cast %swap3A_791 : vector<1x16xi32> to vector<16xi32>
    %swap3A_793 = vector.shape_cast %get3A_787 : vector<16xi32> to vector<1x16xi32>
    tpu.vector_store %arg13[%swap3A_789, %swap3A_790], %swap3A_793 {strides = array<i32>} : memref<32x128xi32, #tpu.memory_space<vmem>>, vector<1x16xi32>,
    %get3A_794 = arith.constant 34 : i32
    %get3A_795 = arith.index_cast %get3A_794 : i32 to index
    %get3A_796 = arith.constant 16 : index
    %get3A_797 = tpu.vector_load %arg12[%get3A_795, %get3A_796] {strides = array<i32>} : memref<128x32xi32, #tpu.memory_space<vmem>>, vector<1x16xi32>,
    %get3A_798 = vector.shape_cast %get3A_797 : vector<1x16xi32> to vector<16xi32>
    %swap3A_799 = arith.constant 8 : i32
    %swap3A_800 = arith.index_cast %swap3A_799 : i32 to index
    %swap3A_801 = arith.constant 80 : index
    %swap3A_802 = tpu.vector_load %arg13[%swap3A_800, %swap3A_801] {strides = array<i32>} : memref<32x128xi32, #tpu.memory_space<vmem>>, vector<1x16xi32>,
    %swap3A_803 = vector.shape_cast %swap3A_802 : vector<1x16xi32> to vector<16xi32>
    %swap3A_804 = vector.shape_cast %get3A_798 : vector<16xi32> to vector<1x16xi32>
    tpu.vector_store %arg13[%swap3A_800, %swap3A_801], %swap3A_804 {strides = array<i32>} : memref<32x128xi32, #tpu.memory_space<vmem>>, vector<1x16xi32>,
    %get3A_805 = arith.constant 35 : i32
    %get3A_806 = arith.index_cast %get3A_805 : i32 to index
    %get3A_807 = arith.constant 0 : index
    %get3A_808 = tpu.vector_load %arg12[%get3A_806, %get3A_807] {strides = array<i32>} : memref<128x32xi32, #tpu.memory_space<vmem>>, vector<1x16xi32>,
    %get3A_809 = vector.shape_cast %get3A_808 : vector<1x16xi32> to vector<16xi32>
    %swap3A_810 = arith.constant 8 : i32
    %swap3A_811 = arith.index_cast %swap3A_810 : i32 to index
    %swap3A_812 = arith.constant 96 : index
    %swap3A_813 = tpu.vector_load %arg13[%swap3A_811, %swap3A_812] {strides = array<i32>} : memref<32x128xi32, #tpu.memory_space<vmem>>, vector<1x16xi32>,
    %swap3A_814 = vector.shape_cast %swap3A_813 : vector<1x16xi32> to vector<16xi32>
    %swap3A_815 = vector.shape_cast %get3A_809 : vector<16xi32> to vector<1x16xi32>
    tpu.vector_store %arg13[%swap3A_811, %swap3A_812], %swap3A_815 {strides = array<i32>} : memref<32x128xi32, #tpu.memory_space<vmem>>, vector<1x16xi32>,
    %get3A_816 = arith.constant 35 : i32
    %get3A_817 = arith.index_cast %get3A_816 : i32 to index
    %get3A_818 = arith.constant 16 : index
    %get3A_819 = tpu.vector_load %arg12[%get3A_817, %get3A_818] {strides = array<i32>} : memref<128x32xi32, #tpu.memory_space<vmem>>, vector<1x16xi32>,
    %get3A_820 = vector.shape_cast %get3A_819 : vector<1x16xi32> to vector<16xi32>
    %swap3A_821 = arith.constant 8 : i32
    %swap3A_822 = arith.index_cast %swap3A_821 : i32 to index
    %swap3A_823 = arith.constant 112 : index
    %swap3A_824 = tpu.vector_load %arg13[%swap3A_822, %swap3A_823] {strides = array<i32>} : memref<32x128xi32, #tpu.memory_space<vmem>>, vector<1x16xi32>,
    %swap3A_825 = vector.shape_cast %swap3A_824 : vector<1x16xi32> to vector<16xi32>
    %swap3A_826 = vector.shape_cast %get3A_820 : vector<16xi32> to vector<1x16xi32>
    tpu.vector_store %arg13[%swap3A_822, %swap3A_823], %swap3A_826 {strides = array<i32>} : memref<32x128xi32, #tpu.memory_space<vmem>>, vector<1x16xi32>,
    %get3A_827 = arith.constant 36 : i32
    %get3A_828 = arith.index_cast %get3A_827 : i32 to index
    %get3A_829 = arith.constant 0 : index
    %get3A_830 = tpu.vector_load %arg12[%get3A_828, %get3A_829] {strides = array<i32>} : memref<128x32xi32, #tpu.memory_space<vmem>>, vector<1x16xi32>,
    %get3A_831 = vector.shape_cast %get3A_830 : vector<1x16xi32> to vector<16xi32>
    %swap3A_832 = arith.constant 9 : i32
    %swap3A_833 = arith.index_cast %swap3A_832 : i32 to index
    %swap3A_834 = arith.constant 0 : index
    %swap3A_835 = tpu.vector_load %arg13[%swap3A_833, %swap3A_834] {strides = array<i32>} : memref<32x128xi32, #tpu.memory_space<vmem>>, vector<1x16xi32>,
    %swap3A_836 = vector.shape_cast %swap3A_835 : vector<1x16xi32> to vector<16xi32>
    %swap3A_837 = vector.shape_cast %get3A_831 : vector<16xi32> to vector<1x16xi32>
    tpu.vector_store %arg13[%swap3A_833, %swap3A_834], %swap3A_837 {strides = array<i32>} : memref<32x128xi32, #tpu.memory_space<vmem>>, vector<1x16xi32>,
    %get3A_838 = arith.constant 36 : i32
    %get3A_839 = arith.index_cast %get3A_838 : i32 to index
    %get3A_840 = arith.constant 16 : index
    %get3A_841 = tpu.vector_load %arg12[%get3A_839, %get3A_840] {strides = array<i32>} : memref<128x32xi32, #tpu.memory_space<vmem>>, vector<1x16xi32>,
    %get3A_842 = vector.shape_cast %get3A_841 : vector<1x16xi32> to vector<16xi32>
    %swap3A_843 = arith.constant 9 : i32
    %swap3A_844 = arith.index_cast %swap3A_843 : i32 to index
    %swap3A_845 = arith.constant 16 : index
    %swap3A_846 = tpu.vector_load %arg13[%swap3A_844, %swap3A_845] {strides = array<i32>} : memref<32x128xi32, #tpu.memory_space<vmem>>, vector<1x16xi32>,
    %swap3A_847 = vector.shape_cast %swap3A_846 : vector<1x16xi32> to vector<16xi32>
    %swap3A_848 = vector.shape_cast %get3A_842 : vector<16xi32> to vector<1x16xi32>
    tpu.vector_store %arg13[%swap3A_844, %swap3A_845], %swap3A_848 {strides = array<i32>} : memref<32x128xi32, #tpu.memory_space<vmem>>, vector<1x16xi32>,
    %get3A_849 = arith.constant 37 : i32
    %get3A_850 = arith.index_cast %get3A_849 : i32 to index
    %get3A_851 = arith.constant 0 : index
    %get3A_852 = tpu.vector_load %arg12[%get3A_850, %get3A_851] {strides = array<i32>} : memref<128x32xi32, #tpu.memory_space<vmem>>, vector<1x16xi32>,
    %get3A_853 = vector.shape_cast %get3A_852 : vector<1x16xi32> to vector<16xi32>
    %swap3A_854 = arith.constant 9 : i32
    %swap3A_855 = arith.index_cast %swap3A_854 : i32 to index
    %swap3A_856 = arith.constant 32 : index
    %swap3A_857 = tpu.vector_load %arg13[%swap3A_855, %swap3A_856] {strides = array<i32>} : memref<32x128xi32, #tpu.memory_space<vmem>>, vector<1x16xi32>,
    %swap3A_858 = vector.shape_cast %swap3A_857 : vector<1x16xi32> to vector<16xi32>
    %swap3A_859 = vector.shape_cast %get3A_853 : vector<16xi32> to vector<1x16xi32>
    tpu.vector_store %arg13[%swap3A_855, %swap3A_856], %swap3A_859 {strides = array<i32>} : memref<32x128xi32, #tpu.memory_space<vmem>>, vector<1x16xi32>,
    %get3A_860 = arith.constant 37 : i32
    %get3A_861 = arith.index_cast %get3A_860 : i32 to index
    %get3A_862 = arith.constant 16 : index
    %get3A_863 = tpu.vector_load %arg12[%get3A_861, %get3A_862] {strides = array<i32>} : memref<128x32xi32, #tpu.memory_space<vmem>>, vector<1x16xi32>,
    %get3A_864 = vector.shape_cast %get3A_863 : vector<1x16xi32> to vector<16xi32>
    %swap3A_865 = arith.constant 9 : i32
    %swap3A_866 = arith.index_cast %swap3A_865 : i32 to index
    %swap3A_867 = arith.constant 48 : index
    %swap3A_868 = tpu.vector_load %arg13[%swap3A_866, %swap3A_867] {strides = array<i32>} : memref<32x128xi32, #tpu.memory_space<vmem>>, vector<1x16xi32>,
    %swap3A_869 = vector.shape_cast %swap3A_868 : vector<1x16xi32> to vector<16xi32>
    %swap3A_870 = vector.shape_cast %get3A_864 : vector<16xi32> to vector<1x16xi32>
    tpu.vector_store %arg13[%swap3A_866, %swap3A_867], %swap3A_870 {strides = array<i32>} : memref<32x128xi32, #tpu.memory_space<vmem>>, vector<1x16xi32>,
    %get3A_871 = arith.constant 38 : i32
    %get3A_872 = arith.index_cast %get3A_871 : i32 to index
    %get3A_873 = arith.constant 0 : index
    %get3A_874 = tpu.vector_load %arg12[%get3A_872, %get3A_873] {strides = array<i32>} : memref<128x32xi32, #tpu.memory_space<vmem>>, vector<1x16xi32>,
    %get3A_875 = vector.shape_cast %get3A_874 : vector<1x16xi32> to vector<16xi32>
    %swap3A_876 = arith.constant 9 : i32
    %swap3A_877 = arith.index_cast %swap3A_876 : i32 to index
    %swap3A_878 = arith.constant 64 : index
    %swap3A_879 = tpu.vector_load %arg13[%swap3A_877, %swap3A_878] {strides = array<i32>} : memref<32x128xi32, #tpu.memory_space<vmem>>, vector<1x16xi32>,
    %swap3A_880 = vector.shape_cast %swap3A_879 : vector<1x16xi32> to vector<16xi32>
    %swap3A_881 = vector.shape_cast %get3A_875 : vector<16xi32> to vector<1x16xi32>
    tpu.vector_store %arg13[%swap3A_877, %swap3A_878], %swap3A_881 {strides = array<i32>} : memref<32x128xi32, #tpu.memory_space<vmem>>, vector<1x16xi32>,
    %get3A_882 = arith.constant 38 : i32
    %get3A_883 = arith.index_cast %get3A_882 : i32 to index
    %get3A_884 = arith.constant 16 : index
    %get3A_885 = tpu.vector_load %arg12[%get3A_883, %get3A_884] {strides = array<i32>} : memref<128x32xi32, #tpu.memory_space<vmem>>, vector<1x16xi32>,
    %get3A_886 = vector.shape_cast %get3A_885 : vector<1x16xi32> to vector<16xi32>
    %swap3A_887 = arith.constant 9 : i32
    %swap3A_888 = arith.index_cast %swap3A_887 : i32 to index
    %swap3A_889 = arith.constant 80 : index
    %swap3A_890 = tpu.vector_load %arg13[%swap3A_888, %swap3A_889] {strides = array<i32>} : memref<32x128xi32, #tpu.memory_space<vmem>>, vector<1x16xi32>,
    %swap3A_891 = vector.shape_cast %swap3A_890 : vector<1x16xi32> to vector<16xi32>
    %swap3A_892 = vector.shape_cast %get3A_886 : vector<16xi32> to vector<1x16xi32>
    tpu.vector_store %arg13[%swap3A_888, %swap3A_889], %swap3A_892 {strides = array<i32>} : memref<32x128xi32, #tpu.memory_space<vmem>>, vector<1x16xi32>,
    %get3A_893 = arith.constant 39 : i32
    %get3A_894 = arith.index_cast %get3A_893 : i32 to index
    %get3A_895 = arith.constant 0 : index
    %get3A_896 = tpu.vector_load %arg12[%get3A_894, %get3A_895] {strides = array<i32>} : memref<128x32xi32, #tpu.memory_space<vmem>>, vector<1x16xi32>,
    %get3A_897 = vector.shape_cast %get3A_896 : vector<1x16xi32> to vector<16xi32>
    %swap3A_898 = arith.constant 9 : i32
    %swap3A_899 = arith.index_cast %swap3A_898 : i32 to index
    %swap3A_900 = arith.constant 96 : index
    %swap3A_901 = tpu.vector_load %arg13[%swap3A_899, %swap3A_900] {strides = array<i32>} : memref<32x128xi32, #tpu.memory_space<vmem>>, vector<1x16xi32>,
    %swap3A_902 = vector.shape_cast %swap3A_901 : vector<1x16xi32> to vector<16xi32>
    %swap3A_903 = vector.shape_cast %get3A_897 : vector<16xi32> to vector<1x16xi32>
    tpu.vector_store %arg13[%swap3A_899, %swap3A_900], %swap3A_903 {strides = array<i32>} : memref<32x128xi32, #tpu.memory_space<vmem>>, vector<1x16xi32>,
    %get3A_904 = arith.constant 39 : i32
    %get3A_905 = arith.index_cast %get3A_904 : i32 to index
    %get3A_906 = arith.constant 16 : index
    %get3A_907 = tpu.vector_load %arg12[%get3A_905, %get3A_906] {strides = array<i32>} : memref<128x32xi32, #tpu.memory_space<vmem>>, vector<1x16xi32>,
    %get3A_908 = vector.shape_cast %get3A_907 : vector<1x16xi32> to vector<16xi32>
    %swap3A_909 = arith.constant 9 : i32
    %swap3A_910 = arith.index_cast %swap3A_909 : i32 to index
    %swap3A_911 = arith.constant 112 : index
    %swap3A_912 = tpu.vector_load %arg13[%swap3A_910, %swap3A_911] {strides = array<i32>} : memref<32x128xi32, #tpu.memory_space<vmem>>, vector<1x16xi32>,
    %swap3A_913 = vector.shape_cast %swap3A_912 : vector<1x16xi32> to vector<16xi32>
    %swap3A_914 = vector.shape_cast %get3A_908 : vector<16xi32> to vector<1x16xi32>
    tpu.vector_store %arg13[%swap3A_910, %swap3A_911], %swap3A_914 {strides = array<i32>} : memref<32x128xi32, #tpu.memory_space<vmem>>, vector<1x16xi32>,
    %get3A_915 = arith.constant 40 : i32
    %get3A_916 = arith.index_cast %get3A_915 : i32 to index
    %get3A_917 = arith.constant 0 : index
    %get3A_918 = tpu.vector_load %arg12[%get3A_916, %get3A_917] {strides = array<i32>} : memref<128x32xi32, #tpu.memory_space<vmem>>, vector<1x16xi32>,
    %get3A_919 = vector.shape_cast %get3A_918 : vector<1x16xi32> to vector<16xi32>
    %swap3A_920 = arith.constant 10 : i32
    %swap3A_921 = arith.index_cast %swap3A_920 : i32 to index
    %swap3A_922 = arith.constant 0 : index
    %swap3A_923 = tpu.vector_load %arg13[%swap3A_921, %swap3A_922] {strides = array<i32>} : memref<32x128xi32, #tpu.memory_space<vmem>>, vector<1x16xi32>,
    %swap3A_924 = vector.shape_cast %swap3A_923 : vector<1x16xi32> to vector<16xi32>
    %swap3A_925 = vector.shape_cast %get3A_919 : vector<16xi32> to vector<1x16xi32>
    tpu.vector_store %arg13[%swap3A_921, %swap3A_922], %swap3A_925 {strides = array<i32>} : memref<32x128xi32, #tpu.memory_space<vmem>>, vector<1x16xi32>,
    %get3A_926 = arith.constant 40 : i32
    %get3A_927 = arith.index_cast %get3A_926 : i32 to index
    %get3A_928 = arith.constant 16 : index
    %get3A_929 = tpu.vector_load %arg12[%get3A_927, %get3A_928] {strides = array<i32>} : memref<128x32xi32, #tpu.memory_space<vmem>>, vector<1x16xi32>,
    %get3A_930 = vector.shape_cast %get3A_929 : vector<1x16xi32> to vector<16xi32>
    %swap3A_931 = arith.constant 10 : i32
    %swap3A_932 = arith.index_cast %swap3A_931 : i32 to index
    %swap3A_933 = arith.constant 16 : index
    %swap3A_934 = tpu.vector_load %arg13[%swap3A_932, %swap3A_933] {strides = array<i32>} : memref<32x128xi32, #tpu.memory_space<vmem>>, vector<1x16xi32>,
    %swap3A_935 = vector.shape_cast %swap3A_934 : vector<1x16xi32> to vector<16xi32>
    %swap3A_936 = vector.shape_cast %get3A_930 : vector<16xi32> to vector<1x16xi32>
    tpu.vector_store %arg13[%swap3A_932, %swap3A_933], %swap3A_936 {strides = array<i32>} : memref<32x128xi32, #tpu.memory_space<vmem>>, vector<1x16xi32>,
    %get3A_937 = arith.constant 41 : i32
    %get3A_938 = arith.index_cast %get3A_937 : i32 to index
    %get3A_939 = arith.constant 0 : index
    %get3A_940 = tpu.vector_load %arg12[%get3A_938, %get3A_939] {strides = array<i32>} : memref<128x32xi32, #tpu.memory_space<vmem>>, vector<1x16xi32>,
    %get3A_941 = vector.shape_cast %get3A_940 : vector<1x16xi32> to vector<16xi32>
    %swap3A_942 = arith.constant 10 : i32
    %swap3A_943 = arith.index_cast %swap3A_942 : i32 to index
    %swap3A_944 = arith.constant 32 : index
    %swap3A_945 = tpu.vector_load %arg13[%swap3A_943, %swap3A_944] {strides = array<i32>} : memref<32x128xi32, #tpu.memory_space<vmem>>, vector<1x16xi32>,
    %swap3A_946 = vector.shape_cast %swap3A_945 : vector<1x16xi32> to vector<16xi32>
    %swap3A_947 = vector.shape_cast %get3A_941 : vector<16xi32> to vector<1x16xi32>
    tpu.vector_store %arg13[%swap3A_943, %swap3A_944], %swap3A_947 {strides = array<i32>} : memref<32x128xi32, #tpu.memory_space<vmem>>, vector<1x16xi32>,
    %get3A_948 = arith.constant 41 : i32
    %get3A_949 = arith.index_cast %get3A_948 : i32 to index
    %get3A_950 = arith.constant 16 : index
    %get3A_951 = tpu.vector_load %arg12[%get3A_949, %get3A_950] {strides = array<i32>} : memref<128x32xi32, #tpu.memory_space<vmem>>, vector<1x16xi32>,
    %get3A_952 = vector.shape_cast %get3A_951 : vector<1x16xi32> to vector<16xi32>
    %swap3A_953 = arith.constant 10 : i32
    %swap3A_954 = arith.index_cast %swap3A_953 : i32 to index
    %swap3A_955 = arith.constant 48 : index
    %swap3A_956 = tpu.vector_load %arg13[%swap3A_954, %swap3A_955] {strides = array<i32>} : memref<32x128xi32, #tpu.memory_space<vmem>>, vector<1x16xi32>,
    %swap3A_957 = vector.shape_cast %swap3A_956 : vector<1x16xi32> to vector<16xi32>
    %swap3A_958 = vector.shape_cast %get3A_952 : vector<16xi32> to vector<1x16xi32>
    tpu.vector_store %arg13[%swap3A_954, %swap3A_955], %swap3A_958 {strides = array<i32>} : memref<32x128xi32, #tpu.memory_space<vmem>>, vector<1x16xi32>,
    %get3A_959 = arith.constant 42 : i32
    %get3A_960 = arith.index_cast %get3A_959 : i32 to index
    %get3A_961 = arith.constant 0 : index
    %get3A_962 = tpu.vector_load %arg12[%get3A_960, %get3A_961] {strides = array<i32>} : memref<128x32xi32, #tpu.memory_space<vmem>>, vector<1x16xi32>,
    %get3A_963 = vector.shape_cast %get3A_962 : vector<1x16xi32> to vector<16xi32>
    %swap3A_964 = arith.constant 10 : i32
    %swap3A_965 = arith.index_cast %swap3A_964 : i32 to index
    %swap3A_966 = arith.constant 64 : index
    %swap3A_967 = tpu.vector_load %arg13[%swap3A_965, %swap3A_966] {strides = array<i32>} : memref<32x128xi32, #tpu.memory_space<vmem>>, vector<1x16xi32>,
    %swap3A_968 = vector.shape_cast %swap3A_967 : vector<1x16xi32> to vector<16xi32>
    %swap3A_969 = vector.shape_cast %get3A_963 : vector<16xi32> to vector<1x16xi32>
    tpu.vector_store %arg13[%swap3A_965, %swap3A_966], %swap3A_969 {strides = array<i32>} : memref<32x128xi32, #tpu.memory_space<vmem>>, vector<1x16xi32>,
    %get3A_970 = arith.constant 42 : i32
    %get3A_971 = arith.index_cast %get3A_970 : i32 to index
    %get3A_972 = arith.constant 16 : index
    %get3A_973 = tpu.vector_load %arg12[%get3A_971, %get3A_972] {strides = array<i32>} : memref<128x32xi32, #tpu.memory_space<vmem>>, vector<1x16xi32>,
    %get3A_974 = vector.shape_cast %get3A_973 : vector<1x16xi32> to vector<16xi32>
    %swap3A_975 = arith.constant 10 : i32
    %swap3A_976 = arith.index_cast %swap3A_975 : i32 to index
    %swap3A_977 = arith.constant 80 : index
    %swap3A_978 = tpu.vector_load %arg13[%swap3A_976, %swap3A_977] {strides = array<i32>} : memref<32x128xi32, #tpu.memory_space<vmem>>, vector<1x16xi32>,
    %swap3A_979 = vector.shape_cast %swap3A_978 : vector<1x16xi32> to vector<16xi32>
    %swap3A_980 = vector.shape_cast %get3A_974 : vector<16xi32> to vector<1x16xi32>
    tpu.vector_store %arg13[%swap3A_976, %swap3A_977], %swap3A_980 {strides = array<i32>} : memref<32x128xi32, #tpu.memory_space<vmem>>, vector<1x16xi32>,
    %get3A_981 = arith.constant 43 : i32
    %get3A_982 = arith.index_cast %get3A_981 : i32 to index
    %get3A_983 = arith.constant 0 : index
    %get3A_984 = tpu.vector_load %arg12[%get3A_982, %get3A_983] {strides = array<i32>} : memref<128x32xi32, #tpu.memory_space<vmem>>, vector<1x16xi32>,
    %get3A_985 = vector.shape_cast %get3A_984 : vector<1x16xi32> to vector<16xi32>
    %swap3A_986 = arith.constant 10 : i32
    %swap3A_987 = arith.index_cast %swap3A_986 : i32 to index
    %swap3A_988 = arith.constant 96 : index
    %swap3A_989 = tpu.vector_load %arg13[%swap3A_987, %swap3A_988] {strides = array<i32>} : memref<32x128xi32, #tpu.memory_space<vmem>>, vector<1x16xi32>,
    %swap3A_990 = vector.shape_cast %swap3A_989 : vector<1x16xi32> to vector<16xi32>
    %swap3A_991 = vector.shape_cast %get3A_985 : vector<16xi32> to vector<1x16xi32>
    tpu.vector_store %arg13[%swap3A_987, %swap3A_988], %swap3A_991 {strides = array<i32>} : memref<32x128xi32, #tpu.memory_space<vmem>>, vector<1x16xi32>,
    %get3A_992 = arith.constant 43 : i32
    %get3A_993 = arith.index_cast %get3A_992 : i32 to index
    %get3A_994 = arith.constant 16 : index
    %get3A_995 = tpu.vector_load %arg12[%get3A_993, %get3A_994] {strides = array<i32>} : memref<128x32xi32, #tpu.memory_space<vmem>>, vector<1x16xi32>,
    %get3A_996 = vector.shape_cast %get3A_995 : vector<1x16xi32> to vector<16xi32>
    %swap3A_997 = arith.constant 10 : i32
    %swap3A_998 = arith.index_cast %swap3A_997 : i32 to index
    %swap3A_999 = arith.constant 112 : index
    %swap3A_1000 = tpu.vector_load %arg13[%swap3A_998, %swap3A_999] {strides = array<i32>} : memref<32x128xi32, #tpu.memory_space<vmem>>, vector<1x16xi32>,
    %swap3A_1001 = vector.shape_cast %swap3A_1000 : vector<1x16xi32> to vector<16xi32>
    %swap3A_1002 = vector.shape_cast %get3A_996 : vector<16xi32> to vector<1x16xi32>
    tpu.vector_store %arg13[%swap3A_998, %swap3A_999], %swap3A_1002 {strides = array<i32>} : memref<32x128xi32, #tpu.memory_space<vmem>>, vector<1x16xi32>,
    %get3A_1003 = arith.constant 44 : i32
    %get3A_1004 = arith.index_cast %get3A_1003 : i32 to index
    %get3A_1005 = arith.constant 0 : index
    %get3A_1006 = tpu.vector_load %arg12[%get3A_1004, %get3A_1005] {strides = array<i32>} : memref<128x32xi32, #tpu.memory_space<vmem>>, vector<1x16xi32>,
    %get3A_1007 = vector.shape_cast %get3A_1006 : vector<1x16xi32> to vector<16xi32>
    %swap3A_1008 = arith.constant 11 : i32
    %swap3A_1009 = arith.index_cast %swap3A_1008 : i32 to index
    %swap3A_1010 = arith.constant 0 : index
    %swap3A_1011 = tpu.vector_load %arg13[%swap3A_1009, %swap3A_1010] {strides = array<i32>} : memref<32x128xi32, #tpu.memory_space<vmem>>, vector<1x16xi32>,
    %swap3A_1012 = vector.shape_cast %swap3A_1011 : vector<1x16xi32> to vector<16xi32>
    %swap3A_1013 = vector.shape_cast %get3A_1007 : vector<16xi32> to vector<1x16xi32>
    tpu.vector_store %arg13[%swap3A_1009, %swap3A_1010], %swap3A_1013 {strides = array<i32>} : memref<32x128xi32, #tpu.memory_space<vmem>>, vector<1x16xi32>,
    %get3A_1014 = arith.constant 44 : i32
    %get3A_1015 = arith.index_cast %get3A_1014 : i32 to index
    %get3A_1016 = arith.constant 16 : index
    %get3A_1017 = tpu.vector_load %arg12[%get3A_1015, %get3A_1016] {strides = array<i32>} : memref<128x32xi32, #tpu.memory_space<vmem>>, vector<1x16xi32>,
    %get3A_1018 = vector.shape_cast %get3A_1017 : vector<1x16xi32> to vector<16xi32>
    %swap3A_1019 = arith.constant 11 : i32
    %swap3A_1020 = arith.index_cast %swap3A_1019 : i32 to index
    %swap3A_1021 = arith.constant 16 : index
    %swap3A_1022 = tpu.vector_load %arg13[%swap3A_1020, %swap3A_1021] {strides = array<i32>} : memref<32x128xi32, #tpu.memory_space<vmem>>, vector<1x16xi32>,
    %swap3A_1023 = vector.shape_cast %swap3A_1022 : vector<1x16xi32> to vector<16xi32>
    %swap3A_1024 = vector.shape_cast %get3A_1018 : vector<16xi32> to vector<1x16xi32>
    tpu.vector_store %arg13[%swap3A_1020, %swap3A_1021], %swap3A_1024 {strides = array<i32>} : memref<32x128xi32, #tpu.memory_space<vmem>>, vector<1x16xi32>,
    %get3A_1025 = arith.constant 45 : i32
    %get3A_1026 = arith.index_cast %get3A_1025 : i32 to index
    %get3A_1027 = arith.constant 0 : index
    %get3A_1028 = tpu.vector_load %arg12[%get3A_1026, %get3A_1027] {strides = array<i32>} : memref<128x32xi32, #tpu.memory_space<vmem>>, vector<1x16xi32>,
    %get3A_1029 = vector.shape_cast %get3A_1028 : vector<1x16xi32> to vector<16xi32>
    %swap3A_1030 = arith.constant 11 : i32
    %swap3A_1031 = arith.index_cast %swap3A_1030 : i32 to index
    %swap3A_1032 = arith.constant 32 : index
    %swap3A_1033 = tpu.vector_load %arg13[%swap3A_1031, %swap3A_1032] {strides = array<i32>} : memref<32x128xi32, #tpu.memory_space<vmem>>, vector<1x16xi32>,
    %swap3A_1034 = vector.shape_cast %swap3A_1033 : vector<1x16xi32> to vector<16xi32>
    %swap3A_1035 = vector.shape_cast %get3A_1029 : vector<16xi32> to vector<1x16xi32>
    tpu.vector_store %arg13[%swap3A_1031, %swap3A_1032], %swap3A_1035 {strides = array<i32>} : memref<32x128xi32, #tpu.memory_space<vmem>>, vector<1x16xi32>,
    %get3A_1036 = arith.constant 45 : i32
    %get3A_1037 = arith.index_cast %get3A_1036 : i32 to index
    %get3A_1038 = arith.constant 16 : index
    %get3A_1039 = tpu.vector_load %arg12[%get3A_1037, %get3A_1038] {strides = array<i32>} : memref<128x32xi32, #tpu.memory_space<vmem>>, vector<1x16xi32>,
    %get3A_1040 = vector.shape_cast %get3A_1039 : vector<1x16xi32> to vector<16xi32>
    %swap3A_1041 = arith.constant 11 : i32
    %swap3A_1042 = arith.index_cast %swap3A_1041 : i32 to index
    %swap3A_1043 = arith.constant 48 : index
    %swap3A_1044 = tpu.vector_load %arg13[%swap3A_1042, %swap3A_1043] {strides = array<i32>} : memref<32x128xi32, #tpu.memory_space<vmem>>, vector<1x16xi32>,
    %swap3A_1045 = vector.shape_cast %swap3A_1044 : vector<1x16xi32> to vector<16xi32>
    %swap3A_1046 = vector.shape_cast %get3A_1040 : vector<16xi32> to vector<1x16xi32>
    tpu.vector_store %arg13[%swap3A_1042, %swap3A_1043], %swap3A_1046 {strides = array<i32>} : memref<32x128xi32, #tpu.memory_space<vmem>>, vector<1x16xi32>,
    %get3A_1047 = arith.constant 46 : i32
    %get3A_1048 = arith.index_cast %get3A_1047 : i32 to index
    %get3A_1049 = arith.constant 0 : index
    %get3A_1050 = tpu.vector_load %arg12[%get3A_1048, %get3A_1049] {strides = array<i32>} : memref<128x32xi32, #tpu.memory_space<vmem>>, vector<1x16xi32>,
    %get3A_1051 = vector.shape_cast %get3A_1050 : vector<1x16xi32> to vector<16xi32>
    %swap3A_1052 = arith.constant 11 : i32
    %swap3A_1053 = arith.index_cast %swap3A_1052 : i32 to index
    %swap3A_1054 = arith.constant 64 : index
    %swap3A_1055 = tpu.vector_load %arg13[%swap3A_1053, %swap3A_1054] {strides = array<i32>} : memref<32x128xi32, #tpu.memory_space<vmem>>, vector<1x16xi32>,
    %swap3A_1056 = vector.shape_cast %swap3A_1055 : vector<1x16xi32> to vector<16xi32>
    %swap3A_1057 = vector.shape_cast %get3A_1051 : vector<16xi32> to vector<1x16xi32>
    tpu.vector_store %arg13[%swap3A_1053, %swap3A_1054], %swap3A_1057 {strides = array<i32>} : memref<32x128xi32, #tpu.memory_space<vmem>>, vector<1x16xi32>,
    %get3A_1058 = arith.constant 46 : i32
    %get3A_1059 = arith.index_cast %get3A_1058 : i32 to index
    %get3A_1060 = arith.constant 16 : index
    %get3A_1061 = tpu.vector_load %arg12[%get3A_1059, %get3A_1060] {strides = array<i32>} : memref<128x32xi32, #tpu.memory_space<vmem>>, vector<1x16xi32>,
    %get3A_1062 = vector.shape_cast %get3A_1061 : vector<1x16xi32> to vector<16xi32>
    %swap3A_1063 = arith.constant 11 : i32
    %swap3A_1064 = arith.index_cast %swap3A_1063 : i32 to index
    %swap3A_1065 = arith.constant 80 : index
    %swap3A_1066 = tpu.vector_load %arg13[%swap3A_1064, %swap3A_1065] {strides = array<i32>} : memref<32x128xi32, #tpu.memory_space<vmem>>, vector<1x16xi32>,
    %swap3A_1067 = vector.shape_cast %swap3A_1066 : vector<1x16xi32> to vector<16xi32>
    %swap3A_1068 = vector.shape_cast %get3A_1062 : vector<16xi32> to vector<1x16xi32>
    tpu.vector_store %arg13[%swap3A_1064, %swap3A_1065], %swap3A_1068 {strides = array<i32>} : memref<32x128xi32, #tpu.memory_space<vmem>>, vector<1x16xi32>,
    %get3A_1069 = arith.constant 47 : i32
    %get3A_1070 = arith.index_cast %get3A_1069 : i32 to index
    %get3A_1071 = arith.constant 0 : index
    %get3A_1072 = tpu.vector_load %arg12[%get3A_1070, %get3A_1071] {strides = array<i32>} : memref<128x32xi32, #tpu.memory_space<vmem>>, vector<1x16xi32>,
    %get3A_1073 = vector.shape_cast %get3A_1072 : vector<1x16xi32> to vector<16xi32>
    %swap3A_1074 = arith.constant 11 : i32
    %swap3A_1075 = arith.index_cast %swap3A_1074 : i32 to index
    %swap3A_1076 = arith.constant 96 : index
    %swap3A_1077 = tpu.vector_load %arg13[%swap3A_1075, %swap3A_1076] {strides = array<i32>} : memref<32x128xi32, #tpu.memory_space<vmem>>, vector<1x16xi32>,
    %swap3A_1078 = vector.shape_cast %swap3A_1077 : vector<1x16xi32> to vector<16xi32>
    %swap3A_1079 = vector.shape_cast %get3A_1073 : vector<16xi32> to vector<1x16xi32>
    tpu.vector_store %arg13[%swap3A_1075, %swap3A_1076], %swap3A_1079 {strides = array<i32>} : memref<32x128xi32, #tpu.memory_space<vmem>>, vector<1x16xi32>,
    %get3A_1080 = arith.constant 47 : i32
    %get3A_1081 = arith.index_cast %get3A_1080 : i32 to index
    %get3A_1082 = arith.constant 16 : index
    %get3A_1083 = tpu.vector_load %arg12[%get3A_1081, %get3A_1082] {strides = array<i32>} : memref<128x32xi32, #tpu.memory_space<vmem>>, vector<1x16xi32>,
    %get3A_1084 = vector.shape_cast %get3A_1083 : vector<1x16xi32> to vector<16xi32>
    %swap3A_1085 = arith.constant 11 : i32
    %swap3A_1086 = arith.index_cast %swap3A_1085 : i32 to index
    %swap3A_1087 = arith.constant 112 : index
    %swap3A_1088 = tpu.vector_load %arg13[%swap3A_1086, %swap3A_1087] {strides = array<i32>} : memref<32x128xi32, #tpu.memory_space<vmem>>, vector<1x16xi32>,
    %swap3A_1089 = vector.shape_cast %swap3A_1088 : vector<1x16xi32> to vector<16xi32>
    %swap3A_1090 = vector.shape_cast %get3A_1084 : vector<16xi32> to vector<1x16xi32>
    tpu.vector_store %arg13[%swap3A_1086, %swap3A_1087], %swap3A_1090 {strides = array<i32>} : memref<32x128xi32, #tpu.memory_space<vmem>>, vector<1x16xi32>,
    %get3A_1091 = arith.constant 48 : i32
    %get3A_1092 = arith.index_cast %get3A_1091 : i32 to index
    %get3A_1093 = arith.constant 0 : index
    %get3A_1094 = tpu.vector_load %arg12[%get3A_1092, %get3A_1093] {strides = array<i32>} : memref<128x32xi32, #tpu.memory_space<vmem>>, vector<1x16xi32>,
    %get3A_1095 = vector.shape_cast %get3A_1094 : vector<1x16xi32> to vector<16xi32>
    %swap3A_1096 = arith.constant 12 : i32
    %swap3A_1097 = arith.index_cast %swap3A_1096 : i32 to index
    %swap3A_1098 = arith.constant 0 : index
    %swap3A_1099 = tpu.vector_load %arg13[%swap3A_1097, %swap3A_1098] {strides = array<i32>} : memref<32x128xi32, #tpu.memory_space<vmem>>, vector<1x16xi32>,
    %swap3A_1100 = vector.shape_cast %swap3A_1099 : vector<1x16xi32> to vector<16xi32>
    %swap3A_1101 = vector.shape_cast %get3A_1095 : vector<16xi32> to vector<1x16xi32>
    tpu.vector_store %arg13[%swap3A_1097, %swap3A_1098], %swap3A_1101 {strides = array<i32>} : memref<32x128xi32, #tpu.memory_space<vmem>>, vector<1x16xi32>,
    %get3A_1102 = arith.constant 48 : i32
    %get3A_1103 = arith.index_cast %get3A_1102 : i32 to index
    %get3A_1104 = arith.constant 16 : index
    %get3A_1105 = tpu.vector_load %arg12[%get3A_1103, %get3A_1104] {strides = array<i32>} : memref<128x32xi32, #tpu.memory_space<vmem>>, vector<1x16xi32>,
    %get3A_1106 = vector.shape_cast %get3A_1105 : vector<1x16xi32> to vector<16xi32>
    %swap3A_1107 = arith.constant 12 : i32
    %swap3A_1108 = arith.index_cast %swap3A_1107 : i32 to index
    %swap3A_1109 = arith.constant 16 : index
    %swap3A_1110 = tpu.vector_load %arg13[%swap3A_1108, %swap3A_1109] {strides = array<i32>} : memref<32x128xi32, #tpu.memory_space<vmem>>, vector<1x16xi32>,
    %swap3A_1111 = vector.shape_cast %swap3A_1110 : vector<1x16xi32> to vector<16xi32>
    %swap3A_1112 = vector.shape_cast %get3A_1106 : vector<16xi32> to vector<1x16xi32>
    tpu.vector_store %arg13[%swap3A_1108, %swap3A_1109], %swap3A_1112 {strides = array<i32>} : memref<32x128xi32, #tpu.memory_space<vmem>>, vector<1x16xi32>,
    %get3A_1113 = arith.constant 49 : i32
    %get3A_1114 = arith.index_cast %get3A_1113 : i32 to index
    %get3A_1115 = arith.constant 0 : index
    %get3A_1116 = tpu.vector_load %arg12[%get3A_1114, %get3A_1115] {strides = array<i32>} : memref<128x32xi32, #tpu.memory_space<vmem>>, vector<1x16xi32>,
    %get3A_1117 = vector.shape_cast %get3A_1116 : vector<1x16xi32> to vector<16xi32>
    %swap3A_1118 = arith.constant 12 : i32
    %swap3A_1119 = arith.index_cast %swap3A_1118 : i32 to index
    %swap3A_1120 = arith.constant 32 : index
    %swap3A_1121 = tpu.vector_load %arg13[%swap3A_1119, %swap3A_1120] {strides = array<i32>} : memref<32x128xi32, #tpu.memory_space<vmem>>, vector<1x16xi32>,
    %swap3A_1122 = vector.shape_cast %swap3A_1121 : vector<1x16xi32> to vector<16xi32>
    %swap3A_1123 = vector.shape_cast %get3A_1117 : vector<16xi32> to vector<1x16xi32>
    tpu.vector_store %arg13[%swap3A_1119, %swap3A_1120], %swap3A_1123 {strides = array<i32>} : memref<32x128xi32, #tpu.memory_space<vmem>>, vector<1x16xi32>,
    %get3A_1124 = arith.constant 49 : i32
    %get3A_1125 = arith.index_cast %get3A_1124 : i32 to index
    %get3A_1126 = arith.constant 16 : index
    %get3A_1127 = tpu.vector_load %arg12[%get3A_1125, %get3A_1126] {strides = array<i32>} : memref<128x32xi32, #tpu.memory_space<vmem>>, vector<1x16xi32>,
    %get3A_1128 = vector.shape_cast %get3A_1127 : vector<1x16xi32> to vector<16xi32>
    %swap3A_1129 = arith.constant 12 : i32
    %swap3A_1130 = arith.index_cast %swap3A_1129 : i32 to index
    %swap3A_1131 = arith.constant 48 : index
    %swap3A_1132 = tpu.vector_load %arg13[%swap3A_1130, %swap3A_1131] {strides = array<i32>} : memref<32x128xi32, #tpu.memory_space<vmem>>, vector<1x16xi32>,
    %swap3A_1133 = vector.shape_cast %swap3A_1132 : vector<1x16xi32> to vector<16xi32>
    %swap3A_1134 = vector.shape_cast %get3A_1128 : vector<16xi32> to vector<1x16xi32>
    tpu.vector_store %arg13[%swap3A_1130, %swap3A_1131], %swap3A_1134 {strides = array<i32>} : memref<32x128xi32, #tpu.memory_space<vmem>>, vector<1x16xi32>,
    %get3A_1135 = arith.constant 50 : i32
    %get3A_1136 = arith.index_cast %get3A_1135 : i32 to index
    %get3A_1137 = arith.constant 0 : index
    %get3A_1138 = tpu.vector_load %arg12[%get3A_1136, %get3A_1137] {strides = array<i32>} : memref<128x32xi32, #tpu.memory_space<vmem>>, vector<1x16xi32>,
    %get3A_1139 = vector.shape_cast %get3A_1138 : vector<1x16xi32> to vector<16xi32>
    %swap3A_1140 = arith.constant 12 : i32
    %swap3A_1141 = arith.index_cast %swap3A_1140 : i32 to index
    %swap3A_1142 = arith.constant 64 : index
    %swap3A_1143 = tpu.vector_load %arg13[%swap3A_1141, %swap3A_1142] {strides = array<i32>} : memref<32x128xi32, #tpu.memory_space<vmem>>, vector<1x16xi32>,
    %swap3A_1144 = vector.shape_cast %swap3A_1143 : vector<1x16xi32> to vector<16xi32>
    %swap3A_1145 = vector.shape_cast %get3A_1139 : vector<16xi32> to vector<1x16xi32>
    tpu.vector_store %arg13[%swap3A_1141, %swap3A_1142], %swap3A_1145 {strides = array<i32>} : memref<32x128xi32, #tpu.memory_space<vmem>>, vector<1x16xi32>,
    %get3A_1146 = arith.constant 50 : i32
    %get3A_1147 = arith.index_cast %get3A_1146 : i32 to index
    %get3A_1148 = arith.constant 16 : index
    %get3A_1149 = tpu.vector_load %arg12[%get3A_1147, %get3A_1148] {strides = array<i32>} : memref<128x32xi32, #tpu.memory_space<vmem>>, vector<1x16xi32>,
    %get3A_1150 = vector.shape_cast %get3A_1149 : vector<1x16xi32> to vector<16xi32>
    %swap3A_1151 = arith.constant 12 : i32
    %swap3A_1152 = arith.index_cast %swap3A_1151 : i32 to index
    %swap3A_1153 = arith.constant 80 : index
    %swap3A_1154 = tpu.vector_load %arg13[%swap3A_1152, %swap3A_1153] {strides = array<i32>} : memref<32x128xi32, #tpu.memory_space<vmem>>, vector<1x16xi32>,
    %swap3A_1155 = vector.shape_cast %swap3A_1154 : vector<1x16xi32> to vector<16xi32>
    %swap3A_1156 = vector.shape_cast %get3A_1150 : vector<16xi32> to vector<1x16xi32>
    tpu.vector_store %arg13[%swap3A_1152, %swap3A_1153], %swap3A_1156 {strides = array<i32>} : memref<32x128xi32, #tpu.memory_space<vmem>>, vector<1x16xi32>,
    %get3A_1157 = arith.constant 51 : i32
    %get3A_1158 = arith.index_cast %get3A_1157 : i32 to index
    %get3A_1159 = arith.constant 0 : index
    %get3A_1160 = tpu.vector_load %arg12[%get3A_1158, %get3A_1159] {strides = array<i32>} : memref<128x32xi32, #tpu.memory_space<vmem>>, vector<1x16xi32>,
    %get3A_1161 = vector.shape_cast %get3A_1160 : vector<1x16xi32> to vector<16xi32>
    %swap3A_1162 = arith.constant 12 : i32
    %swap3A_1163 = arith.index_cast %swap3A_1162 : i32 to index
    %swap3A_1164 = arith.constant 96 : index
    %swap3A_1165 = tpu.vector_load %arg13[%swap3A_1163, %swap3A_1164] {strides = array<i32>} : memref<32x128xi32, #tpu.memory_space<vmem>>, vector<1x16xi32>,
    %swap3A_1166 = vector.shape_cast %swap3A_1165 : vector<1x16xi32> to vector<16xi32>
    %swap3A_1167 = vector.shape_cast %get3A_1161 : vector<16xi32> to vector<1x16xi32>
    tpu.vector_store %arg13[%swap3A_1163, %swap3A_1164], %swap3A_1167 {strides = array<i32>} : memref<32x128xi32, #tpu.memory_space<vmem>>, vector<1x16xi32>,
    %get3A_1168 = arith.constant 51 : i32
    %get3A_1169 = arith.index_cast %get3A_1168 : i32 to index
    %get3A_1170 = arith.constant 16 : index
    %get3A_1171 = tpu.vector_load %arg12[%get3A_1169, %get3A_1170] {strides = array<i32>} : memref<128x32xi32, #tpu.memory_space<vmem>>, vector<1x16xi32>,
    %get3A_1172 = vector.shape_cast %get3A_1171 : vector<1x16xi32> to vector<16xi32>
    %swap3A_1173 = arith.constant 12 : i32
    %swap3A_1174 = arith.index_cast %swap3A_1173 : i32 to index
    %swap3A_1175 = arith.constant 112 : index
    %swap3A_1176 = tpu.vector_load %arg13[%swap3A_1174, %swap3A_1175] {strides = array<i32>} : memref<32x128xi32, #tpu.memory_space<vmem>>, vector<1x16xi32>,
    %swap3A_1177 = vector.shape_cast %swap3A_1176 : vector<1x16xi32> to vector<16xi32>
    %swap3A_1178 = vector.shape_cast %get3A_1172 : vector<16xi32> to vector<1x16xi32>
    tpu.vector_store %arg13[%swap3A_1174, %swap3A_1175], %swap3A_1178 {strides = array<i32>} : memref<32x128xi32, #tpu.memory_space<vmem>>, vector<1x16xi32>,
    %get3A_1179 = arith.constant 52 : i32
    %get3A_1180 = arith.index_cast %get3A_1179 : i32 to index
    %get3A_1181 = arith.constant 0 : index
    %get3A_1182 = tpu.vector_load %arg12[%get3A_1180, %get3A_1181] {strides = array<i32>} : memref<128x32xi32, #tpu.memory_space<vmem>>, vector<1x16xi32>,
    %get3A_1183 = vector.shape_cast %get3A_1182 : vector<1x16xi32> to vector<16xi32>
    %swap3A_1184 = arith.constant 13 : i32
    %swap3A_1185 = arith.index_cast %swap3A_1184 : i32 to index
    %swap3A_1186 = arith.constant 0 : index
    %swap3A_1187 = tpu.vector_load %arg13[%swap3A_1185, %swap3A_1186] {strides = array<i32>} : memref<32x128xi32, #tpu.memory_space<vmem>>, vector<1x16xi32>,
    %swap3A_1188 = vector.shape_cast %swap3A_1187 : vector<1x16xi32> to vector<16xi32>
    %swap3A_1189 = vector.shape_cast %get3A_1183 : vector<16xi32> to vector<1x16xi32>
    tpu.vector_store %arg13[%swap3A_1185, %swap3A_1186], %swap3A_1189 {strides = array<i32>} : memref<32x128xi32, #tpu.memory_space<vmem>>, vector<1x16xi32>,
    %get3A_1190 = arith.constant 52 : i32
    %get3A_1191 = arith.index_cast %get3A_1190 : i32 to index
    %get3A_1192 = arith.constant 16 : index
    %get3A_1193 = tpu.vector_load %arg12[%get3A_1191, %get3A_1192] {strides = array<i32>} : memref<128x32xi32, #tpu.memory_space<vmem>>, vector<1x16xi32>,
    %get3A_1194 = vector.shape_cast %get3A_1193 : vector<1x16xi32> to vector<16xi32>
    %swap3A_1195 = arith.constant 13 : i32
    %swap3A_1196 = arith.index_cast %swap3A_1195 : i32 to index
    %swap3A_1197 = arith.constant 16 : index
    %swap3A_1198 = tpu.vector_load %arg13[%swap3A_1196, %swap3A_1197] {strides = array<i32>} : memref<32x128xi32, #tpu.memory_space<vmem>>, vector<1x16xi32>,
    %swap3A_1199 = vector.shape_cast %swap3A_1198 : vector<1x16xi32> to vector<16xi32>
    %swap3A_1200 = vector.shape_cast %get3A_1194 : vector<16xi32> to vector<1x16xi32>
    tpu.vector_store %arg13[%swap3A_1196, %swap3A_1197], %swap3A_1200 {strides = array<i32>} : memref<32x128xi32, #tpu.memory_space<vmem>>, vector<1x16xi32>,
    %get3A_1201 = arith.constant 53 : i32
    %get3A_1202 = arith.index_cast %get3A_1201 : i32 to index
    %get3A_1203 = arith.constant 0 : index
    %get3A_1204 = tpu.vector_load %arg12[%get3A_1202, %get3A_1203] {strides = array<i32>} : memref<128x32xi32, #tpu.memory_space<vmem>>, vector<1x16xi32>,
    %get3A_1205 = vector.shape_cast %get3A_1204 : vector<1x16xi32> to vector<16xi32>
    %swap3A_1206 = arith.constant 13 : i32
    %swap3A_1207 = arith.index_cast %swap3A_1206 : i32 to index
    %swap3A_1208 = arith.constant 32 : index
    %swap3A_1209 = tpu.vector_load %arg13[%swap3A_1207, %swap3A_1208] {strides = array<i32>} : memref<32x128xi32, #tpu.memory_space<vmem>>, vector<1x16xi32>,
    %swap3A_1210 = vector.shape_cast %swap3A_1209 : vector<1x16xi32> to vector<16xi32>
    %swap3A_1211 = vector.shape_cast %get3A_1205 : vector<16xi32> to vector<1x16xi32>
    tpu.vector_store %arg13[%swap3A_1207, %swap3A_1208], %swap3A_1211 {strides = array<i32>} : memref<32x128xi32, #tpu.memory_space<vmem>>, vector<1x16xi32>,
    %get3A_1212 = arith.constant 53 : i32
    %get3A_1213 = arith.index_cast %get3A_1212 : i32 to index
    %get3A_1214 = arith.constant 16 : index
    %get3A_1215 = tpu.vector_load %arg12[%get3A_1213, %get3A_1214] {strides = array<i32>} : memref<128x32xi32, #tpu.memory_space<vmem>>, vector<1x16xi32>,
    %get3A_1216 = vector.shape_cast %get3A_1215 : vector<1x16xi32> to vector<16xi32>
    %swap3A_1217 = arith.constant 13 : i32
    %swap3A_1218 = arith.index_cast %swap3A_1217 : i32 to index
    %swap3A_1219 = arith.constant 48 : index
    %swap3A_1220 = tpu.vector_load %arg13[%swap3A_1218, %swap3A_1219] {strides = array<i32>} : memref<32x128xi32, #tpu.memory_space<vmem>>, vector<1x16xi32>,
    %swap3A_1221 = vector.shape_cast %swap3A_1220 : vector<1x16xi32> to vector<16xi32>
    %swap3A_1222 = vector.shape_cast %get3A_1216 : vector<16xi32> to vector<1x16xi32>
    tpu.vector_store %arg13[%swap3A_1218, %swap3A_1219], %swap3A_1222 {strides = array<i32>} : memref<32x128xi32, #tpu.memory_space<vmem>>, vector<1x16xi32>,
    %get3A_1223 = arith.constant 54 : i32
    %get3A_1224 = arith.index_cast %get3A_1223 : i32 to index
    %get3A_1225 = arith.constant 0 : index
    %get3A_1226 = tpu.vector_load %arg12[%get3A_1224, %get3A_1225] {strides = array<i32>} : memref<128x32xi32, #tpu.memory_space<vmem>>, vector<1x16xi32>,
    %get3A_1227 = vector.shape_cast %get3A_1226 : vector<1x16xi32> to vector<16xi32>
    %swap3A_1228 = arith.constant 13 : i32
    %swap3A_1229 = arith.index_cast %swap3A_1228 : i32 to index
    %swap3A_1230 = arith.constant 64 : index
    %swap3A_1231 = tpu.vector_load %arg13[%swap3A_1229, %swap3A_1230] {strides = array<i32>} : memref<32x128xi32, #tpu.memory_space<vmem>>, vector<1x16xi32>,
    %swap3A_1232 = vector.shape_cast %swap3A_1231 : vector<1x16xi32> to vector<16xi32>
    %swap3A_1233 = vector.shape_cast %get3A_1227 : vector<16xi32> to vector<1x16xi32>
    tpu.vector_store %arg13[%swap3A_1229, %swap3A_1230], %swap3A_1233 {strides = array<i32>} : memref<32x128xi32, #tpu.memory_space<vmem>>, vector<1x16xi32>,
    %get3A_1234 = arith.constant 54 : i32
    %get3A_1235 = arith.index_cast %get3A_1234 : i32 to index
    %get3A_1236 = arith.constant 16 : index
    %get3A_1237 = tpu.vector_load %arg12[%get3A_1235, %get3A_1236] {strides = array<i32>} : memref<128x32xi32, #tpu.memory_space<vmem>>, vector<1x16xi32>,
    %get3A_1238 = vector.shape_cast %get3A_1237 : vector<1x16xi32> to vector<16xi32>
    %swap3A_1239 = arith.constant 13 : i32
    %swap3A_1240 = arith.index_cast %swap3A_1239 : i32 to index
    %swap3A_1241 = arith.constant 80 : index
    %swap3A_1242 = tpu.vector_load %arg13[%swap3A_1240, %swap3A_1241] {strides = array<i32>} : memref<32x128xi32, #tpu.memory_space<vmem>>, vector<1x16xi32>,
    %swap3A_1243 = vector.shape_cast %swap3A_1242 : vector<1x16xi32> to vector<16xi32>
    %swap3A_1244 = vector.shape_cast %get3A_1238 : vector<16xi32> to vector<1x16xi32>
    tpu.vector_store %arg13[%swap3A_1240, %swap3A_1241], %swap3A_1244 {strides = array<i32>} : memref<32x128xi32, #tpu.memory_space<vmem>>, vector<1x16xi32>,
    %get3A_1245 = arith.constant 55 : i32
    %get3A_1246 = arith.index_cast %get3A_1245 : i32 to index
    %get3A_1247 = arith.constant 0 : index
    %get3A_1248 = tpu.vector_load %arg12[%get3A_1246, %get3A_1247] {strides = array<i32>} : memref<128x32xi32, #tpu.memory_space<vmem>>, vector<1x16xi32>,
    %get3A_1249 = vector.shape_cast %get3A_1248 : vector<1x16xi32> to vector<16xi32>
    %swap3A_1250 = arith.constant 13 : i32
    %swap3A_1251 = arith.index_cast %swap3A_1250 : i32 to index
    %swap3A_1252 = arith.constant 96 : index
    %swap3A_1253 = tpu.vector_load %arg13[%swap3A_1251, %swap3A_1252] {strides = array<i32>} : memref<32x128xi32, #tpu.memory_space<vmem>>, vector<1x16xi32>,
    %swap3A_1254 = vector.shape_cast %swap3A_1253 : vector<1x16xi32> to vector<16xi32>
    %swap3A_1255 = vector.shape_cast %get3A_1249 : vector<16xi32> to vector<1x16xi32>
    tpu.vector_store %arg13[%swap3A_1251, %swap3A_1252], %swap3A_1255 {strides = array<i32>} : memref<32x128xi32, #tpu.memory_space<vmem>>, vector<1x16xi32>,
    %get3A_1256 = arith.constant 55 : i32
    %get3A_1257 = arith.index_cast %get3A_1256 : i32 to index
    %get3A_1258 = arith.constant 16 : index
    %get3A_1259 = tpu.vector_load %arg12[%get3A_1257, %get3A_1258] {strides = array<i32>} : memref<128x32xi32, #tpu.memory_space<vmem>>, vector<1x16xi32>,
    %get3A_1260 = vector.shape_cast %get3A_1259 : vector<1x16xi32> to vector<16xi32>
    %swap3A_1261 = arith.constant 13 : i32
    %swap3A_1262 = arith.index_cast %swap3A_1261 : i32 to index
    %swap3A_1263 = arith.constant 112 : index
    %swap3A_1264 = tpu.vector_load %arg13[%swap3A_1262, %swap3A_1263] {strides = array<i32>} : memref<32x128xi32, #tpu.memory_space<vmem>>, vector<1x16xi32>,
    %swap3A_1265 = vector.shape_cast %swap3A_1264 : vector<1x16xi32> to vector<16xi32>
    %swap3A_1266 = vector.shape_cast %get3A_1260 : vector<16xi32> to vector<1x16xi32>
    tpu.vector_store %arg13[%swap3A_1262, %swap3A_1263], %swap3A_1266 {strides = array<i32>} : memref<32x128xi32, #tpu.memory_space<vmem>>, vector<1x16xi32>,
    %get3A_1267 = arith.constant 56 : i32
    %get3A_1268 = arith.index_cast %get3A_1267 : i32 to index
    %get3A_1269 = arith.constant 0 : index
    %get3A_1270 = tpu.vector_load %arg12[%get3A_1268, %get3A_1269] {strides = array<i32>} : memref<128x32xi32, #tpu.memory_space<vmem>>, vector<1x16xi32>,
    %get3A_1271 = vector.shape_cast %get3A_1270 : vector<1x16xi32> to vector<16xi32>
    %swap3A_1272 = arith.constant 14 : i32
    %swap3A_1273 = arith.index_cast %swap3A_1272 : i32 to index
    %swap3A_1274 = arith.constant 0 : index
    %swap3A_1275 = tpu.vector_load %arg13[%swap3A_1273, %swap3A_1274] {strides = array<i32>} : memref<32x128xi32, #tpu.memory_space<vmem>>, vector<1x16xi32>,
    %swap3A_1276 = vector.shape_cast %swap3A_1275 : vector<1x16xi32> to vector<16xi32>
    %swap3A_1277 = vector.shape_cast %get3A_1271 : vector<16xi32> to vector<1x16xi32>
    tpu.vector_store %arg13[%swap3A_1273, %swap3A_1274], %swap3A_1277 {strides = array<i32>} : memref<32x128xi32, #tpu.memory_space<vmem>>, vector<1x16xi32>,
    %get3A_1278 = arith.constant 56 : i32
    %get3A_1279 = arith.index_cast %get3A_1278 : i32 to index
    %get3A_1280 = arith.constant 16 : index
    %get3A_1281 = tpu.vector_load %arg12[%get3A_1279, %get3A_1280] {strides = array<i32>} : memref<128x32xi32, #tpu.memory_space<vmem>>, vector<1x16xi32>,
    %get3A_1282 = vector.shape_cast %get3A_1281 : vector<1x16xi32> to vector<16xi32>
    %swap3A_1283 = arith.constant 14 : i32
    %swap3A_1284 = arith.index_cast %swap3A_1283 : i32 to index
    %swap3A_1285 = arith.constant 16 : index
    %swap3A_1286 = tpu.vector_load %arg13[%swap3A_1284, %swap3A_1285] {strides = array<i32>} : memref<32x128xi32, #tpu.memory_space<vmem>>, vector<1x16xi32>,
    %swap3A_1287 = vector.shape_cast %swap3A_1286 : vector<1x16xi32> to vector<16xi32>
    %swap3A_1288 = vector.shape_cast %get3A_1282 : vector<16xi32> to vector<1x16xi32>
    tpu.vector_store %arg13[%swap3A_1284, %swap3A_1285], %swap3A_1288 {strides = array<i32>} : memref<32x128xi32, #tpu.memory_space<vmem>>, vector<1x16xi32>,
    %get3A_1289 = arith.constant 57 : i32
    %get3A_1290 = arith.index_cast %get3A_1289 : i32 to index
    %get3A_1291 = arith.constant 0 : index
    %get3A_1292 = tpu.vector_load %arg12[%get3A_1290, %get3A_1291] {strides = array<i32>} : memref<128x32xi32, #tpu.memory_space<vmem>>, vector<1x16xi32>,
    %get3A_1293 = vector.shape_cast %get3A_1292 : vector<1x16xi32> to vector<16xi32>
    %swap3A_1294 = arith.constant 14 : i32
    %swap3A_1295 = arith.index_cast %swap3A_1294 : i32 to index
    %swap3A_1296 = arith.constant 32 : index
    %swap3A_1297 = tpu.vector_load %arg13[%swap3A_1295, %swap3A_1296] {strides = array<i32>} : memref<32x128xi32, #tpu.memory_space<vmem>>, vector<1x16xi32>,
    %swap3A_1298 = vector.shape_cast %swap3A_1297 : vector<1x16xi32> to vector<16xi32>
    %swap3A_1299 = vector.shape_cast %get3A_1293 : vector<16xi32> to vector<1x16xi32>
    tpu.vector_store %arg13[%swap3A_1295, %swap3A_1296], %swap3A_1299 {strides = array<i32>} : memref<32x128xi32, #tpu.memory_space<vmem>>, vector<1x16xi32>,
    %get3A_1300 = arith.constant 57 : i32
    %get3A_1301 = arith.index_cast %get3A_1300 : i32 to index
    %get3A_1302 = arith.constant 16 : index
    %get3A_1303 = tpu.vector_load %arg12[%get3A_1301, %get3A_1302] {strides = array<i32>} : memref<128x32xi32, #tpu.memory_space<vmem>>, vector<1x16xi32>,
    %get3A_1304 = vector.shape_cast %get3A_1303 : vector<1x16xi32> to vector<16xi32>
    %swap3A_1305 = arith.constant 14 : i32
    %swap3A_1306 = arith.index_cast %swap3A_1305 : i32 to index
    %swap3A_1307 = arith.constant 48 : index
    %swap3A_1308 = tpu.vector_load %arg13[%swap3A_1306, %swap3A_1307] {strides = array<i32>} : memref<32x128xi32, #tpu.memory_space<vmem>>, vector<1x16xi32>,
    %swap3A_1309 = vector.shape_cast %swap3A_1308 : vector<1x16xi32> to vector<16xi32>
    %swap3A_1310 = vector.shape_cast %get3A_1304 : vector<16xi32> to vector<1x16xi32>
    tpu.vector_store %arg13[%swap3A_1306, %swap3A_1307], %swap3A_1310 {strides = array<i32>} : memref<32x128xi32, #tpu.memory_space<vmem>>, vector<1x16xi32>,
    %get3A_1311 = arith.constant 58 : i32
    %get3A_1312 = arith.index_cast %get3A_1311 : i32 to index
    %get3A_1313 = arith.constant 0 : index
    %get3A_1314 = tpu.vector_load %arg12[%get3A_1312, %get3A_1313] {strides = array<i32>} : memref<128x32xi32, #tpu.memory_space<vmem>>, vector<1x16xi32>,
    %get3A_1315 = vector.shape_cast %get3A_1314 : vector<1x16xi32> to vector<16xi32>
    %swap3A_1316 = arith.constant 14 : i32
    %swap3A_1317 = arith.index_cast %swap3A_1316 : i32 to index
    %swap3A_1318 = arith.constant 64 : index
    %swap3A_1319 = tpu.vector_load %arg13[%swap3A_1317, %swap3A_1318] {strides = array<i32>} : memref<32x128xi32, #tpu.memory_space<vmem>>, vector<1x16xi32>,
    %swap3A_1320 = vector.shape_cast %swap3A_1319 : vector<1x16xi32> to vector<16xi32>
    %swap3A_1321 = vector.shape_cast %get3A_1315 : vector<16xi32> to vector<1x16xi32>
    tpu.vector_store %arg13[%swap3A_1317, %swap3A_1318], %swap3A_1321 {strides = array<i32>} : memref<32x128xi32, #tpu.memory_space<vmem>>, vector<1x16xi32>,
    %get3A_1322 = arith.constant 58 : i32
    %get3A_1323 = arith.index_cast %get3A_1322 : i32 to index
    %get3A_1324 = arith.constant 16 : index
    %get3A_1325 = tpu.vector_load %arg12[%get3A_1323, %get3A_1324] {strides = array<i32>} : memref<128x32xi32, #tpu.memory_space<vmem>>, vector<1x16xi32>,
    %get3A_1326 = vector.shape_cast %get3A_1325 : vector<1x16xi32> to vector<16xi32>
    %swap3A_1327 = arith.constant 14 : i32
    %swap3A_1328 = arith.index_cast %swap3A_1327 : i32 to index
    %swap3A_1329 = arith.constant 80 : index
    %swap3A_1330 = tpu.vector_load %arg13[%swap3A_1328, %swap3A_1329] {strides = array<i32>} : memref<32x128xi32, #tpu.memory_space<vmem>>, vector<1x16xi32>,
    %swap3A_1331 = vector.shape_cast %swap3A_1330 : vector<1x16xi32> to vector<16xi32>
    %swap3A_1332 = vector.shape_cast %get3A_1326 : vector<16xi32> to vector<1x16xi32>
    tpu.vector_store %arg13[%swap3A_1328, %swap3A_1329], %swap3A_1332 {strides = array<i32>} : memref<32x128xi32, #tpu.memory_space<vmem>>, vector<1x16xi32>,
    %get3A_1333 = arith.constant 59 : i32
    %get3A_1334 = arith.index_cast %get3A_1333 : i32 to index
    %get3A_1335 = arith.constant 0 : index
    %get3A_1336 = tpu.vector_load %arg12[%get3A_1334, %get3A_1335] {strides = array<i32>} : memref<128x32xi32, #tpu.memory_space<vmem>>, vector<1x16xi32>,
    %get3A_1337 = vector.shape_cast %get3A_1336 : vector<1x16xi32> to vector<16xi32>
    %swap3A_1338 = arith.constant 14 : i32
    %swap3A_1339 = arith.index_cast %swap3A_1338 : i32 to index
    %swap3A_1340 = arith.constant 96 : index
    %swap3A_1341 = tpu.vector_load %arg13[%swap3A_1339, %swap3A_1340] {strides = array<i32>} : memref<32x128xi32, #tpu.memory_space<vmem>>, vector<1x16xi32>,
    %swap3A_1342 = vector.shape_cast %swap3A_1341 : vector<1x16xi32> to vector<16xi32>
    %swap3A_1343 = vector.shape_cast %get3A_1337 : vector<16xi32> to vector<1x16xi32>
    tpu.vector_store %arg13[%swap3A_1339, %swap3A_1340], %swap3A_1343 {strides = array<i32>} : memref<32x128xi32, #tpu.memory_space<vmem>>, vector<1x16xi32>,
    %get3A_1344 = arith.constant 59 : i32
    %get3A_1345 = arith.index_cast %get3A_1344 : i32 to index
    %get3A_1346 = arith.constant 16 : index
    %get3A_1347 = tpu.vector_load %arg12[%get3A_1345, %get3A_1346] {strides = array<i32>} : memref<128x32xi32, #tpu.memory_space<vmem>>, vector<1x16xi32>,
    %get3A_1348 = vector.shape_cast %get3A_1347 : vector<1x16xi32> to vector<16xi32>
    %swap3A_1349 = arith.constant 14 : i32
    %swap3A_1350 = arith.index_cast %swap3A_1349 : i32 to index
    %swap3A_1351 = arith.constant 112 : index
    %swap3A_1352 = tpu.vector_load %arg13[%swap3A_1350, %swap3A_1351] {strides = array<i32>} : memref<32x128xi32, #tpu.memory_space<vmem>>, vector<1x16xi32>,
    %swap3A_1353 = vector.shape_cast %swap3A_1352 : vector<1x16xi32> to vector<16xi32>
    %swap3A_1354 = vector.shape_cast %get3A_1348 : vector<16xi32> to vector<1x16xi32>
    tpu.vector_store %arg13[%swap3A_1350, %swap3A_1351], %swap3A_1354 {strides = array<i32>} : memref<32x128xi32, #tpu.memory_space<vmem>>, vector<1x16xi32>,
    %get3A_1355 = arith.constant 60 : i32
    %get3A_1356 = arith.index_cast %get3A_1355 : i32 to index
    %get3A_1357 = arith.constant 0 : index
    %get3A_1358 = tpu.vector_load %arg12[%get3A_1356, %get3A_1357] {strides = array<i32>} : memref<128x32xi32, #tpu.memory_space<vmem>>, vector<1x16xi32>,
    %get3A_1359 = vector.shape_cast %get3A_1358 : vector<1x16xi32> to vector<16xi32>
    %swap3A_1360 = arith.constant 15 : i32
    %swap3A_1361 = arith.index_cast %swap3A_1360 : i32 to index
    %swap3A_1362 = arith.constant 0 : index
    %swap3A_1363 = tpu.vector_load %arg13[%swap3A_1361, %swap3A_1362] {strides = array<i32>} : memref<32x128xi32, #tpu.memory_space<vmem>>, vector<1x16xi32>,
    %swap3A_1364 = vector.shape_cast %swap3A_1363 : vector<1x16xi32> to vector<16xi32>
    %swap3A_1365 = vector.shape_cast %get3A_1359 : vector<16xi32> to vector<1x16xi32>
    tpu.vector_store %arg13[%swap3A_1361, %swap3A_1362], %swap3A_1365 {strides = array<i32>} : memref<32x128xi32, #tpu.memory_space<vmem>>, vector<1x16xi32>,
    %get3A_1366 = arith.constant 60 : i32
    %get3A_1367 = arith.index_cast %get3A_1366 : i32 to index
    %get3A_1368 = arith.constant 16 : index
    %get3A_1369 = tpu.vector_load %arg12[%get3A_1367, %get3A_1368] {strides = array<i32>} : memref<128x32xi32, #tpu.memory_space<vmem>>, vector<1x16xi32>,
    %get3A_1370 = vector.shape_cast %get3A_1369 : vector<1x16xi32> to vector<16xi32>
    %swap3A_1371 = arith.constant 15 : i32
    %swap3A_1372 = arith.index_cast %swap3A_1371 : i32 to index
    %swap3A_1373 = arith.constant 16 : index
    %swap3A_1374 = tpu.vector_load %arg13[%swap3A_1372, %swap3A_1373] {strides = array<i32>} : memref<32x128xi32, #tpu.memory_space<vmem>>, vector<1x16xi32>,
    %swap3A_1375 = vector.shape_cast %swap3A_1374 : vector<1x16xi32> to vector<16xi32>
    %swap3A_1376 = vector.shape_cast %get3A_1370 : vector<16xi32> to vector<1x16xi32>
    tpu.vector_store %arg13[%swap3A_1372, %swap3A_1373], %swap3A_1376 {strides = array<i32>} : memref<32x128xi32, #tpu.memory_space<vmem>>, vector<1x16xi32>,
    %get3A_1377 = arith.constant 61 : i32
    %get3A_1378 = arith.index_cast %get3A_1377 : i32 to index
    %get3A_1379 = arith.constant 0 : index
    %get3A_1380 = tpu.vector_load %arg12[%get3A_1378, %get3A_1379] {strides = array<i32>} : memref<128x32xi32, #tpu.memory_space<vmem>>, vector<1x16xi32>,
    %get3A_1381 = vector.shape_cast %get3A_1380 : vector<1x16xi32> to vector<16xi32>
    %swap3A_1382 = arith.constant 15 : i32
    %swap3A_1383 = arith.index_cast %swap3A_1382 : i32 to index
    %swap3A_1384 = arith.constant 32 : index
    %swap3A_1385 = tpu.vector_load %arg13[%swap3A_1383, %swap3A_1384] {strides = array<i32>} : memref<32x128xi32, #tpu.memory_space<vmem>>, vector<1x16xi32>,
    %swap3A_1386 = vector.shape_cast %swap3A_1385 : vector<1x16xi32> to vector<16xi32>
    %swap3A_1387 = vector.shape_cast %get3A_1381 : vector<16xi32> to vector<1x16xi32>
    tpu.vector_store %arg13[%swap3A_1383, %swap3A_1384], %swap3A_1387 {strides = array<i32>} : memref<32x128xi32, #tpu.memory_space<vmem>>, vector<1x16xi32>,
    %get3A_1388 = arith.constant 61 : i32
    %get3A_1389 = arith.index_cast %get3A_1388 : i32 to index
    %get3A_1390 = arith.constant 16 : index
    %get3A_1391 = tpu.vector_load %arg12[%get3A_1389, %get3A_1390] {strides = array<i32>} : memref<128x32xi32, #tpu.memory_space<vmem>>, vector<1x16xi32>,
    %get3A_1392 = vector.shape_cast %get3A_1391 : vector<1x16xi32> to vector<16xi32>
    %swap3A_1393 = arith.constant 15 : i32
    %swap3A_1394 = arith.index_cast %swap3A_1393 : i32 to index
    %swap3A_1395 = arith.constant 48 : index
    %swap3A_1396 = tpu.vector_load %arg13[%swap3A_1394, %swap3A_1395] {strides = array<i32>} : memref<32x128xi32, #tpu.memory_space<vmem>>, vector<1x16xi32>,
    %swap3A_1397 = vector.shape_cast %swap3A_1396 : vector<1x16xi32> to vector<16xi32>
    %swap3A_1398 = vector.shape_cast %get3A_1392 : vector<16xi32> to vector<1x16xi32>
    tpu.vector_store %arg13[%swap3A_1394, %swap3A_1395], %swap3A_1398 {strides = array<i32>} : memref<32x128xi32, #tpu.memory_space<vmem>>, vector<1x16xi32>,
    %get3A_1399 = arith.constant 62 : i32
    %get3A_1400 = arith.index_cast %get3A_1399 : i32 to index
    %get3A_1401 = arith.constant 0 : index
    %get3A_1402 = tpu.vector_load %arg12[%get3A_1400, %get3A_1401] {strides = array<i32>} : memref<128x32xi32, #tpu.memory_space<vmem>>, vector<1x16xi32>,
    %get3A_1403 = vector.shape_cast %get3A_1402 : vector<1x16xi32> to vector<16xi32>
    %swap3A_1404 = arith.constant 15 : i32
    %swap3A_1405 = arith.index_cast %swap3A_1404 : i32 to index
    %swap3A_1406 = arith.constant 64 : index
    %swap3A_1407 = tpu.vector_load %arg13[%swap3A_1405, %swap3A_1406] {strides = array<i32>} : memref<32x128xi32, #tpu.memory_space<vmem>>, vector<1x16xi32>,
    %swap3A_1408 = vector.shape_cast %swap3A_1407 : vector<1x16xi32> to vector<16xi32>
    %swap3A_1409 = vector.shape_cast %get3A_1403 : vector<16xi32> to vector<1x16xi32>
    tpu.vector_store %arg13[%swap3A_1405, %swap3A_1406], %swap3A_1409 {strides = array<i32>} : memref<32x128xi32, #tpu.memory_space<vmem>>, vector<1x16xi32>,
    %get3A_1410 = arith.constant 62 : i32
    %get3A_1411 = arith.index_cast %get3A_1410 : i32 to index
    %get3A_1412 = arith.constant 16 : index
    %get3A_1413 = tpu.vector_load %arg12[%get3A_1411, %get3A_1412] {strides = array<i32>} : memref<128x32xi32, #tpu.memory_space<vmem>>, vector<1x16xi32>,
    %get3A_1414 = vector.shape_cast %get3A_1413 : vector<1x16xi32> to vector<16xi32>
    %swap3A_1415 = arith.constant 15 : i32
    %swap3A_1416 = arith.index_cast %swap3A_1415 : i32 to index
    %swap3A_1417 = arith.constant 80 : index
    %swap3A_1418 = tpu.vector_load %arg13[%swap3A_1416, %swap3A_1417] {strides = array<i32>} : memref<32x128xi32, #tpu.memory_space<vmem>>, vector<1x16xi32>,
    %swap3A_1419 = vector.shape_cast %swap3A_1418 : vector<1x16xi32> to vector<16xi32>
    %swap3A_1420 = vector.shape_cast %get3A_1414 : vector<16xi32> to vector<1x16xi32>
    tpu.vector_store %arg13[%swap3A_1416, %swap3A_1417], %swap3A_1420 {strides = array<i32>} : memref<32x128xi32, #tpu.memory_space<vmem>>, vector<1x16xi32>,
    %get3A_1421 = arith.constant 63 : i32
    %get3A_1422 = arith.index_cast %get3A_1421 : i32 to index
    %get3A_1423 = arith.constant 0 : index
    %get3A_1424 = tpu.vector_load %arg12[%get3A_1422, %get3A_1423] {strides = array<i32>} : memref<128x32xi32, #tpu.memory_space<vmem>>, vector<1x16xi32>,
    %get3A_1425 = vector.shape_cast %get3A_1424 : vector<1x16xi32> to vector<16xi32>
    %swap3A_1426 = arith.constant 15 : i32
    %swap3A_1427 = arith.index_cast %swap3A_1426 : i32 to index
    %swap3A_1428 = arith.constant 96 : index
    %swap3A_1429 = tpu.vector_load %arg13[%swap3A_1427, %swap3A_1428] {strides = array<i32>} : memref<32x128xi32, #tpu.memory_space<vmem>>, vector<1x16xi32>,
    %swap3A_1430 = vector.shape_cast %swap3A_1429 : vector<1x16xi32> to vector<16xi32>
    %swap3A_1431 = vector.shape_cast %get3A_1425 : vector<16xi32> to vector<1x16xi32>
    tpu.vector_store %arg13[%swap3A_1427, %swap3A_1428], %swap3A_1431 {strides = array<i32>} : memref<32x128xi32, #tpu.memory_space<vmem>>, vector<1x16xi32>,
    %get3A_1432 = arith.constant 63 : i32
    %get3A_1433 = arith.index_cast %get3A_1432 : i32 to index
    %get3A_1434 = arith.constant 16 : index
    %get3A_1435 = tpu.vector_load %arg12[%get3A_1433, %get3A_1434] {strides = array<i32>} : memref<128x32xi32, #tpu.memory_space<vmem>>, vector<1x16xi32>,
    %get3A_1436 = vector.shape_cast %get3A_1435 : vector<1x16xi32> to vector<16xi32>
    %swap3A_1437 = arith.constant 15 : i32
    %swap3A_1438 = arith.index_cast %swap3A_1437 : i32 to index
    %swap3A_1439 = arith.constant 112 : index
    %swap3A_1440 = tpu.vector_load %arg13[%swap3A_1438, %swap3A_1439] {strides = array<i32>} : memref<32x128xi32, #tpu.memory_space<vmem>>, vector<1x16xi32>,
    %swap3A_1441 = vector.shape_cast %swap3A_1440 : vector<1x16xi32> to vector<16xi32>
    %swap3A_1442 = vector.shape_cast %get3A_1436 : vector<16xi32> to vector<1x16xi32>
    tpu.vector_store %arg13[%swap3A_1438, %swap3A_1439], %swap3A_1442 {strides = array<i32>} : memref<32x128xi32, #tpu.memory_space<vmem>>, vector<1x16xi32>,
    %get3A_1443 = arith.constant 64 : i32
    %get3A_1444 = arith.index_cast %get3A_1443 : i32 to index
    %get3A_1445 = arith.constant 0 : index
    %get3A_1446 = tpu.vector_load %arg12[%get3A_1444, %get3A_1445] {strides = array<i32>} : memref<128x32xi32, #tpu.memory_space<vmem>>, vector<1x16xi32>,
    %get3A_1447 = vector.shape_cast %get3A_1446 : vector<1x16xi32> to vector<16xi32>
    %swap3A_1448 = arith.constant 16 : i32
    %swap3A_1449 = arith.index_cast %swap3A_1448 : i32 to index
    %swap3A_1450 = arith.constant 0 : index
    %swap3A_1451 = tpu.vector_load %arg13[%swap3A_1449, %swap3A_1450] {strides = array<i32>} : memref<32x128xi32, #tpu.memory_space<vmem>>, vector<1x16xi32>,
    %swap3A_1452 = vector.shape_cast %swap3A_1451 : vector<1x16xi32> to vector<16xi32>
    %swap3A_1453 = vector.shape_cast %get3A_1447 : vector<16xi32> to vector<1x16xi32>
    tpu.vector_store %arg13[%swap3A_1449, %swap3A_1450], %swap3A_1453 {strides = array<i32>} : memref<32x128xi32, #tpu.memory_space<vmem>>, vector<1x16xi32>,
    %get3A_1454 = arith.constant 64 : i32
    %get3A_1455 = arith.index_cast %get3A_1454 : i32 to index
    %get3A_1456 = arith.constant 16 : index
    %get3A_1457 = tpu.vector_load %arg12[%get3A_1455, %get3A_1456] {strides = array<i32>} : memref<128x32xi32, #tpu.memory_space<vmem>>, vector<1x16xi32>,
    %get3A_1458 = vector.shape_cast %get3A_1457 : vector<1x16xi32> to vector<16xi32>
    %swap3A_1459 = arith.constant 16 : i32
    %swap3A_1460 = arith.index_cast %swap3A_1459 : i32 to index
    %swap3A_1461 = arith.constant 16 : index
    %swap3A_1462 = tpu.vector_load %arg13[%swap3A_1460, %swap3A_1461] {strides = array<i32>} : memref<32x128xi32, #tpu.memory_space<vmem>>, vector<1x16xi32>,
    %swap3A_1463 = vector.shape_cast %swap3A_1462 : vector<1x16xi32> to vector<16xi32>
    %swap3A_1464 = vector.shape_cast %get3A_1458 : vector<16xi32> to vector<1x16xi32>
    tpu.vector_store %arg13[%swap3A_1460, %swap3A_1461], %swap3A_1464 {strides = array<i32>} : memref<32x128xi32, #tpu.memory_space<vmem>>, vector<1x16xi32>,
    %get3A_1465 = arith.constant 65 : i32
    %get3A_1466 = arith.index_cast %get3A_1465 : i32 to index
    %get3A_1467 = arith.constant 0 : index
    %get3A_1468 = tpu.vector_load %arg12[%get3A_1466, %get3A_1467] {strides = array<i32>} : memref<128x32xi32, #tpu.memory_space<vmem>>, vector<1x16xi32>,
    %get3A_1469 = vector.shape_cast %get3A_1468 : vector<1x16xi32> to vector<16xi32>
    %swap3A_1470 = arith.constant 16 : i32
    %swap3A_1471 = arith.index_cast %swap3A_1470 : i32 to index
    %swap3A_1472 = arith.constant 32 : index
    %swap3A_1473 = tpu.vector_load %arg13[%swap3A_1471, %swap3A_1472] {strides = array<i32>} : memref<32x128xi32, #tpu.memory_space<vmem>>, vector<1x16xi32>,
    %swap3A_1474 = vector.shape_cast %swap3A_1473 : vector<1x16xi32> to vector<16xi32>
    %swap3A_1475 = vector.shape_cast %get3A_1469 : vector<16xi32> to vector<1x16xi32>
    tpu.vector_store %arg13[%swap3A_1471, %swap3A_1472], %swap3A_1475 {strides = array<i32>} : memref<32x128xi32, #tpu.memory_space<vmem>>, vector<1x16xi32>,
    %get3A_1476 = arith.constant 65 : i32
    %get3A_1477 = arith.index_cast %get3A_1476 : i32 to index
    %get3A_1478 = arith.constant 16 : index
    %get3A_1479 = tpu.vector_load %arg12[%get3A_1477, %get3A_1478] {strides = array<i32>} : memref<128x32xi32, #tpu.memory_space<vmem>>, vector<1x16xi32>,
    %get3A_1480 = vector.shape_cast %get3A_1479 : vector<1x16xi32> to vector<16xi32>
    %swap3A_1481 = arith.constant 16 : i32
    %swap3A_1482 = arith.index_cast %swap3A_1481 : i32 to index
    %swap3A_1483 = arith.constant 48 : index
    %swap3A_1484 = tpu.vector_load %arg13[%swap3A_1482, %swap3A_1483] {strides = array<i32>} : memref<32x128xi32, #tpu.memory_space<vmem>>, vector<1x16xi32>,
    %swap3A_1485 = vector.shape_cast %swap3A_1484 : vector<1x16xi32> to vector<16xi32>
    %swap3A_1486 = vector.shape_cast %get3A_1480 : vector<16xi32> to vector<1x16xi32>
    tpu.vector_store %arg13[%swap3A_1482, %swap3A_1483], %swap3A_1486 {strides = array<i32>} : memref<32x128xi32, #tpu.memory_space<vmem>>, vector<1x16xi32>,
    %get3A_1487 = arith.constant 66 : i32
    %get3A_1488 = arith.index_cast %get3A_1487 : i32 to index
    %get3A_1489 = arith.constant 0 : index
    %get3A_1490 = tpu.vector_load %arg12[%get3A_1488, %get3A_1489] {strides = array<i32>} : memref<128x32xi32, #tpu.memory_space<vmem>>, vector<1x16xi32>,
    %get3A_1491 = vector.shape_cast %get3A_1490 : vector<1x16xi32> to vector<16xi32>
    %swap3A_1492 = arith.constant 16 : i32
    %swap3A_1493 = arith.index_cast %swap3A_1492 : i32 to index
    %swap3A_1494 = arith.constant 64 : index
    %swap3A_1495 = tpu.vector_load %arg13[%swap3A_1493, %swap3A_1494] {strides = array<i32>} : memref<32x128xi32, #tpu.memory_space<vmem>>, vector<1x16xi32>,
    %swap3A_1496 = vector.shape_cast %swap3A_1495 : vector<1x16xi32> to vector<16xi32>
    %swap3A_1497 = vector.shape_cast %get3A_1491 : vector<16xi32> to vector<1x16xi32>
    tpu.vector_store %arg13[%swap3A_1493, %swap3A_1494], %swap3A_1497 {strides = array<i32>} : memref<32x128xi32, #tpu.memory_space<vmem>>, vector<1x16xi32>,
    %get3A_1498 = arith.constant 66 : i32
    %get3A_1499 = arith.index_cast %get3A_1498 : i32 to index
    %get3A_1500 = arith.constant 16 : index
    %get3A_1501 = tpu.vector_load %arg12[%get3A_1499, %get3A_1500] {strides = array<i32>} : memref<128x32xi32, #tpu.memory_space<vmem>>, vector<1x16xi32>,
    %get3A_1502 = vector.shape_cast %get3A_1501 : vector<1x16xi32> to vector<16xi32>
    %swap3A_1503 = arith.constant 16 : i32
    %swap3A_1504 = arith.index_cast %swap3A_1503 : i32 to index
    %swap3A_1505 = arith.constant 80 : index
    %swap3A_1506 = tpu.vector_load %arg13[%swap3A_1504, %swap3A_1505] {strides = array<i32>} : memref<32x128xi32, #tpu.memory_space<vmem>>, vector<1x16xi32>,
    %swap3A_1507 = vector.shape_cast %swap3A_1506 : vector<1x16xi32> to vector<16xi32>
    %swap3A_1508 = vector.shape_cast %get3A_1502 : vector<16xi32> to vector<1x16xi32>
    tpu.vector_store %arg13[%swap3A_1504, %swap3A_1505], %swap3A_1508 {strides = array<i32>} : memref<32x128xi32, #tpu.memory_space<vmem>>, vector<1x16xi32>,
    %get3A_1509 = arith.constant 67 : i32
    %get3A_1510 = arith.index_cast %get3A_1509 : i32 to index
    %get3A_1511 = arith.constant 0 : index
    %get3A_1512 = tpu.vector_load %arg12[%get3A_1510, %get3A_1511] {strides = array<i32>} : memref<128x32xi32, #tpu.memory_space<vmem>>, vector<1x16xi32>,
    %get3A_1513 = vector.shape_cast %get3A_1512 : vector<1x16xi32> to vector<16xi32>
    %swap3A_1514 = arith.constant 16 : i32
    %swap3A_1515 = arith.index_cast %swap3A_1514 : i32 to index
    %swap3A_1516 = arith.constant 96 : index
    %swap3A_1517 = tpu.vector_load %arg13[%swap3A_1515, %swap3A_1516] {strides = array<i32>} : memref<32x128xi32, #tpu.memory_space<vmem>>, vector<1x16xi32>,
    %swap3A_1518 = vector.shape_cast %swap3A_1517 : vector<1x16xi32> to vector<16xi32>
    %swap3A_1519 = vector.shape_cast %get3A_1513 : vector<16xi32> to vector<1x16xi32>
    tpu.vector_store %arg13[%swap3A_1515, %swap3A_1516], %swap3A_1519 {strides = array<i32>} : memref<32x128xi32, #tpu.memory_space<vmem>>, vector<1x16xi32>,
    %get3A_1520 = arith.constant 67 : i32
    %get3A_1521 = arith.index_cast %get3A_1520 : i32 to index
    %get3A_1522 = arith.constant 16 : index
    %get3A_1523 = tpu.vector_load %arg12[%get3A_1521, %get3A_1522] {strides = array<i32>} : memref<128x32xi32, #tpu.memory_space<vmem>>, vector<1x16xi32>,
    %get3A_1524 = vector.shape_cast %get3A_1523 : vector<1x16xi32> to vector<16xi32>
    %swap3A_1525 = arith.constant 16 : i32
    %swap3A_1526 = arith.index_cast %swap3A_1525 : i32 to index
    %swap3A_1527 = arith.constant 112 : index
    %swap3A_1528 = tpu.vector_load %arg13[%swap3A_1526, %swap3A_1527] {strides = array<i32>} : memref<32x128xi32, #tpu.memory_space<vmem>>, vector<1x16xi32>,
    %swap3A_1529 = vector.shape_cast %swap3A_1528 : vector<1x16xi32> to vector<16xi32>
    %swap3A_1530 = vector.shape_cast %get3A_1524 : vector<16xi32> to vector<1x16xi32>
    tpu.vector_store %arg13[%swap3A_1526, %swap3A_1527], %swap3A_1530 {strides = array<i32>} : memref<32x128xi32, #tpu.memory_space<vmem>>, vector<1x16xi32>,
    %get3A_1531 = arith.constant 68 : i32
    %get3A_1532 = arith.index_cast %get3A_1531 : i32 to index
    %get3A_1533 = arith.constant 0 : index
    %get3A_1534 = tpu.vector_load %arg12[%get3A_1532, %get3A_1533] {strides = array<i32>} : memref<128x32xi32, #tpu.memory_space<vmem>>, vector<1x16xi32>,
    %get3A_1535 = vector.shape_cast %get3A_1534 : vector<1x16xi32> to vector<16xi32>
    %swap3A_1536 = arith.constant 17 : i32
    %swap3A_1537 = arith.index_cast %swap3A_1536 : i32 to index
    %swap3A_1538 = arith.constant 0 : index
    %swap3A_1539 = tpu.vector_load %arg13[%swap3A_1537, %swap3A_1538] {strides = array<i32>} : memref<32x128xi32, #tpu.memory_space<vmem>>, vector<1x16xi32>,
    %swap3A_1540 = vector.shape_cast %swap3A_1539 : vector<1x16xi32> to vector<16xi32>
    %swap3A_1541 = vector.shape_cast %get3A_1535 : vector<16xi32> to vector<1x16xi32>
    tpu.vector_store %arg13[%swap3A_1537, %swap3A_1538], %swap3A_1541 {strides = array<i32>} : memref<32x128xi32, #tpu.memory_space<vmem>>, vector<1x16xi32>,
    %get3A_1542 = arith.constant 68 : i32
    %get3A_1543 = arith.index_cast %get3A_1542 : i32 to index
    %get3A_1544 = arith.constant 16 : index
    %get3A_1545 = tpu.vector_load %arg12[%get3A_1543, %get3A_1544] {strides = array<i32>} : memref<128x32xi32, #tpu.memory_space<vmem>>, vector<1x16xi32>,
    %get3A_1546 = vector.shape_cast %get3A_1545 : vector<1x16xi32> to vector<16xi32>
    %swap3A_1547 = arith.constant 17 : i32
    %swap3A_1548 = arith.index_cast %swap3A_1547 : i32 to index
    %swap3A_1549 = arith.constant 16 : index
    %swap3A_1550 = tpu.vector_load %arg13[%swap3A_1548, %swap3A_1549] {strides = array<i32>} : memref<32x128xi32, #tpu.memory_space<vmem>>, vector<1x16xi32>,
    %swap3A_1551 = vector.shape_cast %swap3A_1550 : vector<1x16xi32> to vector<16xi32>
    %swap3A_1552 = vector.shape_cast %get3A_1546 : vector<16xi32> to vector<1x16xi32>
    tpu.vector_store %arg13[%swap3A_1548, %swap3A_1549], %swap3A_1552 {strides = array<i32>} : memref<32x128xi32, #tpu.memory_space<vmem>>, vector<1x16xi32>,
    %get3A_1553 = arith.constant 69 : i32
    %get3A_1554 = arith.index_cast %get3A_1553 : i32 to index
    %get3A_1555 = arith.constant 0 : index
    %get3A_1556 = tpu.vector_load %arg12[%get3A_1554, %get3A_1555] {strides = array<i32>} : memref<128x32xi32, #tpu.memory_space<vmem>>, vector<1x16xi32>,
    %get3A_1557 = vector.shape_cast %get3A_1556 : vector<1x16xi32> to vector<16xi32>
    %swap3A_1558 = arith.constant 17 : i32
    %swap3A_1559 = arith.index_cast %swap3A_1558 : i32 to index
    %swap3A_1560 = arith.constant 32 : index
    %swap3A_1561 = tpu.vector_load %arg13[%swap3A_1559, %swap3A_1560] {strides = array<i32>} : memref<32x128xi32, #tpu.memory_space<vmem>>, vector<1x16xi32>,
    %swap3A_1562 = vector.shape_cast %swap3A_1561 : vector<1x16xi32> to vector<16xi32>
    %swap3A_1563 = vector.shape_cast %get3A_1557 : vector<16xi32> to vector<1x16xi32>
    tpu.vector_store %arg13[%swap3A_1559, %swap3A_1560], %swap3A_1563 {strides = array<i32>} : memref<32x128xi32, #tpu.memory_space<vmem>>, vector<1x16xi32>,
    %get3A_1564 = arith.constant 69 : i32
    %get3A_1565 = arith.index_cast %get3A_1564 : i32 to index
    %get3A_1566 = arith.constant 16 : index
    %get3A_1567 = tpu.vector_load %arg12[%get3A_1565, %get3A_1566] {strides = array<i32>} : memref<128x32xi32, #tpu.memory_space<vmem>>, vector<1x16xi32>,
    %get3A_1568 = vector.shape_cast %get3A_1567 : vector<1x16xi32> to vector<16xi32>
    %swap3A_1569 = arith.constant 17 : i32
    %swap3A_1570 = arith.index_cast %swap3A_1569 : i32 to index
    %swap3A_1571 = arith.constant 48 : index
    %swap3A_1572 = tpu.vector_load %arg13[%swap3A_1570, %swap3A_1571] {strides = array<i32>} : memref<32x128xi32, #tpu.memory_space<vmem>>, vector<1x16xi32>,
    %swap3A_1573 = vector.shape_cast %swap3A_1572 : vector<1x16xi32> to vector<16xi32>
    %swap3A_1574 = vector.shape_cast %get3A_1568 : vector<16xi32> to vector<1x16xi32>
    tpu.vector_store %arg13[%swap3A_1570, %swap3A_1571], %swap3A_1574 {strides = array<i32>} : memref<32x128xi32, #tpu.memory_space<vmem>>, vector<1x16xi32>,
    %get3A_1575 = arith.constant 70 : i32
    %get3A_1576 = arith.index_cast %get3A_1575 : i32 to index
    %get3A_1577 = arith.constant 0 : index
    %get3A_1578 = tpu.vector_load %arg12[%get3A_1576, %get3A_1577] {strides = array<i32>} : memref<128x32xi32, #tpu.memory_space<vmem>>, vector<1x16xi32>,
    %get3A_1579 = vector.shape_cast %get3A_1578 : vector<1x16xi32> to vector<16xi32>
    %swap3A_1580 = arith.constant 17 : i32
    %swap3A_1581 = arith.index_cast %swap3A_1580 : i32 to index
    %swap3A_1582 = arith.constant 64 : index
    %swap3A_1583 = tpu.vector_load %arg13[%swap3A_1581, %swap3A_1582] {strides = array<i32>} : memref<32x128xi32, #tpu.memory_space<vmem>>, vector<1x16xi32>,
    %swap3A_1584 = vector.shape_cast %swap3A_1583 : vector<1x16xi32> to vector<16xi32>
    %swap3A_1585 = vector.shape_cast %get3A_1579 : vector<16xi32> to vector<1x16xi32>
    tpu.vector_store %arg13[%swap3A_1581, %swap3A_1582], %swap3A_1585 {strides = array<i32>} : memref<32x128xi32, #tpu.memory_space<vmem>>, vector<1x16xi32>,
    %get3A_1586 = arith.constant 70 : i32
    %get3A_1587 = arith.index_cast %get3A_1586 : i32 to index
    %get3A_1588 = arith.constant 16 : index
    %get3A_1589 = tpu.vector_load %arg12[%get3A_1587, %get3A_1588] {strides = array<i32>} : memref<128x32xi32, #tpu.memory_space<vmem>>, vector<1x16xi32>,
    %get3A_1590 = vector.shape_cast %get3A_1589 : vector<1x16xi32> to vector<16xi32>
    %swap3A_1591 = arith.constant 17 : i32
    %swap3A_1592 = arith.index_cast %swap3A_1591 : i32 to index
    %swap3A_1593 = arith.constant 80 : index
    %swap3A_1594 = tpu.vector_load %arg13[%swap3A_1592, %swap3A_1593] {strides = array<i32>} : memref<32x128xi32, #tpu.memory_space<vmem>>, vector<1x16xi32>,
    %swap3A_1595 = vector.shape_cast %swap3A_1594 : vector<1x16xi32> to vector<16xi32>
    %swap3A_1596 = vector.shape_cast %get3A_1590 : vector<16xi32> to vector<1x16xi32>
    tpu.vector_store %arg13[%swap3A_1592, %swap3A_1593], %swap3A_1596 {strides = array<i32>} : memref<32x128xi32, #tpu.memory_space<vmem>>, vector<1x16xi32>,
    %get3A_1597 = arith.constant 71 : i32
    %get3A_1598 = arith.index_cast %get3A_1597 : i32 to index
    %get3A_1599 = arith.constant 0 : index
    %get3A_1600 = tpu.vector_load %arg12[%get3A_1598, %get3A_1599] {strides = array<i32>} : memref<128x32xi32, #tpu.memory_space<vmem>>, vector<1x16xi32>,
    %get3A_1601 = vector.shape_cast %get3A_1600 : vector<1x16xi32> to vector<16xi32>
    %swap3A_1602 = arith.constant 17 : i32
    %swap3A_1603 = arith.index_cast %swap3A_1602 : i32 to index
    %swap3A_1604 = arith.constant 96 : index
    %swap3A_1605 = tpu.vector_load %arg13[%swap3A_1603, %swap3A_1604] {strides = array<i32>} : memref<32x128xi32, #tpu.memory_space<vmem>>, vector<1x16xi32>,
    %swap3A_1606 = vector.shape_cast %swap3A_1605 : vector<1x16xi32> to vector<16xi32>
    %swap3A_1607 = vector.shape_cast %get3A_1601 : vector<16xi32> to vector<1x16xi32>
    tpu.vector_store %arg13[%swap3A_1603, %swap3A_1604], %swap3A_1607 {strides = array<i32>} : memref<32x128xi32, #tpu.memory_space<vmem>>, vector<1x16xi32>,
    %get3A_1608 = arith.constant 71 : i32
    %get3A_1609 = arith.index_cast %get3A_1608 : i32 to index
    %get3A_1610 = arith.constant 16 : index
    %get3A_1611 = tpu.vector_load %arg12[%get3A_1609, %get3A_1610] {strides = array<i32>} : memref<128x32xi32, #tpu.memory_space<vmem>>, vector<1x16xi32>,
    %get3A_1612 = vector.shape_cast %get3A_1611 : vector<1x16xi32> to vector<16xi32>
    %swap3A_1613 = arith.constant 17 : i32
    %swap3A_1614 = arith.index_cast %swap3A_1613 : i32 to index
    %swap3A_1615 = arith.constant 112 : index
    %swap3A_1616 = tpu.vector_load %arg13[%swap3A_1614, %swap3A_1615] {strides = array<i32>} : memref<32x128xi32, #tpu.memory_space<vmem>>, vector<1x16xi32>,
    %swap3A_1617 = vector.shape_cast %swap3A_1616 : vector<1x16xi32> to vector<16xi32>
    %swap3A_1618 = vector.shape_cast %get3A_1612 : vector<16xi32> to vector<1x16xi32>
    tpu.vector_store %arg13[%swap3A_1614, %swap3A_1615], %swap3A_1618 {strides = array<i32>} : memref<32x128xi32, #tpu.memory_space<vmem>>, vector<1x16xi32>,
    %get3A_1619 = arith.constant 72 : i32
    %get3A_1620 = arith.index_cast %get3A_1619 : i32 to index
    %get3A_1621 = arith.constant 0 : index
    %get3A_1622 = tpu.vector_load %arg12[%get3A_1620, %get3A_1621] {strides = array<i32>} : memref<128x32xi32, #tpu.memory_space<vmem>>, vector<1x16xi32>,
    %get3A_1623 = vector.shape_cast %get3A_1622 : vector<1x16xi32> to vector<16xi32>
    %swap3A_1624 = arith.constant 18 : i32
    %swap3A_1625 = arith.index_cast %swap3A_1624 : i32 to index
    %swap3A_1626 = arith.constant 0 : index
    %swap3A_1627 = tpu.vector_load %arg13[%swap3A_1625, %swap3A_1626] {strides = array<i32>} : memref<32x128xi32, #tpu.memory_space<vmem>>, vector<1x16xi32>,
    %swap3A_1628 = vector.shape_cast %swap3A_1627 : vector<1x16xi32> to vector<16xi32>
    %swap3A_1629 = vector.shape_cast %get3A_1623 : vector<16xi32> to vector<1x16xi32>
    tpu.vector_store %arg13[%swap3A_1625, %swap3A_1626], %swap3A_1629 {strides = array<i32>} : memref<32x128xi32, #tpu.memory_space<vmem>>, vector<1x16xi32>,
    %get3A_1630 = arith.constant 72 : i32
    %get3A_1631 = arith.index_cast %get3A_1630 : i32 to index
    %get3A_1632 = arith.constant 16 : index
    %get3A_1633 = tpu.vector_load %arg12[%get3A_1631, %get3A_1632] {strides = array<i32>} : memref<128x32xi32, #tpu.memory_space<vmem>>, vector<1x16xi32>,
    %get3A_1634 = vector.shape_cast %get3A_1633 : vector<1x16xi32> to vector<16xi32>
    %swap3A_1635 = arith.constant 18 : i32
    %swap3A_1636 = arith.index_cast %swap3A_1635 : i32 to index
    %swap3A_1637 = arith.constant 16 : index
    %swap3A_1638 = tpu.vector_load %arg13[%swap3A_1636, %swap3A_1637] {strides = array<i32>} : memref<32x128xi32, #tpu.memory_space<vmem>>, vector<1x16xi32>,
    %swap3A_1639 = vector.shape_cast %swap3A_1638 : vector<1x16xi32> to vector<16xi32>
    %swap3A_1640 = vector.shape_cast %get3A_1634 : vector<16xi32> to vector<1x16xi32>
    tpu.vector_store %arg13[%swap3A_1636, %swap3A_1637], %swap3A_1640 {strides = array<i32>} : memref<32x128xi32, #tpu.memory_space<vmem>>, vector<1x16xi32>,
    %get3A_1641 = arith.constant 73 : i32
    %get3A_1642 = arith.index_cast %get3A_1641 : i32 to index
    %get3A_1643 = arith.constant 0 : index
    %get3A_1644 = tpu.vector_load %arg12[%get3A_1642, %get3A_1643] {strides = array<i32>} : memref<128x32xi32, #tpu.memory_space<vmem>>, vector<1x16xi32>,
    %get3A_1645 = vector.shape_cast %get3A_1644 : vector<1x16xi32> to vector<16xi32>
    %swap3A_1646 = arith.constant 18 : i32
    %swap3A_1647 = arith.index_cast %swap3A_1646 : i32 to index
    %swap3A_1648 = arith.constant 32 : index
    %swap3A_1649 = tpu.vector_load %arg13[%swap3A_1647, %swap3A_1648] {strides = array<i32>} : memref<32x128xi32, #tpu.memory_space<vmem>>, vector<1x16xi32>,
    %swap3A_1650 = vector.shape_cast %swap3A_1649 : vector<1x16xi32> to vector<16xi32>
    %swap3A_1651 = vector.shape_cast %get3A_1645 : vector<16xi32> to vector<1x16xi32>
    tpu.vector_store %arg13[%swap3A_1647, %swap3A_1648], %swap3A_1651 {strides = array<i32>} : memref<32x128xi32, #tpu.memory_space<vmem>>, vector<1x16xi32>,
    %get3A_1652 = arith.constant 73 : i32
    %get3A_1653 = arith.index_cast %get3A_1652 : i32 to index
    %get3A_1654 = arith.constant 16 : index
    %get3A_1655 = tpu.vector_load %arg12[%get3A_1653, %get3A_1654] {strides = array<i32>} : memref<128x32xi32, #tpu.memory_space<vmem>>, vector<1x16xi32>,
    %get3A_1656 = vector.shape_cast %get3A_1655 : vector<1x16xi32> to vector<16xi32>
    %swap3A_1657 = arith.constant 18 : i32
    %swap3A_1658 = arith.index_cast %swap3A_1657 : i32 to index
    %swap3A_1659 = arith.constant 48 : index
    %swap3A_1660 = tpu.vector_load %arg13[%swap3A_1658, %swap3A_1659] {strides = array<i32>} : memref<32x128xi32, #tpu.memory_space<vmem>>, vector<1x16xi32>,
    %swap3A_1661 = vector.shape_cast %swap3A_1660 : vector<1x16xi32> to vector<16xi32>
    %swap3A_1662 = vector.shape_cast %get3A_1656 : vector<16xi32> to vector<1x16xi32>
    tpu.vector_store %arg13[%swap3A_1658, %swap3A_1659], %swap3A_1662 {strides = array<i32>} : memref<32x128xi32, #tpu.memory_space<vmem>>, vector<1x16xi32>,
    %get3A_1663 = arith.constant 74 : i32
    %get3A_1664 = arith.index_cast %get3A_1663 : i32 to index
    %get3A_1665 = arith.constant 0 : index
    %get3A_1666 = tpu.vector_load %arg12[%get3A_1664, %get3A_1665] {strides = array<i32>} : memref<128x32xi32, #tpu.memory_space<vmem>>, vector<1x16xi32>,
    %get3A_1667 = vector.shape_cast %get3A_1666 : vector<1x16xi32> to vector<16xi32>
    %swap3A_1668 = arith.constant 18 : i32
    %swap3A_1669 = arith.index_cast %swap3A_1668 : i32 to index
    %swap3A_1670 = arith.constant 64 : index
    %swap3A_1671 = tpu.vector_load %arg13[%swap3A_1669, %swap3A_1670] {strides = array<i32>} : memref<32x128xi32, #tpu.memory_space<vmem>>, vector<1x16xi32>,
    %swap3A_1672 = vector.shape_cast %swap3A_1671 : vector<1x16xi32> to vector<16xi32>
    %swap3A_1673 = vector.shape_cast %get3A_1667 : vector<16xi32> to vector<1x16xi32>
    tpu.vector_store %arg13[%swap3A_1669, %swap3A_1670], %swap3A_1673 {strides = array<i32>} : memref<32x128xi32, #tpu.memory_space<vmem>>, vector<1x16xi32>,
    %get3A_1674 = arith.constant 74 : i32
    %get3A_1675 = arith.index_cast %get3A_1674 : i32 to index
    %get3A_1676 = arith.constant 16 : index
    %get3A_1677 = tpu.vector_load %arg12[%get3A_1675, %get3A_1676] {strides = array<i32>} : memref<128x32xi32, #tpu.memory_space<vmem>>, vector<1x16xi32>,
    %get3A_1678 = vector.shape_cast %get3A_1677 : vector<1x16xi32> to vector<16xi32>
    %swap3A_1679 = arith.constant 18 : i32
    %swap3A_1680 = arith.index_cast %swap3A_1679 : i32 to index
    %swap3A_1681 = arith.constant 80 : index
    %swap3A_1682 = tpu.vector_load %arg13[%swap3A_1680, %swap3A_1681] {strides = array<i32>} : memref<32x128xi32, #tpu.memory_space<vmem>>, vector<1x16xi32>,
    %swap3A_1683 = vector.shape_cast %swap3A_1682 : vector<1x16xi32> to vector<16xi32>
    %swap3A_1684 = vector.shape_cast %get3A_1678 : vector<16xi32> to vector<1x16xi32>
    tpu.vector_store %arg13[%swap3A_1680, %swap3A_1681], %swap3A_1684 {strides = array<i32>} : memref<32x128xi32, #tpu.memory_space<vmem>>, vector<1x16xi32>,
    %get3A_1685 = arith.constant 75 : i32
    %get3A_1686 = arith.index_cast %get3A_1685 : i32 to index
    %get3A_1687 = arith.constant 0 : index
    %get3A_1688 = tpu.vector_load %arg12[%get3A_1686, %get3A_1687] {strides = array<i32>} : memref<128x32xi32, #tpu.memory_space<vmem>>, vector<1x16xi32>,
    %get3A_1689 = vector.shape_cast %get3A_1688 : vector<1x16xi32> to vector<16xi32>
    %swap3A_1690 = arith.constant 18 : i32
    %swap3A_1691 = arith.index_cast %swap3A_1690 : i32 to index
    %swap3A_1692 = arith.constant 96 : index
    %swap3A_1693 = tpu.vector_load %arg13[%swap3A_1691, %swap3A_1692] {strides = array<i32>} : memref<32x128xi32, #tpu.memory_space<vmem>>, vector<1x16xi32>,
    %swap3A_1694 = vector.shape_cast %swap3A_1693 : vector<1x16xi32> to vector<16xi32>
    %swap3A_1695 = vector.shape_cast %get3A_1689 : vector<16xi32> to vector<1x16xi32>
    tpu.vector_store %arg13[%swap3A_1691, %swap3A_1692], %swap3A_1695 {strides = array<i32>} : memref<32x128xi32, #tpu.memory_space<vmem>>, vector<1x16xi32>,
    %get3A_1696 = arith.constant 75 : i32
    %get3A_1697 = arith.index_cast %get3A_1696 : i32 to index
    %get3A_1698 = arith.constant 16 : index
    %get3A_1699 = tpu.vector_load %arg12[%get3A_1697, %get3A_1698] {strides = array<i32>} : memref<128x32xi32, #tpu.memory_space<vmem>>, vector<1x16xi32>,
    %get3A_1700 = vector.shape_cast %get3A_1699 : vector<1x16xi32> to vector<16xi32>
    %swap3A_1701 = arith.constant 18 : i32
    %swap3A_1702 = arith.index_cast %swap3A_1701 : i32 to index
    %swap3A_1703 = arith.constant 112 : index
    %swap3A_1704 = tpu.vector_load %arg13[%swap3A_1702, %swap3A_1703] {strides = array<i32>} : memref<32x128xi32, #tpu.memory_space<vmem>>, vector<1x16xi32>,
    %swap3A_1705 = vector.shape_cast %swap3A_1704 : vector<1x16xi32> to vector<16xi32>
    %swap3A_1706 = vector.shape_cast %get3A_1700 : vector<16xi32> to vector<1x16xi32>
    tpu.vector_store %arg13[%swap3A_1702, %swap3A_1703], %swap3A_1706 {strides = array<i32>} : memref<32x128xi32, #tpu.memory_space<vmem>>, vector<1x16xi32>,
    %get3A_1707 = arith.constant 76 : i32
    %get3A_1708 = arith.index_cast %get3A_1707 : i32 to index
    %get3A_1709 = arith.constant 0 : index
    %get3A_1710 = tpu.vector_load %arg12[%get3A_1708, %get3A_1709] {strides = array<i32>} : memref<128x32xi32, #tpu.memory_space<vmem>>, vector<1x16xi32>,
    %get3A_1711 = vector.shape_cast %get3A_1710 : vector<1x16xi32> to vector<16xi32>
    %swap3A_1712 = arith.constant 19 : i32
    %swap3A_1713 = arith.index_cast %swap3A_1712 : i32 to index
    %swap3A_1714 = arith.constant 0 : index
    %swap3A_1715 = tpu.vector_load %arg13[%swap3A_1713, %swap3A_1714] {strides = array<i32>} : memref<32x128xi32, #tpu.memory_space<vmem>>, vector<1x16xi32>,
    %swap3A_1716 = vector.shape_cast %swap3A_1715 : vector<1x16xi32> to vector<16xi32>
    %swap3A_1717 = vector.shape_cast %get3A_1711 : vector<16xi32> to vector<1x16xi32>
    tpu.vector_store %arg13[%swap3A_1713, %swap3A_1714], %swap3A_1717 {strides = array<i32>} : memref<32x128xi32, #tpu.memory_space<vmem>>, vector<1x16xi32>,
    %get3A_1718 = arith.constant 76 : i32
    %get3A_1719 = arith.index_cast %get3A_1718 : i32 to index
    %get3A_1720 = arith.constant 16 : index
    %get3A_1721 = tpu.vector_load %arg12[%get3A_1719, %get3A_1720] {strides = array<i32>} : memref<128x32xi32, #tpu.memory_space<vmem>>, vector<1x16xi32>,
    %get3A_1722 = vector.shape_cast %get3A_1721 : vector<1x16xi32> to vector<16xi32>
    %swap3A_1723 = arith.constant 19 : i32
    %swap3A_1724 = arith.index_cast %swap3A_1723 : i32 to index
    %swap3A_1725 = arith.constant 16 : index
    %swap3A_1726 = tpu.vector_load %arg13[%swap3A_1724, %swap3A_1725] {strides = array<i32>} : memref<32x128xi32, #tpu.memory_space<vmem>>, vector<1x16xi32>,
    %swap3A_1727 = vector.shape_cast %swap3A_1726 : vector<1x16xi32> to vector<16xi32>
    %swap3A_1728 = vector.shape_cast %get3A_1722 : vector<16xi32> to vector<1x16xi32>
    tpu.vector_store %arg13[%swap3A_1724, %swap3A_1725], %swap3A_1728 {strides = array<i32>} : memref<32x128xi32, #tpu.memory_space<vmem>>, vector<1x16xi32>,
    %get3A_1729 = arith.constant 77 : i32
    %get3A_1730 = arith.index_cast %get3A_1729 : i32 to index
    %get3A_1731 = arith.constant 0 : index
    %get3A_1732 = tpu.vector_load %arg12[%get3A_1730, %get3A_1731] {strides = array<i32>} : memref<128x32xi32, #tpu.memory_space<vmem>>, vector<1x16xi32>,
    %get3A_1733 = vector.shape_cast %get3A_1732 : vector<1x16xi32> to vector<16xi32>
    %swap3A_1734 = arith.constant 19 : i32
    %swap3A_1735 = arith.index_cast %swap3A_1734 : i32 to index
    %swap3A_1736 = arith.constant 32 : index
    %swap3A_1737 = tpu.vector_load %arg13[%swap3A_1735, %swap3A_1736] {strides = array<i32>} : memref<32x128xi32, #tpu.memory_space<vmem>>, vector<1x16xi32>,
    %swap3A_1738 = vector.shape_cast %swap3A_1737 : vector<1x16xi32> to vector<16xi32>
    %swap3A_1739 = vector.shape_cast %get3A_1733 : vector<16xi32> to vector<1x16xi32>
    tpu.vector_store %arg13[%swap3A_1735, %swap3A_1736], %swap3A_1739 {strides = array<i32>} : memref<32x128xi32, #tpu.memory_space<vmem>>, vector<1x16xi32>,
    %get3A_1740 = arith.constant 77 : i32
    %get3A_1741 = arith.index_cast %get3A_1740 : i32 to index
    %get3A_1742 = arith.constant 16 : index
    %get3A_1743 = tpu.vector_load %arg12[%get3A_1741, %get3A_1742] {strides = array<i32>} : memref<128x32xi32, #tpu.memory_space<vmem>>, vector<1x16xi32>,
    %get3A_1744 = vector.shape_cast %get3A_1743 : vector<1x16xi32> to vector<16xi32>
    %swap3A_1745 = arith.constant 19 : i32
    %swap3A_1746 = arith.index_cast %swap3A_1745 : i32 to index
    %swap3A_1747 = arith.constant 48 : index
    %swap3A_1748 = tpu.vector_load %arg13[%swap3A_1746, %swap3A_1747] {strides = array<i32>} : memref<32x128xi32, #tpu.memory_space<vmem>>, vector<1x16xi32>,
    %swap3A_1749 = vector.shape_cast %swap3A_1748 : vector<1x16xi32> to vector<16xi32>
    %swap3A_1750 = vector.shape_cast %get3A_1744 : vector<16xi32> to vector<1x16xi32>
    tpu.vector_store %arg13[%swap3A_1746, %swap3A_1747], %swap3A_1750 {strides = array<i32>} : memref<32x128xi32, #tpu.memory_space<vmem>>, vector<1x16xi32>,
    %get3A_1751 = arith.constant 78 : i32
    %get3A_1752 = arith.index_cast %get3A_1751 : i32 to index
    %get3A_1753 = arith.constant 0 : index
    %get3A_1754 = tpu.vector_load %arg12[%get3A_1752, %get3A_1753] {strides = array<i32>} : memref<128x32xi32, #tpu.memory_space<vmem>>, vector<1x16xi32>,
    %get3A_1755 = vector.shape_cast %get3A_1754 : vector<1x16xi32> to vector<16xi32>
    %swap3A_1756 = arith.constant 19 : i32
    %swap3A_1757 = arith.index_cast %swap3A_1756 : i32 to index
    %swap3A_1758 = arith.constant 64 : index
    %swap3A_1759 = tpu.vector_load %arg13[%swap3A_1757, %swap3A_1758] {strides = array<i32>} : memref<32x128xi32, #tpu.memory_space<vmem>>, vector<1x16xi32>,
    %swap3A_1760 = vector.shape_cast %swap3A_1759 : vector<1x16xi32> to vector<16xi32>
    %swap3A_1761 = vector.shape_cast %get3A_1755 : vector<16xi32> to vector<1x16xi32>
    tpu.vector_store %arg13[%swap3A_1757, %swap3A_1758], %swap3A_1761 {strides = array<i32>} : memref<32x128xi32, #tpu.memory_space<vmem>>, vector<1x16xi32>,
    %get3A_1762 = arith.constant 78 : i32
    %get3A_1763 = arith.index_cast %get3A_1762 : i32 to index
    %get3A_1764 = arith.constant 16 : index
    %get3A_1765 = tpu.vector_load %arg12[%get3A_1763, %get3A_1764] {strides = array<i32>} : memref<128x32xi32, #tpu.memory_space<vmem>>, vector<1x16xi32>,
    %get3A_1766 = vector.shape_cast %get3A_1765 : vector<1x16xi32> to vector<16xi32>
    %swap3A_1767 = arith.constant 19 : i32
    %swap3A_1768 = arith.index_cast %swap3A_1767 : i32 to index
    %swap3A_1769 = arith.constant 80 : index
    %swap3A_1770 = tpu.vector_load %arg13[%swap3A_1768, %swap3A_1769] {strides = array<i32>} : memref<32x128xi32, #tpu.memory_space<vmem>>, vector<1x16xi32>,
    %swap3A_1771 = vector.shape_cast %swap3A_1770 : vector<1x16xi32> to vector<16xi32>
    %swap3A_1772 = vector.shape_cast %get3A_1766 : vector<16xi32> to vector<1x16xi32>
    tpu.vector_store %arg13[%swap3A_1768, %swap3A_1769], %swap3A_1772 {strides = array<i32>} : memref<32x128xi32, #tpu.memory_space<vmem>>, vector<1x16xi32>,
    %get3A_1773 = arith.constant 79 : i32
    %get3A_1774 = arith.index_cast %get3A_1773 : i32 to index
    %get3A_1775 = arith.constant 0 : index
    %get3A_1776 = tpu.vector_load %arg12[%get3A_1774, %get3A_1775] {strides = array<i32>} : memref<128x32xi32, #tpu.memory_space<vmem>>, vector<1x16xi32>,
    %get3A_1777 = vector.shape_cast %get3A_1776 : vector<1x16xi32> to vector<16xi32>
    %swap3A_1778 = arith.constant 19 : i32
    %swap3A_1779 = arith.index_cast %swap3A_1778 : i32 to index
    %swap3A_1780 = arith.constant 96 : index
    %swap3A_1781 = tpu.vector_load %arg13[%swap3A_1779, %swap3A_1780] {strides = array<i32>} : memref<32x128xi32, #tpu.memory_space<vmem>>, vector<1x16xi32>,
    %swap3A_1782 = vector.shape_cast %swap3A_1781 : vector<1x16xi32> to vector<16xi32>
    %swap3A_1783 = vector.shape_cast %get3A_1777 : vector<16xi32> to vector<1x16xi32>
    tpu.vector_store %arg13[%swap3A_1779, %swap3A_1780], %swap3A_1783 {strides = array<i32>} : memref<32x128xi32, #tpu.memory_space<vmem>>, vector<1x16xi32>,
    %get3A_1784 = arith.constant 79 : i32
    %get3A_1785 = arith.index_cast %get3A_1784 : i32 to index
    %get3A_1786 = arith.constant 16 : index
    %get3A_1787 = tpu.vector_load %arg12[%get3A_1785, %get3A_1786] {strides = array<i32>} : memref<128x32xi32, #tpu.memory_space<vmem>>, vector<1x16xi32>,
    %get3A_1788 = vector.shape_cast %get3A_1787 : vector<1x16xi32> to vector<16xi32>
    %swap3A_1789 = arith.constant 19 : i32
    %swap3A_1790 = arith.index_cast %swap3A_1789 : i32 to index
    %swap3A_1791 = arith.constant 112 : index
    %swap3A_1792 = tpu.vector_load %arg13[%swap3A_1790, %swap3A_1791] {strides = array<i32>} : memref<32x128xi32, #tpu.memory_space<vmem>>, vector<1x16xi32>,
    %swap3A_1793 = vector.shape_cast %swap3A_1792 : vector<1x16xi32> to vector<16xi32>
    %swap3A_1794 = vector.shape_cast %get3A_1788 : vector<16xi32> to vector<1x16xi32>
    tpu.vector_store %arg13[%swap3A_1790, %swap3A_1791], %swap3A_1794 {strides = array<i32>} : memref<32x128xi32, #tpu.memory_space<vmem>>, vector<1x16xi32>,
    %get3A_1795 = arith.constant 80 : i32
    %get3A_1796 = arith.index_cast %get3A_1795 : i32 to index
    %get3A_1797 = arith.constant 0 : index
    %get3A_1798 = tpu.vector_load %arg12[%get3A_1796, %get3A_1797] {strides = array<i32>} : memref<128x32xi32, #tpu.memory_space<vmem>>, vector<1x16xi32>,
    %get3A_1799 = vector.shape_cast %get3A_1798 : vector<1x16xi32> to vector<16xi32>
    %swap3A_1800 = arith.constant 20 : i32
    %swap3A_1801 = arith.index_cast %swap3A_1800 : i32 to index
    %swap3A_1802 = arith.constant 0 : index
    %swap3A_1803 = tpu.vector_load %arg13[%swap3A_1801, %swap3A_1802] {strides = array<i32>} : memref<32x128xi32, #tpu.memory_space<vmem>>, vector<1x16xi32>,
    %swap3A_1804 = vector.shape_cast %swap3A_1803 : vector<1x16xi32> to vector<16xi32>
    %swap3A_1805 = vector.shape_cast %get3A_1799 : vector<16xi32> to vector<1x16xi32>
    tpu.vector_store %arg13[%swap3A_1801, %swap3A_1802], %swap3A_1805 {strides = array<i32>} : memref<32x128xi32, #tpu.memory_space<vmem>>, vector<1x16xi32>,
    %get3A_1806 = arith.constant 80 : i32
    %get3A_1807 = arith.index_cast %get3A_1806 : i32 to index
    %get3A_1808 = arith.constant 16 : index
    %get3A_1809 = tpu.vector_load %arg12[%get3A_1807, %get3A_1808] {strides = array<i32>} : memref<128x32xi32, #tpu.memory_space<vmem>>, vector<1x16xi32>,
    %get3A_1810 = vector.shape_cast %get3A_1809 : vector<1x16xi32> to vector<16xi32>
    %swap3A_1811 = arith.constant 20 : i32
    %swap3A_1812 = arith.index_cast %swap3A_1811 : i32 to index
    %swap3A_1813 = arith.constant 16 : index
    %swap3A_1814 = tpu.vector_load %arg13[%swap3A_1812, %swap3A_1813] {strides = array<i32>} : memref<32x128xi32, #tpu.memory_space<vmem>>, vector<1x16xi32>,
    %swap3A_1815 = vector.shape_cast %swap3A_1814 : vector<1x16xi32> to vector<16xi32>
    %swap3A_1816 = vector.shape_cast %get3A_1810 : vector<16xi32> to vector<1x16xi32>
    tpu.vector_store %arg13[%swap3A_1812, %swap3A_1813], %swap3A_1816 {strides = array<i32>} : memref<32x128xi32, #tpu.memory_space<vmem>>, vector<1x16xi32>,
    %get3A_1817 = arith.constant 81 : i32
    %get3A_1818 = arith.index_cast %get3A_1817 : i32 to index
    %get3A_1819 = arith.constant 0 : index
    %get3A_1820 = tpu.vector_load %arg12[%get3A_1818, %get3A_1819] {strides = array<i32>} : memref<128x32xi32, #tpu.memory_space<vmem>>, vector<1x16xi32>,
    %get3A_1821 = vector.shape_cast %get3A_1820 : vector<1x16xi32> to vector<16xi32>
    %swap3A_1822 = arith.constant 20 : i32
    %swap3A_1823 = arith.index_cast %swap3A_1822 : i32 to index
    %swap3A_1824 = arith.constant 32 : index
    %swap3A_1825 = tpu.vector_load %arg13[%swap3A_1823, %swap3A_1824] {strides = array<i32>} : memref<32x128xi32, #tpu.memory_space<vmem>>, vector<1x16xi32>,
    %swap3A_1826 = vector.shape_cast %swap3A_1825 : vector<1x16xi32> to vector<16xi32>
    %swap3A_1827 = vector.shape_cast %get3A_1821 : vector<16xi32> to vector<1x16xi32>
    tpu.vector_store %arg13[%swap3A_1823, %swap3A_1824], %swap3A_1827 {strides = array<i32>} : memref<32x128xi32, #tpu.memory_space<vmem>>, vector<1x16xi32>,
    %get3A_1828 = arith.constant 81 : i32
    %get3A_1829 = arith.index_cast %get3A_1828 : i32 to index
    %get3A_1830 = arith.constant 16 : index
    %get3A_1831 = tpu.vector_load %arg12[%get3A_1829, %get3A_1830] {strides = array<i32>} : memref<128x32xi32, #tpu.memory_space<vmem>>, vector<1x16xi32>,
    %get3A_1832 = vector.shape_cast %get3A_1831 : vector<1x16xi32> to vector<16xi32>
    %swap3A_1833 = arith.constant 20 : i32
    %swap3A_1834 = arith.index_cast %swap3A_1833 : i32 to index
    %swap3A_1835 = arith.constant 48 : index
    %swap3A_1836 = tpu.vector_load %arg13[%swap3A_1834, %swap3A_1835] {strides = array<i32>} : memref<32x128xi32, #tpu.memory_space<vmem>>, vector<1x16xi32>,
    %swap3A_1837 = vector.shape_cast %swap3A_1836 : vector<1x16xi32> to vector<16xi32>
    %swap3A_1838 = vector.shape_cast %get3A_1832 : vector<16xi32> to vector<1x16xi32>
    tpu.vector_store %arg13[%swap3A_1834, %swap3A_1835], %swap3A_1838 {strides = array<i32>} : memref<32x128xi32, #tpu.memory_space<vmem>>, vector<1x16xi32>,
    %get3A_1839 = arith.constant 82 : i32
    %get3A_1840 = arith.index_cast %get3A_1839 : i32 to index
    %get3A_1841 = arith.constant 0 : index
    %get3A_1842 = tpu.vector_load %arg12[%get3A_1840, %get3A_1841] {strides = array<i32>} : memref<128x32xi32, #tpu.memory_space<vmem>>, vector<1x16xi32>,
    %get3A_1843 = vector.shape_cast %get3A_1842 : vector<1x16xi32> to vector<16xi32>
    %swap3A_1844 = arith.constant 20 : i32
    %swap3A_1845 = arith.index_cast %swap3A_1844 : i32 to index
    %swap3A_1846 = arith.constant 64 : index
    %swap3A_1847 = tpu.vector_load %arg13[%swap3A_1845, %swap3A_1846] {strides = array<i32>} : memref<32x128xi32, #tpu.memory_space<vmem>>, vector<1x16xi32>,
    %swap3A_1848 = vector.shape_cast %swap3A_1847 : vector<1x16xi32> to vector<16xi32>
    %swap3A_1849 = vector.shape_cast %get3A_1843 : vector<16xi32> to vector<1x16xi32>
    tpu.vector_store %arg13[%swap3A_1845, %swap3A_1846], %swap3A_1849 {strides = array<i32>} : memref<32x128xi32, #tpu.memory_space<vmem>>, vector<1x16xi32>,
    %get3A_1850 = arith.constant 82 : i32
    %get3A_1851 = arith.index_cast %get3A_1850 : i32 to index
    %get3A_1852 = arith.constant 16 : index
    %get3A_1853 = tpu.vector_load %arg12[%get3A_1851, %get3A_1852] {strides = array<i32>} : memref<128x32xi32, #tpu.memory_space<vmem>>, vector<1x16xi32>,
    %get3A_1854 = vector.shape_cast %get3A_1853 : vector<1x16xi32> to vector<16xi32>
    %swap3A_1855 = arith.constant 20 : i32
    %swap3A_1856 = arith.index_cast %swap3A_1855 : i32 to index
    %swap3A_1857 = arith.constant 80 : index
    %swap3A_1858 = tpu.vector_load %arg13[%swap3A_1856, %swap3A_1857] {strides = array<i32>} : memref<32x128xi32, #tpu.memory_space<vmem>>, vector<1x16xi32>,
    %swap3A_1859 = vector.shape_cast %swap3A_1858 : vector<1x16xi32> to vector<16xi32>
    %swap3A_1860 = vector.shape_cast %get3A_1854 : vector<16xi32> to vector<1x16xi32>
    tpu.vector_store %arg13[%swap3A_1856, %swap3A_1857], %swap3A_1860 {strides = array<i32>} : memref<32x128xi32, #tpu.memory_space<vmem>>, vector<1x16xi32>,
    %get3A_1861 = arith.constant 83 : i32
    %get3A_1862 = arith.index_cast %get3A_1861 : i32 to index
    %get3A_1863 = arith.constant 0 : index
    %get3A_1864 = tpu.vector_load %arg12[%get3A_1862, %get3A_1863] {strides = array<i32>} : memref<128x32xi32, #tpu.memory_space<vmem>>, vector<1x16xi32>,
    %get3A_1865 = vector.shape_cast %get3A_1864 : vector<1x16xi32> to vector<16xi32>
    %swap3A_1866 = arith.constant 20 : i32
    %swap3A_1867 = arith.index_cast %swap3A_1866 : i32 to index
    %swap3A_1868 = arith.constant 96 : index
    %swap3A_1869 = tpu.vector_load %arg13[%swap3A_1867, %swap3A_1868] {strides = array<i32>} : memref<32x128xi32, #tpu.memory_space<vmem>>, vector<1x16xi32>,
    %swap3A_1870 = vector.shape_cast %swap3A_1869 : vector<1x16xi32> to vector<16xi32>
    %swap3A_1871 = vector.shape_cast %get3A_1865 : vector<16xi32> to vector<1x16xi32>
    tpu.vector_store %arg13[%swap3A_1867, %swap3A_1868], %swap3A_1871 {strides = array<i32>} : memref<32x128xi32, #tpu.memory_space<vmem>>, vector<1x16xi32>,
    %get3A_1872 = arith.constant 83 : i32
    %get3A_1873 = arith.index_cast %get3A_1872 : i32 to index
    %get3A_1874 = arith.constant 16 : index
    %get3A_1875 = tpu.vector_load %arg12[%get3A_1873, %get3A_1874] {strides = array<i32>} : memref<128x32xi32, #tpu.memory_space<vmem>>, vector<1x16xi32>,
    %get3A_1876 = vector.shape_cast %get3A_1875 : vector<1x16xi32> to vector<16xi32>
    %swap3A_1877 = arith.constant 20 : i32
    %swap3A_1878 = arith.index_cast %swap3A_1877 : i32 to index
    %swap3A_1879 = arith.constant 112 : index
    %swap3A_1880 = tpu.vector_load %arg13[%swap3A_1878, %swap3A_1879] {strides = array<i32>} : memref<32x128xi32, #tpu.memory_space<vmem>>, vector<1x16xi32>,
    %swap3A_1881 = vector.shape_cast %swap3A_1880 : vector<1x16xi32> to vector<16xi32>
    %swap3A_1882 = vector.shape_cast %get3A_1876 : vector<16xi32> to vector<1x16xi32>
    tpu.vector_store %arg13[%swap3A_1878, %swap3A_1879], %swap3A_1882 {strides = array<i32>} : memref<32x128xi32, #tpu.memory_space<vmem>>, vector<1x16xi32>,
    %get3A_1883 = arith.constant 84 : i32
    %get3A_1884 = arith.index_cast %get3A_1883 : i32 to index
    %get3A_1885 = arith.constant 0 : index
    %get3A_1886 = tpu.vector_load %arg12[%get3A_1884, %get3A_1885] {strides = array<i32>} : memref<128x32xi32, #tpu.memory_space<vmem>>, vector<1x16xi32>,
    %get3A_1887 = vector.shape_cast %get3A_1886 : vector<1x16xi32> to vector<16xi32>
    %swap3A_1888 = arith.constant 21 : i32
    %swap3A_1889 = arith.index_cast %swap3A_1888 : i32 to index
    %swap3A_1890 = arith.constant 0 : index
    %swap3A_1891 = tpu.vector_load %arg13[%swap3A_1889, %swap3A_1890] {strides = array<i32>} : memref<32x128xi32, #tpu.memory_space<vmem>>, vector<1x16xi32>,
    %swap3A_1892 = vector.shape_cast %swap3A_1891 : vector<1x16xi32> to vector<16xi32>
    %swap3A_1893 = vector.shape_cast %get3A_1887 : vector<16xi32> to vector<1x16xi32>
    tpu.vector_store %arg13[%swap3A_1889, %swap3A_1890], %swap3A_1893 {strides = array<i32>} : memref<32x128xi32, #tpu.memory_space<vmem>>, vector<1x16xi32>,
    %get3A_1894 = arith.constant 84 : i32
    %get3A_1895 = arith.index_cast %get3A_1894 : i32 to index
    %get3A_1896 = arith.constant 16 : index
    %get3A_1897 = tpu.vector_load %arg12[%get3A_1895, %get3A_1896] {strides = array<i32>} : memref<128x32xi32, #tpu.memory_space<vmem>>, vector<1x16xi32>,
    %get3A_1898 = vector.shape_cast %get3A_1897 : vector<1x16xi32> to vector<16xi32>
    %swap3A_1899 = arith.constant 21 : i32
    %swap3A_1900 = arith.index_cast %swap3A_1899 : i32 to index
    %swap3A_1901 = arith.constant 16 : index
    %swap3A_1902 = tpu.vector_load %arg13[%swap3A_1900, %swap3A_1901] {strides = array<i32>} : memref<32x128xi32, #tpu.memory_space<vmem>>, vector<1x16xi32>,
    %swap3A_1903 = vector.shape_cast %swap3A_1902 : vector<1x16xi32> to vector<16xi32>
    %swap3A_1904 = vector.shape_cast %get3A_1898 : vector<16xi32> to vector<1x16xi32>
    tpu.vector_store %arg13[%swap3A_1900, %swap3A_1901], %swap3A_1904 {strides = array<i32>} : memref<32x128xi32, #tpu.memory_space<vmem>>, vector<1x16xi32>,
    %get3A_1905 = arith.constant 85 : i32
    %get3A_1906 = arith.index_cast %get3A_1905 : i32 to index
    %get3A_1907 = arith.constant 0 : index
    %get3A_1908 = tpu.vector_load %arg12[%get3A_1906, %get3A_1907] {strides = array<i32>} : memref<128x32xi32, #tpu.memory_space<vmem>>, vector<1x16xi32>,
    %get3A_1909 = vector.shape_cast %get3A_1908 : vector<1x16xi32> to vector<16xi32>
    %swap3A_1910 = arith.constant 21 : i32
    %swap3A_1911 = arith.index_cast %swap3A_1910 : i32 to index
    %swap3A_1912 = arith.constant 32 : index
    %swap3A_1913 = tpu.vector_load %arg13[%swap3A_1911, %swap3A_1912] {strides = array<i32>} : memref<32x128xi32, #tpu.memory_space<vmem>>, vector<1x16xi32>,
    %swap3A_1914 = vector.shape_cast %swap3A_1913 : vector<1x16xi32> to vector<16xi32>
    %swap3A_1915 = vector.shape_cast %get3A_1909 : vector<16xi32> to vector<1x16xi32>
    tpu.vector_store %arg13[%swap3A_1911, %swap3A_1912], %swap3A_1915 {strides = array<i32>} : memref<32x128xi32, #tpu.memory_space<vmem>>, vector<1x16xi32>,
    %get3A_1916 = arith.constant 85 : i32
    %get3A_1917 = arith.index_cast %get3A_1916 : i32 to index
    %get3A_1918 = arith.constant 16 : index
    %get3A_1919 = tpu.vector_load %arg12[%get3A_1917, %get3A_1918] {strides = array<i32>} : memref<128x32xi32, #tpu.memory_space<vmem>>, vector<1x16xi32>,
    %get3A_1920 = vector.shape_cast %get3A_1919 : vector<1x16xi32> to vector<16xi32>
    %swap3A_1921 = arith.constant 21 : i32
    %swap3A_1922 = arith.index_cast %swap3A_1921 : i32 to index
    %swap3A_1923 = arith.constant 48 : index
    %swap3A_1924 = tpu.vector_load %arg13[%swap3A_1922, %swap3A_1923] {strides = array<i32>} : memref<32x128xi32, #tpu.memory_space<vmem>>, vector<1x16xi32>,
    %swap3A_1925 = vector.shape_cast %swap3A_1924 : vector<1x16xi32> to vector<16xi32>
    %swap3A_1926 = vector.shape_cast %get3A_1920 : vector<16xi32> to vector<1x16xi32>
    tpu.vector_store %arg13[%swap3A_1922, %swap3A_1923], %swap3A_1926 {strides = array<i32>} : memref<32x128xi32, #tpu.memory_space<vmem>>, vector<1x16xi32>,
    %get3A_1927 = arith.constant 86 : i32
    %get3A_1928 = arith.index_cast %get3A_1927 : i32 to index
    %get3A_1929 = arith.constant 0 : index
    %get3A_1930 = tpu.vector_load %arg12[%get3A_1928, %get3A_1929] {strides = array<i32>} : memref<128x32xi32, #tpu.memory_space<vmem>>, vector<1x16xi32>,
    %get3A_1931 = vector.shape_cast %get3A_1930 : vector<1x16xi32> to vector<16xi32>
    %swap3A_1932 = arith.constant 21 : i32
    %swap3A_1933 = arith.index_cast %swap3A_1932 : i32 to index
    %swap3A_1934 = arith.constant 64 : index
    %swap3A_1935 = tpu.vector_load %arg13[%swap3A_1933, %swap3A_1934] {strides = array<i32>} : memref<32x128xi32, #tpu.memory_space<vmem>>, vector<1x16xi32>,
    %swap3A_1936 = vector.shape_cast %swap3A_1935 : vector<1x16xi32> to vector<16xi32>
    %swap3A_1937 = vector.shape_cast %get3A_1931 : vector<16xi32> to vector<1x16xi32>
    tpu.vector_store %arg13[%swap3A_1933, %swap3A_1934], %swap3A_1937 {strides = array<i32>} : memref<32x128xi32, #tpu.memory_space<vmem>>, vector<1x16xi32>,
    %get3A_1938 = arith.constant 86 : i32
    %get3A_1939 = arith.index_cast %get3A_1938 : i32 to index
    %get3A_1940 = arith.constant 16 : index
    %get3A_1941 = tpu.vector_load %arg12[%get3A_1939, %get3A_1940] {strides = array<i32>} : memref<128x32xi32, #tpu.memory_space<vmem>>, vector<1x16xi32>,
    %get3A_1942 = vector.shape_cast %get3A_1941 : vector<1x16xi32> to vector<16xi32>
    %swap3A_1943 = arith.constant 21 : i32
    %swap3A_1944 = arith.index_cast %swap3A_1943 : i32 to index
    %swap3A_1945 = arith.constant 80 : index
    %swap3A_1946 = tpu.vector_load %arg13[%swap3A_1944, %swap3A_1945] {strides = array<i32>} : memref<32x128xi32, #tpu.memory_space<vmem>>, vector<1x16xi32>,
    %swap3A_1947 = vector.shape_cast %swap3A_1946 : vector<1x16xi32> to vector<16xi32>
    %swap3A_1948 = vector.shape_cast %get3A_1942 : vector<16xi32> to vector<1x16xi32>
    tpu.vector_store %arg13[%swap3A_1944, %swap3A_1945], %swap3A_1948 {strides = array<i32>} : memref<32x128xi32, #tpu.memory_space<vmem>>, vector<1x16xi32>,
    %get3A_1949 = arith.constant 87 : i32
    %get3A_1950 = arith.index_cast %get3A_1949 : i32 to index
    %get3A_1951 = arith.constant 0 : index
    %get3A_1952 = tpu.vector_load %arg12[%get3A_1950, %get3A_1951] {strides = array<i32>} : memref<128x32xi32, #tpu.memory_space<vmem>>, vector<1x16xi32>,
    %get3A_1953 = vector.shape_cast %get3A_1952 : vector<1x16xi32> to vector<16xi32>
    %swap3A_1954 = arith.constant 21 : i32
    %swap3A_1955 = arith.index_cast %swap3A_1954 : i32 to index
    %swap3A_1956 = arith.constant 96 : index
    %swap3A_1957 = tpu.vector_load %arg13[%swap3A_1955, %swap3A_1956] {strides = array<i32>} : memref<32x128xi32, #tpu.memory_space<vmem>>, vector<1x16xi32>,
    %swap3A_1958 = vector.shape_cast %swap3A_1957 : vector<1x16xi32> to vector<16xi32>
    %swap3A_1959 = vector.shape_cast %get3A_1953 : vector<16xi32> to vector<1x16xi32>
    tpu.vector_store %arg13[%swap3A_1955, %swap3A_1956], %swap3A_1959 {strides = array<i32>} : memref<32x128xi32, #tpu.memory_space<vmem>>, vector<1x16xi32>,
    %get3A_1960 = arith.constant 87 : i32
    %get3A_1961 = arith.index_cast %get3A_1960 : i32 to index
    %get3A_1962 = arith.constant 16 : index
    %get3A_1963 = tpu.vector_load %arg12[%get3A_1961, %get3A_1962] {strides = array<i32>} : memref<128x32xi32, #tpu.memory_space<vmem>>, vector<1x16xi32>,
    %get3A_1964 = vector.shape_cast %get3A_1963 : vector<1x16xi32> to vector<16xi32>
    %swap3A_1965 = arith.constant 21 : i32
    %swap3A_1966 = arith.index_cast %swap3A_1965 : i32 to index
    %swap3A_1967 = arith.constant 112 : index
    %swap3A_1968 = tpu.vector_load %arg13[%swap3A_1966, %swap3A_1967] {strides = array<i32>} : memref<32x128xi32, #tpu.memory_space<vmem>>, vector<1x16xi32>,
    %swap3A_1969 = vector.shape_cast %swap3A_1968 : vector<1x16xi32> to vector<16xi32>
    %swap3A_1970 = vector.shape_cast %get3A_1964 : vector<16xi32> to vector<1x16xi32>
    tpu.vector_store %arg13[%swap3A_1966, %swap3A_1967], %swap3A_1970 {strides = array<i32>} : memref<32x128xi32, #tpu.memory_space<vmem>>, vector<1x16xi32>,
    %get3A_1971 = arith.constant 88 : i32
    %get3A_1972 = arith.index_cast %get3A_1971 : i32 to index
    %get3A_1973 = arith.constant 0 : index
    %get3A_1974 = tpu.vector_load %arg12[%get3A_1972, %get3A_1973] {strides = array<i32>} : memref<128x32xi32, #tpu.memory_space<vmem>>, vector<1x16xi32>,
    %get3A_1975 = vector.shape_cast %get3A_1974 : vector<1x16xi32> to vector<16xi32>
    %swap3A_1976 = arith.constant 22 : i32
    %swap3A_1977 = arith.index_cast %swap3A_1976 : i32 to index
    %swap3A_1978 = arith.constant 0 : index
    %swap3A_1979 = tpu.vector_load %arg13[%swap3A_1977, %swap3A_1978] {strides = array<i32>} : memref<32x128xi32, #tpu.memory_space<vmem>>, vector<1x16xi32>,
    %swap3A_1980 = vector.shape_cast %swap3A_1979 : vector<1x16xi32> to vector<16xi32>
    %swap3A_1981 = vector.shape_cast %get3A_1975 : vector<16xi32> to vector<1x16xi32>
    tpu.vector_store %arg13[%swap3A_1977, %swap3A_1978], %swap3A_1981 {strides = array<i32>} : memref<32x128xi32, #tpu.memory_space<vmem>>, vector<1x16xi32>,
    %get3A_1982 = arith.constant 88 : i32
    %get3A_1983 = arith.index_cast %get3A_1982 : i32 to index
    %get3A_1984 = arith.constant 16 : index
    %get3A_1985 = tpu.vector_load %arg12[%get3A_1983, %get3A_1984] {strides = array<i32>} : memref<128x32xi32, #tpu.memory_space<vmem>>, vector<1x16xi32>,
    %get3A_1986 = vector.shape_cast %get3A_1985 : vector<1x16xi32> to vector<16xi32>
    %swap3A_1987 = arith.constant 22 : i32
    %swap3A_1988 = arith.index_cast %swap3A_1987 : i32 to index
    %swap3A_1989 = arith.constant 16 : index
    %swap3A_1990 = tpu.vector_load %arg13[%swap3A_1988, %swap3A_1989] {strides = array<i32>} : memref<32x128xi32, #tpu.memory_space<vmem>>, vector<1x16xi32>,
    %swap3A_1991 = vector.shape_cast %swap3A_1990 : vector<1x16xi32> to vector<16xi32>
    %swap3A_1992 = vector.shape_cast %get3A_1986 : vector<16xi32> to vector<1x16xi32>
    tpu.vector_store %arg13[%swap3A_1988, %swap3A_1989], %swap3A_1992 {strides = array<i32>} : memref<32x128xi32, #tpu.memory_space<vmem>>, vector<1x16xi32>,
    %get3A_1993 = arith.constant 89 : i32
    %get3A_1994 = arith.index_cast %get3A_1993 : i32 to index
    %get3A_1995 = arith.constant 0 : index
    %get3A_1996 = tpu.vector_load %arg12[%get3A_1994, %get3A_1995] {strides = array<i32>} : memref<128x32xi32, #tpu.memory_space<vmem>>, vector<1x16xi32>,
    %get3A_1997 = vector.shape_cast %get3A_1996 : vector<1x16xi32> to vector<16xi32>
    %swap3A_1998 = arith.constant 22 : i32
    %swap3A_1999 = arith.index_cast %swap3A_1998 : i32 to index
    %swap3A_2000 = arith.constant 32 : index
    %swap3A_2001 = tpu.vector_load %arg13[%swap3A_1999, %swap3A_2000] {strides = array<i32>} : memref<32x128xi32, #tpu.memory_space<vmem>>, vector<1x16xi32>,
    %swap3A_2002 = vector.shape_cast %swap3A_2001 : vector<1x16xi32> to vector<16xi32>
    %swap3A_2003 = vector.shape_cast %get3A_1997 : vector<16xi32> to vector<1x16xi32>
    tpu.vector_store %arg13[%swap3A_1999, %swap3A_2000], %swap3A_2003 {strides = array<i32>} : memref<32x128xi32, #tpu.memory_space<vmem>>, vector<1x16xi32>,
    %get3A_2004 = arith.constant 89 : i32
    %get3A_2005 = arith.index_cast %get3A_2004 : i32 to index
    %get3A_2006 = arith.constant 16 : index
    %get3A_2007 = tpu.vector_load %arg12[%get3A_2005, %get3A_2006] {strides = array<i32>} : memref<128x32xi32, #tpu.memory_space<vmem>>, vector<1x16xi32>,
    %get3A_2008 = vector.shape_cast %get3A_2007 : vector<1x16xi32> to vector<16xi32>
    %swap3A_2009 = arith.constant 22 : i32
    %swap3A_2010 = arith.index_cast %swap3A_2009 : i32 to index
    %swap3A_2011 = arith.constant 48 : index
    %swap3A_2012 = tpu.vector_load %arg13[%swap3A_2010, %swap3A_2011] {strides = array<i32>} : memref<32x128xi32, #tpu.memory_space<vmem>>, vector<1x16xi32>,
    %swap3A_2013 = vector.shape_cast %swap3A_2012 : vector<1x16xi32> to vector<16xi32>
    %swap3A_2014 = vector.shape_cast %get3A_2008 : vector<16xi32> to vector<1x16xi32>
    tpu.vector_store %arg13[%swap3A_2010, %swap3A_2011], %swap3A_2014 {strides = array<i32>} : memref<32x128xi32, #tpu.memory_space<vmem>>, vector<1x16xi32>,
    %get3A_2015 = arith.constant 90 : i32
    %get3A_2016 = arith.index_cast %get3A_2015 : i32 to index
    %get3A_2017 = arith.constant 0 : index
    %get3A_2018 = tpu.vector_load %arg12[%get3A_2016, %get3A_2017] {strides = array<i32>} : memref<128x32xi32, #tpu.memory_space<vmem>>, vector<1x16xi32>,
    %get3A_2019 = vector.shape_cast %get3A_2018 : vector<1x16xi32> to vector<16xi32>
    %swap3A_2020 = arith.constant 22 : i32
    %swap3A_2021 = arith.index_cast %swap3A_2020 : i32 to index
    %swap3A_2022 = arith.constant 64 : index
    %swap3A_2023 = tpu.vector_load %arg13[%swap3A_2021, %swap3A_2022] {strides = array<i32>} : memref<32x128xi32, #tpu.memory_space<vmem>>, vector<1x16xi32>,
    %swap3A_2024 = vector.shape_cast %swap3A_2023 : vector<1x16xi32> to vector<16xi32>
    %swap3A_2025 = vector.shape_cast %get3A_2019 : vector<16xi32> to vector<1x16xi32>
    tpu.vector_store %arg13[%swap3A_2021, %swap3A_2022], %swap3A_2025 {strides = array<i32>} : memref<32x128xi32, #tpu.memory_space<vmem>>, vector<1x16xi32>,
    %get3A_2026 = arith.constant 90 : i32
    %get3A_2027 = arith.index_cast %get3A_2026 : i32 to index
    %get3A_2028 = arith.constant 16 : index
    %get3A_2029 = tpu.vector_load %arg12[%get3A_2027, %get3A_2028] {strides = array<i32>} : memref<128x32xi32, #tpu.memory_space<vmem>>, vector<1x16xi32>,
    %get3A_2030 = vector.shape_cast %get3A_2029 : vector<1x16xi32> to vector<16xi32>
    %swap3A_2031 = arith.constant 22 : i32
    %swap3A_2032 = arith.index_cast %swap3A_2031 : i32 to index
    %swap3A_2033 = arith.constant 80 : index
    %swap3A_2034 = tpu.vector_load %arg13[%swap3A_2032, %swap3A_2033] {strides = array<i32>} : memref<32x128xi32, #tpu.memory_space<vmem>>, vector<1x16xi32>,
    %swap3A_2035 = vector.shape_cast %swap3A_2034 : vector<1x16xi32> to vector<16xi32>
    %swap3A_2036 = vector.shape_cast %get3A_2030 : vector<16xi32> to vector<1x16xi32>
    tpu.vector_store %arg13[%swap3A_2032, %swap3A_2033], %swap3A_2036 {strides = array<i32>} : memref<32x128xi32, #tpu.memory_space<vmem>>, vector<1x16xi32>,
    %get3A_2037 = arith.constant 91 : i32
    %get3A_2038 = arith.index_cast %get3A_2037 : i32 to index
    %get3A_2039 = arith.constant 0 : index
    %get3A_2040 = tpu.vector_load %arg12[%get3A_2038, %get3A_2039] {strides = array<i32>} : memref<128x32xi32, #tpu.memory_space<vmem>>, vector<1x16xi32>,
    %get3A_2041 = vector.shape_cast %get3A_2040 : vector<1x16xi32> to vector<16xi32>
    %swap3A_2042 = arith.constant 22 : i32
    %swap3A_2043 = arith.index_cast %swap3A_2042 : i32 to index
    %swap3A_2044 = arith.constant 96 : index
    %swap3A_2045 = tpu.vector_load %arg13[%swap3A_2043, %swap3A_2044] {strides = array<i32>} : memref<32x128xi32, #tpu.memory_space<vmem>>, vector<1x16xi32>,
    %swap3A_2046 = vector.shape_cast %swap3A_2045 : vector<1x16xi32> to vector<16xi32>
    %swap3A_2047 = vector.shape_cast %get3A_2041 : vector<16xi32> to vector<1x16xi32>
    tpu.vector_store %arg13[%swap3A_2043, %swap3A_2044], %swap3A_2047 {strides = array<i32>} : memref<32x128xi32, #tpu.memory_space<vmem>>, vector<1x16xi32>,
    %get3A_2048 = arith.constant 91 : i32
    %get3A_2049 = arith.index_cast %get3A_2048 : i32 to index
    %get3A_2050 = arith.constant 16 : index
    %get3A_2051 = tpu.vector_load %arg12[%get3A_2049, %get3A_2050] {strides = array<i32>} : memref<128x32xi32, #tpu.memory_space<vmem>>, vector<1x16xi32>,
    %get3A_2052 = vector.shape_cast %get3A_2051 : vector<1x16xi32> to vector<16xi32>
    %swap3A_2053 = arith.constant 22 : i32
    %swap3A_2054 = arith.index_cast %swap3A_2053 : i32 to index
    %swap3A_2055 = arith.constant 112 : index
    %swap3A_2056 = tpu.vector_load %arg13[%swap3A_2054, %swap3A_2055] {strides = array<i32>} : memref<32x128xi32, #tpu.memory_space<vmem>>, vector<1x16xi32>,
    %swap3A_2057 = vector.shape_cast %swap3A_2056 : vector<1x16xi32> to vector<16xi32>
    %swap3A_2058 = vector.shape_cast %get3A_2052 : vector<16xi32> to vector<1x16xi32>
    tpu.vector_store %arg13[%swap3A_2054, %swap3A_2055], %swap3A_2058 {strides = array<i32>} : memref<32x128xi32, #tpu.memory_space<vmem>>, vector<1x16xi32>,
    %get3A_2059 = arith.constant 92 : i32
    %get3A_2060 = arith.index_cast %get3A_2059 : i32 to index
    %get3A_2061 = arith.constant 0 : index
    %get3A_2062 = tpu.vector_load %arg12[%get3A_2060, %get3A_2061] {strides = array<i32>} : memref<128x32xi32, #tpu.memory_space<vmem>>, vector<1x16xi32>,
    %get3A_2063 = vector.shape_cast %get3A_2062 : vector<1x16xi32> to vector<16xi32>
    %swap3A_2064 = arith.constant 23 : i32
    %swap3A_2065 = arith.index_cast %swap3A_2064 : i32 to index
    %swap3A_2066 = arith.constant 0 : index
    %swap3A_2067 = tpu.vector_load %arg13[%swap3A_2065, %swap3A_2066] {strides = array<i32>} : memref<32x128xi32, #tpu.memory_space<vmem>>, vector<1x16xi32>,
    %swap3A_2068 = vector.shape_cast %swap3A_2067 : vector<1x16xi32> to vector<16xi32>
    %swap3A_2069 = vector.shape_cast %get3A_2063 : vector<16xi32> to vector<1x16xi32>
    tpu.vector_store %arg13[%swap3A_2065, %swap3A_2066], %swap3A_2069 {strides = array<i32>} : memref<32x128xi32, #tpu.memory_space<vmem>>, vector<1x16xi32>,
    %get3A_2070 = arith.constant 92 : i32
    %get3A_2071 = arith.index_cast %get3A_2070 : i32 to index
    %get3A_2072 = arith.constant 16 : index
    %get3A_2073 = tpu.vector_load %arg12[%get3A_2071, %get3A_2072] {strides = array<i32>} : memref<128x32xi32, #tpu.memory_space<vmem>>, vector<1x16xi32>,
    %get3A_2074 = vector.shape_cast %get3A_2073 : vector<1x16xi32> to vector<16xi32>
    %swap3A_2075 = arith.constant 23 : i32
    %swap3A_2076 = arith.index_cast %swap3A_2075 : i32 to index
    %swap3A_2077 = arith.constant 16 : index
    %swap3A_2078 = tpu.vector_load %arg13[%swap3A_2076, %swap3A_2077] {strides = array<i32>} : memref<32x128xi32, #tpu.memory_space<vmem>>, vector<1x16xi32>,
    %swap3A_2079 = vector.shape_cast %swap3A_2078 : vector<1x16xi32> to vector<16xi32>
    %swap3A_2080 = vector.shape_cast %get3A_2074 : vector<16xi32> to vector<1x16xi32>
    tpu.vector_store %arg13[%swap3A_2076, %swap3A_2077], %swap3A_2080 {strides = array<i32>} : memref<32x128xi32, #tpu.memory_space<vmem>>, vector<1x16xi32>,
    %get3A_2081 = arith.constant 93 : i32
    %get3A_2082 = arith.index_cast %get3A_2081 : i32 to index
    %get3A_2083 = arith.constant 0 : index
    %get3A_2084 = tpu.vector_load %arg12[%get3A_2082, %get3A_2083] {strides = array<i32>} : memref<128x32xi32, #tpu.memory_space<vmem>>, vector<1x16xi32>,
    %get3A_2085 = vector.shape_cast %get3A_2084 : vector<1x16xi32> to vector<16xi32>
    %swap3A_2086 = arith.constant 23 : i32
    %swap3A_2087 = arith.index_cast %swap3A_2086 : i32 to index
    %swap3A_2088 = arith.constant 32 : index
    %swap3A_2089 = tpu.vector_load %arg13[%swap3A_2087, %swap3A_2088] {strides = array<i32>} : memref<32x128xi32, #tpu.memory_space<vmem>>, vector<1x16xi32>,
    %swap3A_2090 = vector.shape_cast %swap3A_2089 : vector<1x16xi32> to vector<16xi32>
    %swap3A_2091 = vector.shape_cast %get3A_2085 : vector<16xi32> to vector<1x16xi32>
    tpu.vector_store %arg13[%swap3A_2087, %swap3A_2088], %swap3A_2091 {strides = array<i32>} : memref<32x128xi32, #tpu.memory_space<vmem>>, vector<1x16xi32>,
    %get3A_2092 = arith.constant 93 : i32
    %get3A_2093 = arith.index_cast %get3A_2092 : i32 to index
    %get3A_2094 = arith.constant 16 : index
    %get3A_2095 = tpu.vector_load %arg12[%get3A_2093, %get3A_2094] {strides = array<i32>} : memref<128x32xi32, #tpu.memory_space<vmem>>, vector<1x16xi32>,
    %get3A_2096 = vector.shape_cast %get3A_2095 : vector<1x16xi32> to vector<16xi32>
    %swap3A_2097 = arith.constant 23 : i32
    %swap3A_2098 = arith.index_cast %swap3A_2097 : i32 to index
    %swap3A_2099 = arith.constant 48 : index
    %swap3A_2100 = tpu.vector_load %arg13[%swap3A_2098, %swap3A_2099] {strides = array<i32>} : memref<32x128xi32, #tpu.memory_space<vmem>>, vector<1x16xi32>,
    %swap3A_2101 = vector.shape_cast %swap3A_2100 : vector<1x16xi32> to vector<16xi32>
    %swap3A_2102 = vector.shape_cast %get3A_2096 : vector<16xi32> to vector<1x16xi32>
    tpu.vector_store %arg13[%swap3A_2098, %swap3A_2099], %swap3A_2102 {strides = array<i32>} : memref<32x128xi32, #tpu.memory_space<vmem>>, vector<1x16xi32>,
    %get3A_2103 = arith.constant 94 : i32
    %get3A_2104 = arith.index_cast %get3A_2103 : i32 to index
    %get3A_2105 = arith.constant 0 : index
    %get3A_2106 = tpu.vector_load %arg12[%get3A_2104, %get3A_2105] {strides = array<i32>} : memref<128x32xi32, #tpu.memory_space<vmem>>, vector<1x16xi32>,
    %get3A_2107 = vector.shape_cast %get3A_2106 : vector<1x16xi32> to vector<16xi32>
    %swap3A_2108 = arith.constant 23 : i32
    %swap3A_2109 = arith.index_cast %swap3A_2108 : i32 to index
    %swap3A_2110 = arith.constant 64 : index
    %swap3A_2111 = tpu.vector_load %arg13[%swap3A_2109, %swap3A_2110] {strides = array<i32>} : memref<32x128xi32, #tpu.memory_space<vmem>>, vector<1x16xi32>,
    %swap3A_2112 = vector.shape_cast %swap3A_2111 : vector<1x16xi32> to vector<16xi32>
    %swap3A_2113 = vector.shape_cast %get3A_2107 : vector<16xi32> to vector<1x16xi32>
    tpu.vector_store %arg13[%swap3A_2109, %swap3A_2110], %swap3A_2113 {strides = array<i32>} : memref<32x128xi32, #tpu.memory_space<vmem>>, vector<1x16xi32>,
    %get3A_2114 = arith.constant 94 : i32
    %get3A_2115 = arith.index_cast %get3A_2114 : i32 to index
    %get3A_2116 = arith.constant 16 : index
    %get3A_2117 = tpu.vector_load %arg12[%get3A_2115, %get3A_2116] {strides = array<i32>} : memref<128x32xi32, #tpu.memory_space<vmem>>, vector<1x16xi32>,
    %get3A_2118 = vector.shape_cast %get3A_2117 : vector<1x16xi32> to vector<16xi32>
    %swap3A_2119 = arith.constant 23 : i32
    %swap3A_2120 = arith.index_cast %swap3A_2119 : i32 to index
    %swap3A_2121 = arith.constant 80 : index
    %swap3A_2122 = tpu.vector_load %arg13[%swap3A_2120, %swap3A_2121] {strides = array<i32>} : memref<32x128xi32, #tpu.memory_space<vmem>>, vector<1x16xi32>,
    %swap3A_2123 = vector.shape_cast %swap3A_2122 : vector<1x16xi32> to vector<16xi32>
    %swap3A_2124 = vector.shape_cast %get3A_2118 : vector<16xi32> to vector<1x16xi32>
    tpu.vector_store %arg13[%swap3A_2120, %swap3A_2121], %swap3A_2124 {strides = array<i32>} : memref<32x128xi32, #tpu.memory_space<vmem>>, vector<1x16xi32>,
    %get3A_2125 = arith.constant 95 : i32
    %get3A_2126 = arith.index_cast %get3A_2125 : i32 to index
    %get3A_2127 = arith.constant 0 : index
    %get3A_2128 = tpu.vector_load %arg12[%get3A_2126, %get3A_2127] {strides = array<i32>} : memref<128x32xi32, #tpu.memory_space<vmem>>, vector<1x16xi32>,
    %get3A_2129 = vector.shape_cast %get3A_2128 : vector<1x16xi32> to vector<16xi32>
    %swap3A_2130 = arith.constant 23 : i32
    %swap3A_2131 = arith.index_cast %swap3A_2130 : i32 to index
    %swap3A_2132 = arith.constant 96 : index
    %swap3A_2133 = tpu.vector_load %arg13[%swap3A_2131, %swap3A_2132] {strides = array<i32>} : memref<32x128xi32, #tpu.memory_space<vmem>>, vector<1x16xi32>,
    %swap3A_2134 = vector.shape_cast %swap3A_2133 : vector<1x16xi32> to vector<16xi32>
    %swap3A_2135 = vector.shape_cast %get3A_2129 : vector<16xi32> to vector<1x16xi32>
    tpu.vector_store %arg13[%swap3A_2131, %swap3A_2132], %swap3A_2135 {strides = array<i32>} : memref<32x128xi32, #tpu.memory_space<vmem>>, vector<1x16xi32>,
    %get3A_2136 = arith.constant 95 : i32
    %get3A_2137 = arith.index_cast %get3A_2136 : i32 to index
    %get3A_2138 = arith.constant 16 : index
    %get3A_2139 = tpu.vector_load %arg12[%get3A_2137, %get3A_2138] {strides = array<i32>} : memref<128x32xi32, #tpu.memory_space<vmem>>, vector<1x16xi32>,
    %get3A_2140 = vector.shape_cast %get3A_2139 : vector<1x16xi32> to vector<16xi32>
    %swap3A_2141 = arith.constant 23 : i32
    %swap3A_2142 = arith.index_cast %swap3A_2141 : i32 to index
    %swap3A_2143 = arith.constant 112 : index
    %swap3A_2144 = tpu.vector_load %arg13[%swap3A_2142, %swap3A_2143] {strides = array<i32>} : memref<32x128xi32, #tpu.memory_space<vmem>>, vector<1x16xi32>,
    %swap3A_2145 = vector.shape_cast %swap3A_2144 : vector<1x16xi32> to vector<16xi32>
    %swap3A_2146 = vector.shape_cast %get3A_2140 : vector<16xi32> to vector<1x16xi32>
    tpu.vector_store %arg13[%swap3A_2142, %swap3A_2143], %swap3A_2146 {strides = array<i32>} : memref<32x128xi32, #tpu.memory_space<vmem>>, vector<1x16xi32>,
    %get3A_2147 = arith.constant 96 : i32
    %get3A_2148 = arith.index_cast %get3A_2147 : i32 to index
    %get3A_2149 = arith.constant 0 : index
    %get3A_2150 = tpu.vector_load %arg12[%get3A_2148, %get3A_2149] {strides = array<i32>} : memref<128x32xi32, #tpu.memory_space<vmem>>, vector<1x16xi32>,
    %get3A_2151 = vector.shape_cast %get3A_2150 : vector<1x16xi32> to vector<16xi32>
    %swap3A_2152 = arith.constant 24 : i32
    %swap3A_2153 = arith.index_cast %swap3A_2152 : i32 to index
    %swap3A_2154 = arith.constant 0 : index
    %swap3A_2155 = tpu.vector_load %arg13[%swap3A_2153, %swap3A_2154] {strides = array<i32>} : memref<32x128xi32, #tpu.memory_space<vmem>>, vector<1x16xi32>,
    %swap3A_2156 = vector.shape_cast %swap3A_2155 : vector<1x16xi32> to vector<16xi32>
    %swap3A_2157 = vector.shape_cast %get3A_2151 : vector<16xi32> to vector<1x16xi32>
    tpu.vector_store %arg13[%swap3A_2153, %swap3A_2154], %swap3A_2157 {strides = array<i32>} : memref<32x128xi32, #tpu.memory_space<vmem>>, vector<1x16xi32>,
    %get3A_2158 = arith.constant 96 : i32
    %get3A_2159 = arith.index_cast %get3A_2158 : i32 to index
    %get3A_2160 = arith.constant 16 : index
    %get3A_2161 = tpu.vector_load %arg12[%get3A_2159, %get3A_2160] {strides = array<i32>} : memref<128x32xi32, #tpu.memory_space<vmem>>, vector<1x16xi32>,
    %get3A_2162 = vector.shape_cast %get3A_2161 : vector<1x16xi32> to vector<16xi32>
    %swap3A_2163 = arith.constant 24 : i32
    %swap3A_2164 = arith.index_cast %swap3A_2163 : i32 to index
    %swap3A_2165 = arith.constant 16 : index
    %swap3A_2166 = tpu.vector_load %arg13[%swap3A_2164, %swap3A_2165] {strides = array<i32>} : memref<32x128xi32, #tpu.memory_space<vmem>>, vector<1x16xi32>,
    %swap3A_2167 = vector.shape_cast %swap3A_2166 : vector<1x16xi32> to vector<16xi32>
    %swap3A_2168 = vector.shape_cast %get3A_2162 : vector<16xi32> to vector<1x16xi32>
    tpu.vector_store %arg13[%swap3A_2164, %swap3A_2165], %swap3A_2168 {strides = array<i32>} : memref<32x128xi32, #tpu.memory_space<vmem>>, vector<1x16xi32>,
    %get3A_2169 = arith.constant 97 : i32
    %get3A_2170 = arith.index_cast %get3A_2169 : i32 to index
    %get3A_2171 = arith.constant 0 : index
    %get3A_2172 = tpu.vector_load %arg12[%get3A_2170, %get3A_2171] {strides = array<i32>} : memref<128x32xi32, #tpu.memory_space<vmem>>, vector<1x16xi32>,
    %get3A_2173 = vector.shape_cast %get3A_2172 : vector<1x16xi32> to vector<16xi32>
    %swap3A_2174 = arith.constant 24 : i32
    %swap3A_2175 = arith.index_cast %swap3A_2174 : i32 to index
    %swap3A_2176 = arith.constant 32 : index
    %swap3A_2177 = tpu.vector_load %arg13[%swap3A_2175, %swap3A_2176] {strides = array<i32>} : memref<32x128xi32, #tpu.memory_space<vmem>>, vector<1x16xi32>,
    %swap3A_2178 = vector.shape_cast %swap3A_2177 : vector<1x16xi32> to vector<16xi32>
    %swap3A_2179 = vector.shape_cast %get3A_2173 : vector<16xi32> to vector<1x16xi32>
    tpu.vector_store %arg13[%swap3A_2175, %swap3A_2176], %swap3A_2179 {strides = array<i32>} : memref<32x128xi32, #tpu.memory_space<vmem>>, vector<1x16xi32>,
    %get3A_2180 = arith.constant 97 : i32
    %get3A_2181 = arith.index_cast %get3A_2180 : i32 to index
    %get3A_2182 = arith.constant 16 : index
    %get3A_2183 = tpu.vector_load %arg12[%get3A_2181, %get3A_2182] {strides = array<i32>} : memref<128x32xi32, #tpu.memory_space<vmem>>, vector<1x16xi32>,
    %get3A_2184 = vector.shape_cast %get3A_2183 : vector<1x16xi32> to vector<16xi32>
    %swap3A_2185 = arith.constant 24 : i32
    %swap3A_2186 = arith.index_cast %swap3A_2185 : i32 to index
    %swap3A_2187 = arith.constant 48 : index
    %swap3A_2188 = tpu.vector_load %arg13[%swap3A_2186, %swap3A_2187] {strides = array<i32>} : memref<32x128xi32, #tpu.memory_space<vmem>>, vector<1x16xi32>,
    %swap3A_2189 = vector.shape_cast %swap3A_2188 : vector<1x16xi32> to vector<16xi32>
    %swap3A_2190 = vector.shape_cast %get3A_2184 : vector<16xi32> to vector<1x16xi32>
    tpu.vector_store %arg13[%swap3A_2186, %swap3A_2187], %swap3A_2190 {strides = array<i32>} : memref<32x128xi32, #tpu.memory_space<vmem>>, vector<1x16xi32>,
    %get3A_2191 = arith.constant 98 : i32
    %get3A_2192 = arith.index_cast %get3A_2191 : i32 to index
    %get3A_2193 = arith.constant 0 : index
    %get3A_2194 = tpu.vector_load %arg12[%get3A_2192, %get3A_2193] {strides = array<i32>} : memref<128x32xi32, #tpu.memory_space<vmem>>, vector<1x16xi32>,
    %get3A_2195 = vector.shape_cast %get3A_2194 : vector<1x16xi32> to vector<16xi32>
    %swap3A_2196 = arith.constant 24 : i32
    %swap3A_2197 = arith.index_cast %swap3A_2196 : i32 to index
    %swap3A_2198 = arith.constant 64 : index
    %swap3A_2199 = tpu.vector_load %arg13[%swap3A_2197, %swap3A_2198] {strides = array<i32>} : memref<32x128xi32, #tpu.memory_space<vmem>>, vector<1x16xi32>,
    %swap3A_2200 = vector.shape_cast %swap3A_2199 : vector<1x16xi32> to vector<16xi32>
    %swap3A_2201 = vector.shape_cast %get3A_2195 : vector<16xi32> to vector<1x16xi32>
    tpu.vector_store %arg13[%swap3A_2197, %swap3A_2198], %swap3A_2201 {strides = array<i32>} : memref<32x128xi32, #tpu.memory_space<vmem>>, vector<1x16xi32>,
    %get3A_2202 = arith.constant 98 : i32
    %get3A_2203 = arith.index_cast %get3A_2202 : i32 to index
    %get3A_2204 = arith.constant 16 : index
    %get3A_2205 = tpu.vector_load %arg12[%get3A_2203, %get3A_2204] {strides = array<i32>} : memref<128x32xi32, #tpu.memory_space<vmem>>, vector<1x16xi32>,
    %get3A_2206 = vector.shape_cast %get3A_2205 : vector<1x16xi32> to vector<16xi32>
    %swap3A_2207 = arith.constant 24 : i32
    %swap3A_2208 = arith.index_cast %swap3A_2207 : i32 to index
    %swap3A_2209 = arith.constant 80 : index
    %swap3A_2210 = tpu.vector_load %arg13[%swap3A_2208, %swap3A_2209] {strides = array<i32>} : memref<32x128xi32, #tpu.memory_space<vmem>>, vector<1x16xi32>,
    %swap3A_2211 = vector.shape_cast %swap3A_2210 : vector<1x16xi32> to vector<16xi32>
    %swap3A_2212 = vector.shape_cast %get3A_2206 : vector<16xi32> to vector<1x16xi32>
    tpu.vector_store %arg13[%swap3A_2208, %swap3A_2209], %swap3A_2212 {strides = array<i32>} : memref<32x128xi32, #tpu.memory_space<vmem>>, vector<1x16xi32>,
    %get3A_2213 = arith.constant 99 : i32
    %get3A_2214 = arith.index_cast %get3A_2213 : i32 to index
    %get3A_2215 = arith.constant 0 : index
    %get3A_2216 = tpu.vector_load %arg12[%get3A_2214, %get3A_2215] {strides = array<i32>} : memref<128x32xi32, #tpu.memory_space<vmem>>, vector<1x16xi32>,
    %get3A_2217 = vector.shape_cast %get3A_2216 : vector<1x16xi32> to vector<16xi32>
    %swap3A_2218 = arith.constant 24 : i32
    %swap3A_2219 = arith.index_cast %swap3A_2218 : i32 to index
    %swap3A_2220 = arith.constant 96 : index
    %swap3A_2221 = tpu.vector_load %arg13[%swap3A_2219, %swap3A_2220] {strides = array<i32>} : memref<32x128xi32, #tpu.memory_space<vmem>>, vector<1x16xi32>,
    %swap3A_2222 = vector.shape_cast %swap3A_2221 : vector<1x16xi32> to vector<16xi32>
    %swap3A_2223 = vector.shape_cast %get3A_2217 : vector<16xi32> to vector<1x16xi32>
    tpu.vector_store %arg13[%swap3A_2219, %swap3A_2220], %swap3A_2223 {strides = array<i32>} : memref<32x128xi32, #tpu.memory_space<vmem>>, vector<1x16xi32>,
    %get3A_2224 = arith.constant 99 : i32
    %get3A_2225 = arith.index_cast %get3A_2224 : i32 to index
    %get3A_2226 = arith.constant 16 : index
    %get3A_2227 = tpu.vector_load %arg12[%get3A_2225, %get3A_2226] {strides = array<i32>} : memref<128x32xi32, #tpu.memory_space<vmem>>, vector<1x16xi32>,
    %get3A_2228 = vector.shape_cast %get3A_2227 : vector<1x16xi32> to vector<16xi32>
    %swap3A_2229 = arith.constant 24 : i32
    %swap3A_2230 = arith.index_cast %swap3A_2229 : i32 to index
    %swap3A_2231 = arith.constant 112 : index
    %swap3A_2232 = tpu.vector_load %arg13[%swap3A_2230, %swap3A_2231] {strides = array<i32>} : memref<32x128xi32, #tpu.memory_space<vmem>>, vector<1x16xi32>,
    %swap3A_2233 = vector.shape_cast %swap3A_2232 : vector<1x16xi32> to vector<16xi32>
    %swap3A_2234 = vector.shape_cast %get3A_2228 : vector<16xi32> to vector<1x16xi32>
    tpu.vector_store %arg13[%swap3A_2230, %swap3A_2231], %swap3A_2234 {strides = array<i32>} : memref<32x128xi32, #tpu.memory_space<vmem>>, vector<1x16xi32>,
    %get3A_2235 = arith.constant 100 : i32
    %get3A_2236 = arith.index_cast %get3A_2235 : i32 to index
    %get3A_2237 = arith.constant 0 : index
    %get3A_2238 = tpu.vector_load %arg12[%get3A_2236, %get3A_2237] {strides = array<i32>} : memref<128x32xi32, #tpu.memory_space<vmem>>, vector<1x16xi32>,
    %get3A_2239 = vector.shape_cast %get3A_2238 : vector<1x16xi32> to vector<16xi32>
    %swap3A_2240 = arith.constant 25 : i32
    %swap3A_2241 = arith.index_cast %swap3A_2240 : i32 to index
    %swap3A_2242 = arith.constant 0 : index
    %swap3A_2243 = tpu.vector_load %arg13[%swap3A_2241, %swap3A_2242] {strides = array<i32>} : memref<32x128xi32, #tpu.memory_space<vmem>>, vector<1x16xi32>,
    %swap3A_2244 = vector.shape_cast %swap3A_2243 : vector<1x16xi32> to vector<16xi32>
    %swap3A_2245 = vector.shape_cast %get3A_2239 : vector<16xi32> to vector<1x16xi32>
    tpu.vector_store %arg13[%swap3A_2241, %swap3A_2242], %swap3A_2245 {strides = array<i32>} : memref<32x128xi32, #tpu.memory_space<vmem>>, vector<1x16xi32>,
    %get3A_2246 = arith.constant 100 : i32
    %get3A_2247 = arith.index_cast %get3A_2246 : i32 to index
    %get3A_2248 = arith.constant 16 : index
    %get3A_2249 = tpu.vector_load %arg12[%get3A_2247, %get3A_2248] {strides = array<i32>} : memref<128x32xi32, #tpu.memory_space<vmem>>, vector<1x16xi32>,
    %get3A_2250 = vector.shape_cast %get3A_2249 : vector<1x16xi32> to vector<16xi32>
    %swap3A_2251 = arith.constant 25 : i32
    %swap3A_2252 = arith.index_cast %swap3A_2251 : i32 to index
    %swap3A_2253 = arith.constant 16 : index
    %swap3A_2254 = tpu.vector_load %arg13[%swap3A_2252, %swap3A_2253] {strides = array<i32>} : memref<32x128xi32, #tpu.memory_space<vmem>>, vector<1x16xi32>,
    %swap3A_2255 = vector.shape_cast %swap3A_2254 : vector<1x16xi32> to vector<16xi32>
    %swap3A_2256 = vector.shape_cast %get3A_2250 : vector<16xi32> to vector<1x16xi32>
    tpu.vector_store %arg13[%swap3A_2252, %swap3A_2253], %swap3A_2256 {strides = array<i32>} : memref<32x128xi32, #tpu.memory_space<vmem>>, vector<1x16xi32>,
    %get3A_2257 = arith.constant 101 : i32
    %get3A_2258 = arith.index_cast %get3A_2257 : i32 to index
    %get3A_2259 = arith.constant 0 : index
    %get3A_2260 = tpu.vector_load %arg12[%get3A_2258, %get3A_2259] {strides = array<i32>} : memref<128x32xi32, #tpu.memory_space<vmem>>, vector<1x16xi32>,
    %get3A_2261 = vector.shape_cast %get3A_2260 : vector<1x16xi32> to vector<16xi32>
    %swap3A_2262 = arith.constant 25 : i32
    %swap3A_2263 = arith.index_cast %swap3A_2262 : i32 to index
    %swap3A_2264 = arith.constant 32 : index
    %swap3A_2265 = tpu.vector_load %arg13[%swap3A_2263, %swap3A_2264] {strides = array<i32>} : memref<32x128xi32, #tpu.memory_space<vmem>>, vector<1x16xi32>,
    %swap3A_2266 = vector.shape_cast %swap3A_2265 : vector<1x16xi32> to vector<16xi32>
    %swap3A_2267 = vector.shape_cast %get3A_2261 : vector<16xi32> to vector<1x16xi32>
    tpu.vector_store %arg13[%swap3A_2263, %swap3A_2264], %swap3A_2267 {strides = array<i32>} : memref<32x128xi32, #tpu.memory_space<vmem>>, vector<1x16xi32>,
    %get3A_2268 = arith.constant 101 : i32
    %get3A_2269 = arith.index_cast %get3A_2268 : i32 to index
    %get3A_2270 = arith.constant 16 : index
    %get3A_2271 = tpu.vector_load %arg12[%get3A_2269, %get3A_2270] {strides = array<i32>} : memref<128x32xi32, #tpu.memory_space<vmem>>, vector<1x16xi32>,
    %get3A_2272 = vector.shape_cast %get3A_2271 : vector<1x16xi32> to vector<16xi32>
    %swap3A_2273 = arith.constant 25 : i32
    %swap3A_2274 = arith.index_cast %swap3A_2273 : i32 to index
    %swap3A_2275 = arith.constant 48 : index
    %swap3A_2276 = tpu.vector_load %arg13[%swap3A_2274, %swap3A_2275] {strides = array<i32>} : memref<32x128xi32, #tpu.memory_space<vmem>>, vector<1x16xi32>,
    %swap3A_2277 = vector.shape_cast %swap3A_2276 : vector<1x16xi32> to vector<16xi32>
    %swap3A_2278 = vector.shape_cast %get3A_2272 : vector<16xi32> to vector<1x16xi32>
    tpu.vector_store %arg13[%swap3A_2274, %swap3A_2275], %swap3A_2278 {strides = array<i32>} : memref<32x128xi32, #tpu.memory_space<vmem>>, vector<1x16xi32>,
    %get3A_2279 = arith.constant 102 : i32
    %get3A_2280 = arith.index_cast %get3A_2279 : i32 to index
    %get3A_2281 = arith.constant 0 : index
    %get3A_2282 = tpu.vector_load %arg12[%get3A_2280, %get3A_2281] {strides = array<i32>} : memref<128x32xi32, #tpu.memory_space<vmem>>, vector<1x16xi32>,
    %get3A_2283 = vector.shape_cast %get3A_2282 : vector<1x16xi32> to vector<16xi32>
    %swap3A_2284 = arith.constant 25 : i32
    %swap3A_2285 = arith.index_cast %swap3A_2284 : i32 to index
    %swap3A_2286 = arith.constant 64 : index
    %swap3A_2287 = tpu.vector_load %arg13[%swap3A_2285, %swap3A_2286] {strides = array<i32>} : memref<32x128xi32, #tpu.memory_space<vmem>>, vector<1x16xi32>,
    %swap3A_2288 = vector.shape_cast %swap3A_2287 : vector<1x16xi32> to vector<16xi32>
    %swap3A_2289 = vector.shape_cast %get3A_2283 : vector<16xi32> to vector<1x16xi32>
    tpu.vector_store %arg13[%swap3A_2285, %swap3A_2286], %swap3A_2289 {strides = array<i32>} : memref<32x128xi32, #tpu.memory_space<vmem>>, vector<1x16xi32>,
    %get3A_2290 = arith.constant 102 : i32
    %get3A_2291 = arith.index_cast %get3A_2290 : i32 to index
    %get3A_2292 = arith.constant 16 : index
    %get3A_2293 = tpu.vector_load %arg12[%get3A_2291, %get3A_2292] {strides = array<i32>} : memref<128x32xi32, #tpu.memory_space<vmem>>, vector<1x16xi32>,
    %get3A_2294 = vector.shape_cast %get3A_2293 : vector<1x16xi32> to vector<16xi32>
    %swap3A_2295 = arith.constant 25 : i32
    %swap3A_2296 = arith.index_cast %swap3A_2295 : i32 to index
    %swap3A_2297 = arith.constant 80 : index
    %swap3A_2298 = tpu.vector_load %arg13[%swap3A_2296, %swap3A_2297] {strides = array<i32>} : memref<32x128xi32, #tpu.memory_space<vmem>>, vector<1x16xi32>,
    %swap3A_2299 = vector.shape_cast %swap3A_2298 : vector<1x16xi32> to vector<16xi32>
    %swap3A_2300 = vector.shape_cast %get3A_2294 : vector<16xi32> to vector<1x16xi32>
    tpu.vector_store %arg13[%swap3A_2296, %swap3A_2297], %swap3A_2300 {strides = array<i32>} : memref<32x128xi32, #tpu.memory_space<vmem>>, vector<1x16xi32>,
    %get3A_2301 = arith.constant 103 : i32
    %get3A_2302 = arith.index_cast %get3A_2301 : i32 to index
    %get3A_2303 = arith.constant 0 : index
    %get3A_2304 = tpu.vector_load %arg12[%get3A_2302, %get3A_2303] {strides = array<i32>} : memref<128x32xi32, #tpu.memory_space<vmem>>, vector<1x16xi32>,
    %get3A_2305 = vector.shape_cast %get3A_2304 : vector<1x16xi32> to vector<16xi32>
    %swap3A_2306 = arith.constant 25 : i32
    %swap3A_2307 = arith.index_cast %swap3A_2306 : i32 to index
    %swap3A_2308 = arith.constant 96 : index
    %swap3A_2309 = tpu.vector_load %arg13[%swap3A_2307, %swap3A_2308] {strides = array<i32>} : memref<32x128xi32, #tpu.memory_space<vmem>>, vector<1x16xi32>,
    %swap3A_2310 = vector.shape_cast %swap3A_2309 : vector<1x16xi32> to vector<16xi32>
    %swap3A_2311 = vector.shape_cast %get3A_2305 : vector<16xi32> to vector<1x16xi32>
    tpu.vector_store %arg13[%swap3A_2307, %swap3A_2308], %swap3A_2311 {strides = array<i32>} : memref<32x128xi32, #tpu.memory_space<vmem>>, vector<1x16xi32>,
    %get3A_2312 = arith.constant 103 : i32
    %get3A_2313 = arith.index_cast %get3A_2312 : i32 to index
    %get3A_2314 = arith.constant 16 : index
    %get3A_2315 = tpu.vector_load %arg12[%get3A_2313, %get3A_2314] {strides = array<i32>} : memref<128x32xi32, #tpu.memory_space<vmem>>, vector<1x16xi32>,
    %get3A_2316 = vector.shape_cast %get3A_2315 : vector<1x16xi32> to vector<16xi32>
    %swap3A_2317 = arith.constant 25 : i32
    %swap3A_2318 = arith.index_cast %swap3A_2317 : i32 to index
    %swap3A_2319 = arith.constant 112 : index
    %swap3A_2320 = tpu.vector_load %arg13[%swap3A_2318, %swap3A_2319] {strides = array<i32>} : memref<32x128xi32, #tpu.memory_space<vmem>>, vector<1x16xi32>,
    %swap3A_2321 = vector.shape_cast %swap3A_2320 : vector<1x16xi32> to vector<16xi32>
    %swap3A_2322 = vector.shape_cast %get3A_2316 : vector<16xi32> to vector<1x16xi32>
    tpu.vector_store %arg13[%swap3A_2318, %swap3A_2319], %swap3A_2322 {strides = array<i32>} : memref<32x128xi32, #tpu.memory_space<vmem>>, vector<1x16xi32>,
    %get3A_2323 = arith.constant 104 : i32
    %get3A_2324 = arith.index_cast %get3A_2323 : i32 to index
    %get3A_2325 = arith.constant 0 : index
    %get3A_2326 = tpu.vector_load %arg12[%get3A_2324, %get3A_2325] {strides = array<i32>} : memref<128x32xi32, #tpu.memory_space<vmem>>, vector<1x16xi32>,
    %get3A_2327 = vector.shape_cast %get3A_2326 : vector<1x16xi32> to vector<16xi32>
    %swap3A_2328 = arith.constant 26 : i32
    %swap3A_2329 = arith.index_cast %swap3A_2328 : i32 to index
    %swap3A_2330 = arith.constant 0 : index
    %swap3A_2331 = tpu.vector_load %arg13[%swap3A_2329, %swap3A_2330] {strides = array<i32>} : memref<32x128xi32, #tpu.memory_space<vmem>>, vector<1x16xi32>,
    %swap3A_2332 = vector.shape_cast %swap3A_2331 : vector<1x16xi32> to vector<16xi32>
    %swap3A_2333 = vector.shape_cast %get3A_2327 : vector<16xi32> to vector<1x16xi32>
    tpu.vector_store %arg13[%swap3A_2329, %swap3A_2330], %swap3A_2333 {strides = array<i32>} : memref<32x128xi32, #tpu.memory_space<vmem>>, vector<1x16xi32>,
    %get3A_2334 = arith.constant 104 : i32
    %get3A_2335 = arith.index_cast %get3A_2334 : i32 to index
    %get3A_2336 = arith.constant 16 : index
    %get3A_2337 = tpu.vector_load %arg12[%get3A_2335, %get3A_2336] {strides = array<i32>} : memref<128x32xi32, #tpu.memory_space<vmem>>, vector<1x16xi32>,
    %get3A_2338 = vector.shape_cast %get3A_2337 : vector<1x16xi32> to vector<16xi32>
    %swap3A_2339 = arith.constant 26 : i32
    %swap3A_2340 = arith.index_cast %swap3A_2339 : i32 to index
    %swap3A_2341 = arith.constant 16 : index
    %swap3A_2342 = tpu.vector_load %arg13[%swap3A_2340, %swap3A_2341] {strides = array<i32>} : memref<32x128xi32, #tpu.memory_space<vmem>>, vector<1x16xi32>,
    %swap3A_2343 = vector.shape_cast %swap3A_2342 : vector<1x16xi32> to vector<16xi32>
    %swap3A_2344 = vector.shape_cast %get3A_2338 : vector<16xi32> to vector<1x16xi32>
    tpu.vector_store %arg13[%swap3A_2340, %swap3A_2341], %swap3A_2344 {strides = array<i32>} : memref<32x128xi32, #tpu.memory_space<vmem>>, vector<1x16xi32>,
    %get3A_2345 = arith.constant 105 : i32
    %get3A_2346 = arith.index_cast %get3A_2345 : i32 to index
    %get3A_2347 = arith.constant 0 : index
    %get3A_2348 = tpu.vector_load %arg12[%get3A_2346, %get3A_2347] {strides = array<i32>} : memref<128x32xi32, #tpu.memory_space<vmem>>, vector<1x16xi32>,
    %get3A_2349 = vector.shape_cast %get3A_2348 : vector<1x16xi32> to vector<16xi32>
    %swap3A_2350 = arith.constant 26 : i32
    %swap3A_2351 = arith.index_cast %swap3A_2350 : i32 to index
    %swap3A_2352 = arith.constant 32 : index
    %swap3A_2353 = tpu.vector_load %arg13[%swap3A_2351, %swap3A_2352] {strides = array<i32>} : memref<32x128xi32, #tpu.memory_space<vmem>>, vector<1x16xi32>,
    %swap3A_2354 = vector.shape_cast %swap3A_2353 : vector<1x16xi32> to vector<16xi32>
    %swap3A_2355 = vector.shape_cast %get3A_2349 : vector<16xi32> to vector<1x16xi32>
    tpu.vector_store %arg13[%swap3A_2351, %swap3A_2352], %swap3A_2355 {strides = array<i32>} : memref<32x128xi32, #tpu.memory_space<vmem>>, vector<1x16xi32>,
    %get3A_2356 = arith.constant 105 : i32
    %get3A_2357 = arith.index_cast %get3A_2356 : i32 to index
    %get3A_2358 = arith.constant 16 : index
    %get3A_2359 = tpu.vector_load %arg12[%get3A_2357, %get3A_2358] {strides = array<i32>} : memref<128x32xi32, #tpu.memory_space<vmem>>, vector<1x16xi32>,
    %get3A_2360 = vector.shape_cast %get3A_2359 : vector<1x16xi32> to vector<16xi32>
    %swap3A_2361 = arith.constant 26 : i32
    %swap3A_2362 = arith.index_cast %swap3A_2361 : i32 to index
    %swap3A_2363 = arith.constant 48 : index
    %swap3A_2364 = tpu.vector_load %arg13[%swap3A_2362, %swap3A_2363] {strides = array<i32>} : memref<32x128xi32, #tpu.memory_space<vmem>>, vector<1x16xi32>,
    %swap3A_2365 = vector.shape_cast %swap3A_2364 : vector<1x16xi32> to vector<16xi32>
    %swap3A_2366 = vector.shape_cast %get3A_2360 : vector<16xi32> to vector<1x16xi32>
    tpu.vector_store %arg13[%swap3A_2362, %swap3A_2363], %swap3A_2366 {strides = array<i32>} : memref<32x128xi32, #tpu.memory_space<vmem>>, vector<1x16xi32>,
    %get3A_2367 = arith.constant 106 : i32
    %get3A_2368 = arith.index_cast %get3A_2367 : i32 to index
    %get3A_2369 = arith.constant 0 : index
    %get3A_2370 = tpu.vector_load %arg12[%get3A_2368, %get3A_2369] {strides = array<i32>} : memref<128x32xi32, #tpu.memory_space<vmem>>, vector<1x16xi32>,
    %get3A_2371 = vector.shape_cast %get3A_2370 : vector<1x16xi32> to vector<16xi32>
    %swap3A_2372 = arith.constant 26 : i32
    %swap3A_2373 = arith.index_cast %swap3A_2372 : i32 to index
    %swap3A_2374 = arith.constant 64 : index
    %swap3A_2375 = tpu.vector_load %arg13[%swap3A_2373, %swap3A_2374] {strides = array<i32>} : memref<32x128xi32, #tpu.memory_space<vmem>>, vector<1x16xi32>,
    %swap3A_2376 = vector.shape_cast %swap3A_2375 : vector<1x16xi32> to vector<16xi32>
    %swap3A_2377 = vector.shape_cast %get3A_2371 : vector<16xi32> to vector<1x16xi32>
    tpu.vector_store %arg13[%swap3A_2373, %swap3A_2374], %swap3A_2377 {strides = array<i32>} : memref<32x128xi32, #tpu.memory_space<vmem>>, vector<1x16xi32>,
    %get3A_2378 = arith.constant 106 : i32
    %get3A_2379 = arith.index_cast %get3A_2378 : i32 to index
    %get3A_2380 = arith.constant 16 : index
    %get3A_2381 = tpu.vector_load %arg12[%get3A_2379, %get3A_2380] {strides = array<i32>} : memref<128x32xi32, #tpu.memory_space<vmem>>, vector<1x16xi32>,
    %get3A_2382 = vector.shape_cast %get3A_2381 : vector<1x16xi32> to vector<16xi32>
    %swap3A_2383 = arith.constant 26 : i32
    %swap3A_2384 = arith.index_cast %swap3A_2383 : i32 to index
    %swap3A_2385 = arith.constant 80 : index
    %swap3A_2386 = tpu.vector_load %arg13[%swap3A_2384, %swap3A_2385] {strides = array<i32>} : memref<32x128xi32, #tpu.memory_space<vmem>>, vector<1x16xi32>,
    %swap3A_2387 = vector.shape_cast %swap3A_2386 : vector<1x16xi32> to vector<16xi32>
    %swap3A_2388 = vector.shape_cast %get3A_2382 : vector<16xi32> to vector<1x16xi32>
    tpu.vector_store %arg13[%swap3A_2384, %swap3A_2385], %swap3A_2388 {strides = array<i32>} : memref<32x128xi32, #tpu.memory_space<vmem>>, vector<1x16xi32>,
    %get3A_2389 = arith.constant 107 : i32
    %get3A_2390 = arith.index_cast %get3A_2389 : i32 to index
    %get3A_2391 = arith.constant 0 : index
    %get3A_2392 = tpu.vector_load %arg12[%get3A_2390, %get3A_2391] {strides = array<i32>} : memref<128x32xi32, #tpu.memory_space<vmem>>, vector<1x16xi32>,
    %get3A_2393 = vector.shape_cast %get3A_2392 : vector<1x16xi32> to vector<16xi32>
    %swap3A_2394 = arith.constant 26 : i32
    %swap3A_2395 = arith.index_cast %swap3A_2394 : i32 to index
    %swap3A_2396 = arith.constant 96 : index
    %swap3A_2397 = tpu.vector_load %arg13[%swap3A_2395, %swap3A_2396] {strides = array<i32>} : memref<32x128xi32, #tpu.memory_space<vmem>>, vector<1x16xi32>,
    %swap3A_2398 = vector.shape_cast %swap3A_2397 : vector<1x16xi32> to vector<16xi32>
    %swap3A_2399 = vector.shape_cast %get3A_2393 : vector<16xi32> to vector<1x16xi32>
    tpu.vector_store %arg13[%swap3A_2395, %swap3A_2396], %swap3A_2399 {strides = array<i32>} : memref<32x128xi32, #tpu.memory_space<vmem>>, vector<1x16xi32>,
    %get3A_2400 = arith.constant 107 : i32
    %get3A_2401 = arith.index_cast %get3A_2400 : i32 to index
    %get3A_2402 = arith.constant 16 : index
    %get3A_2403 = tpu.vector_load %arg12[%get3A_2401, %get3A_2402] {strides = array<i32>} : memref<128x32xi32, #tpu.memory_space<vmem>>, vector<1x16xi32>,
    %get3A_2404 = vector.shape_cast %get3A_2403 : vector<1x16xi32> to vector<16xi32>
    %swap3A_2405 = arith.constant 26 : i32
    %swap3A_2406 = arith.index_cast %swap3A_2405 : i32 to index
    %swap3A_2407 = arith.constant 112 : index
    %swap3A_2408 = tpu.vector_load %arg13[%swap3A_2406, %swap3A_2407] {strides = array<i32>} : memref<32x128xi32, #tpu.memory_space<vmem>>, vector<1x16xi32>,
    %swap3A_2409 = vector.shape_cast %swap3A_2408 : vector<1x16xi32> to vector<16xi32>
    %swap3A_2410 = vector.shape_cast %get3A_2404 : vector<16xi32> to vector<1x16xi32>
    tpu.vector_store %arg13[%swap3A_2406, %swap3A_2407], %swap3A_2410 {strides = array<i32>} : memref<32x128xi32, #tpu.memory_space<vmem>>, vector<1x16xi32>,
    %get3A_2411 = arith.constant 108 : i32
    %get3A_2412 = arith.index_cast %get3A_2411 : i32 to index
    %get3A_2413 = arith.constant 0 : index
    %get3A_2414 = tpu.vector_load %arg12[%get3A_2412, %get3A_2413] {strides = array<i32>} : memref<128x32xi32, #tpu.memory_space<vmem>>, vector<1x16xi32>,
    %get3A_2415 = vector.shape_cast %get3A_2414 : vector<1x16xi32> to vector<16xi32>
    %swap3A_2416 = arith.constant 27 : i32
    %swap3A_2417 = arith.index_cast %swap3A_2416 : i32 to index
    %swap3A_2418 = arith.constant 0 : index
    %swap3A_2419 = tpu.vector_load %arg13[%swap3A_2417, %swap3A_2418] {strides = array<i32>} : memref<32x128xi32, #tpu.memory_space<vmem>>, vector<1x16xi32>,
    %swap3A_2420 = vector.shape_cast %swap3A_2419 : vector<1x16xi32> to vector<16xi32>
    %swap3A_2421 = vector.shape_cast %get3A_2415 : vector<16xi32> to vector<1x16xi32>
    tpu.vector_store %arg13[%swap3A_2417, %swap3A_2418], %swap3A_2421 {strides = array<i32>} : memref<32x128xi32, #tpu.memory_space<vmem>>, vector<1x16xi32>,
    %get3A_2422 = arith.constant 108 : i32
    %get3A_2423 = arith.index_cast %get3A_2422 : i32 to index
    %get3A_2424 = arith.constant 16 : index
    %get3A_2425 = tpu.vector_load %arg12[%get3A_2423, %get3A_2424] {strides = array<i32>} : memref<128x32xi32, #tpu.memory_space<vmem>>, vector<1x16xi32>,
    %get3A_2426 = vector.shape_cast %get3A_2425 : vector<1x16xi32> to vector<16xi32>
    %swap3A_2427 = arith.constant 27 : i32
    %swap3A_2428 = arith.index_cast %swap3A_2427 : i32 to index
    %swap3A_2429 = arith.constant 16 : index
    %swap3A_2430 = tpu.vector_load %arg13[%swap3A_2428, %swap3A_2429] {strides = array<i32>} : memref<32x128xi32, #tpu.memory_space<vmem>>, vector<1x16xi32>,
    %swap3A_2431 = vector.shape_cast %swap3A_2430 : vector<1x16xi32> to vector<16xi32>
    %swap3A_2432 = vector.shape_cast %get3A_2426 : vector<16xi32> to vector<1x16xi32>
    tpu.vector_store %arg13[%swap3A_2428, %swap3A_2429], %swap3A_2432 {strides = array<i32>} : memref<32x128xi32, #tpu.memory_space<vmem>>, vector<1x16xi32>,
    %get3A_2433 = arith.constant 109 : i32
    %get3A_2434 = arith.index_cast %get3A_2433 : i32 to index
    %get3A_2435 = arith.constant 0 : index
    %get3A_2436 = tpu.vector_load %arg12[%get3A_2434, %get3A_2435] {strides = array<i32>} : memref<128x32xi32, #tpu.memory_space<vmem>>, vector<1x16xi32>,
    %get3A_2437 = vector.shape_cast %get3A_2436 : vector<1x16xi32> to vector<16xi32>
    %swap3A_2438 = arith.constant 27 : i32
    %swap3A_2439 = arith.index_cast %swap3A_2438 : i32 to index
    %swap3A_2440 = arith.constant 32 : index
    %swap3A_2441 = tpu.vector_load %arg13[%swap3A_2439, %swap3A_2440] {strides = array<i32>} : memref<32x128xi32, #tpu.memory_space<vmem>>, vector<1x16xi32>,
    %swap3A_2442 = vector.shape_cast %swap3A_2441 : vector<1x16xi32> to vector<16xi32>
    %swap3A_2443 = vector.shape_cast %get3A_2437 : vector<16xi32> to vector<1x16xi32>
    tpu.vector_store %arg13[%swap3A_2439, %swap3A_2440], %swap3A_2443 {strides = array<i32>} : memref<32x128xi32, #tpu.memory_space<vmem>>, vector<1x16xi32>,
    %get3A_2444 = arith.constant 109 : i32
    %get3A_2445 = arith.index_cast %get3A_2444 : i32 to index
    %get3A_2446 = arith.constant 16 : index
    %get3A_2447 = tpu.vector_load %arg12[%get3A_2445, %get3A_2446] {strides = array<i32>} : memref<128x32xi32, #tpu.memory_space<vmem>>, vector<1x16xi32>,
    %get3A_2448 = vector.shape_cast %get3A_2447 : vector<1x16xi32> to vector<16xi32>
    %swap3A_2449 = arith.constant 27 : i32
    %swap3A_2450 = arith.index_cast %swap3A_2449 : i32 to index
    %swap3A_2451 = arith.constant 48 : index
    %swap3A_2452 = tpu.vector_load %arg13[%swap3A_2450, %swap3A_2451] {strides = array<i32>} : memref<32x128xi32, #tpu.memory_space<vmem>>, vector<1x16xi32>,
    %swap3A_2453 = vector.shape_cast %swap3A_2452 : vector<1x16xi32> to vector<16xi32>
    %swap3A_2454 = vector.shape_cast %get3A_2448 : vector<16xi32> to vector<1x16xi32>
    tpu.vector_store %arg13[%swap3A_2450, %swap3A_2451], %swap3A_2454 {strides = array<i32>} : memref<32x128xi32, #tpu.memory_space<vmem>>, vector<1x16xi32>,
    %get3A_2455 = arith.constant 110 : i32
    %get3A_2456 = arith.index_cast %get3A_2455 : i32 to index
    %get3A_2457 = arith.constant 0 : index
    %get3A_2458 = tpu.vector_load %arg12[%get3A_2456, %get3A_2457] {strides = array<i32>} : memref<128x32xi32, #tpu.memory_space<vmem>>, vector<1x16xi32>,
    %get3A_2459 = vector.shape_cast %get3A_2458 : vector<1x16xi32> to vector<16xi32>
    %swap3A_2460 = arith.constant 27 : i32
    %swap3A_2461 = arith.index_cast %swap3A_2460 : i32 to index
    %swap3A_2462 = arith.constant 64 : index
    %swap3A_2463 = tpu.vector_load %arg13[%swap3A_2461, %swap3A_2462] {strides = array<i32>} : memref<32x128xi32, #tpu.memory_space<vmem>>, vector<1x16xi32>,
    %swap3A_2464 = vector.shape_cast %swap3A_2463 : vector<1x16xi32> to vector<16xi32>
    %swap3A_2465 = vector.shape_cast %get3A_2459 : vector<16xi32> to vector<1x16xi32>
    tpu.vector_store %arg13[%swap3A_2461, %swap3A_2462], %swap3A_2465 {strides = array<i32>} : memref<32x128xi32, #tpu.memory_space<vmem>>, vector<1x16xi32>,
    %get3A_2466 = arith.constant 110 : i32
    %get3A_2467 = arith.index_cast %get3A_2466 : i32 to index
    %get3A_2468 = arith.constant 16 : index
    %get3A_2469 = tpu.vector_load %arg12[%get3A_2467, %get3A_2468] {strides = array<i32>} : memref<128x32xi32, #tpu.memory_space<vmem>>, vector<1x16xi32>,
    %get3A_2470 = vector.shape_cast %get3A_2469 : vector<1x16xi32> to vector<16xi32>
    %swap3A_2471 = arith.constant 27 : i32
    %swap3A_2472 = arith.index_cast %swap3A_2471 : i32 to index
    %swap3A_2473 = arith.constant 80 : index
    %swap3A_2474 = tpu.vector_load %arg13[%swap3A_2472, %swap3A_2473] {strides = array<i32>} : memref<32x128xi32, #tpu.memory_space<vmem>>, vector<1x16xi32>,
    %swap3A_2475 = vector.shape_cast %swap3A_2474 : vector<1x16xi32> to vector<16xi32>
    %swap3A_2476 = vector.shape_cast %get3A_2470 : vector<16xi32> to vector<1x16xi32>
    tpu.vector_store %arg13[%swap3A_2472, %swap3A_2473], %swap3A_2476 {strides = array<i32>} : memref<32x128xi32, #tpu.memory_space<vmem>>, vector<1x16xi32>,
    %get3A_2477 = arith.constant 111 : i32
    %get3A_2478 = arith.index_cast %get3A_2477 : i32 to index
    %get3A_2479 = arith.constant 0 : index
    %get3A_2480 = tpu.vector_load %arg12[%get3A_2478, %get3A_2479] {strides = array<i32>} : memref<128x32xi32, #tpu.memory_space<vmem>>, vector<1x16xi32>,
    %get3A_2481 = vector.shape_cast %get3A_2480 : vector<1x16xi32> to vector<16xi32>
    %swap3A_2482 = arith.constant 27 : i32
    %swap3A_2483 = arith.index_cast %swap3A_2482 : i32 to index
    %swap3A_2484 = arith.constant 96 : index
    %swap3A_2485 = tpu.vector_load %arg13[%swap3A_2483, %swap3A_2484] {strides = array<i32>} : memref<32x128xi32, #tpu.memory_space<vmem>>, vector<1x16xi32>,
    %swap3A_2486 = vector.shape_cast %swap3A_2485 : vector<1x16xi32> to vector<16xi32>
    %swap3A_2487 = vector.shape_cast %get3A_2481 : vector<16xi32> to vector<1x16xi32>
    tpu.vector_store %arg13[%swap3A_2483, %swap3A_2484], %swap3A_2487 {strides = array<i32>} : memref<32x128xi32, #tpu.memory_space<vmem>>, vector<1x16xi32>,
    %get3A_2488 = arith.constant 111 : i32
    %get3A_2489 = arith.index_cast %get3A_2488 : i32 to index
    %get3A_2490 = arith.constant 16 : index
    %get3A_2491 = tpu.vector_load %arg12[%get3A_2489, %get3A_2490] {strides = array<i32>} : memref<128x32xi32, #tpu.memory_space<vmem>>, vector<1x16xi32>,
    %get3A_2492 = vector.shape_cast %get3A_2491 : vector<1x16xi32> to vector<16xi32>
    %swap3A_2493 = arith.constant 27 : i32
    %swap3A_2494 = arith.index_cast %swap3A_2493 : i32 to index
    %swap3A_2495 = arith.constant 112 : index
    %swap3A_2496 = tpu.vector_load %arg13[%swap3A_2494, %swap3A_2495] {strides = array<i32>} : memref<32x128xi32, #tpu.memory_space<vmem>>, vector<1x16xi32>,
    %swap3A_2497 = vector.shape_cast %swap3A_2496 : vector<1x16xi32> to vector<16xi32>
    %swap3A_2498 = vector.shape_cast %get3A_2492 : vector<16xi32> to vector<1x16xi32>
    tpu.vector_store %arg13[%swap3A_2494, %swap3A_2495], %swap3A_2498 {strides = array<i32>} : memref<32x128xi32, #tpu.memory_space<vmem>>, vector<1x16xi32>,
    %get3A_2499 = arith.constant 112 : i32
    %get3A_2500 = arith.index_cast %get3A_2499 : i32 to index
    %get3A_2501 = arith.constant 0 : index
    %get3A_2502 = tpu.vector_load %arg12[%get3A_2500, %get3A_2501] {strides = array<i32>} : memref<128x32xi32, #tpu.memory_space<vmem>>, vector<1x16xi32>,
    %get3A_2503 = vector.shape_cast %get3A_2502 : vector<1x16xi32> to vector<16xi32>
    %swap3A_2504 = arith.constant 28 : i32
    %swap3A_2505 = arith.index_cast %swap3A_2504 : i32 to index
    %swap3A_2506 = arith.constant 0 : index
    %swap3A_2507 = tpu.vector_load %arg13[%swap3A_2505, %swap3A_2506] {strides = array<i32>} : memref<32x128xi32, #tpu.memory_space<vmem>>, vector<1x16xi32>,
    %swap3A_2508 = vector.shape_cast %swap3A_2507 : vector<1x16xi32> to vector<16xi32>
    %swap3A_2509 = vector.shape_cast %get3A_2503 : vector<16xi32> to vector<1x16xi32>
    tpu.vector_store %arg13[%swap3A_2505, %swap3A_2506], %swap3A_2509 {strides = array<i32>} : memref<32x128xi32, #tpu.memory_space<vmem>>, vector<1x16xi32>,
    %get3A_2510 = arith.constant 112 : i32
    %get3A_2511 = arith.index_cast %get3A_2510 : i32 to index
    %get3A_2512 = arith.constant 16 : index
    %get3A_2513 = tpu.vector_load %arg12[%get3A_2511, %get3A_2512] {strides = array<i32>} : memref<128x32xi32, #tpu.memory_space<vmem>>, vector<1x16xi32>,
    %get3A_2514 = vector.shape_cast %get3A_2513 : vector<1x16xi32> to vector<16xi32>
    %swap3A_2515 = arith.constant 28 : i32
    %swap3A_2516 = arith.index_cast %swap3A_2515 : i32 to index
    %swap3A_2517 = arith.constant 16 : index
    %swap3A_2518 = tpu.vector_load %arg13[%swap3A_2516, %swap3A_2517] {strides = array<i32>} : memref<32x128xi32, #tpu.memory_space<vmem>>, vector<1x16xi32>,
    %swap3A_2519 = vector.shape_cast %swap3A_2518 : vector<1x16xi32> to vector<16xi32>
    %swap3A_2520 = vector.shape_cast %get3A_2514 : vector<16xi32> to vector<1x16xi32>
    tpu.vector_store %arg13[%swap3A_2516, %swap3A_2517], %swap3A_2520 {strides = array<i32>} : memref<32x128xi32, #tpu.memory_space<vmem>>, vector<1x16xi32>,
    %get3A_2521 = arith.constant 113 : i32
    %get3A_2522 = arith.index_cast %get3A_2521 : i32 to index
    %get3A_2523 = arith.constant 0 : index
    %get3A_2524 = tpu.vector_load %arg12[%get3A_2522, %get3A_2523] {strides = array<i32>} : memref<128x32xi32, #tpu.memory_space<vmem>>, vector<1x16xi32>,
    %get3A_2525 = vector.shape_cast %get3A_2524 : vector<1x16xi32> to vector<16xi32>
    %swap3A_2526 = arith.constant 28 : i32
    %swap3A_2527 = arith.index_cast %swap3A_2526 : i32 to index
    %swap3A_2528 = arith.constant 32 : index
    %swap3A_2529 = tpu.vector_load %arg13[%swap3A_2527, %swap3A_2528] {strides = array<i32>} : memref<32x128xi32, #tpu.memory_space<vmem>>, vector<1x16xi32>,
    %swap3A_2530 = vector.shape_cast %swap3A_2529 : vector<1x16xi32> to vector<16xi32>
    %swap3A_2531 = vector.shape_cast %get3A_2525 : vector<16xi32> to vector<1x16xi32>
    tpu.vector_store %arg13[%swap3A_2527, %swap3A_2528], %swap3A_2531 {strides = array<i32>} : memref<32x128xi32, #tpu.memory_space<vmem>>, vector<1x16xi32>,
    %get3A_2532 = arith.constant 113 : i32
    %get3A_2533 = arith.index_cast %get3A_2532 : i32 to index
    %get3A_2534 = arith.constant 16 : index
    %get3A_2535 = tpu.vector_load %arg12[%get3A_2533, %get3A_2534] {strides = array<i32>} : memref<128x32xi32, #tpu.memory_space<vmem>>, vector<1x16xi32>,
    %get3A_2536 = vector.shape_cast %get3A_2535 : vector<1x16xi32> to vector<16xi32>
    %swap3A_2537 = arith.constant 28 : i32
    %swap3A_2538 = arith.index_cast %swap3A_2537 : i32 to index
    %swap3A_2539 = arith.constant 48 : index
    %swap3A_2540 = tpu.vector_load %arg13[%swap3A_2538, %swap3A_2539] {strides = array<i32>} : memref<32x128xi32, #tpu.memory_space<vmem>>, vector<1x16xi32>,
    %swap3A_2541 = vector.shape_cast %swap3A_2540 : vector<1x16xi32> to vector<16xi32>
    %swap3A_2542 = vector.shape_cast %get3A_2536 : vector<16xi32> to vector<1x16xi32>
    tpu.vector_store %arg13[%swap3A_2538, %swap3A_2539], %swap3A_2542 {strides = array<i32>} : memref<32x128xi32, #tpu.memory_space<vmem>>, vector<1x16xi32>,
    %get3A_2543 = arith.constant 114 : i32
    %get3A_2544 = arith.index_cast %get3A_2543 : i32 to index
    %get3A_2545 = arith.constant 0 : index
    %get3A_2546 = tpu.vector_load %arg12[%get3A_2544, %get3A_2545] {strides = array<i32>} : memref<128x32xi32, #tpu.memory_space<vmem>>, vector<1x16xi32>,
    %get3A_2547 = vector.shape_cast %get3A_2546 : vector<1x16xi32> to vector<16xi32>
    %swap3A_2548 = arith.constant 28 : i32
    %swap3A_2549 = arith.index_cast %swap3A_2548 : i32 to index
    %swap3A_2550 = arith.constant 64 : index
    %swap3A_2551 = tpu.vector_load %arg13[%swap3A_2549, %swap3A_2550] {strides = array<i32>} : memref<32x128xi32, #tpu.memory_space<vmem>>, vector<1x16xi32>,
    %swap3A_2552 = vector.shape_cast %swap3A_2551 : vector<1x16xi32> to vector<16xi32>
    %swap3A_2553 = vector.shape_cast %get3A_2547 : vector<16xi32> to vector<1x16xi32>
    tpu.vector_store %arg13[%swap3A_2549, %swap3A_2550], %swap3A_2553 {strides = array<i32>} : memref<32x128xi32, #tpu.memory_space<vmem>>, vector<1x16xi32>,
    %get3A_2554 = arith.constant 114 : i32
    %get3A_2555 = arith.index_cast %get3A_2554 : i32 to index
    %get3A_2556 = arith.constant 16 : index
    %get3A_2557 = tpu.vector_load %arg12[%get3A_2555, %get3A_2556] {strides = array<i32>} : memref<128x32xi32, #tpu.memory_space<vmem>>, vector<1x16xi32>,
    %get3A_2558 = vector.shape_cast %get3A_2557 : vector<1x16xi32> to vector<16xi32>
    %swap3A_2559 = arith.constant 28 : i32
    %swap3A_2560 = arith.index_cast %swap3A_2559 : i32 to index
    %swap3A_2561 = arith.constant 80 : index
    %swap3A_2562 = tpu.vector_load %arg13[%swap3A_2560, %swap3A_2561] {strides = array<i32>} : memref<32x128xi32, #tpu.memory_space<vmem>>, vector<1x16xi32>,
    %swap3A_2563 = vector.shape_cast %swap3A_2562 : vector<1x16xi32> to vector<16xi32>
    %swap3A_2564 = vector.shape_cast %get3A_2558 : vector<16xi32> to vector<1x16xi32>
    tpu.vector_store %arg13[%swap3A_2560, %swap3A_2561], %swap3A_2564 {strides = array<i32>} : memref<32x128xi32, #tpu.memory_space<vmem>>, vector<1x16xi32>,
    %get3A_2565 = arith.constant 115 : i32
    %get3A_2566 = arith.index_cast %get3A_2565 : i32 to index
    %get3A_2567 = arith.constant 0 : index
    %get3A_2568 = tpu.vector_load %arg12[%get3A_2566, %get3A_2567] {strides = array<i32>} : memref<128x32xi32, #tpu.memory_space<vmem>>, vector<1x16xi32>,
    %get3A_2569 = vector.shape_cast %get3A_2568 : vector<1x16xi32> to vector<16xi32>
    %swap3A_2570 = arith.constant 28 : i32
    %swap3A_2571 = arith.index_cast %swap3A_2570 : i32 to index
    %swap3A_2572 = arith.constant 96 : index
    %swap3A_2573 = tpu.vector_load %arg13[%swap3A_2571, %swap3A_2572] {strides = array<i32>} : memref<32x128xi32, #tpu.memory_space<vmem>>, vector<1x16xi32>,
    %swap3A_2574 = vector.shape_cast %swap3A_2573 : vector<1x16xi32> to vector<16xi32>
    %swap3A_2575 = vector.shape_cast %get3A_2569 : vector<16xi32> to vector<1x16xi32>
    tpu.vector_store %arg13[%swap3A_2571, %swap3A_2572], %swap3A_2575 {strides = array<i32>} : memref<32x128xi32, #tpu.memory_space<vmem>>, vector<1x16xi32>,
    %get3A_2576 = arith.constant 115 : i32
    %get3A_2577 = arith.index_cast %get3A_2576 : i32 to index
    %get3A_2578 = arith.constant 16 : index
    %get3A_2579 = tpu.vector_load %arg12[%get3A_2577, %get3A_2578] {strides = array<i32>} : memref<128x32xi32, #tpu.memory_space<vmem>>, vector<1x16xi32>,
    %get3A_2580 = vector.shape_cast %get3A_2579 : vector<1x16xi32> to vector<16xi32>
    %swap3A_2581 = arith.constant 28 : i32
    %swap3A_2582 = arith.index_cast %swap3A_2581 : i32 to index
    %swap3A_2583 = arith.constant 112 : index
    %swap3A_2584 = tpu.vector_load %arg13[%swap3A_2582, %swap3A_2583] {strides = array<i32>} : memref<32x128xi32, #tpu.memory_space<vmem>>, vector<1x16xi32>,
    %swap3A_2585 = vector.shape_cast %swap3A_2584 : vector<1x16xi32> to vector<16xi32>
    %swap3A_2586 = vector.shape_cast %get3A_2580 : vector<16xi32> to vector<1x16xi32>
    tpu.vector_store %arg13[%swap3A_2582, %swap3A_2583], %swap3A_2586 {strides = array<i32>} : memref<32x128xi32, #tpu.memory_space<vmem>>, vector<1x16xi32>,
    %get3A_2587 = arith.constant 116 : i32
    %get3A_2588 = arith.index_cast %get3A_2587 : i32 to index
    %get3A_2589 = arith.constant 0 : index
    %get3A_2590 = tpu.vector_load %arg12[%get3A_2588, %get3A_2589] {strides = array<i32>} : memref<128x32xi32, #tpu.memory_space<vmem>>, vector<1x16xi32>,
    %get3A_2591 = vector.shape_cast %get3A_2590 : vector<1x16xi32> to vector<16xi32>
    %swap3A_2592 = arith.constant 29 : i32
    %swap3A_2593 = arith.index_cast %swap3A_2592 : i32 to index
    %swap3A_2594 = arith.constant 0 : index
    %swap3A_2595 = tpu.vector_load %arg13[%swap3A_2593, %swap3A_2594] {strides = array<i32>} : memref<32x128xi32, #tpu.memory_space<vmem>>, vector<1x16xi32>,
    %swap3A_2596 = vector.shape_cast %swap3A_2595 : vector<1x16xi32> to vector<16xi32>
    %swap3A_2597 = vector.shape_cast %get3A_2591 : vector<16xi32> to vector<1x16xi32>
    tpu.vector_store %arg13[%swap3A_2593, %swap3A_2594], %swap3A_2597 {strides = array<i32>} : memref<32x128xi32, #tpu.memory_space<vmem>>, vector<1x16xi32>,
    %get3A_2598 = arith.constant 116 : i32
    %get3A_2599 = arith.index_cast %get3A_2598 : i32 to index
    %get3A_2600 = arith.constant 16 : index
    %get3A_2601 = tpu.vector_load %arg12[%get3A_2599, %get3A_2600] {strides = array<i32>} : memref<128x32xi32, #tpu.memory_space<vmem>>, vector<1x16xi32>,
    %get3A_2602 = vector.shape_cast %get3A_2601 : vector<1x16xi32> to vector<16xi32>
    %swap3A_2603 = arith.constant 29 : i32
    %swap3A_2604 = arith.index_cast %swap3A_2603 : i32 to index
    %swap3A_2605 = arith.constant 16 : index
    %swap3A_2606 = tpu.vector_load %arg13[%swap3A_2604, %swap3A_2605] {strides = array<i32>} : memref<32x128xi32, #tpu.memory_space<vmem>>, vector<1x16xi32>,
    %swap3A_2607 = vector.shape_cast %swap3A_2606 : vector<1x16xi32> to vector<16xi32>
    %swap3A_2608 = vector.shape_cast %get3A_2602 : vector<16xi32> to vector<1x16xi32>
    tpu.vector_store %arg13[%swap3A_2604, %swap3A_2605], %swap3A_2608 {strides = array<i32>} : memref<32x128xi32, #tpu.memory_space<vmem>>, vector<1x16xi32>,
    %get3A_2609 = arith.constant 117 : i32
    %get3A_2610 = arith.index_cast %get3A_2609 : i32 to index
    %get3A_2611 = arith.constant 0 : index
    %get3A_2612 = tpu.vector_load %arg12[%get3A_2610, %get3A_2611] {strides = array<i32>} : memref<128x32xi32, #tpu.memory_space<vmem>>, vector<1x16xi32>,
    %get3A_2613 = vector.shape_cast %get3A_2612 : vector<1x16xi32> to vector<16xi32>
    %swap3A_2614 = arith.constant 29 : i32
    %swap3A_2615 = arith.index_cast %swap3A_2614 : i32 to index
    %swap3A_2616 = arith.constant 32 : index
    %swap3A_2617 = tpu.vector_load %arg13[%swap3A_2615, %swap3A_2616] {strides = array<i32>} : memref<32x128xi32, #tpu.memory_space<vmem>>, vector<1x16xi32>,
    %swap3A_2618 = vector.shape_cast %swap3A_2617 : vector<1x16xi32> to vector<16xi32>
    %swap3A_2619 = vector.shape_cast %get3A_2613 : vector<16xi32> to vector<1x16xi32>
    tpu.vector_store %arg13[%swap3A_2615, %swap3A_2616], %swap3A_2619 {strides = array<i32>} : memref<32x128xi32, #tpu.memory_space<vmem>>, vector<1x16xi32>,
    %get3A_2620 = arith.constant 117 : i32
    %get3A_2621 = arith.index_cast %get3A_2620 : i32 to index
    %get3A_2622 = arith.constant 16 : index
    %get3A_2623 = tpu.vector_load %arg12[%get3A_2621, %get3A_2622] {strides = array<i32>} : memref<128x32xi32, #tpu.memory_space<vmem>>, vector<1x16xi32>,
    %get3A_2624 = vector.shape_cast %get3A_2623 : vector<1x16xi32> to vector<16xi32>
    %swap3A_2625 = arith.constant 29 : i32
    %swap3A_2626 = arith.index_cast %swap3A_2625 : i32 to index
    %swap3A_2627 = arith.constant 48 : index
    %swap3A_2628 = tpu.vector_load %arg13[%swap3A_2626, %swap3A_2627] {strides = array<i32>} : memref<32x128xi32, #tpu.memory_space<vmem>>, vector<1x16xi32>,
    %swap3A_2629 = vector.shape_cast %swap3A_2628 : vector<1x16xi32> to vector<16xi32>
    %swap3A_2630 = vector.shape_cast %get3A_2624 : vector<16xi32> to vector<1x16xi32>
    tpu.vector_store %arg13[%swap3A_2626, %swap3A_2627], %swap3A_2630 {strides = array<i32>} : memref<32x128xi32, #tpu.memory_space<vmem>>, vector<1x16xi32>,
    %get3A_2631 = arith.constant 118 : i32
    %get3A_2632 = arith.index_cast %get3A_2631 : i32 to index
    %get3A_2633 = arith.constant 0 : index
    %get3A_2634 = tpu.vector_load %arg12[%get3A_2632, %get3A_2633] {strides = array<i32>} : memref<128x32xi32, #tpu.memory_space<vmem>>, vector<1x16xi32>,
    %get3A_2635 = vector.shape_cast %get3A_2634 : vector<1x16xi32> to vector<16xi32>
    %swap3A_2636 = arith.constant 29 : i32
    %swap3A_2637 = arith.index_cast %swap3A_2636 : i32 to index
    %swap3A_2638 = arith.constant 64 : index
    %swap3A_2639 = tpu.vector_load %arg13[%swap3A_2637, %swap3A_2638] {strides = array<i32>} : memref<32x128xi32, #tpu.memory_space<vmem>>, vector<1x16xi32>,
    %swap3A_2640 = vector.shape_cast %swap3A_2639 : vector<1x16xi32> to vector<16xi32>
    %swap3A_2641 = vector.shape_cast %get3A_2635 : vector<16xi32> to vector<1x16xi32>
    tpu.vector_store %arg13[%swap3A_2637, %swap3A_2638], %swap3A_2641 {strides = array<i32>} : memref<32x128xi32, #tpu.memory_space<vmem>>, vector<1x16xi32>,
    %get3A_2642 = arith.constant 118 : i32
    %get3A_2643 = arith.index_cast %get3A_2642 : i32 to index
    %get3A_2644 = arith.constant 16 : index
    %get3A_2645 = tpu.vector_load %arg12[%get3A_2643, %get3A_2644] {strides = array<i32>} : memref<128x32xi32, #tpu.memory_space<vmem>>, vector<1x16xi32>,
    %get3A_2646 = vector.shape_cast %get3A_2645 : vector<1x16xi32> to vector<16xi32>
    %swap3A_2647 = arith.constant 29 : i32
    %swap3A_2648 = arith.index_cast %swap3A_2647 : i32 to index
    %swap3A_2649 = arith.constant 80 : index
    %swap3A_2650 = tpu.vector_load %arg13[%swap3A_2648, %swap3A_2649] {strides = array<i32>} : memref<32x128xi32, #tpu.memory_space<vmem>>, vector<1x16xi32>,
    %swap3A_2651 = vector.shape_cast %swap3A_2650 : vector<1x16xi32> to vector<16xi32>
    %swap3A_2652 = vector.shape_cast %get3A_2646 : vector<16xi32> to vector<1x16xi32>
    tpu.vector_store %arg13[%swap3A_2648, %swap3A_2649], %swap3A_2652 {strides = array<i32>} : memref<32x128xi32, #tpu.memory_space<vmem>>, vector<1x16xi32>,
    %get3A_2653 = arith.constant 119 : i32
    %get3A_2654 = arith.index_cast %get3A_2653 : i32 to index
    %get3A_2655 = arith.constant 0 : index
    %get3A_2656 = tpu.vector_load %arg12[%get3A_2654, %get3A_2655] {strides = array<i32>} : memref<128x32xi32, #tpu.memory_space<vmem>>, vector<1x16xi32>,
    %get3A_2657 = vector.shape_cast %get3A_2656 : vector<1x16xi32> to vector<16xi32>
    %swap3A_2658 = arith.constant 29 : i32
    %swap3A_2659 = arith.index_cast %swap3A_2658 : i32 to index
    %swap3A_2660 = arith.constant 96 : index
    %swap3A_2661 = tpu.vector_load %arg13[%swap3A_2659, %swap3A_2660] {strides = array<i32>} : memref<32x128xi32, #tpu.memory_space<vmem>>, vector<1x16xi32>,
    %swap3A_2662 = vector.shape_cast %swap3A_2661 : vector<1x16xi32> to vector<16xi32>
    %swap3A_2663 = vector.shape_cast %get3A_2657 : vector<16xi32> to vector<1x16xi32>
    tpu.vector_store %arg13[%swap3A_2659, %swap3A_2660], %swap3A_2663 {strides = array<i32>} : memref<32x128xi32, #tpu.memory_space<vmem>>, vector<1x16xi32>,
    %get3A_2664 = arith.constant 119 : i32
    %get3A_2665 = arith.index_cast %get3A_2664 : i32 to index
    %get3A_2666 = arith.constant 16 : index
    %get3A_2667 = tpu.vector_load %arg12[%get3A_2665, %get3A_2666] {strides = array<i32>} : memref<128x32xi32, #tpu.memory_space<vmem>>, vector<1x16xi32>,
    %get3A_2668 = vector.shape_cast %get3A_2667 : vector<1x16xi32> to vector<16xi32>
    %swap3A_2669 = arith.constant 29 : i32
    %swap3A_2670 = arith.index_cast %swap3A_2669 : i32 to index
    %swap3A_2671 = arith.constant 112 : index
    %swap3A_2672 = tpu.vector_load %arg13[%swap3A_2670, %swap3A_2671] {strides = array<i32>} : memref<32x128xi32, #tpu.memory_space<vmem>>, vector<1x16xi32>,
    %swap3A_2673 = vector.shape_cast %swap3A_2672 : vector<1x16xi32> to vector<16xi32>
    %swap3A_2674 = vector.shape_cast %get3A_2668 : vector<16xi32> to vector<1x16xi32>
    tpu.vector_store %arg13[%swap3A_2670, %swap3A_2671], %swap3A_2674 {strides = array<i32>} : memref<32x128xi32, #tpu.memory_space<vmem>>, vector<1x16xi32>,
    %get3A_2675 = arith.constant 120 : i32
    %get3A_2676 = arith.index_cast %get3A_2675 : i32 to index
    %get3A_2677 = arith.constant 0 : index
    %get3A_2678 = tpu.vector_load %arg12[%get3A_2676, %get3A_2677] {strides = array<i32>} : memref<128x32xi32, #tpu.memory_space<vmem>>, vector<1x16xi32>,
    %get3A_2679 = vector.shape_cast %get3A_2678 : vector<1x16xi32> to vector<16xi32>
    %swap3A_2680 = arith.constant 30 : i32
    %swap3A_2681 = arith.index_cast %swap3A_2680 : i32 to index
    %swap3A_2682 = arith.constant 0 : index
    %swap3A_2683 = tpu.vector_load %arg13[%swap3A_2681, %swap3A_2682] {strides = array<i32>} : memref<32x128xi32, #tpu.memory_space<vmem>>, vector<1x16xi32>,
    %swap3A_2684 = vector.shape_cast %swap3A_2683 : vector<1x16xi32> to vector<16xi32>
    %swap3A_2685 = vector.shape_cast %get3A_2679 : vector<16xi32> to vector<1x16xi32>
    tpu.vector_store %arg13[%swap3A_2681, %swap3A_2682], %swap3A_2685 {strides = array<i32>} : memref<32x128xi32, #tpu.memory_space<vmem>>, vector<1x16xi32>,
    %get3A_2686 = arith.constant 120 : i32
    %get3A_2687 = arith.index_cast %get3A_2686 : i32 to index
    %get3A_2688 = arith.constant 16 : index
    %get3A_2689 = tpu.vector_load %arg12[%get3A_2687, %get3A_2688] {strides = array<i32>} : memref<128x32xi32, #tpu.memory_space<vmem>>, vector<1x16xi32>,
    %get3A_2690 = vector.shape_cast %get3A_2689 : vector<1x16xi32> to vector<16xi32>
    %swap3A_2691 = arith.constant 30 : i32
    %swap3A_2692 = arith.index_cast %swap3A_2691 : i32 to index
    %swap3A_2693 = arith.constant 16 : index
    %swap3A_2694 = tpu.vector_load %arg13[%swap3A_2692, %swap3A_2693] {strides = array<i32>} : memref<32x128xi32, #tpu.memory_space<vmem>>, vector<1x16xi32>,
    %swap3A_2695 = vector.shape_cast %swap3A_2694 : vector<1x16xi32> to vector<16xi32>
    %swap3A_2696 = vector.shape_cast %get3A_2690 : vector<16xi32> to vector<1x16xi32>
    tpu.vector_store %arg13[%swap3A_2692, %swap3A_2693], %swap3A_2696 {strides = array<i32>} : memref<32x128xi32, #tpu.memory_space<vmem>>, vector<1x16xi32>,
    %get3A_2697 = arith.constant 121 : i32
    %get3A_2698 = arith.index_cast %get3A_2697 : i32 to index
    %get3A_2699 = arith.constant 0 : index
    %get3A_2700 = tpu.vector_load %arg12[%get3A_2698, %get3A_2699] {strides = array<i32>} : memref<128x32xi32, #tpu.memory_space<vmem>>, vector<1x16xi32>,
    %get3A_2701 = vector.shape_cast %get3A_2700 : vector<1x16xi32> to vector<16xi32>
    %swap3A_2702 = arith.constant 30 : i32
    %swap3A_2703 = arith.index_cast %swap3A_2702 : i32 to index
    %swap3A_2704 = arith.constant 32 : index
    %swap3A_2705 = tpu.vector_load %arg13[%swap3A_2703, %swap3A_2704] {strides = array<i32>} : memref<32x128xi32, #tpu.memory_space<vmem>>, vector<1x16xi32>,
    %swap3A_2706 = vector.shape_cast %swap3A_2705 : vector<1x16xi32> to vector<16xi32>
    %swap3A_2707 = vector.shape_cast %get3A_2701 : vector<16xi32> to vector<1x16xi32>
    tpu.vector_store %arg13[%swap3A_2703, %swap3A_2704], %swap3A_2707 {strides = array<i32>} : memref<32x128xi32, #tpu.memory_space<vmem>>, vector<1x16xi32>,
    %get3A_2708 = arith.constant 121 : i32
    %get3A_2709 = arith.index_cast %get3A_2708 : i32 to index
    %get3A_2710 = arith.constant 16 : index
    %get3A_2711 = tpu.vector_load %arg12[%get3A_2709, %get3A_2710] {strides = array<i32>} : memref<128x32xi32, #tpu.memory_space<vmem>>, vector<1x16xi32>,
    %get3A_2712 = vector.shape_cast %get3A_2711 : vector<1x16xi32> to vector<16xi32>
    %swap3A_2713 = arith.constant 30 : i32
    %swap3A_2714 = arith.index_cast %swap3A_2713 : i32 to index
    %swap3A_2715 = arith.constant 48 : index
    %swap3A_2716 = tpu.vector_load %arg13[%swap3A_2714, %swap3A_2715] {strides = array<i32>} : memref<32x128xi32, #tpu.memory_space<vmem>>, vector<1x16xi32>,
    %swap3A_2717 = vector.shape_cast %swap3A_2716 : vector<1x16xi32> to vector<16xi32>
    %swap3A_2718 = vector.shape_cast %get3A_2712 : vector<16xi32> to vector<1x16xi32>
    tpu.vector_store %arg13[%swap3A_2714, %swap3A_2715], %swap3A_2718 {strides = array<i32>} : memref<32x128xi32, #tpu.memory_space<vmem>>, vector<1x16xi32>,
    %get3A_2719 = arith.constant 122 : i32
    %get3A_2720 = arith.index_cast %get3A_2719 : i32 to index
    %get3A_2721 = arith.constant 0 : index
    %get3A_2722 = tpu.vector_load %arg12[%get3A_2720, %get3A_2721] {strides = array<i32>} : memref<128x32xi32, #tpu.memory_space<vmem>>, vector<1x16xi32>,
    %get3A_2723 = vector.shape_cast %get3A_2722 : vector<1x16xi32> to vector<16xi32>
    %swap3A_2724 = arith.constant 30 : i32
    %swap3A_2725 = arith.index_cast %swap3A_2724 : i32 to index
    %swap3A_2726 = arith.constant 64 : index
    %swap3A_2727 = tpu.vector_load %arg13[%swap3A_2725, %swap3A_2726] {strides = array<i32>} : memref<32x128xi32, #tpu.memory_space<vmem>>, vector<1x16xi32>,
    %swap3A_2728 = vector.shape_cast %swap3A_2727 : vector<1x16xi32> to vector<16xi32>
    %swap3A_2729 = vector.shape_cast %get3A_2723 : vector<16xi32> to vector<1x16xi32>
    tpu.vector_store %arg13[%swap3A_2725, %swap3A_2726], %swap3A_2729 {strides = array<i32>} : memref<32x128xi32, #tpu.memory_space<vmem>>, vector<1x16xi32>,
    %get3A_2730 = arith.constant 122 : i32
    %get3A_2731 = arith.index_cast %get3A_2730 : i32 to index
    %get3A_2732 = arith.constant 16 : index
    %get3A_2733 = tpu.vector_load %arg12[%get3A_2731, %get3A_2732] {strides = array<i32>} : memref<128x32xi32, #tpu.memory_space<vmem>>, vector<1x16xi32>,
    %get3A_2734 = vector.shape_cast %get3A_2733 : vector<1x16xi32> to vector<16xi32>
    %swap3A_2735 = arith.constant 30 : i32
    %swap3A_2736 = arith.index_cast %swap3A_2735 : i32 to index
    %swap3A_2737 = arith.constant 80 : index
    %swap3A_2738 = tpu.vector_load %arg13[%swap3A_2736, %swap3A_2737] {strides = array<i32>} : memref<32x128xi32, #tpu.memory_space<vmem>>, vector<1x16xi32>,
    %swap3A_2739 = vector.shape_cast %swap3A_2738 : vector<1x16xi32> to vector<16xi32>
    %swap3A_2740 = vector.shape_cast %get3A_2734 : vector<16xi32> to vector<1x16xi32>
    tpu.vector_store %arg13[%swap3A_2736, %swap3A_2737], %swap3A_2740 {strides = array<i32>} : memref<32x128xi32, #tpu.memory_space<vmem>>, vector<1x16xi32>,
    %get3A_2741 = arith.constant 123 : i32
    %get3A_2742 = arith.index_cast %get3A_2741 : i32 to index
    %get3A_2743 = arith.constant 0 : index
    %get3A_2744 = tpu.vector_load %arg12[%get3A_2742, %get3A_2743] {strides = array<i32>} : memref<128x32xi32, #tpu.memory_space<vmem>>, vector<1x16xi32>,
    %get3A_2745 = vector.shape_cast %get3A_2744 : vector<1x16xi32> to vector<16xi32>
    %swap3A_2746 = arith.constant 30 : i32
    %swap3A_2747 = arith.index_cast %swap3A_2746 : i32 to index
    %swap3A_2748 = arith.constant 96 : index
    %swap3A_2749 = tpu.vector_load %arg13[%swap3A_2747, %swap3A_2748] {strides = array<i32>} : memref<32x128xi32, #tpu.memory_space<vmem>>, vector<1x16xi32>,
    %swap3A_2750 = vector.shape_cast %swap3A_2749 : vector<1x16xi32> to vector<16xi32>
    %swap3A_2751 = vector.shape_cast %get3A_2745 : vector<16xi32> to vector<1x16xi32>
    tpu.vector_store %arg13[%swap3A_2747, %swap3A_2748], %swap3A_2751 {strides = array<i32>} : memref<32x128xi32, #tpu.memory_space<vmem>>, vector<1x16xi32>,
    %get3A_2752 = arith.constant 123 : i32
    %get3A_2753 = arith.index_cast %get3A_2752 : i32 to index
    %get3A_2754 = arith.constant 16 : index
    %get3A_2755 = tpu.vector_load %arg12[%get3A_2753, %get3A_2754] {strides = array<i32>} : memref<128x32xi32, #tpu.memory_space<vmem>>, vector<1x16xi32>,
    %get3A_2756 = vector.shape_cast %get3A_2755 : vector<1x16xi32> to vector<16xi32>
    %swap3A_2757 = arith.constant 30 : i32
    %swap3A_2758 = arith.index_cast %swap3A_2757 : i32 to index
    %swap3A_2759 = arith.constant 112 : index
    %swap3A_2760 = tpu.vector_load %arg13[%swap3A_2758, %swap3A_2759] {strides = array<i32>} : memref<32x128xi32, #tpu.memory_space<vmem>>, vector<1x16xi32>,
    %swap3A_2761 = vector.shape_cast %swap3A_2760 : vector<1x16xi32> to vector<16xi32>
    %swap3A_2762 = vector.shape_cast %get3A_2756 : vector<16xi32> to vector<1x16xi32>
    tpu.vector_store %arg13[%swap3A_2758, %swap3A_2759], %swap3A_2762 {strides = array<i32>} : memref<32x128xi32, #tpu.memory_space<vmem>>, vector<1x16xi32>,
    %get3A_2763 = arith.constant 124 : i32
    %get3A_2764 = arith.index_cast %get3A_2763 : i32 to index
    %get3A_2765 = arith.constant 0 : index
    %get3A_2766 = tpu.vector_load %arg12[%get3A_2764, %get3A_2765] {strides = array<i32>} : memref<128x32xi32, #tpu.memory_space<vmem>>, vector<1x16xi32>,
    %get3A_2767 = vector.shape_cast %get3A_2766 : vector<1x16xi32> to vector<16xi32>
    %swap3A_2768 = arith.constant 31 : i32
    %swap3A_2769 = arith.index_cast %swap3A_2768 : i32 to index
    %swap3A_2770 = arith.constant 0 : index
    %swap3A_2771 = tpu.vector_load %arg13[%swap3A_2769, %swap3A_2770] {strides = array<i32>} : memref<32x128xi32, #tpu.memory_space<vmem>>, vector<1x16xi32>,
    %swap3A_2772 = vector.shape_cast %swap3A_2771 : vector<1x16xi32> to vector<16xi32>
    %swap3A_2773 = vector.shape_cast %get3A_2767 : vector<16xi32> to vector<1x16xi32>
    tpu.vector_store %arg13[%swap3A_2769, %swap3A_2770], %swap3A_2773 {strides = array<i32>} : memref<32x128xi32, #tpu.memory_space<vmem>>, vector<1x16xi32>,
    %get3A_2774 = arith.constant 124 : i32
    %get3A_2775 = arith.index_cast %get3A_2774 : i32 to index
    %get3A_2776 = arith.constant 16 : index
    %get3A_2777 = tpu.vector_load %arg12[%get3A_2775, %get3A_2776] {strides = array<i32>} : memref<128x32xi32, #tpu.memory_space<vmem>>, vector<1x16xi32>,
    %get3A_2778 = vector.shape_cast %get3A_2777 : vector<1x16xi32> to vector<16xi32>
    %swap3A_2779 = arith.constant 31 : i32
    %swap3A_2780 = arith.index_cast %swap3A_2779 : i32 to index
    %swap3A_2781 = arith.constant 16 : index
    %swap3A_2782 = tpu.vector_load %arg13[%swap3A_2780, %swap3A_2781] {strides = array<i32>} : memref<32x128xi32, #tpu.memory_space<vmem>>, vector<1x16xi32>,
    %swap3A_2783 = vector.shape_cast %swap3A_2782 : vector<1x16xi32> to vector<16xi32>
    %swap3A_2784 = vector.shape_cast %get3A_2778 : vector<16xi32> to vector<1x16xi32>
    tpu.vector_store %arg13[%swap3A_2780, %swap3A_2781], %swap3A_2784 {strides = array<i32>} : memref<32x128xi32, #tpu.memory_space<vmem>>, vector<1x16xi32>,
    %get3A_2785 = arith.constant 125 : i32
    %get3A_2786 = arith.index_cast %get3A_2785 : i32 to index
    %get3A_2787 = arith.constant 0 : index
    %get3A_2788 = tpu.vector_load %arg12[%get3A_2786, %get3A_2787] {strides = array<i32>} : memref<128x32xi32, #tpu.memory_space<vmem>>, vector<1x16xi32>,
    %get3A_2789 = vector.shape_cast %get3A_2788 : vector<1x16xi32> to vector<16xi32>
    %swap3A_2790 = arith.constant 31 : i32
    %swap3A_2791 = arith.index_cast %swap3A_2790 : i32 to index
    %swap3A_2792 = arith.constant 32 : index
    %swap3A_2793 = tpu.vector_load %arg13[%swap3A_2791, %swap3A_2792] {strides = array<i32>} : memref<32x128xi32, #tpu.memory_space<vmem>>, vector<1x16xi32>,
    %swap3A_2794 = vector.shape_cast %swap3A_2793 : vector<1x16xi32> to vector<16xi32>
    %swap3A_2795 = vector.shape_cast %get3A_2789 : vector<16xi32> to vector<1x16xi32>
    tpu.vector_store %arg13[%swap3A_2791, %swap3A_2792], %swap3A_2795 {strides = array<i32>} : memref<32x128xi32, #tpu.memory_space<vmem>>, vector<1x16xi32>,
    %get3A_2796 = arith.constant 125 : i32
    %get3A_2797 = arith.index_cast %get3A_2796 : i32 to index
    %get3A_2798 = arith.constant 16 : index
    %get3A_2799 = tpu.vector_load %arg12[%get3A_2797, %get3A_2798] {strides = array<i32>} : memref<128x32xi32, #tpu.memory_space<vmem>>, vector<1x16xi32>,
    %get3A_2800 = vector.shape_cast %get3A_2799 : vector<1x16xi32> to vector<16xi32>
    %swap3A_2801 = arith.constant 31 : i32
    %swap3A_2802 = arith.index_cast %swap3A_2801 : i32 to index
    %swap3A_2803 = arith.constant 48 : index
    %swap3A_2804 = tpu.vector_load %arg13[%swap3A_2802, %swap3A_2803] {strides = array<i32>} : memref<32x128xi32, #tpu.memory_space<vmem>>, vector<1x16xi32>,
    %swap3A_2805 = vector.shape_cast %swap3A_2804 : vector<1x16xi32> to vector<16xi32>
    %swap3A_2806 = vector.shape_cast %get3A_2800 : vector<16xi32> to vector<1x16xi32>
    tpu.vector_store %arg13[%swap3A_2802, %swap3A_2803], %swap3A_2806 {strides = array<i32>} : memref<32x128xi32, #tpu.memory_space<vmem>>, vector<1x16xi32>,
    %get3A_2807 = arith.constant 126 : i32
    %get3A_2808 = arith.index_cast %get3A_2807 : i32 to index
    %get3A_2809 = arith.constant 0 : index
    %get3A_2810 = tpu.vector_load %arg12[%get3A_2808, %get3A_2809] {strides = array<i32>} : memref<128x32xi32, #tpu.memory_space<vmem>>, vector<1x16xi32>,
    %get3A_2811 = vector.shape_cast %get3A_2810 : vector<1x16xi32> to vector<16xi32>
    %swap3A_2812 = arith.constant 31 : i32
    %swap3A_2813 = arith.index_cast %swap3A_2812 : i32 to index
    %swap3A_2814 = arith.constant 64 : index
    %swap3A_2815 = tpu.vector_load %arg13[%swap3A_2813, %swap3A_2814] {strides = array<i32>} : memref<32x128xi32, #tpu.memory_space<vmem>>, vector<1x16xi32>,
    %swap3A_2816 = vector.shape_cast %swap3A_2815 : vector<1x16xi32> to vector<16xi32>
    %swap3A_2817 = vector.shape_cast %get3A_2811 : vector<16xi32> to vector<1x16xi32>
    tpu.vector_store %arg13[%swap3A_2813, %swap3A_2814], %swap3A_2817 {strides = array<i32>} : memref<32x128xi32, #tpu.memory_space<vmem>>, vector<1x16xi32>,
    %get3A_2818 = arith.constant 126 : i32
    %get3A_2819 = arith.index_cast %get3A_2818 : i32 to index
    %get3A_2820 = arith.constant 16 : index
    %get3A_2821 = tpu.vector_load %arg12[%get3A_2819, %get3A_2820] {strides = array<i32>} : memref<128x32xi32, #tpu.memory_space<vmem>>, vector<1x16xi32>,
    %get3A_2822 = vector.shape_cast %get3A_2821 : vector<1x16xi32> to vector<16xi32>
    %swap3A_2823 = arith.constant 31 : i32
    %swap3A_2824 = arith.index_cast %swap3A_2823 : i32 to index
    %swap3A_2825 = arith.constant 80 : index
    %swap3A_2826 = tpu.vector_load %arg13[%swap3A_2824, %swap3A_2825] {strides = array<i32>} : memref<32x128xi32, #tpu.memory_space<vmem>>, vector<1x16xi32>,
    %swap3A_2827 = vector.shape_cast %swap3A_2826 : vector<1x16xi32> to vector<16xi32>
    %swap3A_2828 = vector.shape_cast %get3A_2822 : vector<16xi32> to vector<1x16xi32>
    tpu.vector_store %arg13[%swap3A_2824, %swap3A_2825], %swap3A_2828 {strides = array<i32>} : memref<32x128xi32, #tpu.memory_space<vmem>>, vector<1x16xi32>,
    %get3A_2829 = arith.constant 127 : i32
    %get3A_2830 = arith.index_cast %get3A_2829 : i32 to index
    %get3A_2831 = arith.constant 0 : index
    %get3A_2832 = tpu.vector_load %arg12[%get3A_2830, %get3A_2831] {strides = array<i32>} : memref<128x32xi32, #tpu.memory_space<vmem>>, vector<1x16xi32>,
    %get3A_2833 = vector.shape_cast %get3A_2832 : vector<1x16xi32> to vector<16xi32>
    %swap3A_2834 = arith.constant 31 : i32
    %swap3A_2835 = arith.index_cast %swap3A_2834 : i32 to index
    %swap3A_2836 = arith.constant 96 : index
    %swap3A_2837 = tpu.vector_load %arg13[%swap3A_2835, %swap3A_2836] {strides = array<i32>} : memref<32x128xi32, #tpu.memory_space<vmem>>, vector<1x16xi32>,
    %swap3A_2838 = vector.shape_cast %swap3A_2837 : vector<1x16xi32> to vector<16xi32>
    %swap3A_2839 = vector.shape_cast %get3A_2833 : vector<16xi32> to vector<1x16xi32>
    tpu.vector_store %arg13[%swap3A_2835, %swap3A_2836], %swap3A_2839 {strides = array<i32>} : memref<32x128xi32, #tpu.memory_space<vmem>>, vector<1x16xi32>,
    %get3A_2840 = arith.constant 127 : i32
    %get3A_2841 = arith.index_cast %get3A_2840 : i32 to index
    %get3A_2842 = arith.constant 16 : index
    %get3A_2843 = tpu.vector_load %arg12[%get3A_2841, %get3A_2842] {strides = array<i32>} : memref<128x32xi32, #tpu.memory_space<vmem>>, vector<1x16xi32>,
    %get3A_2844 = vector.shape_cast %get3A_2843 : vector<1x16xi32> to vector<16xi32>
    %swap3A_2845 = arith.constant 31 : i32
    %swap3A_2846 = arith.index_cast %swap3A_2845 : i32 to index
    %swap3A_2847 = arith.constant 112 : index
    %swap3A_2848 = tpu.vector_load %arg13[%swap3A_2846, %swap3A_2847] {strides = array<i32>} : memref<32x128xi32, #tpu.memory_space<vmem>>, vector<1x16xi32>,
    %swap3A_2849 = vector.shape_cast %swap3A_2848 : vector<1x16xi32> to vector<16xi32>
    %swap3A_2850 = vector.shape_cast %get3A_2844 : vector<16xi32> to vector<1x16xi32>
    tpu.vector_store %arg13[%swap3A_2846, %swap3A_2847], %swap3A_2850 {strides = array<i32>} : memref<32x128xi32, #tpu.memory_space<vmem>>, vector<1x16xi32>,
    %mul3A_2851 = arith.constant 32 : i32
    %mul3A_2852 = arith.muli %mul3A_2, %mul3A_2851 : i32
    %scan3A = arith.constant 0 : i32
    %scan3A_2853 = arith.constant 0 : i32
    %scan3A_2854 = arith.constant 8 : i32
    %scan3A_2855 = arith.addi %scan3A_2853, %scan3A_2854 : i32
    %scan3A_2856 = arith.constant 1 : i32
    %scan3A_2857 = scf.for %scan3A_2871 = %scan3A_2853 to %scan3A_2855 step %scan3A_2856 iter_args(%scan3A_2872 = %scan3A) -> (i32)  : i32 {
      %mul3A_2873 = arith.constant 4 : i32
      %mul3A_2874 = arith.muli %scan3A_2871, %mul3A_2873 : i32
      %add3A_2875 = arith.constant 0 : i32
      %add3A_2876 = arith.addi %mul3A_2874, %add3A_2875 : i32
      %dma_start3A_2877 = arith.constant 0 : i32
      %dma_start3A_2878 = arith.constant 0 : i32
      %dma_start3A_2879 = arith.constant 0 : i32
      %dma_start3A_2880 = tpu.memref_slice %arg17[%dma_start3A_2877, %dma_start3A_2878, %dma_start3A_2879] : memref<4x128x64xf32, #tpu.memory_space<vmem>> -> memref<1x128x64xf32, #tpu.memory_space<vmem>>
      %dma_start3A_2881 = tpu.memref_squeeze %dma_start3A_2880 : memref<1x128x64xf32, #tpu.memory_space<vmem>> -> memref<128x64xf32, #tpu.memory_space<vmem>>
      %dma_start3A_2882 = arith.constant 0 : i32
      %dma_start3A_2883 = tpu.memref_slice %arg13[%add3A_2876, %dma_start3A_2882] : memref<32x128xi32, #tpu.memory_space<vmem>> -> memref<1x128xi32, #tpu.memory_space<vmem>>
      %dma_start3A_2884 = tpu.memref_squeeze %dma_start3A_2883 : memref<1x128xi32, #tpu.memory_space<vmem>> -> memref<128xi32, #tpu.memory_space<vmem>>
      %dma_start3A_2885 = arith.constant 0 : i32
      %dma_start3A_2886 = arith.constant 0 : i32
      %dma_start3A_2887 = tpu.memref_slice %arg6[%dma_start3A_2885, %dma_start3A_2886] : memref<100000x64xf32, #tpu.memory_space<hbm>> -> memref<100000x64xf32, #tpu.memory_space<hbm>>
      tpu.enqueue_indirect_dma source(%dma_start3A_2887 : memref<100000x64xf32, #tpu.memory_space<hbm>>) target(%dma_start3A_2881 : memref<128x64xf32, #tpu.memory_space<vmem>>) offsets(%dma_start3A_2884 : memref<128xi32, #tpu.memory_space<vmem>>) semaphore(%arg18 : memref<!tpu.dma_semaphore, #tpu.memory_space<semaphore_mem>>)
      %mul3A_2888 = arith.constant 4 : i32
      %mul3A_2889 = arith.muli %scan3A_2871, %mul3A_2888 : i32
      %add3A_2890 = arith.constant 1 : i32
      %add3A_2891 = arith.addi %mul3A_2889, %add3A_2890 : i32
      %dma_start3A_2892 = arith.constant 1 : i32
      %dma_start3A_2893 = arith.constant 0 : i32
      %dma_start3A_2894 = arith.constant 0 : i32
      %dma_start3A_2895 = tpu.memref_slice %arg17[%dma_start3A_2892, %dma_start3A_2893, %dma_start3A_2894] : memref<4x128x64xf32, #tpu.memory_space<vmem>> -> memref<1x128x64xf32, #tpu.memory_space<vmem>>
      %dma_start3A_2896 = tpu.memref_squeeze %dma_start3A_2895 : memref<1x128x64xf32, #tpu.memory_space<vmem>> -> memref<128x64xf32, #tpu.memory_space<vmem>>
      %dma_start3A_2897 = arith.constant 0 : i32
      %dma_start3A_2898 = tpu.memref_slice %arg13[%add3A_2891, %dma_start3A_2897] : memref<32x128xi32, #tpu.memory_space<vmem>> -> memref<1x128xi32, #tpu.memory_space<vmem>>
      %dma_start3A_2899 = tpu.memref_squeeze %dma_start3A_2898 : memref<1x128xi32, #tpu.memory_space<vmem>> -> memref<128xi32, #tpu.memory_space<vmem>>
      %dma_start3A_2900 = arith.constant 0 : i32
      %dma_start3A_2901 = arith.constant 0 : i32
      %dma_start3A_2902 = tpu.memref_slice %arg6[%dma_start3A_2900, %dma_start3A_2901] : memref<100000x64xf32, #tpu.memory_space<hbm>> -> memref<100000x64xf32, #tpu.memory_space<hbm>>
      tpu.enqueue_indirect_dma source(%dma_start3A_2902 : memref<100000x64xf32, #tpu.memory_space<hbm>>) target(%dma_start3A_2896 : memref<128x64xf32, #tpu.memory_space<vmem>>) offsets(%dma_start3A_2899 : memref<128xi32, #tpu.memory_space<vmem>>) semaphore(%arg18 : memref<!tpu.dma_semaphore, #tpu.memory_space<semaphore_mem>>)
      %mul3A_2903 = arith.constant 4 : i32
      %mul3A_2904 = arith.muli %scan3A_2871, %mul3A_2903 : i32
      %add3A_2905 = arith.constant 2 : i32
      %add3A_2906 = arith.addi %mul3A_2904, %add3A_2905 : i32
      %dma_start3A_2907 = arith.constant 2 : i32
      %dma_start3A_2908 = arith.constant 0 : i32
      %dma_start3A_2909 = arith.constant 0 : i32
      %dma_start3A_2910 = tpu.memref_slice %arg17[%dma_start3A_2907, %dma_start3A_2908, %dma_start3A_2909] : memref<4x128x64xf32, #tpu.memory_space<vmem>> -> memref<1x128x64xf32, #tpu.memory_space<vmem>>
      %dma_start3A_2911 = tpu.memref_squeeze %dma_start3A_2910 : memref<1x128x64xf32, #tpu.memory_space<vmem>> -> memref<128x64xf32, #tpu.memory_space<vmem>>
      %dma_start3A_2912 = arith.constant 0 : i32
      %dma_start3A_2913 = tpu.memref_slice %arg13[%add3A_2906, %dma_start3A_2912] : memref<32x128xi32, #tpu.memory_space<vmem>> -> memref<1x128xi32, #tpu.memory_space<vmem>>
      %dma_start3A_2914 = tpu.memref_squeeze %dma_start3A_2913 : memref<1x128xi32, #tpu.memory_space<vmem>> -> memref<128xi32, #tpu.memory_space<vmem>>
      %dma_start3A_2915 = arith.constant 0 : i32
      %dma_start3A_2916 = arith.constant 0 : i32
      %dma_start3A_2917 = tpu.memref_slice %arg6[%dma_start3A_2915, %dma_start3A_2916] : memref<100000x64xf32, #tpu.memory_space<hbm>> -> memref<100000x64xf32, #tpu.memory_space<hbm>>
      tpu.enqueue_indirect_dma source(%dma_start3A_2917 : memref<100000x64xf32, #tpu.memory_space<hbm>>) target(%dma_start3A_2911 : memref<128x64xf32, #tpu.memory_space<vmem>>) offsets(%dma_start3A_2914 : memref<128xi32, #tpu.memory_space<vmem>>) semaphore(%arg18 : memref<!tpu.dma_semaphore, #tpu.memory_space<semaphore_mem>>)
      %mul3A_2918 = arith.constant 4 : i32
      %mul3A_2919 = arith.muli %scan3A_2871, %mul3A_2918 : i32
      %add3A_2920 = arith.constant 3 : i32
      %add3A_2921 = arith.addi %mul3A_2919, %add3A_2920 : i32
      %dma_start3A_2922 = arith.constant 3 : i32
      %dma_start3A_2923 = arith.constant 0 : i32
      %dma_start3A_2924 = arith.constant 0 : i32
      %dma_start3A_2925 = tpu.memref_slice %arg17[%dma_start3A_2922, %dma_start3A_2923, %dma_start3A_2924] : memref<4x128x64xf32, #tpu.memory_space<vmem>> -> memref<1x128x64xf32, #tpu.memory_space<vmem>>
      %dma_start3A_2926 = tpu.memref_squeeze %dma_start3A_2925 : memref<1x128x64xf32, #tpu.memory_space<vmem>> -> memref<128x64xf32, #tpu.memory_space<vmem>>
      %dma_start3A_2927 = arith.constant 0 : i32
      %dma_start3A_2928 = tpu.memref_slice %arg13[%add3A_2921, %dma_start3A_2927] : memref<32x128xi32, #tpu.memory_space<vmem>> -> memref<1x128xi32, #tpu.memory_space<vmem>>
      %dma_start3A_2929 = tpu.memref_squeeze %dma_start3A_2928 : memref<1x128xi32, #tpu.memory_space<vmem>> -> memref<128xi32, #tpu.memory_space<vmem>>
      %dma_start3A_2930 = arith.constant 0 : i32
      %dma_start3A_2931 = arith.constant 0 : i32
      %dma_start3A_2932 = tpu.memref_slice %arg6[%dma_start3A_2930, %dma_start3A_2931] : memref<100000x64xf32, #tpu.memory_space<hbm>> -> memref<100000x64xf32, #tpu.memory_space<hbm>>
      tpu.enqueue_indirect_dma source(%dma_start3A_2932 : memref<100000x64xf32, #tpu.memory_space<hbm>>) target(%dma_start3A_2926 : memref<128x64xf32, #tpu.memory_space<vmem>>) offsets(%dma_start3A_2929 : memref<128xi32, #tpu.memory_space<vmem>>) semaphore(%arg18 : memref<!tpu.dma_semaphore, #tpu.memory_space<semaphore_mem>>)
      %mul3A_2933 = arith.constant 4 : i32
      %mul3A_2934 = arith.muli %scan3A_2871, %mul3A_2933 : i32
      %add3A_2935 = arith.constant 0 : i32
      %add3A_2936 = arith.addi %mul3A_2934, %add3A_2935 : i32
      %dma_wait3A_2937 = arith.constant 0 : i32
      %dma_wait3A_2938 = arith.constant 0 : i32
      %dma_wait3A_2939 = arith.constant 0 : i32
      %dma_wait3A_2940 = tpu.memref_slice %arg17[%dma_wait3A_2937, %dma_wait3A_2938, %dma_wait3A_2939] : memref<4x128x64xf32, #tpu.memory_space<vmem>> -> memref<1x128x64xf32, #tpu.memory_space<vmem>>
      %dma_wait3A_2941 = tpu.memref_squeeze %dma_wait3A_2940 : memref<1x128x64xf32, #tpu.memory_space<vmem>> -> memref<128x64xf32, #tpu.memory_space<vmem>>
      %dma_wait3A_2942 = arith.constant 0 : i32
      %dma_wait3A_2943 = tpu.memref_slice %arg13[%add3A_2876, %dma_wait3A_2942] : memref<32x128xi32, #tpu.memory_space<vmem>> -> memref<1x128xi32, #tpu.memory_space<vmem>>
      %dma_wait3A_2944 = tpu.memref_squeeze %dma_wait3A_2943 : memref<1x128xi32, #tpu.memory_space<vmem>> -> memref<128xi32, #tpu.memory_space<vmem>>
      %dma_wait3A_2945 = arith.constant 0 : i32
      %dma_wait3A_2946 = arith.constant 0 : i32
      %dma_wait3A_2947 = tpu.memref_slice %arg6[%dma_wait3A_2945, %dma_wait3A_2946] : memref<100000x64xf32, #tpu.memory_space<hbm>> -> memref<100000x64xf32, #tpu.memory_space<hbm>>
      tpu.wait_indirect_dma semaphore(%arg18 : memref<!tpu.dma_semaphore, #tpu.memory_space<semaphore_mem>>) src(%dma_wait3A_2947 : memref<100000x64xf32, #tpu.memory_space<hbm>>) dst(%dma_wait3A_2941 : memref<128x64xf32, #tpu.memory_space<vmem>>)
      %mul3A_2948 = arith.constant 128 : i32
      %mul3A_2949 = arith.muli %add3A_2936, %mul3A_2948 : i32
      %add3A_2950 = arith.addi %mul3A_2852, %mul3A_2949 : i32
      %dma_start3A_2951 = arith.constant 0 : i32
      %dma_start3A_2952 = arith.constant 0 : i32
      %dma_start3A_2953 = arith.constant 0 : i32
      %dma_start3A_2954 = tpu.memref_slice %arg17[%dma_start3A_2951, %dma_start3A_2952, %dma_start3A_2953] : memref<4x128x64xf32, #tpu.memory_space<vmem>> -> memref<1x128x64xf32, #tpu.memory_space<vmem>>
      %dma_start3A_2955 = tpu.memref_squeeze %dma_start3A_2954 : memref<1x128x64xf32, #tpu.memory_space<vmem>> -> memref<128x64xf32, #tpu.memory_space<vmem>>
      %dma_start3A_2956 = arith.constant 0 : i32
      %dma_start3A_2957 = tpu.memref_slice %arg7[%add3A_2950, %dma_start3A_2956] : memref<131072x64xf32, #tpu.memory_space<hbm>> -> memref<128x64xf32, #tpu.memory_space<hbm>>
      %dma_start3A_2958 = arith.constant 0 : i32
      %dma_start3A_2959 = tpu.memref_slice %arg7[%add3A_2950, %dma_start3A_2958] : memref<131072x64xf32, #tpu.memory_space<hbm>> -> memref<128x64xf32, #tpu.memory_space<hbm>>
      %dma_start3A_2960 = arith.constant 0 : i32
      %dma_start3A_2961 = arith.constant 0 : i32
      %dma_start3A_2962 = tpu.memref_slice %arg17[%dma_start3A_2951, %dma_start3A_2960, %dma_start3A_2961] : memref<4x128x64xf32, #tpu.memory_space<vmem>> -> memref<1x128x64xf32, #tpu.memory_space<vmem>>
      %dma_start3A_2963 = tpu.memref_squeeze %dma_start3A_2962 : memref<1x128x64xf32, #tpu.memory_space<vmem>> -> memref<128x64xf32, #tpu.memory_space<vmem>>
      tpu.enqueue_dma source(%dma_start3A_2963 : memref<128x64xf32, #tpu.memory_space<vmem>>) target(%dma_start3A_2959 : memref<128x64xf32, #tpu.memory_space<hbm>>) target_semaphore(%arg19 : memref<!tpu.dma_semaphore, #tpu.memory_space<semaphore_mem>>)
      %dma_wait3A_2964 = arith.constant 0 : i32
      %dma_wait3A_2965 = arith.constant 0 : i32
      %dma_wait3A_2966 = arith.constant 0 : i32
      %dma_wait3A_2967 = tpu.memref_slice %arg17[%dma_wait3A_2964, %dma_wait3A_2965, %dma_wait3A_2966] : memref<4x128x64xf32, #tpu.memory_space<vmem>> -> memref<1x128x64xf32, #tpu.memory_space<vmem>>
      %dma_wait3A_2968 = tpu.memref_squeeze %dma_wait3A_2967 : memref<1x128x64xf32, #tpu.memory_space<vmem>> -> memref<128x64xf32, #tpu.memory_space<vmem>>
      %dma_wait3A_2969 = arith.constant 0 : i32
      %dma_wait3A_2970 = tpu.memref_slice %arg7[%add3A_2950, %dma_wait3A_2969] : memref<131072x64xf32, #tpu.memory_space<hbm>> -> memref<128x64xf32, #tpu.memory_space<hbm>>
      %dma_wait3A_2971 = arith.constant 0 : i32
      %dma_wait3A_2972 = tpu.memref_slice %arg7[%add3A_2950, %dma_wait3A_2971] : memref<131072x64xf32, #tpu.memory_space<hbm>> -> memref<128x64xf32, #tpu.memory_space<hbm>>
      %dma_wait3A_2973 = arith.constant 0 : i32
      %dma_wait3A_2974 = arith.constant 0 : i32
      %dma_wait3A_2975 = tpu.memref_slice %arg17[%dma_wait3A_2964, %dma_wait3A_2973, %dma_wait3A_2974] : memref<4x128x64xf32, #tpu.memory_space<vmem>> -> memref<1x128x64xf32, #tpu.memory_space<vmem>>
      %dma_wait3A_2976 = tpu.memref_squeeze %dma_wait3A_2975 : memref<1x128x64xf32, #tpu.memory_space<vmem>> -> memref<128x64xf32, #tpu.memory_space<vmem>>
      tpu.wait_dma2 semaphore(%arg19 : memref<!tpu.dma_semaphore, #tpu.memory_space<semaphore_mem>>) src(%dma_wait3A_2976 : memref<128x64xf32, #tpu.memory_space<vmem>>) dst(%dma_wait3A_2972 : memref<128x64xf32, #tpu.memory_space<hbm>>)
      %mul3A_2977 = arith.constant 4 : i32
      %mul3A_2978 = arith.muli %scan3A_2871, %mul3A_2977 : i32
      %add3A_2979 = arith.constant 1 : i32
      %add3A_2980 = arith.addi %mul3A_2978, %add3A_2979 : i32
      %dma_wait3A_2981 = arith.constant 1 : i32
      %dma_wait3A_2982 = arith.constant 0 : i32
      %dma_wait3A_2983 = arith.constant 0 : i32
      %dma_wait3A_2984 = tpu.memref_slice %arg17[%dma_wait3A_2981, %dma_wait3A_2982, %dma_wait3A_2983] : memref<4x128x64xf32, #tpu.memory_space<vmem>> -> memref<1x128x64xf32, #tpu.memory_space<vmem>>
      %dma_wait3A_2985 = tpu.memref_squeeze %dma_wait3A_2984 : memref<1x128x64xf32, #tpu.memory_space<vmem>> -> memref<128x64xf32, #tpu.memory_space<vmem>>
      %dma_wait3A_2986 = arith.constant 0 : i32
      %dma_wait3A_2987 = tpu.memref_slice %arg13[%add3A_2891, %dma_wait3A_2986] : memref<32x128xi32, #tpu.memory_space<vmem>> -> memref<1x128xi32, #tpu.memory_space<vmem>>
      %dma_wait3A_2988 = tpu.memref_squeeze %dma_wait3A_2987 : memref<1x128xi32, #tpu.memory_space<vmem>> -> memref<128xi32, #tpu.memory_space<vmem>>
      %dma_wait3A_2989 = arith.constant 0 : i32
      %dma_wait3A_2990 = arith.constant 0 : i32
      %dma_wait3A_2991 = tpu.memref_slice %arg6[%dma_wait3A_2989, %dma_wait3A_2990] : memref<100000x64xf32, #tpu.memory_space<hbm>> -> memref<100000x64xf32, #tpu.memory_space<hbm>>
      tpu.wait_indirect_dma semaphore(%arg18 : memref<!tpu.dma_semaphore, #tpu.memory_space<semaphore_mem>>) src(%dma_wait3A_2991 : memref<100000x64xf32, #tpu.memory_space<hbm>>) dst(%dma_wait3A_2985 : memref<128x64xf32, #tpu.memory_space<vmem>>)
      %mul3A_2992 = arith.constant 128 : i32
      %mul3A_2993 = arith.muli %add3A_2980, %mul3A_2992 : i32
      %add3A_2994 = arith.addi %mul3A_2852, %mul3A_2993 : i32
      %dma_start3A_2995 = arith.constant 1 : i32
      %dma_start3A_2996 = arith.constant 0 : i32
      %dma_start3A_2997 = arith.constant 0 : i32
      %dma_start3A_2998 = tpu.memref_slice %arg17[%dma_start3A_2995, %dma_start3A_2996, %dma_start3A_2997] : memref<4x128x64xf32, #tpu.memory_space<vmem>> -> memref<1x128x64xf32, #tpu.memory_space<vmem>>
      %dma_start3A_2999 = tpu.memref_squeeze %dma_start3A_2998 : memref<1x128x64xf32, #tpu.memory_space<vmem>> -> memref<128x64xf32, #tpu.memory_space<vmem>>
      %dma_start3A_3000 = arith.constant 0 : i32
      %dma_start3A_3001 = tpu.memref_slice %arg7[%add3A_2994, %dma_start3A_3000] : memref<131072x64xf32, #tpu.memory_space<hbm>> -> memref<128x64xf32, #tpu.memory_space<hbm>>
      %dma_start3A_3002 = arith.constant 0 : i32
      %dma_start3A_3003 = tpu.memref_slice %arg7[%add3A_2994, %dma_start3A_3002] : memref<131072x64xf32, #tpu.memory_space<hbm>> -> memref<128x64xf32, #tpu.memory_space<hbm>>
      %dma_start3A_3004 = arith.constant 0 : i32
      %dma_start3A_3005 = arith.constant 0 : i32
      %dma_start3A_3006 = tpu.memref_slice %arg17[%dma_start3A_2995, %dma_start3A_3004, %dma_start3A_3005] : memref<4x128x64xf32, #tpu.memory_space<vmem>> -> memref<1x128x64xf32, #tpu.memory_space<vmem>>
      %dma_start3A_3007 = tpu.memref_squeeze %dma_start3A_3006 : memref<1x128x64xf32, #tpu.memory_space<vmem>> -> memref<128x64xf32, #tpu.memory_space<vmem>>
      tpu.enqueue_dma source(%dma_start3A_3007 : memref<128x64xf32, #tpu.memory_space<vmem>>) target(%dma_start3A_3003 : memref<128x64xf32, #tpu.memory_space<hbm>>) target_semaphore(%arg19 : memref<!tpu.dma_semaphore, #tpu.memory_space<semaphore_mem>>)
      %dma_wait3A_3008 = arith.constant 1 : i32
      %dma_wait3A_3009 = arith.constant 0 : i32
      %dma_wait3A_3010 = arith.constant 0 : i32
      %dma_wait3A_3011 = tpu.memref_slice %arg17[%dma_wait3A_3008, %dma_wait3A_3009, %dma_wait3A_3010] : memref<4x128x64xf32, #tpu.memory_space<vmem>> -> memref<1x128x64xf32, #tpu.memory_space<vmem>>
      %dma_wait3A_3012 = tpu.memref_squeeze %dma_wait3A_3011 : memref<1x128x64xf32, #tpu.memory_space<vmem>> -> memref<128x64xf32, #tpu.memory_space<vmem>>
      %dma_wait3A_3013 = arith.constant 0 : i32
      %dma_wait3A_3014 = tpu.memref_slice %arg7[%add3A_2994, %dma_wait3A_3013] : memref<131072x64xf32, #tpu.memory_space<hbm>> -> memref<128x64xf32, #tpu.memory_space<hbm>>
      %dma_wait3A_3015 = arith.constant 0 : i32
      %dma_wait3A_3016 = tpu.memref_slice %arg7[%add3A_2994, %dma_wait3A_3015] : memref<131072x64xf32, #tpu.memory_space<hbm>> -> memref<128x64xf32, #tpu.memory_space<hbm>>
      %dma_wait3A_3017 = arith.constant 0 : i32
      %dma_wait3A_3018 = arith.constant 0 : i32
      %dma_wait3A_3019 = tpu.memref_slice %arg17[%dma_wait3A_3008, %dma_wait3A_3017, %dma_wait3A_3018] : memref<4x128x64xf32, #tpu.memory_space<vmem>> -> memref<1x128x64xf32, #tpu.memory_space<vmem>>
      %dma_wait3A_3020 = tpu.memref_squeeze %dma_wait3A_3019 : memref<1x128x64xf32, #tpu.memory_space<vmem>> -> memref<128x64xf32, #tpu.memory_space<vmem>>
      tpu.wait_dma2 semaphore(%arg19 : memref<!tpu.dma_semaphore, #tpu.memory_space<semaphore_mem>>) src(%dma_wait3A_3020 : memref<128x64xf32, #tpu.memory_space<vmem>>) dst(%dma_wait3A_3016 : memref<128x64xf32, #tpu.memory_space<hbm>>)
      %mul3A_3021 = arith.constant 4 : i32
      %mul3A_3022 = arith.muli %scan3A_2871, %mul3A_3021 : i32
      %add3A_3023 = arith.constant 2 : i32
      %add3A_3024 = arith.addi %mul3A_3022, %add3A_3023 : i32
      %dma_wait3A_3025 = arith.constant 2 : i32
      %dma_wait3A_3026 = arith.constant 0 : i32
      %dma_wait3A_3027 = arith.constant 0 : i32
      %dma_wait3A_3028 = tpu.memref_slice %arg17[%dma_wait3A_3025, %dma_wait3A_3026, %dma_wait3A_3027] : memref<4x128x64xf32, #tpu.memory_space<vmem>> -> memref<1x128x64xf32, #tpu.memory_space<vmem>>
      %dma_wait3A_3029 = tpu.memref_squeeze %dma_wait3A_3028 : memref<1x128x64xf32, #tpu.memory_space<vmem>> -> memref<128x64xf32, #tpu.memory_space<vmem>>
      %dma_wait3A_3030 = arith.constant 0 : i32
      %dma_wait3A_3031 = tpu.memref_slice %arg13[%add3A_2906, %dma_wait3A_3030] : memref<32x128xi32, #tpu.memory_space<vmem>> -> memref<1x128xi32, #tpu.memory_space<vmem>>
      %dma_wait3A_3032 = tpu.memref_squeeze %dma_wait3A_3031 : memref<1x128xi32, #tpu.memory_space<vmem>> -> memref<128xi32, #tpu.memory_space<vmem>>
      %dma_wait3A_3033 = arith.constant 0 : i32
      %dma_wait3A_3034 = arith.constant 0 : i32
      %dma_wait3A_3035 = tpu.memref_slice %arg6[%dma_wait3A_3033, %dma_wait3A_3034] : memref<100000x64xf32, #tpu.memory_space<hbm>> -> memref<100000x64xf32, #tpu.memory_space<hbm>>
      tpu.wait_indirect_dma semaphore(%arg18 : memref<!tpu.dma_semaphore, #tpu.memory_space<semaphore_mem>>) src(%dma_wait3A_3035 : memref<100000x64xf32, #tpu.memory_space<hbm>>) dst(%dma_wait3A_3029 : memref<128x64xf32, #tpu.memory_space<vmem>>)
      %mul3A_3036 = arith.constant 128 : i32
      %mul3A_3037 = arith.muli %add3A_3024, %mul3A_3036 : i32
      %add3A_3038 = arith.addi %mul3A_2852, %mul3A_3037 : i32
      %dma_start3A_3039 = arith.constant 2 : i32
      %dma_start3A_3040 = arith.constant 0 : i32
      %dma_start3A_3041 = arith.constant 0 : i32
      %dma_start3A_3042 = tpu.memref_slice %arg17[%dma_start3A_3039, %dma_start3A_3040, %dma_start3A_3041] : memref<4x128x64xf32, #tpu.memory_space<vmem>> -> memref<1x128x64xf32, #tpu.memory_space<vmem>>
      %dma_start3A_3043 = tpu.memref_squeeze %dma_start3A_3042 : memref<1x128x64xf32, #tpu.memory_space<vmem>> -> memref<128x64xf32, #tpu.memory_space<vmem>>
      %dma_start3A_3044 = arith.constant 0 : i32
      %dma_start3A_3045 = tpu.memref_slice %arg7[%add3A_3038, %dma_start3A_3044] : memref<131072x64xf32, #tpu.memory_space<hbm>> -> memref<128x64xf32, #tpu.memory_space<hbm>>
      %dma_start3A_3046 = arith.constant 0 : i32
      %dma_start3A_3047 = tpu.memref_slice %arg7[%add3A_3038, %dma_start3A_3046] : memref<131072x64xf32, #tpu.memory_space<hbm>> -> memref<128x64xf32, #tpu.memory_space<hbm>>
      %dma_start3A_3048 = arith.constant 0 : i32
      %dma_start3A_3049 = arith.constant 0 : i32
      %dma_start3A_3050 = tpu.memref_slice %arg17[%dma_start3A_3039, %dma_start3A_3048, %dma_start3A_3049] : memref<4x128x64xf32, #tpu.memory_space<vmem>> -> memref<1x128x64xf32, #tpu.memory_space<vmem>>
      %dma_start3A_3051 = tpu.memref_squeeze %dma_start3A_3050 : memref<1x128x64xf32, #tpu.memory_space<vmem>> -> memref<128x64xf32, #tpu.memory_space<vmem>>
      tpu.enqueue_dma source(%dma_start3A_3051 : memref<128x64xf32, #tpu.memory_space<vmem>>) target(%dma_start3A_3047 : memref<128x64xf32, #tpu.memory_space<hbm>>) target_semaphore(%arg19 : memref<!tpu.dma_semaphore, #tpu.memory_space<semaphore_mem>>)
      %dma_wait3A_3052 = arith.constant 2 : i32
      %dma_wait3A_3053 = arith.constant 0 : i32
      %dma_wait3A_3054 = arith.constant 0 : i32
      %dma_wait3A_3055 = tpu.memref_slice %arg17[%dma_wait3A_3052, %dma_wait3A_3053, %dma_wait3A_3054] : memref<4x128x64xf32, #tpu.memory_space<vmem>> -> memref<1x128x64xf32, #tpu.memory_space<vmem>>
      %dma_wait3A_3056 = tpu.memref_squeeze %dma_wait3A_3055 : memref<1x128x64xf32, #tpu.memory_space<vmem>> -> memref<128x64xf32, #tpu.memory_space<vmem>>
      %dma_wait3A_3057 = arith.constant 0 : i32
      %dma_wait3A_3058 = tpu.memref_slice %arg7[%add3A_3038, %dma_wait3A_3057] : memref<131072x64xf32, #tpu.memory_space<hbm>> -> memref<128x64xf32, #tpu.memory_space<hbm>>
      %dma_wait3A_3059 = arith.constant 0 : i32
      %dma_wait3A_3060 = tpu.memref_slice %arg7[%add3A_3038, %dma_wait3A_3059] : memref<131072x64xf32, #tpu.memory_space<hbm>> -> memref<128x64xf32, #tpu.memory_space<hbm>>
      %dma_wait3A_3061 = arith.constant 0 : i32
      %dma_wait3A_3062 = arith.constant 0 : i32
      %dma_wait3A_3063 = tpu.memref_slice %arg17[%dma_wait3A_3052, %dma_wait3A_3061, %dma_wait3A_3062] : memref<4x128x64xf32, #tpu.memory_space<vmem>> -> memref<1x128x64xf32, #tpu.memory_space<vmem>>
      %dma_wait3A_3064 = tpu.memref_squeeze %dma_wait3A_3063 : memref<1x128x64xf32, #tpu.memory_space<vmem>> -> memref<128x64xf32, #tpu.memory_space<vmem>>
      tpu.wait_dma2 semaphore(%arg19 : memref<!tpu.dma_semaphore, #tpu.memory_space<semaphore_mem>>) src(%dma_wait3A_3064 : memref<128x64xf32, #tpu.memory_space<vmem>>) dst(%dma_wait3A_3060 : memref<128x64xf32, #tpu.memory_space<hbm>>)
      %mul3A_3065 = arith.constant 4 : i32
      %mul3A_3066 = arith.muli %scan3A_2871, %mul3A_3065 : i32
      %add3A_3067 = arith.constant 3 : i32
      %add3A_3068 = arith.addi %mul3A_3066, %add3A_3067 : i32
      %dma_wait3A_3069 = arith.constant 3 : i32
      %dma_wait3A_3070 = arith.constant 0 : i32
      %dma_wait3A_3071 = arith.constant 0 : i32
      %dma_wait3A_3072 = tpu.memref_slice %arg17[%dma_wait3A_3069, %dma_wait3A_3070, %dma_wait3A_3071] : memref<4x128x64xf32, #tpu.memory_space<vmem>> -> memref<1x128x64xf32, #tpu.memory_space<vmem>>
      %dma_wait3A_3073 = tpu.memref_squeeze %dma_wait3A_3072 : memref<1x128x64xf32, #tpu.memory_space<vmem>> -> memref<128x64xf32, #tpu.memory_space<vmem>>
      %dma_wait3A_3074 = arith.constant 0 : i32
      %dma_wait3A_3075 = tpu.memref_slice %arg13[%add3A_2921, %dma_wait3A_3074] : memref<32x128xi32, #tpu.memory_space<vmem>> -> memref<1x128xi32, #tpu.memory_space<vmem>>
      %dma_wait3A_3076 = tpu.memref_squeeze %dma_wait3A_3075 : memref<1x128xi32, #tpu.memory_space<vmem>> -> memref<128xi32, #tpu.memory_space<vmem>>
      %dma_wait3A_3077 = arith.constant 0 : i32
      %dma_wait3A_3078 = arith.constant 0 : i32
      %dma_wait3A_3079 = tpu.memref_slice %arg6[%dma_wait3A_3077, %dma_wait3A_3078] : memref<100000x64xf32, #tpu.memory_space<hbm>> -> memref<100000x64xf32, #tpu.memory_space<hbm>>
      tpu.wait_indirect_dma semaphore(%arg18 : memref<!tpu.dma_semaphore, #tpu.memory_space<semaphore_mem>>) src(%dma_wait3A_3079 : memref<100000x64xf32, #tpu.memory_space<hbm>>) dst(%dma_wait3A_3073 : memref<128x64xf32, #tpu.memory_space<vmem>>)
      %mul3A_3080 = arith.constant 128 : i32
      %mul3A_3081 = arith.muli %add3A_3068, %mul3A_3080 : i32
      %add3A_3082 = arith.addi %mul3A_2852, %mul3A_3081 : i32
      %dma_start3A_3083 = arith.constant 3 : i32
      %dma_start3A_3084 = arith.constant 0 : i32
      %dma_start3A_3085 = arith.constant 0 : i32
      %dma_start3A_3086 = tpu.memref_slice %arg17[%dma_start3A_3083, %dma_start3A_3084, %dma_start3A_3085] : memref<4x128x64xf32, #tpu.memory_space<vmem>> -> memref<1x128x64xf32, #tpu.memory_space<vmem>>
      %dma_start3A_3087 = tpu.memref_squeeze %dma_start3A_3086 : memref<1x128x64xf32, #tpu.memory_space<vmem>> -> memref<128x64xf32, #tpu.memory_space<vmem>>
      %dma_start3A_3088 = arith.constant 0 : i32
      %dma_start3A_3089 = tpu.memref_slice %arg7[%add3A_3082, %dma_start3A_3088] : memref<131072x64xf32, #tpu.memory_space<hbm>> -> memref<128x64xf32, #tpu.memory_space<hbm>>
      %dma_start3A_3090 = arith.constant 0 : i32
      %dma_start3A_3091 = tpu.memref_slice %arg7[%add3A_3082, %dma_start3A_3090] : memref<131072x64xf32, #tpu.memory_space<hbm>> -> memref<128x64xf32, #tpu.memory_space<hbm>>
      %dma_start3A_3092 = arith.constant 0 : i32
      %dma_start3A_3093 = arith.constant 0 : i32
      %dma_start3A_3094 = tpu.memref_slice %arg17[%dma_start3A_3083, %dma_start3A_3092, %dma_start3A_3093] : memref<4x128x64xf32, #tpu.memory_space<vmem>> -> memref<1x128x64xf32, #tpu.memory_space<vmem>>
      %dma_start3A_3095 = tpu.memref_squeeze %dma_start3A_3094 : memref<1x128x64xf32, #tpu.memory_space<vmem>> -> memref<128x64xf32, #tpu.memory_space<vmem>>
      tpu.enqueue_dma source(%dma_start3A_3095 : memref<128x64xf32, #tpu.memory_space<vmem>>) target(%dma_start3A_3091 : memref<128x64xf32, #tpu.memory_space<hbm>>) target_semaphore(%arg19 : memref<!tpu.dma_semaphore, #tpu.memory_space<semaphore_mem>>)
      %dma_wait3A_3096 = arith.constant 3 : i32
      %dma_wait3A_3097 = arith.constant 0 : i32
      %dma_wait3A_3098 = arith.constant 0 : i32
      %dma_wait3A_3099 = tpu.memref_slice %arg17[%dma_wait3A_3096, %dma_wait3A_3097, %dma_wait3A_3098] : memref<4x128x64xf32, #tpu.memory_space<vmem>> -> memref<1x128x64xf32, #tpu.memory_space<vmem>>
      %dma_wait3A_3100 = tpu.memref_squeeze %dma_wait3A_3099 : memref<1x128x64xf32, #tpu.memory_space<vmem>> -> memref<128x64xf32, #tpu.memory_space<vmem>>
      %dma_wait3A_3101 = arith.constant 0 : i32
      %dma_wait3A_3102 = tpu.memref_slice %arg7[%add3A_3082, %dma_wait3A_3101] : memref<131072x64xf32, #tpu.memory_space<hbm>> -> memref<128x64xf32, #tpu.memory_space<hbm>>
      %dma_wait3A_3103 = arith.constant 0 : i32
      %dma_wait3A_3104 = tpu.memref_slice %arg7[%add3A_3082, %dma_wait3A_3103] : memref<131072x64xf32, #tpu.memory_space<hbm>> -> memref<128x64xf32, #tpu.memory_space<hbm>>
      %dma_wait3A_3105 = arith.constant 0 : i32
      %dma_wait3A_3106 = arith.constant 0 : i32
      %dma_wait3A_3107 = tpu.memref_slice %arg17[%dma_wait3A_3096, %dma_wait3A_3105, %dma_wait3A_3106] : memref<4x128x64xf32, #tpu.memory_space<vmem>> -> memref<1x128x64xf32, #tpu.memory_space<vmem>>
      %dma_wait3A_3108 = tpu.memref_squeeze %dma_wait3A_3107 : memref<1x128x64xf32, #tpu.memory_space<vmem>> -> memref<128x64xf32, #tpu.memory_space<vmem>>
      tpu.wait_dma2 semaphore(%arg19 : memref<!tpu.dma_semaphore, #tpu.memory_space<semaphore_mem>>) src(%dma_wait3A_3108 : memref<128x64xf32, #tpu.memory_space<vmem>>) dst(%dma_wait3A_3104 : memref<128x64xf32, #tpu.memory_space<hbm>>)
      %scan3A_3109 = arith.constant 0 : i32
      scf.yield %scan3A_3109 : i32
    }
    %scan3A_2858 = arith.constant 8 : i32
    %dma_wait3A_2859 = arith.constant 0 : i32
    %dma_wait3A_2860 = tpu.memref_slice %arg8[%mul3A_2, %dma_wait3A_2859] : memref<4096x32xi32, #tpu.memory_space<hbm>> -> memref<128x32xi32, #tpu.memory_space<hbm>>
    %dma_wait3A_2861 = arith.constant 0 : i32
    %dma_wait3A_2862 = tpu.memref_slice %arg8[%mul3A_2, %dma_wait3A_2861] : memref<4096x32xi32, #tpu.memory_space<hbm>> -> memref<128x32xi32, #tpu.memory_space<hbm>>
    tpu.wait_dma2 semaphore(%arg19 : memref<!tpu.dma_semaphore, #tpu.memory_space<semaphore_mem>>) src(%arg14 : memref<128x32xi32, #tpu.memory_space<vmem>>) dst(%dma_wait3A_2862 : memref<128x32xi32, #tpu.memory_space<hbm>>)
    %dma_wait3A_2863 = arith.constant 0 : i32
    %dma_wait3A_2864 = tpu.memref_slice %arg9[%mul3A_2, %dma_wait3A_2863] : memref<4096x32xi32, #tpu.memory_space<hbm>> -> memref<128x32xi32, #tpu.memory_space<hbm>>
    %dma_wait3A_2865 = arith.constant 0 : i32
    %dma_wait3A_2866 = tpu.memref_slice %arg9[%mul3A_2, %dma_wait3A_2865] : memref<4096x32xi32, #tpu.memory_space<hbm>> -> memref<128x32xi32, #tpu.memory_space<hbm>>
    tpu.wait_dma2 semaphore(%arg19 : memref<!tpu.dma_semaphore, #tpu.memory_space<semaphore_mem>>) src(%arg15 : memref<128x32xi32, #tpu.memory_space<vmem>>) dst(%dma_wait3A_2866 : memref<128x32xi32, #tpu.memory_space<hbm>>)
    %dma_wait3A_2867 = arith.constant 0 : i32
    %dma_wait3A_2868 = tpu.memref_slice %arg10[%mul3A_2, %dma_wait3A_2867] : memref<4096x64xf32, #tpu.memory_space<hbm>> -> memref<128x64xf32, #tpu.memory_space<hbm>>
    %dma_wait3A_2869 = arith.constant 0 : i32
    %dma_wait3A_2870 = tpu.memref_slice %arg10[%mul3A_2, %dma_wait3A_2869] : memref<4096x64xf32, #tpu.memory_space<hbm>> -> memref<128x64xf32, #tpu.memory_space<hbm>>
    tpu.wait_dma2 semaphore(%arg19 : memref<!tpu.dma_semaphore, #tpu.memory_space<semaphore_mem>>) src(%arg16 : memref<128x64xf32, #tpu.memory_space<vmem>>) dst(%dma_wait3A_2870 : memref<128x64xf32, #tpu.memory_space<hbm>>)
    return
  }
}

module attributes {stable_mosaic.version = 14 : i64} {
  func.func @body(%arg0: i32, %arg1: memref<128x32x64xf32, #tpu.memory_space<vmem>>, %arg2: memref<128x32xi32, #tpu.memory_space<vmem>>, %arg3: memref<128x32xi32, #tpu.memory_space<vmem>>, %arg4: memref<128x64xf32, #tpu.memory_space<vmem>>, %arg5: memref<6x64xf32, #tpu.memory_space<vmem>>, %arg6: memref<64x64xf32, #tpu.memory_space<vmem>>, %arg7: memref<192x64xf32, #tpu.memory_space<vmem>>, %arg8: memref<1x64xf32, #tpu.memory_space<vmem>>, %arg9: memref<128x64xf32, #tpu.memory_space<vmem>>, %arg10: memref<1x64xf32, #tpu.memory_space<vmem>>, %arg11: memref<128x64xf32, #tpu.memory_space<vmem>>) attributes {dimension_semantics = [#tpu.dimension_semantics<arbitrary>], iteration_bounds = array<i64: 32>, scalar_prefetch = 0 : i64, scratch_operands = 0 : i64, tpu.core_type = #tpu.core_type<tc>, window_params = [{transform_indices = @transform_0, window_bounds = array<i64: 128, 32, 64>}, {transform_indices = @transform_1, window_bounds = array<i64: 128, 32>}, {transform_indices = @transform_2, window_bounds = array<i64: 128, 32>}, {transform_indices = @transform_3, window_bounds = array<i64: 128, 64>}, {pipeline_mode = #tpu.pipeline_mode<synchronous>, transform_indices = @transform_4, window_bounds = array<i64: 6, 64>}, {pipeline_mode = #tpu.pipeline_mode<synchronous>, transform_indices = @transform_5, window_bounds = array<i64: 64, 64>}, {pipeline_mode = #tpu.pipeline_mode<synchronous>, transform_indices = @transform_6, window_bounds = array<i64: 192, 64>}, {pipeline_mode = #tpu.pipeline_mode<synchronous>, transform_indices = @transform_7, window_bounds = array<i64: 1, 64>}, {pipeline_mode = #tpu.pipeline_mode<synchronous>, transform_indices = @transform_8, window_bounds = array<i64: 128, 64>}, {pipeline_mode = #tpu.pipeline_mode<synchronous>, transform_indices = @transform_9, window_bounds = array<i64: 1, 64>}, {transform_indices = @transform_10, window_bounds = array<i64: 128, 64>}]} {
    %get3A = arith.constant 0 : index
    %get3A_0 = arith.constant 0 : index
    %get3A_1 = vector.load %arg7[%get3A, %get3A_0] : memref<192x64xf32, #tpu.memory_space<vmem>>, vector<64x64xf32>
    %get3A_2 = arith.constant 0 : index
    %get3A_3 = arith.constant 0 : index
    %get3A_4 = vector.load %arg5[%get3A_2, %get3A_3] : memref<6x64xf32, #tpu.memory_space<vmem>>, vector<6x64xf32>
    %get3A_5 = arith.constant 64 : index
    %get3A_6 = arith.constant 0 : index
    %get3A_7 = vector.load %arg7[%get3A_5, %get3A_6] : memref<192x64xf32, #tpu.memory_space<vmem>>, vector<64x64xf32>
    %dot_general3A = arith.constant dense<0.000000e+00> : vector<6x64xf32>
    %dot_general3A_8 = tpu.matmul %get3A_4, %get3A_7, %dot_general3A {dimension_numbers = #tpu.dot_dimension_numbers<[1], [0], [0], [1], [0, 0, 1, 1], [], []>, transpose_lhs_hint = false} : vector<6x64xf32>, vector<64x64xf32>, vector<6x64xf32> -> vector<6x64xf32>
    %get3A_9 = arith.constant 0 : index
    %get3A_10 = arith.constant 0 : index
    %get3A_11 = vector.load %arg6[%get3A_9, %get3A_10] : memref<64x64xf32, #tpu.memory_space<vmem>>, vector<64x64xf32>
    %get3A_12 = arith.constant 128 : index
    %get3A_13 = arith.constant 0 : index
    %get3A_14 = vector.load %arg7[%get3A_12, %get3A_13] : memref<192x64xf32, #tpu.memory_space<vmem>>, vector<64x64xf32>
    %dot_general3A_15 = arith.constant dense<0.000000e+00> : vector<64x64xf32>
    %dot_general3A_16 = tpu.matmul %get3A_11, %get3A_14, %dot_general3A_15 {dimension_numbers = #tpu.dot_dimension_numbers<[1], [0], [0], [1], [0, 0, 1, 1], [], []>, transpose_lhs_hint = false} : vector<64x64xf32>, vector<64x64xf32>, vector<64x64xf32> -> vector<64x64xf32>
    %get3A_17 = arith.constant 0 : index
    %get3A_18 = arith.constant 0 : index
    %get3A_19 = arith.constant 0 : index
    %get3A_20 = vector.load %arg1[%get3A_17, %get3A_18, %get3A_19] : memref<128x32x64xf32, #tpu.memory_space<vmem>>, vector<128x32x64xf32>
    %reshape3A = vector.shape_cast %get3A_20 : vector<128x32x64xf32> to vector<4096x64xf32>
    %dot_general3A_21 = arith.constant dense<0.000000e+00> : vector<4096x64xf32>
    %dot_general3A_22 = tpu.matmul %reshape3A, %get3A_1, %dot_general3A_21 {dimension_numbers = #tpu.dot_dimension_numbers<[1], [0], [0], [1], [0, 0, 1, 1], [], []>, transpose_lhs_hint = false} : vector<4096x64xf32>, vector<64x64xf32>, vector<4096x64xf32> -> vector<4096x64xf32>
    %get3A_23 = arith.constant 0 : index
    %get3A_24 = arith.constant 0 : index
    %get3A_25 = vector.load %arg2[%get3A_23, %get3A_24] : memref<128x32xi32, #tpu.memory_space<vmem>>, vector<128x32xi32>
    %broadcast_in_dim3A = vector.shape_cast %get3A_25 : vector<128x32xi32> to vector<128x32x1xi32>
    %broadcast_in_dim3A_26 = vector.broadcast %broadcast_in_dim3A : vector<128x32x1xi32> to vector<128x32x6xi32>
    %iota3A = tpu.iota {dimensions = array<i32: 2>} : vector<128x32x6xi32>
    %eq3A = arith.cmpi eq, %broadcast_in_dim3A_26, %iota3A : vector<128x32x6xi32>
    %convert_element_type3A = arith.extui %eq3A : vector<128x32x6xi1> to vector<128x32x6xi32>
    %convert_element_type3A_27 = arith.sitofp %convert_element_type3A : vector<128x32x6xi32> to vector<128x32x6xf32>
    %reshape3A_28 = vector.shape_cast %convert_element_type3A_27 : vector<128x32x6xf32> to vector<4096x6xf32>
    %dot_general3A_29 = arith.constant dense<0.000000e+00> : vector<4096x64xf32>
    %dot_general3A_30 = tpu.matmul %reshape3A_28, %dot_general3A_8, %dot_general3A_29 {dimension_numbers = #tpu.dot_dimension_numbers<[1], [0], [0], [1], [0, 0, 1, 1], [], []>, transpose_lhs_hint = false} : vector<4096x6xf32>, vector<6x64xf32>, vector<4096x64xf32> -> vector<4096x64xf32>
    %add3A = arith.addf %dot_general3A_22, %dot_general3A_30 : vector<4096x64xf32>
    %get3A_31 = arith.constant 0 : index
    %get3A_32 = arith.constant 0 : index
    %get3A_33 = vector.load %arg3[%get3A_31, %get3A_32] : memref<128x32xi32, #tpu.memory_space<vmem>>, vector<128x32xi32>
    %broadcast_in_dim3A_34 = vector.shape_cast %get3A_33 : vector<128x32xi32> to vector<128x32x1xi32>
    %broadcast_in_dim3A_35 = vector.broadcast %broadcast_in_dim3A_34 : vector<128x32x1xi32> to vector<128x32x64xi32>
    %iota3A_36 = tpu.iota {dimensions = array<i32: 2>} : vector<128x32x64xi32>
    %eq3A_37 = arith.cmpi eq, %broadcast_in_dim3A_35, %iota3A_36 : vector<128x32x64xi32>
    %convert_element_type3A_38 = arith.extui %eq3A_37 : vector<128x32x64xi1> to vector<128x32x64xi32>
    %convert_element_type3A_39 = arith.sitofp %convert_element_type3A_38 : vector<128x32x64xi32> to vector<128x32x64xf32>
    %reshape3A_40 = vector.shape_cast %convert_element_type3A_39 : vector<128x32x64xf32> to vector<4096x64xf32>
    %dot_general3A_41 = arith.constant dense<0.000000e+00> : vector<4096x64xf32>
    %dot_general3A_42 = tpu.matmul %reshape3A_40, %dot_general3A_16, %dot_general3A_41 {dimension_numbers = #tpu.dot_dimension_numbers<[1], [0], [0], [1], [0, 0, 1, 1], [], []>, transpose_lhs_hint = false} : vector<4096x64xf32>, vector<64x64xf32>, vector<4096x64xf32> -> vector<4096x64xf32>
    %add3A_43 = arith.addf %add3A, %dot_general3A_42 : vector<4096x64xf32>
    %get3A_44 = arith.constant 0 : index
    %get3A_45 = arith.constant 0 : index
    %get3A_46 = vector.load %arg8[%get3A_44, %get3A_45] : memref<1x64xf32, #tpu.memory_space<vmem>>, vector<1x64xf32>
    %add3A_47 = vector.broadcast %get3A_46 : vector<1x64xf32> to vector<4096x64xf32>
    %add3A_48 = arith.addf %add3A_43, %add3A_47 : vector<4096x64xf32>
    %max3A = arith.constant 0.000000e+00 : f32
    %max3A_49 = vector.broadcast %max3A : f32 to vector<4096x64xf32>
    %max3A_50 = arith.maximumf %add3A_48, %max3A_49 : vector<4096x64xf32>
    %reshape3A_51 = vector.shape_cast %max3A_50 : vector<4096x64xf32> to vector<128x32x64xf32>
    %reduce_sum3A = arith.constant dense<0.000000e+00> : vector<128x64xf32>
    %reduce_sum3A_52 = vector.multi_reduction <add>, %reshape3A_51, %reduce_sum3A [1] : vector<128x32x64xf32> to vector<128x64xf32>
    %div3A = arith.constant 3.200000e+01 : f32
    %div3A_53 = vector.broadcast %div3A : f32 to vector<128x64xf32>
    %div3A_54 = arith.divf %reduce_sum3A_52, %div3A_53 : vector<128x64xf32>
    %get3A_55 = arith.constant 0 : index
    %get3A_56 = arith.constant 0 : index
    %get3A_57 = vector.load %arg4[%get3A_55, %get3A_56] : memref<128x64xf32, #tpu.memory_space<vmem>>, vector<128x64xf32>
    %concatenate3A = tpu.concatenate %get3A_57, %div3A_54 in 1 : vector<128x64xf32>, vector<128x64xf32> -> vector<128x128xf32>
    %get3A_58 = arith.constant 0 : index
    %get3A_59 = arith.constant 0 : index
    %get3A_60 = vector.load %arg9[%get3A_58, %get3A_59] : memref<128x64xf32, #tpu.memory_space<vmem>>, vector<128x64xf32>
    %dot_general3A_61 = arith.constant dense<0.000000e+00> : vector<128x64xf32>
    %dot_general3A_62 = tpu.matmul %concatenate3A, %get3A_60, %dot_general3A_61 {dimension_numbers = #tpu.dot_dimension_numbers<[1], [0], [0], [1], [0, 0, 1, 1], [], []>, transpose_lhs_hint = false} : vector<128x128xf32>, vector<128x64xf32>, vector<128x64xf32> -> vector<128x64xf32>
    %get3A_63 = arith.constant 0 : index
    %get3A_64 = arith.constant 0 : index
    %get3A_65 = vector.load %arg10[%get3A_63, %get3A_64] : memref<1x64xf32, #tpu.memory_space<vmem>>, vector<1x64xf32>
    %add3A_66 = vector.broadcast %get3A_65 : vector<1x64xf32> to vector<128x64xf32>
    %add3A_67 = arith.addf %dot_general3A_62, %add3A_66 : vector<128x64xf32>
    %max3A_68 = arith.constant 0.000000e+00 : f32
    %max3A_69 = vector.broadcast %max3A_68 : f32 to vector<128x64xf32>
    %max3A_70 = arith.maximumf %add3A_67, %max3A_69 : vector<128x64xf32>
    %swap3A = arith.constant 0 : index
    %swap3A_71 = arith.constant 0 : index
    %swap3A_72 = vector.load %arg11[%swap3A, %swap3A_71] : memref<128x64xf32, #tpu.memory_space<vmem>>, vector<128x64xf32>
    tpu.vector_store %arg11[%swap3A, %swap3A_71], %max3A_70 {strides = array<i32>} : memref<128x64xf32, #tpu.memory_space<vmem>>, vector<128x64xf32>,
    return
  }
  func.func @transform_0(%arg0: i32) -> (i32, i32, i32) {
    %c0_i32 = arith.constant 0 : i32
    %c0_i32_0 = arith.constant 0 : i32
    %c0_i32_1 = arith.constant 0 : i32
    return %arg0, %c0_i32, %c0_i32_0 : i32, i32, i32
  }
  func.func @transform_1(%arg0: i32) -> (i32, i32) {
    %c0_i32 = arith.constant 0 : i32
    %c0_i32_0 = arith.constant 0 : i32
    return %arg0, %c0_i32 : i32, i32
  }
  func.func @transform_2(%arg0: i32) -> (i32, i32) {
    %c0_i32 = arith.constant 0 : i32
    %c0_i32_0 = arith.constant 0 : i32
    return %arg0, %c0_i32 : i32, i32
  }
  func.func @transform_3(%arg0: i32) -> (i32, i32) {
    %c0_i32 = arith.constant 0 : i32
    %c0_i32_0 = arith.constant 0 : i32
    return %arg0, %c0_i32 : i32, i32
  }
  func.func @transform_4(%arg0: i32) -> (i32, i32) {
    %c0_i32 = arith.constant 0 : i32
    %c0_i32_0 = arith.constant 0 : i32
    %c0_i32_1 = arith.constant 0 : i32
    return %c0_i32, %c0_i32_0 : i32, i32
  }
  func.func @transform_5(%arg0: i32) -> (i32, i32) {
    %c0_i32 = arith.constant 0 : i32
    %c0_i32_0 = arith.constant 0 : i32
    %c0_i32_1 = arith.constant 0 : i32
    return %c0_i32, %c0_i32_0 : i32, i32
  }
  func.func @transform_6(%arg0: i32) -> (i32, i32) {
    %c0_i32 = arith.constant 0 : i32
    %c0_i32_0 = arith.constant 0 : i32
    %c0_i32_1 = arith.constant 0 : i32
    return %c0_i32, %c0_i32_0 : i32, i32
  }
  func.func @transform_7(%arg0: i32) -> (i32, i32) {
    %c0_i32 = arith.constant 0 : i32
    %c0_i32_0 = arith.constant 0 : i32
    %c0_i32_1 = arith.constant 0 : i32
    return %c0_i32, %c0_i32_0 : i32, i32
  }
  func.func @transform_8(%arg0: i32) -> (i32, i32) {
    %c0_i32 = arith.constant 0 : i32
    %c0_i32_0 = arith.constant 0 : i32
    %c0_i32_1 = arith.constant 0 : i32
    return %c0_i32, %c0_i32_0 : i32, i32
  }
  func.func @transform_9(%arg0: i32) -> (i32, i32) {
    %c0_i32 = arith.constant 0 : i32
    %c0_i32_0 = arith.constant 0 : i32
    %c0_i32_1 = arith.constant 0 : i32
    return %c0_i32, %c0_i32_0 : i32, i32
  }
  func.func @transform_10(%arg0: i32) -> (i32, i32) {
    %c0_i32 = arith.constant 0 : i32
    %c0_i32_0 = arith.constant 0 : i32
    return %arg0, %c0_i32 : i32, i32
  }
}

</mosaic_0001>

<sc_bundles>
// kernel: kernel.4.cloned.1.call-start
scs
__scs_entry_jumppad:
0x0: {  	(pc) =	sbr.rel $0x88, $3  }
0x1: {  	(tag) =	ssettag $0x0;
	lr =	simm.s32 $0x1  }
0x2: {  	[smem:$0x3F96] =	sst lr;
	_ =	strace $0xD0000000  }
0x3: {  	_ = 	snop  }
0x4: {  	_ = 	snop  }
0x5: {  	_ = 	snop  }
0x6: {  	_ = 	snop  }
0x7: {  	_ = 	snop  }
__scs_overlays_trampoline_lowered:
0x8: {  	[smem:$0x3FA5] =	sst s0  }
0x9: {  	[smem:$0x3FA6] =	sst s1  }
0xa: {  	[smem:$0x3FA7] =	sst s2  }
0xb: {  	[smem:$0x3FA8] =	sst s3  }
0xc: {  	[smem:$0x3FA9] =	sst s4  }
0xd: {  	[smem:$0x3FAA] =	sst s5  }
0xe: {  	[smem:$0x3FAB] =	sst s6  }
0xf: {  	[smem:$0x3FAC] =	sst s7  }
0x10: {  	[smem:$0x3FAD] =	sst s8  }
0x11: {  	[smem:$0x3FAE] =	sst s9;
	s0 =	simm.s32 @!p0 $0x0  }
0x12: {  	s1 =	sld [smem:$0x3F94];
	s0 =	simm.s32 @p0 $0x1  }
0x13: {  	[smem:$0x3FAF] =	sst s0;
	s0 =	simm.s32 @!p1 $0x0  }
0x14: {  	s2 =	sld [smem:$0x3F93];
	s0 =	simm.s32 @p1 $0x1  }
0x15: {  	[smem:$0x3FB0] =	sst s0;
	s0 =	simm.s32 @!p2 $0x0  }
0x16: {  	s3 =	sld [smem:$0x3FDB];
	s0 =	simm.s32 @p2 $0x1  }
0x17: {  	s4 =	simm.s32 $0x1BF5;
	[smem:$0x3FB2] =	sst s0  }
0x18: {  	s0 =	sld [smem:$0x3F95];
	_ =	swait.ge [sflag:s4], $0x0  }
0x19: {  	s7 =	sld [smem:$0x3F96]  }
0x1a: {  	s8 =	sadd.s32 $0xFFFFE003, lr  }
0x1b: {  	s9 =	sadd.s32 $0xFFFFFEF7, lr;
	s5 =	simm.s32 $0xFFFFFFFF;
	p2 =	slt.u32 s8, $0xFFFFF086  }
0x1c: {  	p1 =	slt.u32 s9, $0xF7A;
	s5 =	simm.s32 @!p2 $0x0  }
0x1d: {  	s5 =	simm.s32 @p1 $0x1;
	p0 =	seq.s32 s7, s2  }
0x1e: {  	s7 =	smul.u32 @!p0 $0xF7A, s2;
	p2 =	seq.s32 @!p0 s5, $0x0  }
0x1f: {  	s9 =	smul.u32 $0xF7A, s1;
	s8 =	simm.s32 @!p0 $0x1BF5;
	p2 =	por !p2, p0  }
0x20: {  	[sflag:s8] =	ssyncset.s32 @!p0 $0xFFFFF086;
	s6 =	sadd.s32 @!p0 s3, s7;
	s7 =	simm.s32 @!p0 $0x108  }
0x21: {  	s3 =	sadd.s32 s3, s9;
	s6 =	sadd.s32 @!p0 $0x88, s6;
	s7 =	simm.s32 @p2 $0x1082  }
0x22: {  	[simem:s7], [sflag:s8] =	dma.local @!p0 [hbm:s6], $0xF7A  }
0x23: {  	s9 =	sor.u32 $0xD0000000, s2;
	s6 =	simm.s32 $0x108;
	_ =	swait.ge @!p0 [sflag:s8], $0x0  }
0x24: {  	s3 =	sadd.s32 $0x88, s3;
	s6 =	simm.s32 @!p1 $0x1082;
	[sflag:s4] =	ssyncset.s32 $0xFFFFF086  }
0x25: {  	[simem:s6], [sflag:s4] =	dma.local [hbm:s3], $0xF7A  }
0x26: {  	[smem:$0x3F96] =	sst s1;
	(tag) =	ssettag s2;
	_ =	strace s9  }
0x27: {  	s1 =	sld [smem:$0x3FA6]  }
0x28: {  	s2 =	sld [smem:$0x3FA7]  }
0x29: {  	s4 =	sld [smem:$0x3FA9]  }
0x2a: {  	p0 =	seq.s32 s5, $0x0;
	s5 =	sld [smem:$0x3FAA]  }
0x2b: {  	s6 =	sld [smem:$0x3FAB]  }
0x2c: {  	s7 =	sld [smem:$0x3FAC]  }
0x2d: {  	s3 =	simm.s32 $0x108;
	s8 =	sld [smem:$0x3FAD]  }
0x2e: {  	s3 =	simm.s32 @!p0 $0x1082;
	s9 =	sld [smem:$0x3FAE]  }
0x2f: {  	lr =	sadd.s32 s0, s3;
	s0 =	sld [smem:$0x3FA5]  }
0x30: {  	s3 =	sld [smem:$0x3FA8]  }
0x31: {  	[smem:$0x3FB1] =	sst s10  }
0x32: {  	s10 =	sld [smem:$0x3FAF];
	_ =	sdelay $0x3  }
0x33: {  	p0 =	seq.s32 s10, $0x1;
	s10 =	sld [smem:$0x3FB1];
	_ =	sdelay $0x3  }
0x34: {  	[smem:$0x3FB1] =	sst s10  }
0x35: {  	s10 =	sld [smem:$0x3FB0];
	_ =	sdelay $0x3  }
0x36: {  	p1 =	seq.s32 s10, $0x1;
	s10 =	sld [smem:$0x3FB1];
	_ =	sdelay $0x3  }
0x37: {  	[smem:$0x3FB1] =	sst s10  }
0x38: {  	s10 =	sld [smem:$0x3FB2]  }
0x39: {  	_ = 	snop;
	(pc) =	sbr.ind lr, $3  }
0x3a: {  	_ = 	snop  }
0x3b: {  	_ = 	snop  }
0x3c: {  	p2 =	seq.s32 s10, $0x1;
	s10 =	sld [smem:$0x3FB1]  }
0x3d: {  	_ =	shalt  }
0x3e: {  	_ =	shalt  }
0x3f: {  	_ =	shalt  }
0x40: {  	_ =	shalt  }
0x41: {  	_ =	shalt  }
0x42: {  	_ =	shalt  }
0x43: {  	_ =	shalt  }
0x44: {  	_ =	shalt  }
0x45: {  	_ =	shalt  }
0x46: {  	_ =	shalt  }
0x47: {  	_ =	shalt  }
0x48: {  	_ =	shalt  }
0x49: {  	_ =	shalt  }
0x4a: {  	_ =	shalt  }
0x4b: {  	_ =	shalt  }
0x4c: {  	_ =	shalt  }
0x4d: {  	_ =	shalt  }
0x4e: {  	_ =	shalt  }
0x4f: {  	_ =	shalt  }
0x50: {  	_ =	shalt  }
0x51: {  	_ =	shalt  }
0x52: {  	_ =	shalt  }
0x53: {  	_ =	shalt  }
0x54: {  	_ =	shalt  }
0x55: {  	_ =	shalt  }
0x56: {  	_ =	shalt  }
0x57: {  	_ =	shalt  }
0x58: {  	_ =	shalt  }
0x59: {  	_ =	shalt  }
0x5a: {  	_ =	shalt  }
0x5b: {  	_ =	shalt  }
0x5c: {  	_ =	shalt  }
0x5d: {  	_ =	shalt  }
0x5e: {  	_ =	shalt  }
0x5f: {  	_ =	shalt  }
0x60: {  	_ =	shalt  }
0x61: {  	_ =	shalt  }
0x62: {  	_ =	shalt  }
0x63: {  	_ =	shalt  }
0x64: {  	_ =	shalt  }
0x65: {  	_ =	shalt  }
0x66: {  	_ =	shalt  }
0x67: {  	_ =	shalt  }
0x68: {  	_ =	shalt  }
0x69: {  	_ =	shalt  }
0x6a: {  	_ =	shalt  }
0x6b: {  	_ =	shalt  }
0x6c: {  	_ =	shalt  }
0x6d: {  	_ =	shalt  }
0x6e: {  	_ =	shalt  }
0x6f: {  	_ =	shalt  }
0x70: {  	_ =	shalt  }
0x71: {  	_ =	shalt  }
0x72: {  	_ =	shalt  }
0x73: {  	_ =	shalt  }
0x74: {  	_ =	shalt  }
0x75: {  	_ =	shalt  }
0x76: {  	_ =	shalt  }
0x77: {  	_ =	shalt  }
0x78: {  	_ =	shalt  }
0x79: {  	_ =	shalt  }
0x7a: {  	_ =	shalt  }
0x7b: {  	_ =	shalt  }
0x7c: {  	_ =	shalt  }
0x7d: {  	_ =	shalt  }
0x7e: {  	_ =	shalt  }
0x7f: {  	_ =	shalt  }
0x80: {  	_ =	shalt  }
0x81: {  	_ =	shalt  }
0x82: {  	_ =	shalt  }
0x83: {  	_ =	shalt  }
0x84: {  	_ =	shalt  }
0x85: {  	_ =	shalt  }
0x86: {  	_ =	shalt  }
0x87: {  	_ =	shalt  }
.Lfunc_end0:
.L_simem_size_0:
called_computation_lowered:
.L_overlay_start_0:
0x88: {  	s2 =	sld [smem:$0x3FD9]  }
0x89: {  	s3 =	sld [smem:$0x3FFE];
	_ =	sdelay $0x1  }
0x8a: {  	s1 =	srdreg.scid  }
0x8b: {  	s0 =	sand.u32 $0x1, s1  }
0x8c: {  	s17 =	sshll.u32 s0, $0xA;
	s2 =	sadd.s32 s3, s2  }
0x8d: {  	s2 =	sadd.s32 s2, s17  }
0x8e: {  	[smem:$0x3FBD] =	sst s2  }
0x8f: {  	_ = 	snop  }
0x90: {  	s2 =	sld [smem:$0x3FC9]  }
0x91: {  	s18 =	sld [smem:$0x3FD0];
	(tm) =	ssettm $0x1  }
0x92: {  	s4 =	sld [smem:$0x3FFB];
	_ =	sdelay $0x3  }
0x93: {  	_ =	strace s4  }
0x94: {  	s4 =	sld [smem:$0x3FFC];
	_ =	sdelay $0x3  }
0x95: {  	_ =	strace s4  }
0x96: {  	s4 =	sld [smem:$0x3FFD];
	_ =	sdelay $0x3  }
0x97: {  	_ =	strace s4  }
0x98: {  	_ =	strace $0x8FFFFFFF  }
0x99: {  	s19 =	sld [smem:$0x3FDB];
	_ =	sdelay $0x1  }
0x9a: {  	s5 =	simm.s32 $_scs_section_size  }
0x9b: {  	s6 =	simm.s32 $_size__tile_overlayer_lowered;
	s7 =	simm.s32 $_tile_overlayer_lowered  }
0x9c: {  	s22 =	simm.s32 $0x1BFF;
	s21 =	sshll.u32 s7, $0x1;
	s4 =	sadd.s32 s5, s19  }
0x9d: {  	s8 =	simm.s32 $0x0;
	s20 =	sshll.u32 s6, $0x1;
	s6 =	sadd.s32 s21, s4  }
0x9e: {  	[timem:s8], [sflag:s22] =	dma.local [hbm:s6], s20  }
0x9f: {  	_ =	swait.ge [sflag:s22], s20  }
0xa0: {  	s5 =	ssub.s32 $0x0, s20;
	[sflag:s22] =	ssyncset.done $0x0  }
0xa1: {  	[sflag:s22] =	ssyncadd.s32 s5;
	_ =	sdelay $0x1  }
0xa2: {  	s23 =	simm.s32 $0x1B8B  }
0xa3: {  	_ =	swait.ge [sflag:s23], $0x1  }
0xa4: {  	[sflag:s23] =	ssyncset.done $0x0  }
0xa5: {  	s25 =	simm.s32 $0x1B8E;
	s24 =	sld [smem:$0x3FFE];
	[sflag:s23] =	ssyncadd.s32 $0xFFFFFFFF  }
0xa6: {  	s26 =	simm.s32 $execute0_lowered;
	[smem:$0x3FD2] =	sst s25  }
0xa7: {  	s6 =	sshll.u32 s26, $0x1;
	_ =	strace $0x80000046;
	[dreg:$0x1] =	wrdreg $0xFFFFFFFF  }
0xa8: {  	s28 =	simm.s32 $_size_execute0_lowered;
	s4 =	sadd.s32 s4, s6;
	[dreg:$0x0] =	wrdreg $0x0  }
0xa9: {  	s6 =	sshll.u32 s28, $0x1;
	[dreg:$0x2] =	wrdreg s4  }
0xaa: {  	[dreg:$0x3] =	wrdreg s6  }
0xab: {  	[dreg:$0x4] =	wrdreg $0xC0  }
0xac: {  	_ =	task [dreg:s8], $0x5FFFF  }
0xad: {  	[dreg:$0x1] =	wrdreg $0xFFFFFFFF  }
0xae: {  	[dreg:$0x0] =	wrdreg $0x60  }
0xaf: {  	[dreg:$0x2] =	wrdreg s2  }
0xb0: {  	[dreg:$0x3] =	wrdreg s24  }
0xb1: {  	[dreg:$0x4] =	wrdreg s18  }
0xb2: {  	[dreg:$0x5] =	wrdreg $0x9  }
0xb3: {  	_ =	task.clear_ibuf [dreg:s8], $0x6FFFF;
	_ =	strace $0x90000046  }
0xb4: {  	s29 =	simm.s32 $0x9;
	_ =	strace $0x80000048  }
0xb5: {  	_ =	swait.ge [sflag:s29], $0x1  }
0xb6: {  	[sflag:s29] =	ssyncadd.s32 $0xFFFFFFFF  }
0xb7: {  	_ =	strace $0x90000048  }
0xb8: {  	_ =	sfence  }
0xb9: {  	s30 =	sld [smem:$0x0];
	_ =	sdelay $0x2  }
0xba: {  	s31 =	sshll.u32 s1, $0xD;
	s1 =	sshrl.u32 s1, $0x2  }
0xbb: {  	s3 =	sand.u32 $0x4000, s31;
	s1 =	sadd.s32 s1, s30  }
0xbc: {  	s0 =	sor.u32 s3, s0;
	s1 =	sshll.u32 s1, $0x11  }
0xbd: {  	s0 =	sor.u32 s1, s0  }
0xbe: {  	s0 =	sadd.s32 $0x8F2B, s0  }
0xbf: {  	[sflag:s0] =	ssyncadd.remote.s32 $0x1  }
0xc0: {  	_ =	sfence.sel $0xFFFF  }
0xc1: {  	[dreg:$0x0] =	wrdreg $0xFFFFFFFF;
	(pc) =	sbr.abs _section_cstart, $3  }
0xc2: {  	[dreg:$0x1] =	wrdreg $0xFFFFFFFF  }
0xc3: {  	_ =	task.clear_ibuf [dreg:s8], $0x2FFFF;
	_ =	strace $0x9FFFFFFF  }
0xc4: {  	(tm) =	ssettm $0x7FFFFFFF  }
0xc5: {  	_ =	shalt  }
tec
execute0_lowered:
.L_overlay_start_1:
0x0: {  	(tag) =	ssettag $0x1  }
0x1: {  	s7 =	rddreg [dreg:$0x0]  }
0x2: {  	s8 =	rddreg [dreg:$0x1]  }
0x3: {  	s10 =	rddreg [dreg:$0x2];
	s1 =	simm.s32 $0x0  }
0x4: {  	s6 =	srdreg.scid;
	s2 =	stileid.u32;
	s17 =	simm.s32 $0x80  }
0x5: {  	s18 =	simm.s32 $0x2080;
	s19 =	simm.s32 $0x3080;
	s20 =	simm.s32 $0x4080  }
0x6: {  	s21 =	simm.s32 $0x1;
	s22 =	simm.s32 $0x6080;
	s23 =	simm.s32 $0x8080  }
0x7: {  	s24 =	simm.s32 $0xA080;
	[smem:$0x7FF] =	sst s1;
	s3 =	sadd.s32 $0x312200, s8  }
0x8: {  	s28 =	simm.s32 $0x0;
	s4 =	sadd.s32 $0x2B0600, s8;
	s5 =	sadd.s32 $0x24EA00, s8  }
0x9: {  	s11 =	sand.u32 $0x1, s6;
	s9 =	sshll.u32 s2, $0x1;
	s6 =	sadd.s32 $0x18B400, s8  }
0xa: {  	s13 =	sadd.s32 $0x4A00, s8;
	s29 =	sshll.u32 s2, $0x10;
	_ =	strace $0x80000047  }
0xb: {  	s12 =	sor.u32 s11, s9;
	s25 =	ssub.s32 $0x2, s11;
	s16 =	sshll.u32 s11, $0xF  }
0xc: {  	s30 =	sadd.s32 s29, s13;
	s14 =	sshll.u32 s12, $0x9;
	s15 =	sshrl.u32 s25, $0x1  }
0xd: {  	s26 =	sshll.u32 s12, $0x4;
	s12 =	sshll.u32 s12, $0xA;
	s14 =	sadd.s32 s14, s8  }
0xe: {  	s15 =	ssub.s32 s25, s15;
	s7 =	sadd.s32 s7, s26;
	s10 =	sadd.s32 s10, s12  }
0xf: {  	s12 =	sadd.s32 s16, s30;
	s25 =	simm.s32 $0xC080;
	s26 =	simm.s32 $0x2  }
0x10: {  	s8 =	sadd.s32 $0x108A00, s14;
	s9 =	sadd.s32 $0x104A00, s14;
	s14 =	sor.u32 s16, s29  }
0x11: {  	s11 =	smax.u32 s15, $0x1;
	s16 =	simm.s32 $0x3;
	s31 =	sadd.s32 s14, s13  }
0x12: {  	s13 =	sadd.s32 $0x800, s31;
	s14 =	sadd.s32 $0x400, s31;
	s15 =	sadd.s32 $0xC00, s31  }
.LBB2_1:
0x13: {  	[tilespmem:s1], [sflag:$0x3] =	stream.linear.gather [hbm4b:s7+s1], $0x80, $0x38;
	[tilespmem:$0xE080] =	vst v63  }
0x14: {  	_ =	swait.ge [sflag:s16], $0x80  }
0x15: {  	[sflag:s16] =	ssyncset.done $0x0  }
0x16: {  	[sflag:s16] =	ssyncadd.s32 $0xFFFFFF80  }
0x17: {  	[tilespmem:s17], [sflag:$0x1] =	stream.indirect.gather [hbm4b:s3+s17], $0x20, s1, s17, $0xb8;
	[tilespmem:$0xE080] =	vst v63  }
0x18: {  	_ = 	snop  }
0x19: {  	[tilespmem:s18], [sflag:$0x1] =	stream.indirect.gather [hbm4b:s4+s17], $0x20, s1, s17, $0xb8;
	[tilespmem:$0xE080] =	vst v63  }
0x1a: {  	_ = 	snop  }
0x1b: {  	[tilespmem:s19], [sflag:$0x1] =	stream.indirect.gather [hbm4b:s5+s17], $0x20, s1, s17, $0xb8;
	[tilespmem:$0xE080] =	vst v63  }
0x1c: {  	_ = 	snop  }
0x1d: {  	[tilespmem:s20], [sflag:$0x1] =	stream.indirect.gather [hbm4b:s6+s17], $0x40, s1, s17, $0xb8;
	[tilespmem:$0xE080] =	vst v63  }
0x1e: {  	_ =	swait.ge [sflag:s21], $0x1000  }
0x1f: {  	[sflag:s21] =	ssyncset.done $0x0  }
0x20: {  	[sflag:s21] =	ssyncadd.s32 $0xFFFFF000  }
0x21: {  	_ =	swait.ge [sflag:s21], $0x1000  }
0x22: {  	[sflag:s21] =	ssyncset.done $0x0  }
0x23: {  	[sflag:s21] =	ssyncadd.s32 $0xFFFFF000  }
0x24: {  	_ =	swait.ge [sflag:s21], $0x1000  }
0x25: {  	[sflag:s21] =	ssyncset.done $0x0  }
0x26: {  	[sflag:s21] =	ssyncadd.s32 $0xFFFFF000  }
0x27: {  	_ =	swait.ge [sflag:s21], $0x2000  }
0x28: {  	[sflag:s21] =	ssyncset.done $0x0  }
0x29: {  	[sflag:s21] =	ssyncadd.s32 $0xFFFFE000  }
0x2a: {  	[hbm4b:s8+s1] =	stream.linear.scatter [tilespmem:s18], [sflag:$0x2], $0x1000, $0x38;
	[tilespmem:$0xE080] =	vst v63  }
0x2b: {  	_ = 	snop  }
0x2c: {  	[hbm4b:s9+s1] =	stream.linear.scatter [tilespmem:s19], [sflag:$0x2], $0x1000, $0x38;
	[tilespmem:$0xE080] =	vst v63  }
0x2d: {  	_ = 	snop  }
0x2e: {  	[hbm4b:s10+s1] =	stream.linear.scatter [tilespmem:s20], [sflag:$0x2], $0x2000, $0x38;
	[tilespmem:$0xE080] =	vst v63  }
0x2f: {  	v0 =	vld [tilespmem:$0x80]  }
0x30: {  	v1 =	vld [tilespmem:$0x90]  }
0x31: {  	v2 =	vld [tilespmem:$0xA0]  }
0x32: {  	v3 =	vld [tilespmem:$0xB0]  }
0x33: {  	v4 =	vld [tilespmem:$0xC0]  }
0x34: {  	v38 =	vld [tilespmem:$0xD0];
	[tilespmem:$0x1080] =	vst v0  }
0x35: {  	v39 =	vld [tilespmem:$0xE0];
	[tilespmem:$0x1090] =	vst v1  }
0x36: {  	v40 =	vld [tilespmem:$0xF0];
	[tilespmem:$0x10A0] =	vst v2  }
0x37: {  	v41 =	vld [tilespmem:$0x100];
	[tilespmem:$0x10B0] =	vst v3  }
0x38: {  	v42 =	vld [tilespmem:$0x110];
	[tilespmem:$0x10C0] =	vst v4  }
0x39: {  	v43 =	vld [tilespmem:$0x120];
	[tilespmem:$0x10D0] =	vst v38  }
0x3a: {  	v44 =	vld [tilespmem:$0x130];
	[tilespmem:$0x10E0] =	vst v39  }
0x3b: {  	v45 =	vld [tilespmem:$0x140];
	[tilespmem:$0x10F0] =	vst v40  }
0x3c: {  	v46 =	vld [tilespmem:$0x150];
	[tilespmem:$0x1100] =	vst v41  }
0x3d: {  	v47 =	vld [tilespmem:$0x160];
	[tilespmem:$0x1110] =	vst v42  }
0x3e: {  	v48 =	vld [tilespmem:$0x170];
	[tilespmem:$0x1120] =	vst v43  }
0x3f: {  	v49 =	vld [tilespmem:$0x180];
	[tilespmem:$0x1130] =	vst v44  }
0x40: {  	v50 =	vld [tilespmem:$0x190];
	[tilespmem:$0x1140] =	vst v45  }
0x41: {  	[tilespmem:$0x1150] =	vst v46  }
0x42: {  	[tilespmem:$0x1160] =	vst v47  }
0x43: {  	[tilespmem:$0x1170] =	vst v48  }
0x44: {  	[tilespmem:$0x1180] =	vst v49  }
0x45: {  	[tilespmem:$0x1190] =	vst v50  }
0x46: {  	v51 =	vld [tilespmem:$0x1A0]  }
0x47: {  	v52 =	vld [tilespmem:$0x1B0]  }
0x48: {  	v2 =	vld [tilespmem:$0x1C0]  }
0x49: {  	v53 =	vld [tilespmem:$0x1D0]  }
0x4a: {  	v54 =	vld [tilespmem:$0x1E0]  }
0x4b: {  	v55 =	vld [tilespmem:$0x1F0];
	[tilespmem:$0x11A0] =	vst v51  }
0x4c: {  	v56 =	vld [tilespmem:$0x200];
	[tilespmem:$0x11B0] =	vst v52  }
0x4d: {  	v57 =	vld [tilespmem:$0x210];
	[tilespmem:$0x11C0] =	vst v2  }
0x4e: {  	v58 =	vld [tilespmem:$0x220];
	[tilespmem:$0x11D0] =	vst v53  }
0x4f: {  	v59 =	vld [tilespmem:$0x230];
	[tilespmem:$0x11E0] =	vst v54  }
0x50: {  	v60 =	vld [tilespmem:$0x240];
	[tilespmem:$0x11F0] =	vst v55  }
0x51: {  	v61 =	vld [tilespmem:$0x250];
	[tilespmem:$0x1200] =	vst v56  }
0x52: {  	v62 =	vld [tilespmem:$0x260];
	[tilespmem:$0x1210] =	vst v57  }
0x53: {  	v63 =	vld [tilespmem:$0x270];
	[tilespmem:$0x1220] =	vst v58  }
0x54: {  	v8 =	vld [tilespmem:$0x280];
	[tilespmem:$0x1230] =	vst v59  }
0x55: {  	v9 =	vld [tilespmem:$0x290];
	[tilespmem:$0x1240] =	vst v60  }
0x56: {  	v10 =	vld [tilespmem:$0x2A0];
	[tilespmem:$0x1250] =	vst v61  }
0x57: {  	v11 =	vld [tilespmem:$0x2B0];
	[tilespmem:$0x1260] =	vst v62  }
0x58: {  	v12 =	vld [tilespmem:$0x2C0];
	[tilespmem:$0x1270] =	vst v63  }
0x59: {  	v13 =	vld [tilespmem:$0x2D0];
	[tilespmem:$0x1280] =	vst v8  }
0x5a: {  	v14 =	vld [tilespmem:$0x2E0];
	[tilespmem:$0x1290] =	vst v9  }
0x5b: {  	v15 =	vld [tilespmem:$0x2F0];
	[tilespmem:$0x12A0] =	vst v10  }
0x5c: {  	v16 =	vld [tilespmem:$0x300];
	[tilespmem:$0x12B0] =	vst v11  }
0x5d: {  	v17 =	vld [tilespmem:$0x310];
	[tilespmem:$0x12C0] =	vst v12  }
0x5e: {  	v18 =	vld [tilespmem:$0x320];
	[tilespmem:$0x12D0] =	vst v13  }
0x5f: {  	v19 =	vld [tilespmem:$0x330];
	[tilespmem:$0x12E0] =	vst v14  }
0x60: {  	v20 =	vld [tilespmem:$0x340];
	[tilespmem:$0x12F0] =	vst v15  }
0x61: {  	v21 =	vld [tilespmem:$0x350];
	[tilespmem:$0x1300] =	vst v16  }
0x62: {  	v22 =	vld [tilespmem:$0x360];
	[tilespmem:$0x1310] =	vst v17  }
0x63: {  	v23 =	vld [tilespmem:$0x370];
	[tilespmem:$0x1320] =	vst v18  }
0x64: {  	v24 =	vld [tilespmem:$0x380];
	[tilespmem:$0x1330] =	vst v19  }
0x65: {  	v25 =	vld [tilespmem:$0x390];
	[tilespmem:$0x1340] =	vst v20  }
0x66: {  	v26 =	vld [tilespmem:$0x3A0];
	[tilespmem:$0x1350] =	vst v21  }
0x67: {  	v27 =	vld [tilespmem:$0x3B0];
	[tilespmem:$0x1360] =	vst v22  }
0x68: {  	v28 =	vld [tilespmem:$0x3C0];
	[tilespmem:$0x1370] =	vst v23  }
0x69: {  	v29 =	vld [tilespmem:$0x3D0];
	[tilespmem:$0x1380] =	vst v24  }
0x6a: {  	v30 =	vld [tilespmem:$0x3E0];
	[tilespmem:$0x1390] =	vst v25  }
0x6b: {  	v31 =	vld [tilespmem:$0x3F0];
	[tilespmem:$0x13A0] =	vst v26  }
0x6c: {  	v32 =	vld [tilespmem:$0x400];
	[tilespmem:$0x13B0] =	vst v27  }
0x6d: {  	v33 =	vld [tilespmem:$0x410];
	[tilespmem:$0x13C0] =	vst v28  }
0x6e: {  	v34 =	vld [tilespmem:$0x420];
	[tilespmem:$0x13D0] =	vst v29  }
0x6f: {  	v35 =	vld [tilespmem:$0x430];
	[tilespmem:$0x13E0] =	vst v30  }
0x70: {  	v36 =	vld [tilespmem:$0x440];
	[tilespmem:$0x13F0] =	vst v31  }
0x71: {  	v37 =	vld [tilespmem:$0x450];
	[tilespmem:$0x1400] =	vst v32  }
0x72: {  	v38 =	vld [tilespmem:$0x460];
	[tilespmem:$0x1410] =	vst v33  }
0x73: {  	v39 =	vld [tilespmem:$0x470];
	[tilespmem:$0x1420] =	vst v34  }
0x74: {  	v40 =	vld [tilespmem:$0x480];
	[tilespmem:$0x1430] =	vst v35  }
0x75: {  	v41 =	vld [tilespmem:$0x490];
	[tilespmem:$0x1440] =	vst v36  }
0x76: {  	v42 =	vld [tilespmem:$0x4A0];
	[tilespmem:$0x1450] =	vst v37  }
0x77: {  	v43 =	vld [tilespmem:$0x4B0];
	[tilespmem:$0x1460] =	vst v38  }
0x78: {  	v44 =	vld [tilespmem:$0x4C0];
	[tilespmem:$0x1470] =	vst v39  }
0x79: {  	v45 =	vld [tilespmem:$0x4D0];
	[tilespmem:$0x1480] =	vst v40  }
0x7a: {  	v46 =	vld [tilespmem:$0x4E0];
	[tilespmem:$0x1490] =	vst v41  }
0x7b: {  	v47 =	vld [tilespmem:$0x4F0];
	[tilespmem:$0x14A0] =	vst v42  }
0x7c: {  	v48 =	vld [tilespmem:$0x500];
	[tilespmem:$0x14B0] =	vst v43  }
0x7d: {  	v49 =	vld [tilespmem:$0x510];
	[tilespmem:$0x14C0] =	vst v44  }
0x7e: {  	v50 =	vld [tilespmem:$0x520];
	[tilespmem:$0x14D0] =	vst v45  }
0x7f: {  	[tilespmem:$0x14E0] =	vst v46;
	v51 =	vld [tilespmem:$0x530]  }
0x80: {  	[tilespmem:$0x14F0] =	vst v47;
	v52 =	vld [tilespmem:$0x540]  }
0x81: {  	[tilespmem:$0x1500] =	vst v48;
	v53 =	vld [tilespmem:$0x550]  }
0x82: {  	[tilespmem:$0x1510] =	vst v49;
	v54 =	vld [tilespmem:$0x560]  }
0x83: {  	[tilespmem:$0x1520] =	vst v50;
	v55 =	vld [tilespmem:$0x570]  }
0x84: {  	v56 =	vld [tilespmem:$0x580];
	[tilespmem:$0x1530] =	vst v51  }
0x85: {  	v57 =	vld [tilespmem:$0x590];
	[tilespmem:$0x1540] =	vst v52  }
0x86: {  	v58 =	vld [tilespmem:$0x5A0];
	[tilespmem:$0x1550] =	vst v53  }
0x87: {  	v59 =	vld [tilespmem:$0x5B0];
	[tilespmem:$0x1560] =	vst v54  }
0x88: {  	v60 =	vld [tilespmem:$0x5C0];
	[tilespmem:$0x1570] =	vst v55  }
0x89: {  	v61 =	vld [tilespmem:$0x5D0];
	[tilespmem:$0x1580] =	vst v56  }
0x8a: {  	v62 =	vld [tilespmem:$0x5E0];
	[tilespmem:$0x1590] =	vst v57  }
0x8b: {  	v63 =	vld [tilespmem:$0x5F0];
	[tilespmem:$0x15A0] =	vst v58  }
0x8c: {  	v8 =	vld [tilespmem:$0x600];
	[tilespmem:$0x15B0] =	vst v59  }
0x8d: {  	v9 =	vld [tilespmem:$0x610];
	[tilespmem:$0x15C0] =	vst v60  }
0x8e: {  	v10 =	vld [tilespmem:$0x620];
	[tilespmem:$0x15D0] =	vst v61  }
0x8f: {  	v11 =	vld [tilespmem:$0x630];
	[tilespmem:$0x15E0] =	vst v62  }
0x90: {  	v12 =	vld [tilespmem:$0x640];
	[tilespmem:$0x15F0] =	vst v63  }
0x91: {  	v13 =	vld [tilespmem:$0x650];
	[tilespmem:$0x1600] =	vst v8  }
0x92: {  	v14 =	vld [tilespmem:$0x660];
	[tilespmem:$0x1610] =	vst v9  }
0x93: {  	v15 =	vld [tilespmem:$0x670];
	[tilespmem:$0x1620] =	vst v10  }
0x94: {  	v16 =	vld [tilespmem:$0x680];
	[tilespmem:$0x1630] =	vst v11  }
0x95: {  	v17 =	vld [tilespmem:$0x690];
	[tilespmem:$0x1640] =	vst v12  }
0x96: {  	v18 =	vld [tilespmem:$0x6A0];
	[tilespmem:$0x1650] =	vst v13  }
0x97: {  	v19 =	vld [tilespmem:$0x6B0];
	[tilespmem:$0x1660] =	vst v14  }
0x98: {  	v20 =	vld [tilespmem:$0x6C0];
	[tilespmem:$0x1670] =	vst v15  }
0x99: {  	v21 =	vld [tilespmem:$0x6D0];
	[tilespmem:$0x1680] =	vst v16  }
0x9a: {  	v22 =	vld [tilespmem:$0x6E0];
	[tilespmem:$0x1690] =	vst v17  }
0x9b: {  	v23 =	vld [tilespmem:$0x6F0];
	[tilespmem:$0x16A0] =	vst v18  }
0x9c: {  	v24 =	vld [tilespmem:$0x700];
	[tilespmem:$0x16B0] =	vst v19  }
0x9d: {  	v25 =	vld [tilespmem:$0x710];
	[tilespmem:$0x16C0] =	vst v20  }
0x9e: {  	v26 =	vld [tilespmem:$0x720];
	[tilespmem:$0x16D0] =	vst v21  }
0x9f: {  	v27 =	vld [tilespmem:$0x730];
	[tilespmem:$0x16E0] =	vst v22  }
0xa0: {  	v28 =	vld [tilespmem:$0x740];
	[tilespmem:$0x16F0] =	vst v23  }
0xa1: {  	v29 =	vld [tilespmem:$0x750];
	[tilespmem:$0x1700] =	vst v24  }
0xa2: {  	v30 =	vld [tilespmem:$0x760];
	[tilespmem:$0x1710] =	vst v25  }
0xa3: {  	v31 =	vld [tilespmem:$0x770];
	[tilespmem:$0x1720] =	vst v26  }
0xa4: {  	v32 =	vld [tilespmem:$0x780];
	[tilespmem:$0x1730] =	vst v27  }
0xa5: {  	v33 =	vld [tilespmem:$0x790];
	[tilespmem:$0x1740] =	vst v28  }
0xa6: {  	v34 =	vld [tilespmem:$0x7A0];
	[tilespmem:$0x1750] =	vst v29  }
0xa7: {  	v35 =	vld [tilespmem:$0x7B0];
	[tilespmem:$0x1760] =	vst v30  }
0xa8: {  	v36 =	vld [tilespmem:$0x7C0];
	[tilespmem:$0x1770] =	vst v31  }
0xa9: {  	v37 =	vld [tilespmem:$0x7D0];
	[tilespmem:$0x1780] =	vst v32  }
0xaa: {  	v38 =	vld [tilespmem:$0x7E0];
	[tilespmem:$0x1790] =	vst v33  }
0xab: {  	v39 =	vld [tilespmem:$0x7F0];
	[tilespmem:$0x17A0] =	vst v34  }
0xac: {  	v40 =	vld [tilespmem:$0x800];
	[tilespmem:$0x17B0] =	vst v35  }
0xad: {  	v41 =	vld [tilespmem:$0x810];
	[tilespmem:$0x17C0] =	vst v36  }
0xae: {  	v42 =	vld [tilespmem:$0x820];
	[tilespmem:$0x17D0] =	vst v37  }
0xaf: {  	v43 =	vld [tilespmem:$0x830];
	[tilespmem:$0x17E0] =	vst v38  }
0xb0: {  	v44 =	vld [tilespmem:$0x840];
	[tilespmem:$0x17F0] =	vst v39  }
0xb1: {  	v45 =	vld [tilespmem:$0x850];
	[tilespmem:$0x1800] =	vst v40  }
0xb2: {  	v46 =	vld [tilespmem:$0x860];
	[tilespmem:$0x1810] =	vst v41  }
0xb3: {  	v47 =	vld [tilespmem:$0x870];
	[tilespmem:$0x1820] =	vst v42  }
0xb4: {  	v48 =	vld [tilespmem:$0x880];
	[tilespmem:$0x1830] =	vst v43  }
0xb5: {  	v49 =	vld [tilespmem:$0x890];
	[tilespmem:$0x1840] =	vst v44  }
0xb6: {  	v50 =	vld [tilespmem:$0x8A0];
	[tilespmem:$0x1850] =	vst v45  }
0xb7: {  	[tilespmem:$0x1860] =	vst v46;
	v51 =	vld [tilespmem:$0x8B0]  }
0xb8: {  	[tilespmem:$0x1870] =	vst v47;
	v52 =	vld [tilespmem:$0x8C0]  }
0xb9: {  	[tilespmem:$0x1880] =	vst v48;
	v53 =	vld [tilespmem:$0x8D0]  }
0xba: {  	[tilespmem:$0x1890] =	vst v49;
	v54 =	vld [tilespmem:$0x8E0]  }
0xbb: {  	[tilespmem:$0x18A0] =	vst v50;
	v55 =	vld [tilespmem:$0x8F0]  }
0xbc: {  	v56 =	vld [tilespmem:$0x900];
	[tilespmem:$0x18B0] =	vst v51  }
0xbd: {  	v57 =	vld [tilespmem:$0x910];
	[tilespmem:$0x18C0] =	vst v52  }
0xbe: {  	v58 =	vld [tilespmem:$0x920];
	[tilespmem:$0x18D0] =	vst v53  }
0xbf: {  	v59 =	vld [tilespmem:$0x930];
	[tilespmem:$0x18E0] =	vst v54  }
0xc0: {  	v60 =	vld [tilespmem:$0x940];
	[tilespmem:$0x18F0] =	vst v55  }
0xc1: {  	v61 =	vld [tilespmem:$0x950];
	[tilespmem:$0x1900] =	vst v56  }
0xc2: {  	v62 =	vld [tilespmem:$0x960];
	[tilespmem:$0x1910] =	vst v57  }
0xc3: {  	v63 =	vld [tilespmem:$0x970];
	[tilespmem:$0x1920] =	vst v58  }
0xc4: {  	v8 =	vld [tilespmem:$0x980];
	[tilespmem:$0x1930] =	vst v59  }
0xc5: {  	v9 =	vld [tilespmem:$0x990];
	[tilespmem:$0x1940] =	vst v60  }
0xc6: {  	v10 =	vld [tilespmem:$0x9A0];
	[tilespmem:$0x1950] =	vst v61  }
0xc7: {  	v11 =	vld [tilespmem:$0x9B0];
	[tilespmem:$0x1960] =	vst v62  }
0xc8: {  	v12 =	vld [tilespmem:$0x9C0];
	[tilespmem:$0x1970] =	vst v63  }
0xc9: {  	v13 =	vld [tilespmem:$0x9D0];
	[tilespmem:$0x1980] =	vst v8  }
0xca: {  	v14 =	vld [tilespmem:$0x9E0];
	[tilespmem:$0x1990] =	vst v9  }
0xcb: {  	v15 =	vld [tilespmem:$0x9F0];
	[tilespmem:$0x19A0] =	vst v10  }
0xcc: {  	v16 =	vld [tilespmem:$0xA00];
	[tilespmem:$0x19B0] =	vst v11  }
0xcd: {  	v17 =	vld [tilespmem:$0xA10];
	[tilespmem:$0x19C0] =	vst v12  }
0xce: {  	v18 =	vld [tilespmem:$0xA20];
	[tilespmem:$0x19D0] =	vst v13  }
0xcf: {  	v19 =	vld [tilespmem:$0xA30];
	[tilespmem:$0x19E0] =	vst v14  }
0xd0: {  	v20 =	vld [tilespmem:$0xA40];
	[tilespmem:$0x19F0] =	vst v15  }
0xd1: {  	v21 =	vld [tilespmem:$0xA50];
	[tilespmem:$0x1A00] =	vst v16  }
0xd2: {  	v22 =	vld [tilespmem:$0xA60];
	[tilespmem:$0x1A10] =	vst v17  }
0xd3: {  	v23 =	vld [tilespmem:$0xA70];
	[tilespmem:$0x1A20] =	vst v18  }
0xd4: {  	v24 =	vld [tilespmem:$0xA80];
	[tilespmem:$0x1A30] =	vst v19  }
0xd5: {  	v25 =	vld [tilespmem:$0xA90];
	[tilespmem:$0x1A40] =	vst v20  }
0xd6: {  	v26 =	vld [tilespmem:$0xAA0];
	[tilespmem:$0x1A50] =	vst v21  }
0xd7: {  	v27 =	vld [tilespmem:$0xAB0];
	[tilespmem:$0x1A60] =	vst v22  }
0xd8: {  	v28 =	vld [tilespmem:$0xAC0];
	[tilespmem:$0x1A70] =	vst v23  }
0xd9: {  	v29 =	vld [tilespmem:$0xAD0];
	[tilespmem:$0x1A80] =	vst v24  }
0xda: {  	v30 =	vld [tilespmem:$0xAE0];
	[tilespmem:$0x1A90] =	vst v25  }
0xdb: {  	v31 =	vld [tilespmem:$0xAF0];
	[tilespmem:$0x1AA0] =	vst v26  }
0xdc: {  	v32 =	vld [tilespmem:$0xB00];
	[tilespmem:$0x1AB0] =	vst v27  }
0xdd: {  	v33 =	vld [tilespmem:$0xB10];
	[tilespmem:$0x1AC0] =	vst v28  }
0xde: {  	v34 =	vld [tilespmem:$0xB20];
	[tilespmem:$0x1AD0] =	vst v29  }
0xdf: {  	v35 =	vld [tilespmem:$0xB30];
	[tilespmem:$0x1AE0] =	vst v30  }
0xe0: {  	v36 =	vld [tilespmem:$0xB40];
	[tilespmem:$0x1AF0] =	vst v31  }
0xe1: {  	v37 =	vld [tilespmem:$0xB50];
	[tilespmem:$0x1B00] =	vst v32  }
0xe2: {  	v38 =	vld [tilespmem:$0xB60];
	[tilespmem:$0x1B10] =	vst v33  }
0xe3: {  	v39 =	vld [tilespmem:$0xB70];
	[tilespmem:$0x1B20] =	vst v34  }
0xe4: {  	v40 =	vld [tilespmem:$0xB80];
	[tilespmem:$0x1B30] =	vst v35  }
0xe5: {  	v41 =	vld [tilespmem:$0xB90];
	[tilespmem:$0x1B40] =	vst v36  }
0xe6: {  	v42 =	vld [tilespmem:$0xBA0];
	[tilespmem:$0x1B50] =	vst v37  }
0xe7: {  	v43 =	vld [tilespmem:$0xBB0];
	[tilespmem:$0x1B60] =	vst v38  }
0xe8: {  	v44 =	vld [tilespmem:$0xBC0];
	[tilespmem:$0x1B70] =	vst v39  }
0xe9: {  	v45 =	vld [tilespmem:$0xBD0];
	[tilespmem:$0x1B80] =	vst v40  }
0xea: {  	v46 =	vld [tilespmem:$0xBE0];
	[tilespmem:$0x1B90] =	vst v41  }
0xeb: {  	v47 =	vld [tilespmem:$0xBF0];
	[tilespmem:$0x1BA0] =	vst v42  }
0xec: {  	v48 =	vld [tilespmem:$0xC00];
	[tilespmem:$0x1BB0] =	vst v43  }
0xed: {  	v49 =	vld [tilespmem:$0xC10];
	[tilespmem:$0x1BC0] =	vst v44  }
0xee: {  	v50 =	vld [tilespmem:$0xC20];
	[tilespmem:$0x1BD0] =	vst v45  }
0xef: {  	[tilespmem:$0x1BE0] =	vst v46;
	v51 =	vld [tilespmem:$0xC30]  }
0xf0: {  	[tilespmem:$0x1BF0] =	vst v47;
	v52 =	vld [tilespmem:$0xC40]  }
0xf1: {  	[tilespmem:$0x1C00] =	vst v48;
	v53 =	vld [tilespmem:$0xC50]  }
0xf2: {  	[tilespmem:$0x1C10] =	vst v49;
	v54 =	vld [tilespmem:$0xC60]  }
0xf3: {  	[tilespmem:$0x1C20] =	vst v50;
	v55 =	vld [tilespmem:$0xC70]  }
0xf4: {  	v56 =	vld [tilespmem:$0xC80];
	[tilespmem:$0x1C30] =	vst v51  }
0xf5: {  	v57 =	vld [tilespmem:$0xC90];
	[tilespmem:$0x1C40] =	vst v52  }
0xf6: {  	v58 =	vld [tilespmem:$0xCA0];
	[tilespmem:$0x1C50] =	vst v53  }
0xf7: {  	v59 =	vld [tilespmem:$0xCB0];
	[tilespmem:$0x1C60] =	vst v54  }
0xf8: {  	v60 =	vld [tilespmem:$0xCC0];
	[tilespmem:$0x1C70] =	vst v55  }
0xf9: {  	v61 =	vld [tilespmem:$0xCD0];
	[tilespmem:$0x1C80] =	vst v56  }
0xfa: {  	v62 =	vld [tilespmem:$0xCE0];
	[tilespmem:$0x1C90] =	vst v57  }
0xfb: {  	v63 =	vld [tilespmem:$0xCF0];
	[tilespmem:$0x1CA0] =	vst v58  }
0xfc: {  	v8 =	vld [tilespmem:$0xD00];
	[tilespmem:$0x1CB0] =	vst v59  }
0xfd: {  	v9 =	vld [tilespmem:$0xD10];
	[tilespmem:$0x1CC0] =	vst v60  }
0xfe: {  	v10 =	vld [tilespmem:$0xD20];
	[tilespmem:$0x1CD0] =	vst v61  }
0xff: {  	v11 =	vld [tilespmem:$0xD30];
	[tilespmem:$0x1CE0] =	vst v62  }
0x100: {  	v12 =	vld [tilespmem:$0xD40];
	[tilespmem:$0x1CF0] =	vst v63  }
0x101: {  	v13 =	vld [tilespmem:$0xD50];
	[tilespmem:$0x1D00] =	vst v8  }
0x102: {  	v14 =	vld [tilespmem:$0xD60];
	[tilespmem:$0x1D10] =	vst v9  }
0x103: {  	v15 =	vld [tilespmem:$0xD70];
	[tilespmem:$0x1D20] =	vst v10  }
0x104: {  	v16 =	vld [tilespmem:$0xD80];
	[tilespmem:$0x1D30] =	vst v11  }
0x105: {  	v17 =	vld [tilespmem:$0xD90];
	[tilespmem:$0x1D40] =	vst v12  }
0x106: {  	v18 =	vld [tilespmem:$0xDA0];
	[tilespmem:$0x1D50] =	vst v13  }
0x107: {  	v19 =	vld [tilespmem:$0xDB0];
	[tilespmem:$0x1D60] =	vst v14  }
0x108: {  	v20 =	vld [tilespmem:$0xDC0];
	[tilespmem:$0x1D70] =	vst v15  }
0x109: {  	v21 =	vld [tilespmem:$0xDD0];
	[tilespmem:$0x1D80] =	vst v16  }
0x10a: {  	v22 =	vld [tilespmem:$0xDE0];
	[tilespmem:$0x1D90] =	vst v17  }
0x10b: {  	v23 =	vld [tilespmem:$0xDF0];
	[tilespmem:$0x1DA0] =	vst v18  }
0x10c: {  	v24 =	vld [tilespmem:$0xE00];
	[tilespmem:$0x1DB0] =	vst v19  }
0x10d: {  	v25 =	vld [tilespmem:$0xE10];
	[tilespmem:$0x1DC0] =	vst v20  }
0x10e: {  	v26 =	vld [tilespmem:$0xE20];
	[tilespmem:$0x1DD0] =	vst v21  }
0x10f: {  	v27 =	vld [tilespmem:$0xE30];
	[tilespmem:$0x1DE0] =	vst v22  }
0x110: {  	v28 =	vld [tilespmem:$0xE40];
	[tilespmem:$0x1DF0] =	vst v23  }
0x111: {  	v29 =	vld [tilespmem:$0xE50];
	[tilespmem:$0x1E00] =	vst v24  }
0x112: {  	v30 =	vld [tilespmem:$0xE60];
	[tilespmem:$0x1E10] =	vst v25  }
0x113: {  	v31 =	vld [tilespmem:$0xE70];
	[tilespmem:$0x1E20] =	vst v26  }
0x114: {  	v32 =	vld [tilespmem:$0xE80];
	[tilespmem:$0x1E30] =	vst v27  }
0x115: {  	v33 =	vld [tilespmem:$0xE90];
	[tilespmem:$0x1E40] =	vst v28  }
0x116: {  	v34 =	vld [tilespmem:$0xEA0];
	[tilespmem:$0x1E50] =	vst v29  }
0x117: {  	v35 =	vld [tilespmem:$0xEB0];
	[tilespmem:$0x1E60] =	vst v30  }
0x118: {  	v36 =	vld [tilespmem:$0xEC0];
	[tilespmem:$0x1E70] =	vst v31  }
0x119: {  	v37 =	vld [tilespmem:$0xED0];
	[tilespmem:$0x1E80] =	vst v32  }
0x11a: {  	v38 =	vld [tilespmem:$0xEE0];
	[tilespmem:$0x1E90] =	vst v33  }
0x11b: {  	v39 =	vld [tilespmem:$0xEF0];
	[tilespmem:$0x1EA0] =	vst v34  }
0x11c: {  	v40 =	vld [tilespmem:$0xF00];
	[tilespmem:$0x1EB0] =	vst v35  }
0x11d: {  	v41 =	vld [tilespmem:$0xF10];
	[tilespmem:$0x1EC0] =	vst v36  }
0x11e: {  	v42 =	vld [tilespmem:$0xF20];
	[tilespmem:$0x1ED0] =	vst v37  }
0x11f: {  	v43 =	vld [tilespmem:$0xF30];
	[tilespmem:$0x1EE0] =	vst v38  }
0x120: {  	v44 =	vld [tilespmem:$0xF40];
	[tilespmem:$0x1EF0] =	vst v39  }
0x121: {  	v45 =	vld [tilespmem:$0xF50];
	[tilespmem:$0x1F00] =	vst v40  }
0x122: {  	v46 =	vld [tilespmem:$0xF60];
	[tilespmem:$0x1F10] =	vst v41  }
0x123: {  	v47 =	vld [tilespmem:$0xF70];
	[tilespmem:$0x1F20] =	vst v42  }
0x124: {  	v48 =	vld [tilespmem:$0xF80];
	[tilespmem:$0x1F30] =	vst v43  }
0x125: {  	v49 =	vld [tilespmem:$0xF90];
	[tilespmem:$0x1F40] =	vst v44  }
0x126: {  	v50 =	vld [tilespmem:$0xFA0];
	[tilespmem:$0x1F50] =	vst v45  }
0x127: {  	[tilespmem:$0x1F60] =	vst v46;
	v51 =	vld [tilespmem:$0xFB0]  }
0x128: {  	[tilespmem:$0x1F70] =	vst v47;
	v52 =	vld [tilespmem:$0xFC0]  }
0x129: {  	[tilespmem:$0x1F80] =	vst v48;
	v53 =	vld [tilespmem:$0xFD0]  }
0x12a: {  	[tilespmem:$0x1F90] =	vst v49;
	v54 =	vld [tilespmem:$0xFE0]  }
0x12b: {  	[tilespmem:$0x1FA0] =	vst v50;
	v55 =	vld [tilespmem:$0xFF0]  }
0x12c: {  	v56 =	vld [tilespmem:$0x1000];
	[tilespmem:$0x1FB0] =	vst v51  }
0x12d: {  	v57 =	vld [tilespmem:$0x1010];
	[tilespmem:$0x1FC0] =	vst v52  }
0x12e: {  	v58 =	vld [tilespmem:$0x1020];
	[tilespmem:$0x1FD0] =	vst v53  }
0x12f: {  	v59 =	vld [tilespmem:$0x1030];
	[tilespmem:$0x1FE0] =	vst v54  }
0x130: {  	v60 =	vld [tilespmem:$0x1040];
	[tilespmem:$0x1FF0] =	vst v55  }
0x131: {  	v61 =	vld [tilespmem:$0x1050];
	[tilespmem:$0x2000] =	vst v56  }
0x132: {  	v62 =	vld [tilespmem:$0x1060];
	[tilespmem:$0x2010] =	vst v57  }
0x133: {  	v63 =	vld [tilespmem:$0x1070];
	[tilespmem:$0x2020] =	vst v58  }
0x134: {  	[tilespmem:$0x2030] =	vst v59  }
0x135: {  	[tilespmem:$0x2040] =	vst v60  }
0x136: {  	[tilespmem:$0x2050] =	vst v61  }
0x137: {  	[tilespmem:$0x2060] =	vst v62  }
0x138: {  	s29 =	simm.s32 $0x1080;
	[tilespmem:$0x2070] =	vst v63  }
0x139: {  	[tilespmem:s22], [sflag:$0x1] =	stream.indirect.gather [hbm4b:s6+s17], $0x40, s29, s17, $0xb8;
	[tilespmem:$0xE080] =	vst v63  }
0x13a: {  	s30 =	simm.s32 $0x1100  }
0x13b: {  	[tilespmem:s23], [sflag:$0x1] =	stream.indirect.gather [hbm4b:s6+s17], $0x40, s30, s17, $0xb8;
	[tilespmem:$0xE080] =	vst v63  }
0x13c: {  	s30 =	simm.s32 $0x1180  }
0x13d: {  	[tilespmem:s24], [sflag:$0x1] =	stream.indirect.gather [hbm4b:s6+s17], $0x40, s30, s17, $0xb8;
	[tilespmem:$0xE080] =	vst v63  }
0x13e: {  	s30 =	simm.s32 $0x1200  }
0x13f: {  	[tilespmem:s25], [sflag:$0x1] =	stream.indirect.gather [hbm4b:s6+s17], $0x40, s30, s17, $0xb8;
	[tilespmem:$0xE080] =	vst v63  }
0x140: {  	_ =	swait.ge [sflag:s21], $0x2000  }
0x141: {  	[sflag:s21] =	ssyncset.done $0x0  }
0x142: {  	s30 =	sadd.s32 $0x0, s12;
	[sflag:s21] =	ssyncadd.s32 $0xFFFFE000  }
0x143: {  	[hbm4b:s30+s1] =	stream.linear.scatter [tilespmem:s22], [sflag:$0x2], $0x2000, $0x38;
	[tilespmem:$0xE080] =	vst v63  }
0x144: {  	_ =	swait.ge [sflag:s26], $0x2000  }
0x145: {  	[sflag:s26] =	ssyncset.done $0x0  }
0x146: {  	[sflag:s26] =	ssyncadd.s32 $0xFFFFE000  }
0x147: {  	_ =	swait.ge [sflag:s21], $0x2000  }
0x148: {  	[sflag:s21] =	ssyncset.done $0x0  }
0x149: {  	s30 =	sadd.s32 $0x0, s14;
	[sflag:s21] =	ssyncadd.s32 $0xFFFFE000  }
0x14a: {  	[hbm4b:s30+s1] =	stream.linear.scatter [tilespmem:s23], [sflag:$0x2], $0x2000, $0x38;
	[tilespmem:$0xE080] =	vst v63  }
0x14b: {  	_ =	swait.ge [sflag:s26], $0x2000  }
0x14c: {  	[sflag:s26] =	ssyncset.done $0x0  }
0x14d: {  	[sflag:s26] =	ssyncadd.s32 $0xFFFFE000  }
0x14e: {  	_ =	swait.ge [sflag:s21], $0x2000  }
0x14f: {  	[sflag:s21] =	ssyncset.done $0x0  }
0x150: {  	s30 =	sadd.s32 $0x0, s13;
	[sflag:s21] =	ssyncadd.s32 $0xFFFFE000  }
0x151: {  	[hbm4b:s30+s1] =	stream.linear.scatter [tilespmem:s24], [sflag:$0x2], $0x2000, $0x38;
	[tilespmem:$0xE080] =	vst v63  }
0x152: {  	_ =	swait.ge [sflag:s26], $0x2000  }
0x153: {  	[sflag:s26] =	ssyncset.done $0x0  }
0x154: {  	[sflag:s26] =	ssyncadd.s32 $0xFFFFE000  }
0x155: {  	_ =	swait.ge [sflag:s21], $0x2000  }
0x156: {  	[sflag:s21] =	ssyncset.done $0x0  }
0x157: {  	s30 =	sadd.s32 $0x0, s15;
	[sflag:s21] =	ssyncadd.s32 $0xFFFFE000  }
0x158: {  	[hbm4b:s30+s1] =	stream.linear.scatter [tilespmem:s25], [sflag:$0x2], $0x2000, $0x38;
	[tilespmem:$0xE080] =	vst v63  }
0x159: {  	_ =	swait.ge [sflag:s26], $0x2000  }
0x15a: {  	s30 =	simm.s32 $0x1000;
	[sflag:s26] =	ssyncset.done $0x0  }
.LBB2_2:
0x15b: {  	p0 =	sne.s32 s30, $0x7000;
	[sflag:s26] =	ssyncadd.s32 $0xFFFFE000;
	s29 =	sadd.s32 $0x200, s29  }
0x15c: {  	[tilespmem:s22], [sflag:$0x1] =	stream.indirect.gather [hbm4b:s6+s17], $0x40, s29, s17, $0xb8;
	[tilespmem:$0xE080] =	vst v63  }
0x15d: {  	s31 =	smov.u32 s30;
	s30 =	sadd.s32 $0x1000, s30;
	s0 =	sadd.s32 $0x80, s29  }
0x15e: {  	[tilespmem:s23], [sflag:$0x1] =	stream.indirect.gather [hbm4b:s6+s17], $0x40, s0, s17, $0xb8;
	[tilespmem:$0xE080] =	vst v63  }
0x15f: {  	s0 =	sadd.s32 $0x100, s29  }
0x160: {  	[tilespmem:s24], [sflag:$0x1] =	stream.indirect.gather [hbm4b:s6+s17], $0x40, s0, s17, $0xb8;
	[tilespmem:$0xE080] =	vst v63  }
0x161: {  	s0 =	sadd.s32 $0x180, s29  }
0x162: {  	[tilespmem:s25], [sflag:$0x1] =	stream.indirect.gather [hbm4b:s6+s17], $0x40, s0, s17, $0xb8;
	[tilespmem:$0xE080] =	vst v63  }
0x163: {  	_ =	swait.ge [sflag:s21], $0x2000  }
0x164: {  	[sflag:s21] =	ssyncset.done $0x0  }
0x165: {  	s0 =	sadd.s32 s31, s12;
	[sflag:s21] =	ssyncadd.s32 $0xFFFFE000  }
0x166: {  	[hbm4b:s0+s1] =	stream.linear.scatter [tilespmem:s22], [sflag:$0x2], $0x2000, $0x38;
	[tilespmem:$0xE080] =	vst v63  }
0x167: {  	_ =	swait.ge [sflag:s26], $0x2000  }
0x168: {  	[sflag:s26] =	ssyncset.done $0x0  }
0x169: {  	[sflag:s26] =	ssyncadd.s32 $0xFFFFE000  }
0x16a: {  	_ =	swait.ge [sflag:s21], $0x2000  }
0x16b: {  	[sflag:s21] =	ssyncset.done $0x0  }
0x16c: {  	s0 =	sadd.s32 s31, s14;
	[sflag:s21] =	ssyncadd.s32 $0xFFFFE000  }
0x16d: {  	[hbm4b:s0+s1] =	stream.linear.scatter [tilespmem:s23], [sflag:$0x2], $0x2000, $0x38;
	[tilespmem:$0xE080] =	vst v63  }
0x16e: {  	_ =	swait.ge [sflag:s26], $0x2000  }
0x16f: {  	[sflag:s26] =	ssyncset.done $0x0  }
0x170: {  	[sflag:s26] =	ssyncadd.s32 $0xFFFFE000  }
0x171: {  	_ =	swait.ge [sflag:s21], $0x2000  }
0x172: {  	[sflag:s21] =	ssyncset.done $0x0  }
0x173: {  	s0 =	sadd.s32 s31, s13;
	[sflag:s21] =	ssyncadd.s32 $0xFFFFE000  }
0x174: {  	[hbm4b:s0+s1] =	stream.linear.scatter [tilespmem:s24], [sflag:$0x2], $0x2000, $0x38;
	[tilespmem:$0xE080] =	vst v63  }
0x175: {  	_ =	swait.ge [sflag:s26], $0x2000  }
0x176: {  	[sflag:s26] =	ssyncset.done $0x0  }
0x177: {  	[sflag:s26] =	ssyncadd.s32 $0xFFFFE000  }
0x178: {  	_ =	swait.ge [sflag:s21], $0x2000  }
.Ltmp0:
0x179: {  	[sflag:s21] =	ssyncset.done $0x0;
	(pc) =	sbr.rel @p0 .LBB2_2-.Ltmp0, $4  }
0x17a: {  	s0 =	sadd.s32 s31, s15;
	[sflag:s21] =	ssyncadd.s32 $0xFFFFE000  }
0x17b: {  	[hbm4b:s0+s1] =	stream.linear.scatter [tilespmem:s25], [sflag:$0x2], $0x2000, $0x38;
	[tilespmem:$0xE080] =	vst v63  }
0x17c: {  	_ =	swait.ge [sflag:s26], $0x2000  }
0x17d: {  	[sflag:s26] =	ssyncset.done $0x0  }
0x17e: {  	[sflag:s26] =	ssyncadd.s32 $0xFFFFE000  }
0x17f: {  	_ =	swait.ge [sflag:s26], $0x1000  }
0x180: {  	[sflag:s26] =	ssyncset.done $0x0  }
0x181: {  	s28 =	sadd.s32 $0x1, s28;
	[sflag:s26] =	ssyncadd.s32 $0xFFFFF000  }
0x182: {  	p0 =	sne.s32 s28, s11;
	_ =	swait.ge [sflag:s26], $0x1000  }
.Ltmp1:
0x183: {  	[sflag:s26] =	ssyncset.done $0x0;
	(pc) =	sbr.rel @p0 .LBB2_1-.Ltmp1, $4  }
0x184: {  	[sflag:s26] =	ssyncadd.s32 $0xFFFFF000  }
0x185: {  	_ =	swait.ge [sflag:s26], $0x2000  }
0x186: {  	[sflag:s26] =	ssyncset.done $0x0  }
0x187: {  	[sflag:s26] =	ssyncadd.s32 $0xFFFFE000  }
0x188: {  	_ =	sfence.sel $0x180000  }
0x189: {  	[bflag:$0x0] =	sbarrier.arrive $0xFFFF  }
0x18a: {  	_ =	strace $0x90000047  }
0x18b: {  	[bflag:$0x2] =	sbarrier.arrive $0xFFFF  }
0x18c: {  	p0 =	sne.s32 s2, $0x0;
	s0 =	rddreg [dreg:$0x3]  }
0x18d: {  	s0 =	sadd.s32 @!p0 $0x100000, s0  }
0x18e: {  	[sflag:s0] =	ssyncadd.tile.s32 @!p0 $0x1;
	_ =	shalt  }
.Lfunc_end2:
_tile_overlayer_lowered:
.L_overlay_start_2:
0x18f: {  	(tag) =	ssettag $0x2  }
0x190: {  	s0 =	rddreg [dreg:$0x0];
	s2 =	stileid.u32  }
0x191: {  	s1 =	rddreg [dreg:$0x1];
	p0 =	sne.s32 s2, $0x0  }
0x192: {  	s3 =	rddreg [dreg:$0x2];
	[bflag:$0x3] =	sbarrier.arrive $0xFFFF;
	s2 =	simm.s32 @!p0 $0x1C03  }
0x193: {  	[timem:s3], [sflag:s2] =	dma.local @!p0 [hbm:s0], s1  }
0x194: {  	s0 =	simm.s32 @!p0 $0x3  }
0x195: {  	_ =	swait.ge @!p0 [sflag:s0], s1  }
0x196: {  	s1 =	ssub.s32 @!p0 $0x0, s1;
	[sflag:s0] =	ssyncset.done @!p0 $0x0  }
0x197: {  	[sflag:s0] =	ssyncadd.s32 @!p0 s1  }
0x198: {  	[bflag:$0x3] =	sbarrier.arrive $0xFFFF  }
0x199: {  	_ =	shalt  }

</sc_bundles>
